<compile_context>
chip_gen: v7x
topology: tpu7x:2x2x1
jax: 0.10.2.dev20260603
libtpu: 0.0.44.dev20260713+nightly
codegen_flags: <defaults>
</compile_context>

<pallas_src>
import functools

import jax
import jax.numpy as jnp
from jax import lax
from jax.experimental import pallas as pl
from jax.experimental.pallas import tpu as pltpu
from jax.experimental.pallas import tpu_sc as plsc

N_FIELDS = 26
BATCH = 16384
VOCAB = 100000
EMBED = 32
N_NUM = 13
OUT_DIM = N_FIELDS * EMBED + N_NUM
FEAT_PAD = 896
N_GROUPS = 7
EPS = 1e-5

NC, NS = 2, 16
NW = NC * NS
CB = BATCH // NW


def _sc_gather(categorical, numerical_pad, tables_flat):
    mesh = plsc.VectorSubcoreMesh(core_axis_name="c", subcore_axis_name="s")

    @functools.partial(
        pl.kernel,
        mesh=mesh,
        out_type=(
            jax.ShapeDtypeStruct((N_GROUPS, BATCH, 128), jnp.float32),
            jax.ShapeDtypeStruct((NW, 2 * N_GROUPS, 128), jnp.float32),
        ),
        scratch_types=[
            pltpu.VMEM((N_FIELDS, CB), jnp.int32),
            pltpu.VMEM((CB, 128), jnp.float32),
            pltpu.VMEM((2 * N_GROUPS, 128), jnp.float32),
            pltpu.SemaphoreType.DMA,
            pltpu.SemaphoreType.DMA,
        ],
    )
    def body(cat_hbm, num_hbm, tab_hbm, feat_hbm, stat_hbm,
             idx_v, out_v, stat_v, gsem, dsem):
        wid = lax.axis_index("s") * NC + lax.axis_index("c")
        base = pl.multiple_of(wid * CB, CB)
        pltpu.sync_copy(cat_hbm.at[:, pl.ds(base, CB)], idx_v)

        def group_step(g, carry):
            for j in range(4):
                f = g * 4 + j

                @pl.when(f < N_FIELDS)
                def _field():
                    foff = f * VOCAB

                    def row_copy16(t, c):
                        vec = idx_v[f, pl.ds(t * 16, 16)]
                        for k in range(16):
                            gidx = vec[k] + foff
                            pltpu.async_copy(
                                tab_hbm.at[gidx, :],
                                out_v.at[t * 16 + k, pl.ds(j * EMBED, EMBED)],
                                gsem,
                            )
                        return c

                    lax.fori_loop(0, CB // 16, row_copy16, 0)

            @pl.when(g < N_GROUPS - 1)
            def _drain_full():
                pltpu.make_async_copy(
                    feat_hbm.at[g, pl.ds(base, CB), :], out_v, gsem
                ).wait()

            @pl.when(g == N_GROUPS - 1)
            def _drain_half():
                pltpu.make_async_copy(
                    feat_hbm.at[g, pl.ds(base, CB // 2), :],
                    out_v.at[pl.ds(0, CB // 2), :],
                    gsem,
                ).wait()

            @pl.when(g == N_GROUPS - 1)
            def _numerical():
                def num_copy16(r16, c):
                    for k in range(16):
                        r = r16 * 16 + k
                        pltpu.async_copy(
                            num_hbm.at[base + r, :],
                            out_v.at[r, pl.ds(64, 16)],
                            gsem,
                        )
                    return c

                lax.fori_loop(0, CB // 16, num_copy16, 0)
                pltpu.make_async_copy(
                    feat_hbm.at[g, pl.ds(base, 64), :],
                    out_v.at[pl.ds(0, 64), :],
                    gsem,
                ).wait()

            pltpu.async_copy(
                out_v, feat_hbm.at[g, pl.ds(base, CB), :], dsem
            )

            def stat_row(r, acc):
                sums, sqs = list(acc[:8]), list(acc[8:])
                for h in range(8):
                    v = out_v[r, pl.ds(16 * h, 16)]
                    sums[h] = sums[h] + v
                    sqs[h] = sqs[h] + v * v
                return tuple(sums) + tuple(sqs)

            zero = jnp.zeros((16,), jnp.float32)
            acc = lax.fori_loop(0, CB, stat_row, (zero,) * 16)
            for h in range(8):
                stat_v[2 * g, pl.ds(16 * h, 16)] = acc[h]
                stat_v[2 * g + 1, pl.ds(16 * h, 16)] = acc[8 + h]

            pltpu.make_async_copy(
                out_v, feat_hbm.at[g, pl.ds(base, CB), :], dsem
            ).wait()
            return carry

        lax.fori_loop(0, N_GROUPS, group_step, 0)
        pltpu.sync_copy(stat_v, stat_hbm.at[wid])

    return body(categorical, numerical_pad, tables_flat)


def _tc_batchnorm(features, stats, gamma_g, beta_g):
    BB = 4096
    nb = BATCH // BB

    def body(feat_ref, stat_ref, g_ref, b_ref, out_ref, scale_ref, bias_ref):
        g = pl.program_id(0)
        blk = pl.program_id(1)

        @pl.when(blk == 0)
        def _reduce_stats():
            inv_n = jnp.float32(1.0 / BATCH)
            s = stat_ref[:, pl.ds(2 * g, 1), :][:, 0, :]
            q = stat_ref[:, pl.ds(2 * g + 1, 1), :][:, 0, :]
            mean = jnp.sum(s, axis=0, keepdims=True) * inv_n
            var = jnp.maximum(
                jnp.sum(q, axis=0, keepdims=True) * inv_n - mean * mean, 0.0)
            gamma_row = g_ref[pl.ds(g, 1), :]
            beta_row = b_ref[pl.ds(g, 1), :]
            scale_ref[...] = gamma_row * lax.rsqrt(var + EPS)
            bias_ref[...] = beta_row - mean * scale_ref[...]

        out_ref[...] = feat_ref[0] * scale_ref[...] + bias_ref[...]

    return pl.pallas_call(
        body,
        grid=(N_GROUPS, nb),
        in_specs=[
            pl.BlockSpec((1, BB, 128), lambda g, b: (g, b, 0)),
            pl.BlockSpec((NW, 2 * N_GROUPS, 128), lambda g, b: (0, 0, 0)),
            pl.BlockSpec((N_GROUPS, 128), lambda g, b: (0, 0)),
            pl.BlockSpec((N_GROUPS, 128), lambda g, b: (0, 0)),
        ],
        out_specs=pl.BlockSpec((BB, 128), lambda g, b: (b, g)),
        out_shape=jax.ShapeDtypeStruct((BATCH, OUT_DIM), jnp.float32),
        scratch_shapes=[
            pltpu.VMEM((1, 128), jnp.float32),
            pltpu.VMEM((1, 128), jnp.float32),
        ],
    )(features, stats, gamma_g, beta_g)


def kernel(categorical, numerical, tables, gamma, beta):
    numerical_pad = jnp.pad(numerical.astype(jnp.float32), ((0, 0), (0, 16 - N_NUM)))
    tables_flat = tables.astype(jnp.float32).reshape(N_FIELDS * VOCAB, EMBED)
    features, stats = _sc_gather(categorical.astype(jnp.int32), numerical_pad,
                                 tables_flat)

    gamma_g = jnp.pad(gamma.astype(jnp.float32), (0, FEAT_PAD - OUT_DIM),
                      constant_values=1.0).reshape(N_GROUPS, 128)
    beta_g = jnp.pad(beta.astype(jnp.float32), (0, FEAT_PAD - OUT_DIM)).reshape(N_GROUPS, 128)
    return _tc_batchnorm(features, stats, gamma_g, beta_g)

# --- scband reference (transcript-rebuilt; emitter-appended) ---
"""Pipeline reference for scband-dense-feature-layer-10892037063298 (READ-ONLY COPY).

The authoritative reference and input builder live on the scoring server;
editing this copy changes nothing except your own understanding.
"""

import jax, jax.numpy as jnp
import numpy as np

N_FIELDS = 26
BATCH = 16384
VOCAB = 100000
EMBED = 32
N_NUM = 13
OUT_DIM = N_FIELDS * EMBED + N_NUM  # 845
EPS = 1e-5


def setup_inputs(seed: int = 0) -> dict:
    key = jax.random.key(seed)
    k1, k2, k3 = jax.random.split(key, 3)
    categorical = jax.random.randint(k1, (N_FIELDS, BATCH), 0, VOCAB, dtype=jnp.int64 if jax.config.jax_enable_x64 else jnp.int32)
    numerical = jax.random.normal(k2, (BATCH, N_NUM), dtype=jnp.float32)
    tables = jax.random.normal(k3, (N_FIELDS, VOCAB, EMBED), dtype=jnp.float32) * 0.01
    gamma = jnp.ones((OUT_DIM,), dtype=jnp.float32)
    beta = jnp.zeros((OUT_DIM,), dtype=jnp.float32)
    return {"categorical": categorical, "numerical": numerical, "tables": tables, "gamma": gamma, "beta": beta}


def reference(categorical, numerical, tables, gamma, beta):
    # per-field embedding lookup: tables[f][categorical[f]] -> [F, B, E]
    emb = jax.vmap(lambda t, idx: jnp.take(t, idx, axis=0))(tables, categorical)
    # concat along feature dim like torch.cat(list, dim=-1): [B, F*E]
    x_cat = jnp.transpose(emb, (1, 0, 2)).reshape(BATCH, N_FIELDS * EMBED)
    features = jnp.concatenate([x_cat, numerical], axis=-1).astype(jnp.float32)
    # BatchNorm1d in training mode: biased batch statistics
    mean = jnp.mean(features, axis=0)
    var = jnp.var(features, axis=0)
    out = (features - mean) / jnp.sqrt(var + EPS) * gamma + beta
    return out

if __name__ == "__main__":
    import jax
    _d = setup_inputs()
    print(jax.jit(kernel)(*tuple(_d.values())))

</pallas_src>

<mosaic_0001>
#map = affine_map<(d0, d1) -> (0, 0)>
#map1 = affine_map<(d0, d1) -> (0, 0, 0)>
module attributes {stable_mosaic.version = 14 : i64} {
  func.func @body(%arg0: i32, %arg1: i32, %arg2: memref<26x16384xi32, #tpu.memory_space<hbm>>, %arg3: memref<16384x16xf32, #tpu.memory_space<hbm>>, %arg4: memref<2600000x32xf32, #tpu.memory_space<hbm>>, %arg5: memref<7x16384x128xf32, #tpu.memory_space<hbm>>, %arg6: memref<32x14x128xf32, #tpu.memory_space<hbm>>, %arg7: memref<26x512xi32, #tpu.memory_space<vmem>>, %arg8: memref<512x128xf32, #tpu.memory_space<vmem>>, %arg9: memref<14x128xf32, #tpu.memory_space<vmem>>, %arg10: memref<!tpu.dma_semaphore, #tpu.memory_space<semaphore_mem>>, %arg11: memref<!tpu.dma_semaphore, #tpu.memory_space<semaphore_mem>>) attributes {dimension_semantics = [#tpu.dimension_semantics<core_parallel>, #tpu.dimension_semantics<subcore_parallel>], iteration_bounds = array<i64: 2, 16>, scalar_prefetch = 0 : i64, scratch_operands = 5 : i64, tpu.core_type = #tpu.core_type<sc_vector_subcore>, window_params = [{transform_indices = #map}, {transform_indices = #map}, {transform_indices = #map}, {transform_indices = #map1}, {transform_indices = #map1}]} {
    %mul3A = arith.constant 2 : i32
    %mul3A_0 = arith.muli %arg1, %mul3A : i32
    %add3A = arith.addi %mul3A_0, %arg0 : i32
    %mul3A_1 = arith.constant 512 : i32
    %mul3A_2 = arith.muli %add3A, %mul3A_1 : i32
    %multiple_of3A = tpu.assume_multiple %mul3A_2, 512 : i32
    "tpu.region"() ({
      %run_scoped3A = tpu.sem_alloc : memref<!tpu.dma_semaphore, #tpu.memory_space<semaphore_mem>>
      %dma_start3A = arith.constant 0 : i32
      %dma_start3A_8 = tpu.memref_slice %arg2[%dma_start3A, %multiple_of3A] : memref<26x16384xi32, #tpu.memory_space<hbm>> -> memref<26x512xi32, #tpu.memory_space<hbm>>
      %dma_start3A_9 = arith.constant 0 : i32
      %dma_start3A_10 = tpu.memref_slice %arg2[%dma_start3A_9, %multiple_of3A] : memref<26x16384xi32, #tpu.memory_space<hbm>> -> memref<26x512xi32, #tpu.memory_space<hbm>>
      tpu.enqueue_dma source(%dma_start3A_10 : memref<26x512xi32, #tpu.memory_space<hbm>>) target(%arg7 : memref<26x512xi32, #tpu.memory_space<vmem>>) target_semaphore(%run_scoped3A : memref<!tpu.dma_semaphore, #tpu.memory_space<semaphore_mem>>)
      %dma_wait3A = arith.constant 0 : i32
      %dma_wait3A_11 = tpu.memref_slice %arg2[%dma_wait3A, %multiple_of3A] : memref<26x16384xi32, #tpu.memory_space<hbm>> -> memref<26x512xi32, #tpu.memory_space<hbm>>
      %dma_wait3A_12 = arith.constant 0 : i32
      %dma_wait3A_13 = tpu.memref_slice %arg2[%dma_wait3A_12, %multiple_of3A] : memref<26x16384xi32, #tpu.memory_space<hbm>> -> memref<26x512xi32, #tpu.memory_space<hbm>>
      tpu.wait_dma2 semaphore(%run_scoped3A : memref<!tpu.dma_semaphore, #tpu.memory_space<semaphore_mem>>) src(%dma_wait3A_13 : memref<26x512xi32, #tpu.memory_space<hbm>>) dst(%arg7 : memref<26x512xi32, #tpu.memory_space<vmem>>)
      tpu.yield
    }) : () -> ()
    %scan3A = arith.constant 0 : i32
    %scan3A_3 = arith.constant 0 : i32
    %scan3A_4 = arith.constant 7 : i32
    %scan3A_5 = arith.addi %scan3A_3, %scan3A_4 : i32
    %scan3A_6 = arith.constant 1 : i32
    scf.for %scan3A_8 = %scan3A_3 to %scan3A_5 step %scan3A_6  : i32 {
      %mul3A_9 = arith.constant 4 : i32
      %mul3A_10 = arith.muli %scan3A_8, %mul3A_9 : i32
      %add3A_11 = arith.constant 0 : i32
      %add3A_12 = arith.addi %mul3A_10, %add3A_11 : i32
      %lt3A = arith.constant 26 : i32
      %lt3A_13 = arith.cmpi slt, %add3A_12, %lt3A : i32
      %convert_element_type3A = arith.extui %lt3A_13 : i1 to i32
      %cond3A = arith.constant 0 : i32
      %cond3A_14 = arith.cmpi ne, %convert_element_type3A, %cond3A : i32
      scf.if %cond3A_14 {
        %mul3A_200 = arith.constant 100000 : i32
        %mul3A_201 = arith.muli %add3A_12, %mul3A_200 : i32
        %scan3A_202 = arith.constant 0 : i32
        %scan3A_203 = arith.constant 0 : i32
        %scan3A_204 = arith.constant 32 : i32
        %scan3A_205 = arith.addi %scan3A_203, %scan3A_204 : i32
        %scan3A_206 = arith.constant 1 : i32
        scf.for %scan3A_208 = %scan3A_203 to %scan3A_205 step %scan3A_206  : i32 {
          %mul3A_209 = arith.constant 16 : i32
          %mul3A_210 = arith.muli %scan3A_208, %mul3A_209 : i32
          %get3A = arith.index_cast %add3A_12 : i32 to index
          %get3A_211 = arith.index_cast %mul3A_210 : i32 to index
          %get3A_212 = tpu.vector_load %arg7[%get3A, %get3A_211] {strides = array<i32>} : memref<26x512xi32, #tpu.memory_space<vmem>>, vector<1x16xi32>,
          %get3A_213 = vector.shape_cast %get3A_212 : vector<1x16xi32> to vector<16xi32>
          %slice3A = vector.extract_strided_slice %get3A_213 {offsets = [0], sizes = [1], strides = [1]} : vector<16xi32> to vector<1xi32>
          %squeeze3A = vector.extract %slice3A[0] : i32 from vector<1xi32>
          %add3A_214 = arith.addi %squeeze3A, %mul3A_201 : i32
          %mul3A_215 = arith.constant 16 : i32
          %mul3A_216 = arith.muli %scan3A_208, %mul3A_215 : i32
          %add3A_217 = arith.constant 0 : i32
          %add3A_218 = arith.addi %mul3A_216, %add3A_217 : i32
          %dma_start3A_219 = arith.constant 0 : i32
          %dma_start3A_220 = tpu.memref_slice %arg8[%add3A_218, %dma_start3A_219] : memref<512x128xf32, #tpu.memory_space<vmem>> -> memref<1x32xf32, #tpu.memory_space<vmem>>
          %dma_start3A_221 = tpu.memref_squeeze %dma_start3A_220 : memref<1x32xf32, #tpu.memory_space<vmem>> -> memref<32xf32, #tpu.memory_space<vmem>>
          %dma_start3A_222 = arith.constant 0 : i32
          %dma_start3A_223 = tpu.memref_slice %arg4[%add3A_214, %dma_start3A_222] : memref<2600000x32xf32, #tpu.memory_space<hbm>> -> memref<1x32xf32, #tpu.memory_space<hbm>>
          %dma_start3A_224 = tpu.memref_squeeze %dma_start3A_223 : memref<1x32xf32, #tpu.memory_space<hbm>> -> memref<32xf32, #tpu.memory_space<hbm>>
          %dma_start3A_225 = arith.constant 0 : i32
          %dma_start3A_226 = tpu.memref_slice %arg8[%add3A_218, %dma_start3A_225] : memref<512x128xf32, #tpu.memory_space<vmem>> -> memref<1x32xf32, #tpu.memory_space<vmem>>
          %dma_start3A_227 = tpu.memref_squeeze %dma_start3A_226 : memref<1x32xf32, #tpu.memory_space<vmem>> -> memref<32xf32, #tpu.memory_space<vmem>>
          %dma_start3A_228 = arith.constant 0 : i32
          %dma_start3A_229 = tpu.memref_slice %arg4[%add3A_214, %dma_start3A_228] : memref<2600000x32xf32, #tpu.memory_space<hbm>> -> memref<1x32xf32, #tpu.memory_space<hbm>>
          %dma_start3A_230 = tpu.memref_squeeze %dma_start3A_229 : memref<1x32xf32, #tpu.memory_space<hbm>> -> memref<32xf32, #tpu.memory_space<hbm>>
          tpu.enqueue_dma source(%dma_start3A_230 : memref<32xf32, #tpu.memory_space<hbm>>) target(%dma_start3A_227 : memref<32xf32, #tpu.memory_space<vmem>>) target_semaphore(%arg10 : memref<!tpu.dma_semaphore, #tpu.memory_space<semaphore_mem>>)
          %slice3A_231 = vector.extract_strided_slice %get3A_213 {offsets = [1], sizes = [1], strides = [1]} : vector<16xi32> to vector<1xi32>
          %squeeze3A_232 = vector.extract %slice3A_231[0] : i32 from vector<1xi32>
          %add3A_233 = arith.addi %squeeze3A_232, %mul3A_201 : i32
          %mul3A_234 = arith.constant 16 : i32
          %mul3A_235 = arith.muli %scan3A_208, %mul3A_234 : i32
          %add3A_236 = arith.constant 1 : i32
          %add3A_237 = arith.addi %mul3A_235, %add3A_236 : i32
          %dma_start3A_238 = arith.constant 0 : i32
          %dma_start3A_239 = tpu.memref_slice %arg8[%add3A_237, %dma_start3A_238] : memref<512x128xf32, #tpu.memory_space<vmem>> -> memref<1x32xf32, #tpu.memory_space<vmem>>
          %dma_start3A_240 = tpu.memref_squeeze %dma_start3A_239 : memref<1x32xf32, #tpu.memory_space<vmem>> -> memref<32xf32, #tpu.memory_space<vmem>>
          %dma_start3A_241 = arith.constant 0 : i32
          %dma_start3A_242 = tpu.memref_slice %arg4[%add3A_233, %dma_start3A_241] : memref<2600000x32xf32, #tpu.memory_space<hbm>> -> memref<1x32xf32, #tpu.memory_space<hbm>>
          %dma_start3A_243 = tpu.memref_squeeze %dma_start3A_242 : memref<1x32xf32, #tpu.memory_space<hbm>> -> memref<32xf32, #tpu.memory_space<hbm>>
          %dma_start3A_244 = arith.constant 0 : i32
          %dma_start3A_245 = tpu.memref_slice %arg8[%add3A_237, %dma_start3A_244] : memref<512x128xf32, #tpu.memory_space<vmem>> -> memref<1x32xf32, #tpu.memory_space<vmem>>
          %dma_start3A_246 = tpu.memref_squeeze %dma_start3A_245 : memref<1x32xf32, #tpu.memory_space<vmem>> -> memref<32xf32, #tpu.memory_space<vmem>>
          %dma_start3A_247 = arith.constant 0 : i32
          %dma_start3A_248 = tpu.memref_slice %arg4[%add3A_233, %dma_start3A_247] : memref<2600000x32xf32, #tpu.memory_space<hbm>> -> memref<1x32xf32, #tpu.memory_space<hbm>>
          %dma_start3A_249 = tpu.memref_squeeze %dma_start3A_248 : memref<1x32xf32, #tpu.memory_space<hbm>> -> memref<32xf32, #tpu.memory_space<hbm>>
          tpu.enqueue_dma source(%dma_start3A_249 : memref<32xf32, #tpu.memory_space<hbm>>) target(%dma_start3A_246 : memref<32xf32, #tpu.memory_space<vmem>>) target_semaphore(%arg10 : memref<!tpu.dma_semaphore, #tpu.memory_space<semaphore_mem>>)
          %slice3A_250 = vector.extract_strided_slice %get3A_213 {offsets = [2], sizes = [1], strides = [1]} : vector<16xi32> to vector<1xi32>
          %squeeze3A_251 = vector.extract %slice3A_250[0] : i32 from vector<1xi32>
          %add3A_252 = arith.addi %squeeze3A_251, %mul3A_201 : i32
          %mul3A_253 = arith.constant 16 : i32
          %mul3A_254 = arith.muli %scan3A_208, %mul3A_253 : i32
          %add3A_255 = arith.constant 2 : i32
          %add3A_256 = arith.addi %mul3A_254, %add3A_255 : i32
          %dma_start3A_257 = arith.constant 0 : i32
          %dma_start3A_258 = tpu.memref_slice %arg8[%add3A_256, %dma_start3A_257] : memref<512x128xf32, #tpu.memory_space<vmem>> -> memref<1x32xf32, #tpu.memory_space<vmem>>
          %dma_start3A_259 = tpu.memref_squeeze %dma_start3A_258 : memref<1x32xf32, #tpu.memory_space<vmem>> -> memref<32xf32, #tpu.memory_space<vmem>>
          %dma_start3A_260 = arith.constant 0 : i32
          %dma_start3A_261 = tpu.memref_slice %arg4[%add3A_252, %dma_start3A_260] : memref<2600000x32xf32, #tpu.memory_space<hbm>> -> memref<1x32xf32, #tpu.memory_space<hbm>>
          %dma_start3A_262 = tpu.memref_squeeze %dma_start3A_261 : memref<1x32xf32, #tpu.memory_space<hbm>> -> memref<32xf32, #tpu.memory_space<hbm>>
          %dma_start3A_263 = arith.constant 0 : i32
          %dma_start3A_264 = tpu.memref_slice %arg8[%add3A_256, %dma_start3A_263] : memref<512x128xf32, #tpu.memory_space<vmem>> -> memref<1x32xf32, #tpu.memory_space<vmem>>
          %dma_start3A_265 = tpu.memref_squeeze %dma_start3A_264 : memref<1x32xf32, #tpu.memory_space<vmem>> -> memref<32xf32, #tpu.memory_space<vmem>>
          %dma_start3A_266 = arith.constant 0 : i32
          %dma_start3A_267 = tpu.memref_slice %arg4[%add3A_252, %dma_start3A_266] : memref<2600000x32xf32, #tpu.memory_space<hbm>> -> memref<1x32xf32, #tpu.memory_space<hbm>>
          %dma_start3A_268 = tpu.memref_squeeze %dma_start3A_267 : memref<1x32xf32, #tpu.memory_space<hbm>> -> memref<32xf32, #tpu.memory_space<hbm>>
          tpu.enqueue_dma source(%dma_start3A_268 : memref<32xf32, #tpu.memory_space<hbm>>) target(%dma_start3A_265 : memref<32xf32, #tpu.memory_space<vmem>>) target_semaphore(%arg10 : memref<!tpu.dma_semaphore, #tpu.memory_space<semaphore_mem>>)
          %slice3A_269 = vector.extract_strided_slice %get3A_213 {offsets = [3], sizes = [1], strides = [1]} : vector<16xi32> to vector<1xi32>
          %squeeze3A_270 = vector.extract %slice3A_269[0] : i32 from vector<1xi32>
          %add3A_271 = arith.addi %squeeze3A_270, %mul3A_201 : i32
          %mul3A_272 = arith.constant 16 : i32
          %mul3A_273 = arith.muli %scan3A_208, %mul3A_272 : i32
          %add3A_274 = arith.constant 3 : i32
          %add3A_275 = arith.addi %mul3A_273, %add3A_274 : i32
          %dma_start3A_276 = arith.constant 0 : i32
          %dma_start3A_277 = tpu.memref_slice %arg8[%add3A_275, %dma_start3A_276] : memref<512x128xf32, #tpu.memory_space<vmem>> -> memref<1x32xf32, #tpu.memory_space<vmem>>
          %dma_start3A_278 = tpu.memref_squeeze %dma_start3A_277 : memref<1x32xf32, #tpu.memory_space<vmem>> -> memref<32xf32, #tpu.memory_space<vmem>>
          %dma_start3A_279 = arith.constant 0 : i32
          %dma_start3A_280 = tpu.memref_slice %arg4[%add3A_271, %dma_start3A_279] : memref<2600000x32xf32, #tpu.memory_space<hbm>> -> memref<1x32xf32, #tpu.memory_space<hbm>>
          %dma_start3A_281 = tpu.memref_squeeze %dma_start3A_280 : memref<1x32xf32, #tpu.memory_space<hbm>> -> memref<32xf32, #tpu.memory_space<hbm>>
          %dma_start3A_282 = arith.constant 0 : i32
          %dma_start3A_283 = tpu.memref_slice %arg8[%add3A_275, %dma_start3A_282] : memref<512x128xf32, #tpu.memory_space<vmem>> -> memref<1x32xf32, #tpu.memory_space<vmem>>
          %dma_start3A_284 = tpu.memref_squeeze %dma_start3A_283 : memref<1x32xf32, #tpu.memory_space<vmem>> -> memref<32xf32, #tpu.memory_space<vmem>>
          %dma_start3A_285 = arith.constant 0 : i32
          %dma_start3A_286 = tpu.memref_slice %arg4[%add3A_271, %dma_start3A_285] : memref<2600000x32xf32, #tpu.memory_space<hbm>> -> memref<1x32xf32, #tpu.memory_space<hbm>>
          %dma_start3A_287 = tpu.memref_squeeze %dma_start3A_286 : memref<1x32xf32, #tpu.memory_space<hbm>> -> memref<32xf32, #tpu.memory_space<hbm>>
          tpu.enqueue_dma source(%dma_start3A_287 : memref<32xf32, #tpu.memory_space<hbm>>) target(%dma_start3A_284 : memref<32xf32, #tpu.memory_space<vmem>>) target_semaphore(%arg10 : memref<!tpu.dma_semaphore, #tpu.memory_space<semaphore_mem>>)
          %slice3A_288 = vector.extract_strided_slice %get3A_213 {offsets = [4], sizes = [1], strides = [1]} : vector<16xi32> to vector<1xi32>
          %squeeze3A_289 = vector.extract %slice3A_288[0] : i32 from vector<1xi32>
          %add3A_290 = arith.addi %squeeze3A_289, %mul3A_201 : i32
          %mul3A_291 = arith.constant 16 : i32
          %mul3A_292 = arith.muli %scan3A_208, %mul3A_291 : i32
          %add3A_293 = arith.constant 4 : i32
          %add3A_294 = arith.addi %mul3A_292, %add3A_293 : i32
          %dma_start3A_295 = arith.constant 0 : i32
          %dma_start3A_296 = tpu.memref_slice %arg8[%add3A_294, %dma_start3A_295] : memref<512x128xf32, #tpu.memory_space<vmem>> -> memref<1x32xf32, #tpu.memory_space<vmem>>
          %dma_start3A_297 = tpu.memref_squeeze %dma_start3A_296 : memref<1x32xf32, #tpu.memory_space<vmem>> -> memref<32xf32, #tpu.memory_space<vmem>>
          %dma_start3A_298 = arith.constant 0 : i32
          %dma_start3A_299 = tpu.memref_slice %arg4[%add3A_290, %dma_start3A_298] : memref<2600000x32xf32, #tpu.memory_space<hbm>> -> memref<1x32xf32, #tpu.memory_space<hbm>>
          %dma_start3A_300 = tpu.memref_squeeze %dma_start3A_299 : memref<1x32xf32, #tpu.memory_space<hbm>> -> memref<32xf32, #tpu.memory_space<hbm>>
          %dma_start3A_301 = arith.constant 0 : i32
          %dma_start3A_302 = tpu.memref_slice %arg8[%add3A_294, %dma_start3A_301] : memref<512x128xf32, #tpu.memory_space<vmem>> -> memref<1x32xf32, #tpu.memory_space<vmem>>
          %dma_start3A_303 = tpu.memref_squeeze %dma_start3A_302 : memref<1x32xf32, #tpu.memory_space<vmem>> -> memref<32xf32, #tpu.memory_space<vmem>>
          %dma_start3A_304 = arith.constant 0 : i32
          %dma_start3A_305 = tpu.memref_slice %arg4[%add3A_290, %dma_start3A_304] : memref<2600000x32xf32, #tpu.memory_space<hbm>> -> memref<1x32xf32, #tpu.memory_space<hbm>>
          %dma_start3A_306 = tpu.memref_squeeze %dma_start3A_305 : memref<1x32xf32, #tpu.memory_space<hbm>> -> memref<32xf32, #tpu.memory_space<hbm>>
          tpu.enqueue_dma source(%dma_start3A_306 : memref<32xf32, #tpu.memory_space<hbm>>) target(%dma_start3A_303 : memref<32xf32, #tpu.memory_space<vmem>>) target_semaphore(%arg10 : memref<!tpu.dma_semaphore, #tpu.memory_space<semaphore_mem>>)
          %slice3A_307 = vector.extract_strided_slice %get3A_213 {offsets = [5], sizes = [1], strides = [1]} : vector<16xi32> to vector<1xi32>
          %squeeze3A_308 = vector.extract %slice3A_307[0] : i32 from vector<1xi32>
          %add3A_309 = arith.addi %squeeze3A_308, %mul3A_201 : i32
          %mul3A_310 = arith.constant 16 : i32
          %mul3A_311 = arith.muli %scan3A_208, %mul3A_310 : i32
          %add3A_312 = arith.constant 5 : i32
          %add3A_313 = arith.addi %mul3A_311, %add3A_312 : i32
          %dma_start3A_314 = arith.constant 0 : i32
          %dma_start3A_315 = tpu.memref_slice %arg8[%add3A_313, %dma_start3A_314] : memref<512x128xf32, #tpu.memory_space<vmem>> -> memref<1x32xf32, #tpu.memory_space<vmem>>
          %dma_start3A_316 = tpu.memref_squeeze %dma_start3A_315 : memref<1x32xf32, #tpu.memory_space<vmem>> -> memref<32xf32, #tpu.memory_space<vmem>>
          %dma_start3A_317 = arith.constant 0 : i32
          %dma_start3A_318 = tpu.memref_slice %arg4[%add3A_309, %dma_start3A_317] : memref<2600000x32xf32, #tpu.memory_space<hbm>> -> memref<1x32xf32, #tpu.memory_space<hbm>>
          %dma_start3A_319 = tpu.memref_squeeze %dma_start3A_318 : memref<1x32xf32, #tpu.memory_space<hbm>> -> memref<32xf32, #tpu.memory_space<hbm>>
          %dma_start3A_320 = arith.constant 0 : i32
          %dma_start3A_321 = tpu.memref_slice %arg8[%add3A_313, %dma_start3A_320] : memref<512x128xf32, #tpu.memory_space<vmem>> -> memref<1x32xf32, #tpu.memory_space<vmem>>
          %dma_start3A_322 = tpu.memref_squeeze %dma_start3A_321 : memref<1x32xf32, #tpu.memory_space<vmem>> -> memref<32xf32, #tpu.memory_space<vmem>>
          %dma_start3A_323 = arith.constant 0 : i32
          %dma_start3A_324 = tpu.memref_slice %arg4[%add3A_309, %dma_start3A_323] : memref<2600000x32xf32, #tpu.memory_space<hbm>> -> memref<1x32xf32, #tpu.memory_space<hbm>>
          %dma_start3A_325 = tpu.memref_squeeze %dma_start3A_324 : memref<1x32xf32, #tpu.memory_space<hbm>> -> memref<32xf32, #tpu.memory_space<hbm>>
          tpu.enqueue_dma source(%dma_start3A_325 : memref<32xf32, #tpu.memory_space<hbm>>) target(%dma_start3A_322 : memref<32xf32, #tpu.memory_space<vmem>>) target_semaphore(%arg10 : memref<!tpu.dma_semaphore, #tpu.memory_space<semaphore_mem>>)
          %slice3A_326 = vector.extract_strided_slice %get3A_213 {offsets = [6], sizes = [1], strides = [1]} : vector<16xi32> to vector<1xi32>
          %squeeze3A_327 = vector.extract %slice3A_326[0] : i32 from vector<1xi32>
          %add3A_328 = arith.addi %squeeze3A_327, %mul3A_201 : i32
          %mul3A_329 = arith.constant 16 : i32
          %mul3A_330 = arith.muli %scan3A_208, %mul3A_329 : i32
          %add3A_331 = arith.constant 6 : i32
          %add3A_332 = arith.addi %mul3A_330, %add3A_331 : i32
          %dma_start3A_333 = arith.constant 0 : i32
          %dma_start3A_334 = tpu.memref_slice %arg8[%add3A_332, %dma_start3A_333] : memref<512x128xf32, #tpu.memory_space<vmem>> -> memref<1x32xf32, #tpu.memory_space<vmem>>
          %dma_start3A_335 = tpu.memref_squeeze %dma_start3A_334 : memref<1x32xf32, #tpu.memory_space<vmem>> -> memref<32xf32, #tpu.memory_space<vmem>>
          %dma_start3A_336 = arith.constant 0 : i32
          %dma_start3A_337 = tpu.memref_slice %arg4[%add3A_328, %dma_start3A_336] : memref<2600000x32xf32, #tpu.memory_space<hbm>> -> memref<1x32xf32, #tpu.memory_space<hbm>>
          %dma_start3A_338 = tpu.memref_squeeze %dma_start3A_337 : memref<1x32xf32, #tpu.memory_space<hbm>> -> memref<32xf32, #tpu.memory_space<hbm>>
          %dma_start3A_339 = arith.constant 0 : i32
          %dma_start3A_340 = tpu.memref_slice %arg8[%add3A_332, %dma_start3A_339] : memref<512x128xf32, #tpu.memory_space<vmem>> -> memref<1x32xf32, #tpu.memory_space<vmem>>
          %dma_start3A_341 = tpu.memref_squeeze %dma_start3A_340 : memref<1x32xf32, #tpu.memory_space<vmem>> -> memref<32xf32, #tpu.memory_space<vmem>>
          %dma_start3A_342 = arith.constant 0 : i32
          %dma_start3A_343 = tpu.memref_slice %arg4[%add3A_328, %dma_start3A_342] : memref<2600000x32xf32, #tpu.memory_space<hbm>> -> memref<1x32xf32, #tpu.memory_space<hbm>>
          %dma_start3A_344 = tpu.memref_squeeze %dma_start3A_343 : memref<1x32xf32, #tpu.memory_space<hbm>> -> memref<32xf32, #tpu.memory_space<hbm>>
          tpu.enqueue_dma source(%dma_start3A_344 : memref<32xf32, #tpu.memory_space<hbm>>) target(%dma_start3A_341 : memref<32xf32, #tpu.memory_space<vmem>>) target_semaphore(%arg10 : memref<!tpu.dma_semaphore, #tpu.memory_space<semaphore_mem>>)
          %slice3A_345 = vector.extract_strided_slice %get3A_213 {offsets = [7], sizes = [1], strides = [1]} : vector<16xi32> to vector<1xi32>
          %squeeze3A_346 = vector.extract %slice3A_345[0] : i32 from vector<1xi32>
          %add3A_347 = arith.addi %squeeze3A_346, %mul3A_201 : i32
          %mul3A_348 = arith.constant 16 : i32
          %mul3A_349 = arith.muli %scan3A_208, %mul3A_348 : i32
          %add3A_350 = arith.constant 7 : i32
          %add3A_351 = arith.addi %mul3A_349, %add3A_350 : i32
          %dma_start3A_352 = arith.constant 0 : i32
          %dma_start3A_353 = tpu.memref_slice %arg8[%add3A_351, %dma_start3A_352] : memref<512x128xf32, #tpu.memory_space<vmem>> -> memref<1x32xf32, #tpu.memory_space<vmem>>
          %dma_start3A_354 = tpu.memref_squeeze %dma_start3A_353 : memref<1x32xf32, #tpu.memory_space<vmem>> -> memref<32xf32, #tpu.memory_space<vmem>>
          %dma_start3A_355 = arith.constant 0 : i32
          %dma_start3A_356 = tpu.memref_slice %arg4[%add3A_347, %dma_start3A_355] : memref<2600000x32xf32, #tpu.memory_space<hbm>> -> memref<1x32xf32, #tpu.memory_space<hbm>>
          %dma_start3A_357 = tpu.memref_squeeze %dma_start3A_356 : memref<1x32xf32, #tpu.memory_space<hbm>> -> memref<32xf32, #tpu.memory_space<hbm>>
          %dma_start3A_358 = arith.constant 0 : i32
          %dma_start3A_359 = tpu.memref_slice %arg8[%add3A_351, %dma_start3A_358] : memref<512x128xf32, #tpu.memory_space<vmem>> -> memref<1x32xf32, #tpu.memory_space<vmem>>
          %dma_start3A_360 = tpu.memref_squeeze %dma_start3A_359 : memref<1x32xf32, #tpu.memory_space<vmem>> -> memref<32xf32, #tpu.memory_space<vmem>>
          %dma_start3A_361 = arith.constant 0 : i32
          %dma_start3A_362 = tpu.memref_slice %arg4[%add3A_347, %dma_start3A_361] : memref<2600000x32xf32, #tpu.memory_space<hbm>> -> memref<1x32xf32, #tpu.memory_space<hbm>>
          %dma_start3A_363 = tpu.memref_squeeze %dma_start3A_362 : memref<1x32xf32, #tpu.memory_space<hbm>> -> memref<32xf32, #tpu.memory_space<hbm>>
          tpu.enqueue_dma source(%dma_start3A_363 : memref<32xf32, #tpu.memory_space<hbm>>) target(%dma_start3A_360 : memref<32xf32, #tpu.memory_space<vmem>>) target_semaphore(%arg10 : memref<!tpu.dma_semaphore, #tpu.memory_space<semaphore_mem>>)
          %slice3A_364 = vector.extract_strided_slice %get3A_213 {offsets = [8], sizes = [1], strides = [1]} : vector<16xi32> to vector<1xi32>
          %squeeze3A_365 = vector.extract %slice3A_364[0] : i32 from vector<1xi32>
          %add3A_366 = arith.addi %squeeze3A_365, %mul3A_201 : i32
          %mul3A_367 = arith.constant 16 : i32
          %mul3A_368 = arith.muli %scan3A_208, %mul3A_367 : i32
          %add3A_369 = arith.constant 8 : i32
          %add3A_370 = arith.addi %mul3A_368, %add3A_369 : i32
          %dma_start3A_371 = arith.constant 0 : i32
          %dma_start3A_372 = tpu.memref_slice %arg8[%add3A_370, %dma_start3A_371] : memref<512x128xf32, #tpu.memory_space<vmem>> -> memref<1x32xf32, #tpu.memory_space<vmem>>
          %dma_start3A_373 = tpu.memref_squeeze %dma_start3A_372 : memref<1x32xf32, #tpu.memory_space<vmem>> -> memref<32xf32, #tpu.memory_space<vmem>>
          %dma_start3A_374 = arith.constant 0 : i32
          %dma_start3A_375 = tpu.memref_slice %arg4[%add3A_366, %dma_start3A_374] : memref<2600000x32xf32, #tpu.memory_space<hbm>> -> memref<1x32xf32, #tpu.memory_space<hbm>>
          %dma_start3A_376 = tpu.memref_squeeze %dma_start3A_375 : memref<1x32xf32, #tpu.memory_space<hbm>> -> memref<32xf32, #tpu.memory_space<hbm>>
          %dma_start3A_377 = arith.constant 0 : i32
          %dma_start3A_378 = tpu.memref_slice %arg8[%add3A_370, %dma_start3A_377] : memref<512x128xf32, #tpu.memory_space<vmem>> -> memref<1x32xf32, #tpu.memory_space<vmem>>
          %dma_start3A_379 = tpu.memref_squeeze %dma_start3A_378 : memref<1x32xf32, #tpu.memory_space<vmem>> -> memref<32xf32, #tpu.memory_space<vmem>>
          %dma_start3A_380 = arith.constant 0 : i32
          %dma_start3A_381 = tpu.memref_slice %arg4[%add3A_366, %dma_start3A_380] : memref<2600000x32xf32, #tpu.memory_space<hbm>> -> memref<1x32xf32, #tpu.memory_space<hbm>>
          %dma_start3A_382 = tpu.memref_squeeze %dma_start3A_381 : memref<1x32xf32, #tpu.memory_space<hbm>> -> memref<32xf32, #tpu.memory_space<hbm>>
          tpu.enqueue_dma source(%dma_start3A_382 : memref<32xf32, #tpu.memory_space<hbm>>) target(%dma_start3A_379 : memref<32xf32, #tpu.memory_space<vmem>>) target_semaphore(%arg10 : memref<!tpu.dma_semaphore, #tpu.memory_space<semaphore_mem>>)
          %slice3A_383 = vector.extract_strided_slice %get3A_213 {offsets = [9], sizes = [1], strides = [1]} : vector<16xi32> to vector<1xi32>
          %squeeze3A_384 = vector.extract %slice3A_383[0] : i32 from vector<1xi32>
          %add3A_385 = arith.addi %squeeze3A_384, %mul3A_201 : i32
          %mul3A_386 = arith.constant 16 : i32
          %mul3A_387 = arith.muli %scan3A_208, %mul3A_386 : i32
          %add3A_388 = arith.constant 9 : i32
          %add3A_389 = arith.addi %mul3A_387, %add3A_388 : i32
          %dma_start3A_390 = arith.constant 0 : i32
          %dma_start3A_391 = tpu.memref_slice %arg8[%add3A_389, %dma_start3A_390] : memref<512x128xf32, #tpu.memory_space<vmem>> -> memref<1x32xf32, #tpu.memory_space<vmem>>
          %dma_start3A_392 = tpu.memref_squeeze %dma_start3A_391 : memref<1x32xf32, #tpu.memory_space<vmem>> -> memref<32xf32, #tpu.memory_space<vmem>>
          %dma_start3A_393 = arith.constant 0 : i32
          %dma_start3A_394 = tpu.memref_slice %arg4[%add3A_385, %dma_start3A_393] : memref<2600000x32xf32, #tpu.memory_space<hbm>> -> memref<1x32xf32, #tpu.memory_space<hbm>>
          %dma_start3A_395 = tpu.memref_squeeze %dma_start3A_394 : memref<1x32xf32, #tpu.memory_space<hbm>> -> memref<32xf32, #tpu.memory_space<hbm>>
          %dma_start3A_396 = arith.constant 0 : i32
          %dma_start3A_397 = tpu.memref_slice %arg8[%add3A_389, %dma_start3A_396] : memref<512x128xf32, #tpu.memory_space<vmem>> -> memref<1x32xf32, #tpu.memory_space<vmem>>
          %dma_start3A_398 = tpu.memref_squeeze %dma_start3A_397 : memref<1x32xf32, #tpu.memory_space<vmem>> -> memref<32xf32, #tpu.memory_space<vmem>>
          %dma_start3A_399 = arith.constant 0 : i32
          %dma_start3A_400 = tpu.memref_slice %arg4[%add3A_385, %dma_start3A_399] : memref<2600000x32xf32, #tpu.memory_space<hbm>> -> memref<1x32xf32, #tpu.memory_space<hbm>>
          %dma_start3A_401 = tpu.memref_squeeze %dma_start3A_400 : memref<1x32xf32, #tpu.memory_space<hbm>> -> memref<32xf32, #tpu.memory_space<hbm>>
          tpu.enqueue_dma source(%dma_start3A_401 : memref<32xf32, #tpu.memory_space<hbm>>) target(%dma_start3A_398 : memref<32xf32, #tpu.memory_space<vmem>>) target_semaphore(%arg10 : memref<!tpu.dma_semaphore, #tpu.memory_space<semaphore_mem>>)
          %slice3A_402 = vector.extract_strided_slice %get3A_213 {offsets = [10], sizes = [1], strides = [1]} : vector<16xi32> to vector<1xi32>
          %squeeze3A_403 = vector.extract %slice3A_402[0] : i32 from vector<1xi32>
          %add3A_404 = arith.addi %squeeze3A_403, %mul3A_201 : i32
          %mul3A_405 = arith.constant 16 : i32
          %mul3A_406 = arith.muli %scan3A_208, %mul3A_405 : i32
          %add3A_407 = arith.constant 10 : i32
          %add3A_408 = arith.addi %mul3A_406, %add3A_407 : i32
          %dma_start3A_409 = arith.constant 0 : i32
          %dma_start3A_410 = tpu.memref_slice %arg8[%add3A_408, %dma_start3A_409] : memref<512x128xf32, #tpu.memory_space<vmem>> -> memref<1x32xf32, #tpu.memory_space<vmem>>
          %dma_start3A_411 = tpu.memref_squeeze %dma_start3A_410 : memref<1x32xf32, #tpu.memory_space<vmem>> -> memref<32xf32, #tpu.memory_space<vmem>>
          %dma_start3A_412 = arith.constant 0 : i32
          %dma_start3A_413 = tpu.memref_slice %arg4[%add3A_404, %dma_start3A_412] : memref<2600000x32xf32, #tpu.memory_space<hbm>> -> memref<1x32xf32, #tpu.memory_space<hbm>>
          %dma_start3A_414 = tpu.memref_squeeze %dma_start3A_413 : memref<1x32xf32, #tpu.memory_space<hbm>> -> memref<32xf32, #tpu.memory_space<hbm>>
          %dma_start3A_415 = arith.constant 0 : i32
          %dma_start3A_416 = tpu.memref_slice %arg8[%add3A_408, %dma_start3A_415] : memref<512x128xf32, #tpu.memory_space<vmem>> -> memref<1x32xf32, #tpu.memory_space<vmem>>
          %dma_start3A_417 = tpu.memref_squeeze %dma_start3A_416 : memref<1x32xf32, #tpu.memory_space<vmem>> -> memref<32xf32, #tpu.memory_space<vmem>>
          %dma_start3A_418 = arith.constant 0 : i32
          %dma_start3A_419 = tpu.memref_slice %arg4[%add3A_404, %dma_start3A_418] : memref<2600000x32xf32, #tpu.memory_space<hbm>> -> memref<1x32xf32, #tpu.memory_space<hbm>>
          %dma_start3A_420 = tpu.memref_squeeze %dma_start3A_419 : memref<1x32xf32, #tpu.memory_space<hbm>> -> memref<32xf32, #tpu.memory_space<hbm>>
          tpu.enqueue_dma source(%dma_start3A_420 : memref<32xf32, #tpu.memory_space<hbm>>) target(%dma_start3A_417 : memref<32xf32, #tpu.memory_space<vmem>>) target_semaphore(%arg10 : memref<!tpu.dma_semaphore, #tpu.memory_space<semaphore_mem>>)
          %slice3A_421 = vector.extract_strided_slice %get3A_213 {offsets = [11], sizes = [1], strides = [1]} : vector<16xi32> to vector<1xi32>
          %squeeze3A_422 = vector.extract %slice3A_421[0] : i32 from vector<1xi32>
          %add3A_423 = arith.addi %squeeze3A_422, %mul3A_201 : i32
          %mul3A_424 = arith.constant 16 : i32
          %mul3A_425 = arith.muli %scan3A_208, %mul3A_424 : i32
          %add3A_426 = arith.constant 11 : i32
          %add3A_427 = arith.addi %mul3A_425, %add3A_426 : i32
          %dma_start3A_428 = arith.constant 0 : i32
          %dma_start3A_429 = tpu.memref_slice %arg8[%add3A_427, %dma_start3A_428] : memref<512x128xf32, #tpu.memory_space<vmem>> -> memref<1x32xf32, #tpu.memory_space<vmem>>
          %dma_start3A_430 = tpu.memref_squeeze %dma_start3A_429 : memref<1x32xf32, #tpu.memory_space<vmem>> -> memref<32xf32, #tpu.memory_space<vmem>>
          %dma_start3A_431 = arith.constant 0 : i32
          %dma_start3A_432 = tpu.memref_slice %arg4[%add3A_423, %dma_start3A_431] : memref<2600000x32xf32, #tpu.memory_space<hbm>> -> memref<1x32xf32, #tpu.memory_space<hbm>>
          %dma_start3A_433 = tpu.memref_squeeze %dma_start3A_432 : memref<1x32xf32, #tpu.memory_space<hbm>> -> memref<32xf32, #tpu.memory_space<hbm>>
          %dma_start3A_434 = arith.constant 0 : i32
          %dma_start3A_435 = tpu.memref_slice %arg8[%add3A_427, %dma_start3A_434] : memref<512x128xf32, #tpu.memory_space<vmem>> -> memref<1x32xf32, #tpu.memory_space<vmem>>
          %dma_start3A_436 = tpu.memref_squeeze %dma_start3A_435 : memref<1x32xf32, #tpu.memory_space<vmem>> -> memref<32xf32, #tpu.memory_space<vmem>>
          %dma_start3A_437 = arith.constant 0 : i32
          %dma_start3A_438 = tpu.memref_slice %arg4[%add3A_423, %dma_start3A_437] : memref<2600000x32xf32, #tpu.memory_space<hbm>> -> memref<1x32xf32, #tpu.memory_space<hbm>>
          %dma_start3A_439 = tpu.memref_squeeze %dma_start3A_438 : memref<1x32xf32, #tpu.memory_space<hbm>> -> memref<32xf32, #tpu.memory_space<hbm>>
          tpu.enqueue_dma source(%dma_start3A_439 : memref<32xf32, #tpu.memory_space<hbm>>) target(%dma_start3A_436 : memref<32xf32, #tpu.memory_space<vmem>>) target_semaphore(%arg10 : memref<!tpu.dma_semaphore, #tpu.memory_space<semaphore_mem>>)
          %slice3A_440 = vector.extract_strided_slice %get3A_213 {offsets = [12], sizes = [1], strides = [1]} : vector<16xi32> to vector<1xi32>
          %squeeze3A_441 = vector.extract %slice3A_440[0] : i32 from vector<1xi32>
          %add3A_442 = arith.addi %squeeze3A_441, %mul3A_201 : i32
          %mul3A_443 = arith.constant 16 : i32
          %mul3A_444 = arith.muli %scan3A_208, %mul3A_443 : i32
          %add3A_445 = arith.constant 12 : i32
          %add3A_446 = arith.addi %mul3A_444, %add3A_445 : i32
          %dma_start3A_447 = arith.constant 0 : i32
          %dma_start3A_448 = tpu.memref_slice %arg8[%add3A_446, %dma_start3A_447] : memref<512x128xf32, #tpu.memory_space<vmem>> -> memref<1x32xf32, #tpu.memory_space<vmem>>
          %dma_start3A_449 = tpu.memref_squeeze %dma_start3A_448 : memref<1x32xf32, #tpu.memory_space<vmem>> -> memref<32xf32, #tpu.memory_space<vmem>>
          %dma_start3A_450 = arith.constant 0 : i32
          %dma_start3A_451 = tpu.memref_slice %arg4[%add3A_442, %dma_start3A_450] : memref<2600000x32xf32, #tpu.memory_space<hbm>> -> memref<1x32xf32, #tpu.memory_space<hbm>>
          %dma_start3A_452 = tpu.memref_squeeze %dma_start3A_451 : memref<1x32xf32, #tpu.memory_space<hbm>> -> memref<32xf32, #tpu.memory_space<hbm>>
          %dma_start3A_453 = arith.constant 0 : i32
          %dma_start3A_454 = tpu.memref_slice %arg8[%add3A_446, %dma_start3A_453] : memref<512x128xf32, #tpu.memory_space<vmem>> -> memref<1x32xf32, #tpu.memory_space<vmem>>
          %dma_start3A_455 = tpu.memref_squeeze %dma_start3A_454 : memref<1x32xf32, #tpu.memory_space<vmem>> -> memref<32xf32, #tpu.memory_space<vmem>>
          %dma_start3A_456 = arith.constant 0 : i32
          %dma_start3A_457 = tpu.memref_slice %arg4[%add3A_442, %dma_start3A_456] : memref<2600000x32xf32, #tpu.memory_space<hbm>> -> memref<1x32xf32, #tpu.memory_space<hbm>>
          %dma_start3A_458 = tpu.memref_squeeze %dma_start3A_457 : memref<1x32xf32, #tpu.memory_space<hbm>> -> memref<32xf32, #tpu.memory_space<hbm>>
          tpu.enqueue_dma source(%dma_start3A_458 : memref<32xf32, #tpu.memory_space<hbm>>) target(%dma_start3A_455 : memref<32xf32, #tpu.memory_space<vmem>>) target_semaphore(%arg10 : memref<!tpu.dma_semaphore, #tpu.memory_space<semaphore_mem>>)
          %slice3A_459 = vector.extract_strided_slice %get3A_213 {offsets = [13], sizes = [1], strides = [1]} : vector<16xi32> to vector<1xi32>
          %squeeze3A_460 = vector.extract %slice3A_459[0] : i32 from vector<1xi32>
          %add3A_461 = arith.addi %squeeze3A_460, %mul3A_201 : i32
          %mul3A_462 = arith.constant 16 : i32
          %mul3A_463 = arith.muli %scan3A_208, %mul3A_462 : i32
          %add3A_464 = arith.constant 13 : i32
          %add3A_465 = arith.addi %mul3A_463, %add3A_464 : i32
          %dma_start3A_466 = arith.constant 0 : i32
          %dma_start3A_467 = tpu.memref_slice %arg8[%add3A_465, %dma_start3A_466] : memref<512x128xf32, #tpu.memory_space<vmem>> -> memref<1x32xf32, #tpu.memory_space<vmem>>
          %dma_start3A_468 = tpu.memref_squeeze %dma_start3A_467 : memref<1x32xf32, #tpu.memory_space<vmem>> -> memref<32xf32, #tpu.memory_space<vmem>>
          %dma_start3A_469 = arith.constant 0 : i32
          %dma_start3A_470 = tpu.memref_slice %arg4[%add3A_461, %dma_start3A_469] : memref<2600000x32xf32, #tpu.memory_space<hbm>> -> memref<1x32xf32, #tpu.memory_space<hbm>>
          %dma_start3A_471 = tpu.memref_squeeze %dma_start3A_470 : memref<1x32xf32, #tpu.memory_space<hbm>> -> memref<32xf32, #tpu.memory_space<hbm>>
          %dma_start3A_472 = arith.constant 0 : i32
          %dma_start3A_473 = tpu.memref_slice %arg8[%add3A_465, %dma_start3A_472] : memref<512x128xf32, #tpu.memory_space<vmem>> -> memref<1x32xf32, #tpu.memory_space<vmem>>
          %dma_start3A_474 = tpu.memref_squeeze %dma_start3A_473 : memref<1x32xf32, #tpu.memory_space<vmem>> -> memref<32xf32, #tpu.memory_space<vmem>>
          %dma_start3A_475 = arith.constant 0 : i32
          %dma_start3A_476 = tpu.memref_slice %arg4[%add3A_461, %dma_start3A_475] : memref<2600000x32xf32, #tpu.memory_space<hbm>> -> memref<1x32xf32, #tpu.memory_space<hbm>>
          %dma_start3A_477 = tpu.memref_squeeze %dma_start3A_476 : memref<1x32xf32, #tpu.memory_space<hbm>> -> memref<32xf32, #tpu.memory_space<hbm>>
          tpu.enqueue_dma source(%dma_start3A_477 : memref<32xf32, #tpu.memory_space<hbm>>) target(%dma_start3A_474 : memref<32xf32, #tpu.memory_space<vmem>>) target_semaphore(%arg10 : memref<!tpu.dma_semaphore, #tpu.memory_space<semaphore_mem>>)
          %slice3A_478 = vector.extract_strided_slice %get3A_213 {offsets = [14], sizes = [1], strides = [1]} : vector<16xi32> to vector<1xi32>
          %squeeze3A_479 = vector.extract %slice3A_478[0] : i32 from vector<1xi32>
          %add3A_480 = arith.addi %squeeze3A_479, %mul3A_201 : i32
          %mul3A_481 = arith.constant 16 : i32
          %mul3A_482 = arith.muli %scan3A_208, %mul3A_481 : i32
          %add3A_483 = arith.constant 14 : i32
          %add3A_484 = arith.addi %mul3A_482, %add3A_483 : i32
          %dma_start3A_485 = arith.constant 0 : i32
          %dma_start3A_486 = tpu.memref_slice %arg8[%add3A_484, %dma_start3A_485] : memref<512x128xf32, #tpu.memory_space<vmem>> -> memref<1x32xf32, #tpu.memory_space<vmem>>
          %dma_start3A_487 = tpu.memref_squeeze %dma_start3A_486 : memref<1x32xf32, #tpu.memory_space<vmem>> -> memref<32xf32, #tpu.memory_space<vmem>>
          %dma_start3A_488 = arith.constant 0 : i32
          %dma_start3A_489 = tpu.memref_slice %arg4[%add3A_480, %dma_start3A_488] : memref<2600000x32xf32, #tpu.memory_space<hbm>> -> memref<1x32xf32, #tpu.memory_space<hbm>>
          %dma_start3A_490 = tpu.memref_squeeze %dma_start3A_489 : memref<1x32xf32, #tpu.memory_space<hbm>> -> memref<32xf32, #tpu.memory_space<hbm>>
          %dma_start3A_491 = arith.constant 0 : i32
          %dma_start3A_492 = tpu.memref_slice %arg8[%add3A_484, %dma_start3A_491] : memref<512x128xf32, #tpu.memory_space<vmem>> -> memref<1x32xf32, #tpu.memory_space<vmem>>
          %dma_start3A_493 = tpu.memref_squeeze %dma_start3A_492 : memref<1x32xf32, #tpu.memory_space<vmem>> -> memref<32xf32, #tpu.memory_space<vmem>>
          %dma_start3A_494 = arith.constant 0 : i32
          %dma_start3A_495 = tpu.memref_slice %arg4[%add3A_480, %dma_start3A_494] : memref<2600000x32xf32, #tpu.memory_space<hbm>> -> memref<1x32xf32, #tpu.memory_space<hbm>>
          %dma_start3A_496 = tpu.memref_squeeze %dma_start3A_495 : memref<1x32xf32, #tpu.memory_space<hbm>> -> memref<32xf32, #tpu.memory_space<hbm>>
          tpu.enqueue_dma source(%dma_start3A_496 : memref<32xf32, #tpu.memory_space<hbm>>) target(%dma_start3A_493 : memref<32xf32, #tpu.memory_space<vmem>>) target_semaphore(%arg10 : memref<!tpu.dma_semaphore, #tpu.memory_space<semaphore_mem>>)
          %slice3A_497 = vector.extract_strided_slice %get3A_213 {offsets = [15], sizes = [1], strides = [1]} : vector<16xi32> to vector<1xi32>
          %squeeze3A_498 = vector.extract %slice3A_497[0] : i32 from vector<1xi32>
          %add3A_499 = arith.addi %squeeze3A_498, %mul3A_201 : i32
          %mul3A_500 = arith.constant 16 : i32
          %mul3A_501 = arith.muli %scan3A_208, %mul3A_500 : i32
          %add3A_502 = arith.constant 15 : i32
          %add3A_503 = arith.addi %mul3A_501, %add3A_502 : i32
          %dma_start3A_504 = arith.constant 0 : i32
          %dma_start3A_505 = tpu.memref_slice %arg8[%add3A_503, %dma_start3A_504] : memref<512x128xf32, #tpu.memory_space<vmem>> -> memref<1x32xf32, #tpu.memory_space<vmem>>
          %dma_start3A_506 = tpu.memref_squeeze %dma_start3A_505 : memref<1x32xf32, #tpu.memory_space<vmem>> -> memref<32xf32, #tpu.memory_space<vmem>>
          %dma_start3A_507 = arith.constant 0 : i32
          %dma_start3A_508 = tpu.memref_slice %arg4[%add3A_499, %dma_start3A_507] : memref<2600000x32xf32, #tpu.memory_space<hbm>> -> memref<1x32xf32, #tpu.memory_space<hbm>>
          %dma_start3A_509 = tpu.memref_squeeze %dma_start3A_508 : memref<1x32xf32, #tpu.memory_space<hbm>> -> memref<32xf32, #tpu.memory_space<hbm>>
          %dma_start3A_510 = arith.constant 0 : i32
          %dma_start3A_511 = tpu.memref_slice %arg8[%add3A_503, %dma_start3A_510] : memref<512x128xf32, #tpu.memory_space<vmem>> -> memref<1x32xf32, #tpu.memory_space<vmem>>
          %dma_start3A_512 = tpu.memref_squeeze %dma_start3A_511 : memref<1x32xf32, #tpu.memory_space<vmem>> -> memref<32xf32, #tpu.memory_space<vmem>>
          %dma_start3A_513 = arith.constant 0 : i32
          %dma_start3A_514 = tpu.memref_slice %arg4[%add3A_499, %dma_start3A_513] : memref<2600000x32xf32, #tpu.memory_space<hbm>> -> memref<1x32xf32, #tpu.memory_space<hbm>>
          %dma_start3A_515 = tpu.memref_squeeze %dma_start3A_514 : memref<1x32xf32, #tpu.memory_space<hbm>> -> memref<32xf32, #tpu.memory_space<hbm>>
          tpu.enqueue_dma source(%dma_start3A_515 : memref<32xf32, #tpu.memory_space<hbm>>) target(%dma_start3A_512 : memref<32xf32, #tpu.memory_space<vmem>>) target_semaphore(%arg10 : memref<!tpu.dma_semaphore, #tpu.memory_space<semaphore_mem>>)
        }
        %scan3A_207 = arith.constant 32 : i32
      } else {
      }
      %mul3A_15 = arith.constant 4 : i32
      %mul3A_16 = arith.muli %scan3A_8, %mul3A_15 : i32
      %add3A_17 = arith.constant 1 : i32
      %add3A_18 = arith.addi %mul3A_16, %add3A_17 : i32
      %lt3A_19 = arith.constant 26 : i32
      %lt3A_20 = arith.cmpi slt, %add3A_18, %lt3A_19 : i32
      %convert_element_type3A_21 = arith.extui %lt3A_20 : i1 to i32
      %cond3A_22 = arith.constant 0 : i32
      %cond3A_23 = arith.cmpi ne, %convert_element_type3A_21, %cond3A_22 : i32
      scf.if %cond3A_23 {
        %mul3A_200 = arith.constant 100000 : i32
        %mul3A_201 = arith.muli %add3A_18, %mul3A_200 : i32
        %scan3A_202 = arith.constant 0 : i32
        %scan3A_203 = arith.constant 0 : i32
        %scan3A_204 = arith.constant 32 : i32
        %scan3A_205 = arith.addi %scan3A_203, %scan3A_204 : i32
        %scan3A_206 = arith.constant 1 : i32
        scf.for %scan3A_208 = %scan3A_203 to %scan3A_205 step %scan3A_206  : i32 {
          %mul3A_209 = arith.constant 16 : i32
          %mul3A_210 = arith.muli %scan3A_208, %mul3A_209 : i32
          %get3A = arith.index_cast %add3A_18 : i32 to index
          %get3A_211 = arith.index_cast %mul3A_210 : i32 to index
          %get3A_212 = tpu.vector_load %arg7[%get3A, %get3A_211] {strides = array<i32>} : memref<26x512xi32, #tpu.memory_space<vmem>>, vector<1x16xi32>,
          %get3A_213 = vector.shape_cast %get3A_212 : vector<1x16xi32> to vector<16xi32>
          %slice3A = vector.extract_strided_slice %get3A_213 {offsets = [0], sizes = [1], strides = [1]} : vector<16xi32> to vector<1xi32>
          %squeeze3A = vector.extract %slice3A[0] : i32 from vector<1xi32>
          %add3A_214 = arith.addi %squeeze3A, %mul3A_201 : i32
          %mul3A_215 = arith.constant 16 : i32
          %mul3A_216 = arith.muli %scan3A_208, %mul3A_215 : i32
          %add3A_217 = arith.constant 0 : i32
          %add3A_218 = arith.addi %mul3A_216, %add3A_217 : i32
          %dma_start3A_219 = arith.constant 32 : i32
          %dma_start3A_220 = tpu.memref_slice %arg8[%add3A_218, %dma_start3A_219] : memref<512x128xf32, #tpu.memory_space<vmem>> -> memref<1x32xf32, #tpu.memory_space<vmem>>
          %dma_start3A_221 = tpu.memref_squeeze %dma_start3A_220 : memref<1x32xf32, #tpu.memory_space<vmem>> -> memref<32xf32, #tpu.memory_space<vmem>>
          %dma_start3A_222 = arith.constant 0 : i32
          %dma_start3A_223 = tpu.memref_slice %arg4[%add3A_214, %dma_start3A_222] : memref<2600000x32xf32, #tpu.memory_space<hbm>> -> memref<1x32xf32, #tpu.memory_space<hbm>>
          %dma_start3A_224 = tpu.memref_squeeze %dma_start3A_223 : memref<1x32xf32, #tpu.memory_space<hbm>> -> memref<32xf32, #tpu.memory_space<hbm>>
          %dma_start3A_225 = arith.constant 32 : i32
          %dma_start3A_226 = tpu.memref_slice %arg8[%add3A_218, %dma_start3A_225] : memref<512x128xf32, #tpu.memory_space<vmem>> -> memref<1x32xf32, #tpu.memory_space<vmem>>
          %dma_start3A_227 = tpu.memref_squeeze %dma_start3A_226 : memref<1x32xf32, #tpu.memory_space<vmem>> -> memref<32xf32, #tpu.memory_space<vmem>>
          %dma_start3A_228 = arith.constant 0 : i32
          %dma_start3A_229 = tpu.memref_slice %arg4[%add3A_214, %dma_start3A_228] : memref<2600000x32xf32, #tpu.memory_space<hbm>> -> memref<1x32xf32, #tpu.memory_space<hbm>>
          %dma_start3A_230 = tpu.memref_squeeze %dma_start3A_229 : memref<1x32xf32, #tpu.memory_space<hbm>> -> memref<32xf32, #tpu.memory_space<hbm>>
          tpu.enqueue_dma source(%dma_start3A_230 : memref<32xf32, #tpu.memory_space<hbm>>) target(%dma_start3A_227 : memref<32xf32, #tpu.memory_space<vmem>>) target_semaphore(%arg10 : memref<!tpu.dma_semaphore, #tpu.memory_space<semaphore_mem>>)
          %slice3A_231 = vector.extract_strided_slice %get3A_213 {offsets = [1], sizes = [1], strides = [1]} : vector<16xi32> to vector<1xi32>
          %squeeze3A_232 = vector.extract %slice3A_231[0] : i32 from vector<1xi32>
          %add3A_233 = arith.addi %squeeze3A_232, %mul3A_201 : i32
          %mul3A_234 = arith.constant 16 : i32
          %mul3A_235 = arith.muli %scan3A_208, %mul3A_234 : i32
          %add3A_236 = arith.constant 1 : i32
          %add3A_237 = arith.addi %mul3A_235, %add3A_236 : i32
          %dma_start3A_238 = arith.constant 32 : i32
          %dma_start3A_239 = tpu.memref_slice %arg8[%add3A_237, %dma_start3A_238] : memref<512x128xf32, #tpu.memory_space<vmem>> -> memref<1x32xf32, #tpu.memory_space<vmem>>
          %dma_start3A_240 = tpu.memref_squeeze %dma_start3A_239 : memref<1x32xf32, #tpu.memory_space<vmem>> -> memref<32xf32, #tpu.memory_space<vmem>>
          %dma_start3A_241 = arith.constant 0 : i32
          %dma_start3A_242 = tpu.memref_slice %arg4[%add3A_233, %dma_start3A_241] : memref<2600000x32xf32, #tpu.memory_space<hbm>> -> memref<1x32xf32, #tpu.memory_space<hbm>>
          %dma_start3A_243 = tpu.memref_squeeze %dma_start3A_242 : memref<1x32xf32, #tpu.memory_space<hbm>> -> memref<32xf32, #tpu.memory_space<hbm>>
          %dma_start3A_244 = arith.constant 32 : i32
          %dma_start3A_245 = tpu.memref_slice %arg8[%add3A_237, %dma_start3A_244] : memref<512x128xf32, #tpu.memory_space<vmem>> -> memref<1x32xf32, #tpu.memory_space<vmem>>
          %dma_start3A_246 = tpu.memref_squeeze %dma_start3A_245 : memref<1x32xf32, #tpu.memory_space<vmem>> -> memref<32xf32, #tpu.memory_space<vmem>>
          %dma_start3A_247 = arith.constant 0 : i32
          %dma_start3A_248 = tpu.memref_slice %arg4[%add3A_233, %dma_start3A_247] : memref<2600000x32xf32, #tpu.memory_space<hbm>> -> memref<1x32xf32, #tpu.memory_space<hbm>>
          %dma_start3A_249 = tpu.memref_squeeze %dma_start3A_248 : memref<1x32xf32, #tpu.memory_space<hbm>> -> memref<32xf32, #tpu.memory_space<hbm>>
          tpu.enqueue_dma source(%dma_start3A_249 : memref<32xf32, #tpu.memory_space<hbm>>) target(%dma_start3A_246 : memref<32xf32, #tpu.memory_space<vmem>>) target_semaphore(%arg10 : memref<!tpu.dma_semaphore, #tpu.memory_space<semaphore_mem>>)
          %slice3A_250 = vector.extract_strided_slice %get3A_213 {offsets = [2], sizes = [1], strides = [1]} : vector<16xi32> to vector<1xi32>
          %squeeze3A_251 = vector.extract %slice3A_250[0] : i32 from vector<1xi32>
          %add3A_252 = arith.addi %squeeze3A_251, %mul3A_201 : i32
          %mul3A_253 = arith.constant 16 : i32
          %mul3A_254 = arith.muli %scan3A_208, %mul3A_253 : i32
          %add3A_255 = arith.constant 2 : i32
          %add3A_256 = arith.addi %mul3A_254, %add3A_255 : i32
          %dma_start3A_257 = arith.constant 32 : i32
          %dma_start3A_258 = tpu.memref_slice %arg8[%add3A_256, %dma_start3A_257] : memref<512x128xf32, #tpu.memory_space<vmem>> -> memref<1x32xf32, #tpu.memory_space<vmem>>
          %dma_start3A_259 = tpu.memref_squeeze %dma_start3A_258 : memref<1x32xf32, #tpu.memory_space<vmem>> -> memref<32xf32, #tpu.memory_space<vmem>>
          %dma_start3A_260 = arith.constant 0 : i32
          %dma_start3A_261 = tpu.memref_slice %arg4[%add3A_252, %dma_start3A_260] : memref<2600000x32xf32, #tpu.memory_space<hbm>> -> memref<1x32xf32, #tpu.memory_space<hbm>>
          %dma_start3A_262 = tpu.memref_squeeze %dma_start3A_261 : memref<1x32xf32, #tpu.memory_space<hbm>> -> memref<32xf32, #tpu.memory_space<hbm>>
          %dma_start3A_263 = arith.constant 32 : i32
          %dma_start3A_264 = tpu.memref_slice %arg8[%add3A_256, %dma_start3A_263] : memref<512x128xf32, #tpu.memory_space<vmem>> -> memref<1x32xf32, #tpu.memory_space<vmem>>
          %dma_start3A_265 = tpu.memref_squeeze %dma_start3A_264 : memref<1x32xf32, #tpu.memory_space<vmem>> -> memref<32xf32, #tpu.memory_space<vmem>>
          %dma_start3A_266 = arith.constant 0 : i32
          %dma_start3A_267 = tpu.memref_slice %arg4[%add3A_252, %dma_start3A_266] : memref<2600000x32xf32, #tpu.memory_space<hbm>> -> memref<1x32xf32, #tpu.memory_space<hbm>>
          %dma_start3A_268 = tpu.memref_squeeze %dma_start3A_267 : memref<1x32xf32, #tpu.memory_space<hbm>> -> memref<32xf32, #tpu.memory_space<hbm>>
          tpu.enqueue_dma source(%dma_start3A_268 : memref<32xf32, #tpu.memory_space<hbm>>) target(%dma_start3A_265 : memref<32xf32, #tpu.memory_space<vmem>>) target_semaphore(%arg10 : memref<!tpu.dma_semaphore, #tpu.memory_space<semaphore_mem>>)
          %slice3A_269 = vector.extract_strided_slice %get3A_213 {offsets = [3], sizes = [1], strides = [1]} : vector<16xi32> to vector<1xi32>
          %squeeze3A_270 = vector.extract %slice3A_269[0] : i32 from vector<1xi32>
          %add3A_271 = arith.addi %squeeze3A_270, %mul3A_201 : i32
          %mul3A_272 = arith.constant 16 : i32
          %mul3A_273 = arith.muli %scan3A_208, %mul3A_272 : i32
          %add3A_274 = arith.constant 3 : i32
          %add3A_275 = arith.addi %mul3A_273, %add3A_274 : i32
          %dma_start3A_276 = arith.constant 32 : i32
          %dma_start3A_277 = tpu.memref_slice %arg8[%add3A_275, %dma_start3A_276] : memref<512x128xf32, #tpu.memory_space<vmem>> -> memref<1x32xf32, #tpu.memory_space<vmem>>
          %dma_start3A_278 = tpu.memref_squeeze %dma_start3A_277 : memref<1x32xf32, #tpu.memory_space<vmem>> -> memref<32xf32, #tpu.memory_space<vmem>>
          %dma_start3A_279 = arith.constant 0 : i32
          %dma_start3A_280 = tpu.memref_slice %arg4[%add3A_271, %dma_start3A_279] : memref<2600000x32xf32, #tpu.memory_space<hbm>> -> memref<1x32xf32, #tpu.memory_space<hbm>>
          %dma_start3A_281 = tpu.memref_squeeze %dma_start3A_280 : memref<1x32xf32, #tpu.memory_space<hbm>> -> memref<32xf32, #tpu.memory_space<hbm>>
          %dma_start3A_282 = arith.constant 32 : i32
          %dma_start3A_283 = tpu.memref_slice %arg8[%add3A_275, %dma_start3A_282] : memref<512x128xf32, #tpu.memory_space<vmem>> -> memref<1x32xf32, #tpu.memory_space<vmem>>
          %dma_start3A_284 = tpu.memref_squeeze %dma_start3A_283 : memref<1x32xf32, #tpu.memory_space<vmem>> -> memref<32xf32, #tpu.memory_space<vmem>>
          %dma_start3A_285 = arith.constant 0 : i32
          %dma_start3A_286 = tpu.memref_slice %arg4[%add3A_271, %dma_start3A_285] : memref<2600000x32xf32, #tpu.memory_space<hbm>> -> memref<1x32xf32, #tpu.memory_space<hbm>>
          %dma_start3A_287 = tpu.memref_squeeze %dma_start3A_286 : memref<1x32xf32, #tpu.memory_space<hbm>> -> memref<32xf32, #tpu.memory_space<hbm>>
          tpu.enqueue_dma source(%dma_start3A_287 : memref<32xf32, #tpu.memory_space<hbm>>) target(%dma_start3A_284 : memref<32xf32, #tpu.memory_space<vmem>>) target_semaphore(%arg10 : memref<!tpu.dma_semaphore, #tpu.memory_space<semaphore_mem>>)
          %slice3A_288 = vector.extract_strided_slice %get3A_213 {offsets = [4], sizes = [1], strides = [1]} : vector<16xi32> to vector<1xi32>
          %squeeze3A_289 = vector.extract %slice3A_288[0] : i32 from vector<1xi32>
          %add3A_290 = arith.addi %squeeze3A_289, %mul3A_201 : i32
          %mul3A_291 = arith.constant 16 : i32
          %mul3A_292 = arith.muli %scan3A_208, %mul3A_291 : i32
          %add3A_293 = arith.constant 4 : i32
          %add3A_294 = arith.addi %mul3A_292, %add3A_293 : i32
          %dma_start3A_295 = arith.constant 32 : i32
          %dma_start3A_296 = tpu.memref_slice %arg8[%add3A_294, %dma_start3A_295] : memref<512x128xf32, #tpu.memory_space<vmem>> -> memref<1x32xf32, #tpu.memory_space<vmem>>
          %dma_start3A_297 = tpu.memref_squeeze %dma_start3A_296 : memref<1x32xf32, #tpu.memory_space<vmem>> -> memref<32xf32, #tpu.memory_space<vmem>>
          %dma_start3A_298 = arith.constant 0 : i32
          %dma_start3A_299 = tpu.memref_slice %arg4[%add3A_290, %dma_start3A_298] : memref<2600000x32xf32, #tpu.memory_space<hbm>> -> memref<1x32xf32, #tpu.memory_space<hbm>>
          %dma_start3A_300 = tpu.memref_squeeze %dma_start3A_299 : memref<1x32xf32, #tpu.memory_space<hbm>> -> memref<32xf32, #tpu.memory_space<hbm>>
          %dma_start3A_301 = arith.constant 32 : i32
          %dma_start3A_302 = tpu.memref_slice %arg8[%add3A_294, %dma_start3A_301] : memref<512x128xf32, #tpu.memory_space<vmem>> -> memref<1x32xf32, #tpu.memory_space<vmem>>
          %dma_start3A_303 = tpu.memref_squeeze %dma_start3A_302 : memref<1x32xf32, #tpu.memory_space<vmem>> -> memref<32xf32, #tpu.memory_space<vmem>>
          %dma_start3A_304 = arith.constant 0 : i32
          %dma_start3A_305 = tpu.memref_slice %arg4[%add3A_290, %dma_start3A_304] : memref<2600000x32xf32, #tpu.memory_space<hbm>> -> memref<1x32xf32, #tpu.memory_space<hbm>>
          %dma_start3A_306 = tpu.memref_squeeze %dma_start3A_305 : memref<1x32xf32, #tpu.memory_space<hbm>> -> memref<32xf32, #tpu.memory_space<hbm>>
          tpu.enqueue_dma source(%dma_start3A_306 : memref<32xf32, #tpu.memory_space<hbm>>) target(%dma_start3A_303 : memref<32xf32, #tpu.memory_space<vmem>>) target_semaphore(%arg10 : memref<!tpu.dma_semaphore, #tpu.memory_space<semaphore_mem>>)
          %slice3A_307 = vector.extract_strided_slice %get3A_213 {offsets = [5], sizes = [1], strides = [1]} : vector<16xi32> to vector<1xi32>
          %squeeze3A_308 = vector.extract %slice3A_307[0] : i32 from vector<1xi32>
          %add3A_309 = arith.addi %squeeze3A_308, %mul3A_201 : i32
          %mul3A_310 = arith.constant 16 : i32
          %mul3A_311 = arith.muli %scan3A_208, %mul3A_310 : i32
          %add3A_312 = arith.constant 5 : i32
          %add3A_313 = arith.addi %mul3A_311, %add3A_312 : i32
          %dma_start3A_314 = arith.constant 32 : i32
          %dma_start3A_315 = tpu.memref_slice %arg8[%add3A_313, %dma_start3A_314] : memref<512x128xf32, #tpu.memory_space<vmem>> -> memref<1x32xf32, #tpu.memory_space<vmem>>
          %dma_start3A_316 = tpu.memref_squeeze %dma_start3A_315 : memref<1x32xf32, #tpu.memory_space<vmem>> -> memref<32xf32, #tpu.memory_space<vmem>>
          %dma_start3A_317 = arith.constant 0 : i32
          %dma_start3A_318 = tpu.memref_slice %arg4[%add3A_309, %dma_start3A_317] : memref<2600000x32xf32, #tpu.memory_space<hbm>> -> memref<1x32xf32, #tpu.memory_space<hbm>>
          %dma_start3A_319 = tpu.memref_squeeze %dma_start3A_318 : memref<1x32xf32, #tpu.memory_space<hbm>> -> memref<32xf32, #tpu.memory_space<hbm>>
          %dma_start3A_320 = arith.constant 32 : i32
          %dma_start3A_321 = tpu.memref_slice %arg8[%add3A_313, %dma_start3A_320] : memref<512x128xf32, #tpu.memory_space<vmem>> -> memref<1x32xf32, #tpu.memory_space<vmem>>
          %dma_start3A_322 = tpu.memref_squeeze %dma_start3A_321 : memref<1x32xf32, #tpu.memory_space<vmem>> -> memref<32xf32, #tpu.memory_space<vmem>>
          %dma_start3A_323 = arith.constant 0 : i32
          %dma_start3A_324 = tpu.memref_slice %arg4[%add3A_309, %dma_start3A_323] : memref<2600000x32xf32, #tpu.memory_space<hbm>> -> memref<1x32xf32, #tpu.memory_space<hbm>>
          %dma_start3A_325 = tpu.memref_squeeze %dma_start3A_324 : memref<1x32xf32, #tpu.memory_space<hbm>> -> memref<32xf32, #tpu.memory_space<hbm>>
          tpu.enqueue_dma source(%dma_start3A_325 : memref<32xf32, #tpu.memory_space<hbm>>) target(%dma_start3A_322 : memref<32xf32, #tpu.memory_space<vmem>>) target_semaphore(%arg10 : memref<!tpu.dma_semaphore, #tpu.memory_space<semaphore_mem>>)
          %slice3A_326 = vector.extract_strided_slice %get3A_213 {offsets = [6], sizes = [1], strides = [1]} : vector<16xi32> to vector<1xi32>
          %squeeze3A_327 = vector.extract %slice3A_326[0] : i32 from vector<1xi32>
          %add3A_328 = arith.addi %squeeze3A_327, %mul3A_201 : i32
          %mul3A_329 = arith.constant 16 : i32
          %mul3A_330 = arith.muli %scan3A_208, %mul3A_329 : i32
          %add3A_331 = arith.constant 6 : i32
          %add3A_332 = arith.addi %mul3A_330, %add3A_331 : i32
          %dma_start3A_333 = arith.constant 32 : i32
          %dma_start3A_334 = tpu.memref_slice %arg8[%add3A_332, %dma_start3A_333] : memref<512x128xf32, #tpu.memory_space<vmem>> -> memref<1x32xf32, #tpu.memory_space<vmem>>
          %dma_start3A_335 = tpu.memref_squeeze %dma_start3A_334 : memref<1x32xf32, #tpu.memory_space<vmem>> -> memref<32xf32, #tpu.memory_space<vmem>>
          %dma_start3A_336 = arith.constant 0 : i32
          %dma_start3A_337 = tpu.memref_slice %arg4[%add3A_328, %dma_start3A_336] : memref<2600000x32xf32, #tpu.memory_space<hbm>> -> memref<1x32xf32, #tpu.memory_space<hbm>>
          %dma_start3A_338 = tpu.memref_squeeze %dma_start3A_337 : memref<1x32xf32, #tpu.memory_space<hbm>> -> memref<32xf32, #tpu.memory_space<hbm>>
          %dma_start3A_339 = arith.constant 32 : i32
          %dma_start3A_340 = tpu.memref_slice %arg8[%add3A_332, %dma_start3A_339] : memref<512x128xf32, #tpu.memory_space<vmem>> -> memref<1x32xf32, #tpu.memory_space<vmem>>
          %dma_start3A_341 = tpu.memref_squeeze %dma_start3A_340 : memref<1x32xf32, #tpu.memory_space<vmem>> -> memref<32xf32, #tpu.memory_space<vmem>>
          %dma_start3A_342 = arith.constant 0 : i32
          %dma_start3A_343 = tpu.memref_slice %arg4[%add3A_328, %dma_start3A_342] : memref<2600000x32xf32, #tpu.memory_space<hbm>> -> memref<1x32xf32, #tpu.memory_space<hbm>>
          %dma_start3A_344 = tpu.memref_squeeze %dma_start3A_343 : memref<1x32xf32, #tpu.memory_space<hbm>> -> memref<32xf32, #tpu.memory_space<hbm>>
          tpu.enqueue_dma source(%dma_start3A_344 : memref<32xf32, #tpu.memory_space<hbm>>) target(%dma_start3A_341 : memref<32xf32, #tpu.memory_space<vmem>>) target_semaphore(%arg10 : memref<!tpu.dma_semaphore, #tpu.memory_space<semaphore_mem>>)
          %slice3A_345 = vector.extract_strided_slice %get3A_213 {offsets = [7], sizes = [1], strides = [1]} : vector<16xi32> to vector<1xi32>
          %squeeze3A_346 = vector.extract %slice3A_345[0] : i32 from vector<1xi32>
          %add3A_347 = arith.addi %squeeze3A_346, %mul3A_201 : i32
          %mul3A_348 = arith.constant 16 : i32
          %mul3A_349 = arith.muli %scan3A_208, %mul3A_348 : i32
          %add3A_350 = arith.constant 7 : i32
          %add3A_351 = arith.addi %mul3A_349, %add3A_350 : i32
          %dma_start3A_352 = arith.constant 32 : i32
          %dma_start3A_353 = tpu.memref_slice %arg8[%add3A_351, %dma_start3A_352] : memref<512x128xf32, #tpu.memory_space<vmem>> -> memref<1x32xf32, #tpu.memory_space<vmem>>
          %dma_start3A_354 = tpu.memref_squeeze %dma_start3A_353 : memref<1x32xf32, #tpu.memory_space<vmem>> -> memref<32xf32, #tpu.memory_space<vmem>>
          %dma_start3A_355 = arith.constant 0 : i32
          %dma_start3A_356 = tpu.memref_slice %arg4[%add3A_347, %dma_start3A_355] : memref<2600000x32xf32, #tpu.memory_space<hbm>> -> memref<1x32xf32, #tpu.memory_space<hbm>>
          %dma_start3A_357 = tpu.memref_squeeze %dma_start3A_356 : memref<1x32xf32, #tpu.memory_space<hbm>> -> memref<32xf32, #tpu.memory_space<hbm>>
          %dma_start3A_358 = arith.constant 32 : i32
          %dma_start3A_359 = tpu.memref_slice %arg8[%add3A_351, %dma_start3A_358] : memref<512x128xf32, #tpu.memory_space<vmem>> -> memref<1x32xf32, #tpu.memory_space<vmem>>
          %dma_start3A_360 = tpu.memref_squeeze %dma_start3A_359 : memref<1x32xf32, #tpu.memory_space<vmem>> -> memref<32xf32, #tpu.memory_space<vmem>>
          %dma_start3A_361 = arith.constant 0 : i32
          %dma_start3A_362 = tpu.memref_slice %arg4[%add3A_347, %dma_start3A_361] : memref<2600000x32xf32, #tpu.memory_space<hbm>> -> memref<1x32xf32, #tpu.memory_space<hbm>>
          %dma_start3A_363 = tpu.memref_squeeze %dma_start3A_362 : memref<1x32xf32, #tpu.memory_space<hbm>> -> memref<32xf32, #tpu.memory_space<hbm>>
          tpu.enqueue_dma source(%dma_start3A_363 : memref<32xf32, #tpu.memory_space<hbm>>) target(%dma_start3A_360 : memref<32xf32, #tpu.memory_space<vmem>>) target_semaphore(%arg10 : memref<!tpu.dma_semaphore, #tpu.memory_space<semaphore_mem>>)
          %slice3A_364 = vector.extract_strided_slice %get3A_213 {offsets = [8], sizes = [1], strides = [1]} : vector<16xi32> to vector<1xi32>
          %squeeze3A_365 = vector.extract %slice3A_364[0] : i32 from vector<1xi32>
          %add3A_366 = arith.addi %squeeze3A_365, %mul3A_201 : i32
          %mul3A_367 = arith.constant 16 : i32
          %mul3A_368 = arith.muli %scan3A_208, %mul3A_367 : i32
          %add3A_369 = arith.constant 8 : i32
          %add3A_370 = arith.addi %mul3A_368, %add3A_369 : i32
          %dma_start3A_371 = arith.constant 32 : i32
          %dma_start3A_372 = tpu.memref_slice %arg8[%add3A_370, %dma_start3A_371] : memref<512x128xf32, #tpu.memory_space<vmem>> -> memref<1x32xf32, #tpu.memory_space<vmem>>
          %dma_start3A_373 = tpu.memref_squeeze %dma_start3A_372 : memref<1x32xf32, #tpu.memory_space<vmem>> -> memref<32xf32, #tpu.memory_space<vmem>>
          %dma_start3A_374 = arith.constant 0 : i32
          %dma_start3A_375 = tpu.memref_slice %arg4[%add3A_366, %dma_start3A_374] : memref<2600000x32xf32, #tpu.memory_space<hbm>> -> memref<1x32xf32, #tpu.memory_space<hbm>>
          %dma_start3A_376 = tpu.memref_squeeze %dma_start3A_375 : memref<1x32xf32, #tpu.memory_space<hbm>> -> memref<32xf32, #tpu.memory_space<hbm>>
          %dma_start3A_377 = arith.constant 32 : i32
          %dma_start3A_378 = tpu.memref_slice %arg8[%add3A_370, %dma_start3A_377] : memref<512x128xf32, #tpu.memory_space<vmem>> -> memref<1x32xf32, #tpu.memory_space<vmem>>
          %dma_start3A_379 = tpu.memref_squeeze %dma_start3A_378 : memref<1x32xf32, #tpu.memory_space<vmem>> -> memref<32xf32, #tpu.memory_space<vmem>>
          %dma_start3A_380 = arith.constant 0 : i32
          %dma_start3A_381 = tpu.memref_slice %arg4[%add3A_366, %dma_start3A_380] : memref<2600000x32xf32, #tpu.memory_space<hbm>> -> memref<1x32xf32, #tpu.memory_space<hbm>>
          %dma_start3A_382 = tpu.memref_squeeze %dma_start3A_381 : memref<1x32xf32, #tpu.memory_space<hbm>> -> memref<32xf32, #tpu.memory_space<hbm>>
          tpu.enqueue_dma source(%dma_start3A_382 : memref<32xf32, #tpu.memory_space<hbm>>) target(%dma_start3A_379 : memref<32xf32, #tpu.memory_space<vmem>>) target_semaphore(%arg10 : memref<!tpu.dma_semaphore, #tpu.memory_space<semaphore_mem>>)
          %slice3A_383 = vector.extract_strided_slice %get3A_213 {offsets = [9], sizes = [1], strides = [1]} : vector<16xi32> to vector<1xi32>
          %squeeze3A_384 = vector.extract %slice3A_383[0] : i32 from vector<1xi32>
          %add3A_385 = arith.addi %squeeze3A_384, %mul3A_201 : i32
          %mul3A_386 = arith.constant 16 : i32
          %mul3A_387 = arith.muli %scan3A_208, %mul3A_386 : i32
          %add3A_388 = arith.constant 9 : i32
          %add3A_389 = arith.addi %mul3A_387, %add3A_388 : i32
          %dma_start3A_390 = arith.constant 32 : i32
          %dma_start3A_391 = tpu.memref_slice %arg8[%add3A_389, %dma_start3A_390] : memref<512x128xf32, #tpu.memory_space<vmem>> -> memref<1x32xf32, #tpu.memory_space<vmem>>
          %dma_start3A_392 = tpu.memref_squeeze %dma_start3A_391 : memref<1x32xf32, #tpu.memory_space<vmem>> -> memref<32xf32, #tpu.memory_space<vmem>>
          %dma_start3A_393 = arith.constant 0 : i32
          %dma_start3A_394 = tpu.memref_slice %arg4[%add3A_385, %dma_start3A_393] : memref<2600000x32xf32, #tpu.memory_space<hbm>> -> memref<1x32xf32, #tpu.memory_space<hbm>>
          %dma_start3A_395 = tpu.memref_squeeze %dma_start3A_394 : memref<1x32xf32, #tpu.memory_space<hbm>> -> memref<32xf32, #tpu.memory_space<hbm>>
          %dma_start3A_396 = arith.constant 32 : i32
          %dma_start3A_397 = tpu.memref_slice %arg8[%add3A_389, %dma_start3A_396] : memref<512x128xf32, #tpu.memory_space<vmem>> -> memref<1x32xf32, #tpu.memory_space<vmem>>
          %dma_start3A_398 = tpu.memref_squeeze %dma_start3A_397 : memref<1x32xf32, #tpu.memory_space<vmem>> -> memref<32xf32, #tpu.memory_space<vmem>>
          %dma_start3A_399 = arith.constant 0 : i32
          %dma_start3A_400 = tpu.memref_slice %arg4[%add3A_385, %dma_start3A_399] : memref<2600000x32xf32, #tpu.memory_space<hbm>> -> memref<1x32xf32, #tpu.memory_space<hbm>>
          %dma_start3A_401 = tpu.memref_squeeze %dma_start3A_400 : memref<1x32xf32, #tpu.memory_space<hbm>> -> memref<32xf32, #tpu.memory_space<hbm>>
          tpu.enqueue_dma source(%dma_start3A_401 : memref<32xf32, #tpu.memory_space<hbm>>) target(%dma_start3A_398 : memref<32xf32, #tpu.memory_space<vmem>>) target_semaphore(%arg10 : memref<!tpu.dma_semaphore, #tpu.memory_space<semaphore_mem>>)
          %slice3A_402 = vector.extract_strided_slice %get3A_213 {offsets = [10], sizes = [1], strides = [1]} : vector<16xi32> to vector<1xi32>
          %squeeze3A_403 = vector.extract %slice3A_402[0] : i32 from vector<1xi32>
          %add3A_404 = arith.addi %squeeze3A_403, %mul3A_201 : i32
          %mul3A_405 = arith.constant 16 : i32
          %mul3A_406 = arith.muli %scan3A_208, %mul3A_405 : i32
          %add3A_407 = arith.constant 10 : i32
          %add3A_408 = arith.addi %mul3A_406, %add3A_407 : i32
          %dma_start3A_409 = arith.constant 32 : i32
          %dma_start3A_410 = tpu.memref_slice %arg8[%add3A_408, %dma_start3A_409] : memref<512x128xf32, #tpu.memory_space<vmem>> -> memref<1x32xf32, #tpu.memory_space<vmem>>
          %dma_start3A_411 = tpu.memref_squeeze %dma_start3A_410 : memref<1x32xf32, #tpu.memory_space<vmem>> -> memref<32xf32, #tpu.memory_space<vmem>>
          %dma_start3A_412 = arith.constant 0 : i32
          %dma_start3A_413 = tpu.memref_slice %arg4[%add3A_404, %dma_start3A_412] : memref<2600000x32xf32, #tpu.memory_space<hbm>> -> memref<1x32xf32, #tpu.memory_space<hbm>>
          %dma_start3A_414 = tpu.memref_squeeze %dma_start3A_413 : memref<1x32xf32, #tpu.memory_space<hbm>> -> memref<32xf32, #tpu.memory_space<hbm>>
          %dma_start3A_415 = arith.constant 32 : i32
          %dma_start3A_416 = tpu.memref_slice %arg8[%add3A_408, %dma_start3A_415] : memref<512x128xf32, #tpu.memory_space<vmem>> -> memref<1x32xf32, #tpu.memory_space<vmem>>
          %dma_start3A_417 = tpu.memref_squeeze %dma_start3A_416 : memref<1x32xf32, #tpu.memory_space<vmem>> -> memref<32xf32, #tpu.memory_space<vmem>>
          %dma_start3A_418 = arith.constant 0 : i32
          %dma_start3A_419 = tpu.memref_slice %arg4[%add3A_404, %dma_start3A_418] : memref<2600000x32xf32, #tpu.memory_space<hbm>> -> memref<1x32xf32, #tpu.memory_space<hbm>>
          %dma_start3A_420 = tpu.memref_squeeze %dma_start3A_419 : memref<1x32xf32, #tpu.memory_space<hbm>> -> memref<32xf32, #tpu.memory_space<hbm>>
          tpu.enqueue_dma source(%dma_start3A_420 : memref<32xf32, #tpu.memory_space<hbm>>) target(%dma_start3A_417 : memref<32xf32, #tpu.memory_space<vmem>>) target_semaphore(%arg10 : memref<!tpu.dma_semaphore, #tpu.memory_space<semaphore_mem>>)
          %slice3A_421 = vector.extract_strided_slice %get3A_213 {offsets = [11], sizes = [1], strides = [1]} : vector<16xi32> to vector<1xi32>
          %squeeze3A_422 = vector.extract %slice3A_421[0] : i32 from vector<1xi32>
          %add3A_423 = arith.addi %squeeze3A_422, %mul3A_201 : i32
          %mul3A_424 = arith.constant 16 : i32
          %mul3A_425 = arith.muli %scan3A_208, %mul3A_424 : i32
          %add3A_426 = arith.constant 11 : i32
          %add3A_427 = arith.addi %mul3A_425, %add3A_426 : i32
          %dma_start3A_428 = arith.constant 32 : i32
          %dma_start3A_429 = tpu.memref_slice %arg8[%add3A_427, %dma_start3A_428] : memref<512x128xf32, #tpu.memory_space<vmem>> -> memref<1x32xf32, #tpu.memory_space<vmem>>
          %dma_start3A_430 = tpu.memref_squeeze %dma_start3A_429 : memref<1x32xf32, #tpu.memory_space<vmem>> -> memref<32xf32, #tpu.memory_space<vmem>>
          %dma_start3A_431 = arith.constant 0 : i32
          %dma_start3A_432 = tpu.memref_slice %arg4[%add3A_423, %dma_start3A_431] : memref<2600000x32xf32, #tpu.memory_space<hbm>> -> memref<1x32xf32, #tpu.memory_space<hbm>>
          %dma_start3A_433 = tpu.memref_squeeze %dma_start3A_432 : memref<1x32xf32, #tpu.memory_space<hbm>> -> memref<32xf32, #tpu.memory_space<hbm>>
          %dma_start3A_434 = arith.constant 32 : i32
          %dma_start3A_435 = tpu.memref_slice %arg8[%add3A_427, %dma_start3A_434] : memref<512x128xf32, #tpu.memory_space<vmem>> -> memref<1x32xf32, #tpu.memory_space<vmem>>
          %dma_start3A_436 = tpu.memref_squeeze %dma_start3A_435 : memref<1x32xf32, #tpu.memory_space<vmem>> -> memref<32xf32, #tpu.memory_space<vmem>>
          %dma_start3A_437 = arith.constant 0 : i32
          %dma_start3A_438 = tpu.memref_slice %arg4[%add3A_423, %dma_start3A_437] : memref<2600000x32xf32, #tpu.memory_space<hbm>> -> memref<1x32xf32, #tpu.memory_space<hbm>>
          %dma_start3A_439 = tpu.memref_squeeze %dma_start3A_438 : memref<1x32xf32, #tpu.memory_space<hbm>> -> memref<32xf32, #tpu.memory_space<hbm>>
          tpu.enqueue_dma source(%dma_start3A_439 : memref<32xf32, #tpu.memory_space<hbm>>) target(%dma_start3A_436 : memref<32xf32, #tpu.memory_space<vmem>>) target_semaphore(%arg10 : memref<!tpu.dma_semaphore, #tpu.memory_space<semaphore_mem>>)
          %slice3A_440 = vector.extract_strided_slice %get3A_213 {offsets = [12], sizes = [1], strides = [1]} : vector<16xi32> to vector<1xi32>
          %squeeze3A_441 = vector.extract %slice3A_440[0] : i32 from vector<1xi32>
          %add3A_442 = arith.addi %squeeze3A_441, %mul3A_201 : i32
          %mul3A_443 = arith.constant 16 : i32
          %mul3A_444 = arith.muli %scan3A_208, %mul3A_443 : i32
          %add3A_445 = arith.constant 12 : i32
          %add3A_446 = arith.addi %mul3A_444, %add3A_445 : i32
          %dma_start3A_447 = arith.constant 32 : i32
          %dma_start3A_448 = tpu.memref_slice %arg8[%add3A_446, %dma_start3A_447] : memref<512x128xf32, #tpu.memory_space<vmem>> -> memref<1x32xf32, #tpu.memory_space<vmem>>
          %dma_start3A_449 = tpu.memref_squeeze %dma_start3A_448 : memref<1x32xf32, #tpu.memory_space<vmem>> -> memref<32xf32, #tpu.memory_space<vmem>>
          %dma_start3A_450 = arith.constant 0 : i32
          %dma_start3A_451 = tpu.memref_slice %arg4[%add3A_442, %dma_start3A_450] : memref<2600000x32xf32, #tpu.memory_space<hbm>> -> memref<1x32xf32, #tpu.memory_space<hbm>>
          %dma_start3A_452 = tpu.memref_squeeze %dma_start3A_451 : memref<1x32xf32, #tpu.memory_space<hbm>> -> memref<32xf32, #tpu.memory_space<hbm>>
          %dma_start3A_453 = arith.constant 32 : i32
          %dma_start3A_454 = tpu.memref_slice %arg8[%add3A_446, %dma_start3A_453] : memref<512x128xf32, #tpu.memory_space<vmem>> -> memref<1x32xf32, #tpu.memory_space<vmem>>
          %dma_start3A_455 = tpu.memref_squeeze %dma_start3A_454 : memref<1x32xf32, #tpu.memory_space<vmem>> -> memref<32xf32, #tpu.memory_space<vmem>>
          %dma_start3A_456 = arith.constant 0 : i32
          %dma_start3A_457 = tpu.memref_slice %arg4[%add3A_442, %dma_start3A_456] : memref<2600000x32xf32, #tpu.memory_space<hbm>> -> memref<1x32xf32, #tpu.memory_space<hbm>>
          %dma_start3A_458 = tpu.memref_squeeze %dma_start3A_457 : memref<1x32xf32, #tpu.memory_space<hbm>> -> memref<32xf32, #tpu.memory_space<hbm>>
          tpu.enqueue_dma source(%dma_start3A_458 : memref<32xf32, #tpu.memory_space<hbm>>) target(%dma_start3A_455 : memref<32xf32, #tpu.memory_space<vmem>>) target_semaphore(%arg10 : memref<!tpu.dma_semaphore, #tpu.memory_space<semaphore_mem>>)
          %slice3A_459 = vector.extract_strided_slice %get3A_213 {offsets = [13], sizes = [1], strides = [1]} : vector<16xi32> to vector<1xi32>
          %squeeze3A_460 = vector.extract %slice3A_459[0] : i32 from vector<1xi32>
          %add3A_461 = arith.addi %squeeze3A_460, %mul3A_201 : i32
          %mul3A_462 = arith.constant 16 : i32
          %mul3A_463 = arith.muli %scan3A_208, %mul3A_462 : i32
          %add3A_464 = arith.constant 13 : i32
          %add3A_465 = arith.addi %mul3A_463, %add3A_464 : i32
          %dma_start3A_466 = arith.constant 32 : i32
          %dma_start3A_467 = tpu.memref_slice %arg8[%add3A_465, %dma_start3A_466] : memref<512x128xf32, #tpu.memory_space<vmem>> -> memref<1x32xf32, #tpu.memory_space<vmem>>
          %dma_start3A_468 = tpu.memref_squeeze %dma_start3A_467 : memref<1x32xf32, #tpu.memory_space<vmem>> -> memref<32xf32, #tpu.memory_space<vmem>>
          %dma_start3A_469 = arith.constant 0 : i32
          %dma_start3A_470 = tpu.memref_slice %arg4[%add3A_461, %dma_start3A_469] : memref<2600000x32xf32, #tpu.memory_space<hbm>> -> memref<1x32xf32, #tpu.memory_space<hbm>>
          %dma_start3A_471 = tpu.memref_squeeze %dma_start3A_470 : memref<1x32xf32, #tpu.memory_space<hbm>> -> memref<32xf32, #tpu.memory_space<hbm>>
          %dma_start3A_472 = arith.constant 32 : i32
          %dma_start3A_473 = tpu.memref_slice %arg8[%add3A_465, %dma_start3A_472] : memref<512x128xf32, #tpu.memory_space<vmem>> -> memref<1x32xf32, #tpu.memory_space<vmem>>
          %dma_start3A_474 = tpu.memref_squeeze %dma_start3A_473 : memref<1x32xf32, #tpu.memory_space<vmem>> -> memref<32xf32, #tpu.memory_space<vmem>>
          %dma_start3A_475 = arith.constant 0 : i32
          %dma_start3A_476 = tpu.memref_slice %arg4[%add3A_461, %dma_start3A_475] : memref<2600000x32xf32, #tpu.memory_space<hbm>> -> memref<1x32xf32, #tpu.memory_space<hbm>>
          %dma_start3A_477 = tpu.memref_squeeze %dma_start3A_476 : memref<1x32xf32, #tpu.memory_space<hbm>> -> memref<32xf32, #tpu.memory_space<hbm>>
          tpu.enqueue_dma source(%dma_start3A_477 : memref<32xf32, #tpu.memory_space<hbm>>) target(%dma_start3A_474 : memref<32xf32, #tpu.memory_space<vmem>>) target_semaphore(%arg10 : memref<!tpu.dma_semaphore, #tpu.memory_space<semaphore_mem>>)
          %slice3A_478 = vector.extract_strided_slice %get3A_213 {offsets = [14], sizes = [1], strides = [1]} : vector<16xi32> to vector<1xi32>
          %squeeze3A_479 = vector.extract %slice3A_478[0] : i32 from vector<1xi32>
          %add3A_480 = arith.addi %squeeze3A_479, %mul3A_201 : i32
          %mul3A_481 = arith.constant 16 : i32
          %mul3A_482 = arith.muli %scan3A_208, %mul3A_481 : i32
          %add3A_483 = arith.constant 14 : i32
          %add3A_484 = arith.addi %mul3A_482, %add3A_483 : i32
          %dma_start3A_485 = arith.constant 32 : i32
          %dma_start3A_486 = tpu.memref_slice %arg8[%add3A_484, %dma_start3A_485] : memref<512x128xf32, #tpu.memory_space<vmem>> -> memref<1x32xf32, #tpu.memory_space<vmem>>
          %dma_start3A_487 = tpu.memref_squeeze %dma_start3A_486 : memref<1x32xf32, #tpu.memory_space<vmem>> -> memref<32xf32, #tpu.memory_space<vmem>>
          %dma_start3A_488 = arith.constant 0 : i32
          %dma_start3A_489 = tpu.memref_slice %arg4[%add3A_480, %dma_start3A_488] : memref<2600000x32xf32, #tpu.memory_space<hbm>> -> memref<1x32xf32, #tpu.memory_space<hbm>>
          %dma_start3A_490 = tpu.memref_squeeze %dma_start3A_489 : memref<1x32xf32, #tpu.memory_space<hbm>> -> memref<32xf32, #tpu.memory_space<hbm>>
          %dma_start3A_491 = arith.constant 32 : i32
          %dma_start3A_492 = tpu.memref_slice %arg8[%add3A_484, %dma_start3A_491] : memref<512x128xf32, #tpu.memory_space<vmem>> -> memref<1x32xf32, #tpu.memory_space<vmem>>
          %dma_start3A_493 = tpu.memref_squeeze %dma_start3A_492 : memref<1x32xf32, #tpu.memory_space<vmem>> -> memref<32xf32, #tpu.memory_space<vmem>>
          %dma_start3A_494 = arith.constant 0 : i32
          %dma_start3A_495 = tpu.memref_slice %arg4[%add3A_480, %dma_start3A_494] : memref<2600000x32xf32, #tpu.memory_space<hbm>> -> memref<1x32xf32, #tpu.memory_space<hbm>>
          %dma_start3A_496 = tpu.memref_squeeze %dma_start3A_495 : memref<1x32xf32, #tpu.memory_space<hbm>> -> memref<32xf32, #tpu.memory_space<hbm>>
          tpu.enqueue_dma source(%dma_start3A_496 : memref<32xf32, #tpu.memory_space<hbm>>) target(%dma_start3A_493 : memref<32xf32, #tpu.memory_space<vmem>>) target_semaphore(%arg10 : memref<!tpu.dma_semaphore, #tpu.memory_space<semaphore_mem>>)
          %slice3A_497 = vector.extract_strided_slice %get3A_213 {offsets = [15], sizes = [1], strides = [1]} : vector<16xi32> to vector<1xi32>
          %squeeze3A_498 = vector.extract %slice3A_497[0] : i32 from vector<1xi32>
          %add3A_499 = arith.addi %squeeze3A_498, %mul3A_201 : i32
          %mul3A_500 = arith.constant 16 : i32
          %mul3A_501 = arith.muli %scan3A_208, %mul3A_500 : i32
          %add3A_502 = arith.constant 15 : i32
          %add3A_503 = arith.addi %mul3A_501, %add3A_502 : i32
          %dma_start3A_504 = arith.constant 32 : i32
          %dma_start3A_505 = tpu.memref_slice %arg8[%add3A_503, %dma_start3A_504] : memref<512x128xf32, #tpu.memory_space<vmem>> -> memref<1x32xf32, #tpu.memory_space<vmem>>
          %dma_start3A_506 = tpu.memref_squeeze %dma_start3A_505 : memref<1x32xf32, #tpu.memory_space<vmem>> -> memref<32xf32, #tpu.memory_space<vmem>>
          %dma_start3A_507 = arith.constant 0 : i32
          %dma_start3A_508 = tpu.memref_slice %arg4[%add3A_499, %dma_start3A_507] : memref<2600000x32xf32, #tpu.memory_space<hbm>> -> memref<1x32xf32, #tpu.memory_space<hbm>>
          %dma_start3A_509 = tpu.memref_squeeze %dma_start3A_508 : memref<1x32xf32, #tpu.memory_space<hbm>> -> memref<32xf32, #tpu.memory_space<hbm>>
          %dma_start3A_510 = arith.constant 32 : i32
          %dma_start3A_511 = tpu.memref_slice %arg8[%add3A_503, %dma_start3A_510] : memref<512x128xf32, #tpu.memory_space<vmem>> -> memref<1x32xf32, #tpu.memory_space<vmem>>
          %dma_start3A_512 = tpu.memref_squeeze %dma_start3A_511 : memref<1x32xf32, #tpu.memory_space<vmem>> -> memref<32xf32, #tpu.memory_space<vmem>>
          %dma_start3A_513 = arith.constant 0 : i32
          %dma_start3A_514 = tpu.memref_slice %arg4[%add3A_499, %dma_start3A_513] : memref<2600000x32xf32, #tpu.memory_space<hbm>> -> memref<1x32xf32, #tpu.memory_space<hbm>>
          %dma_start3A_515 = tpu.memref_squeeze %dma_start3A_514 : memref<1x32xf32, #tpu.memory_space<hbm>> -> memref<32xf32, #tpu.memory_space<hbm>>
          tpu.enqueue_dma source(%dma_start3A_515 : memref<32xf32, #tpu.memory_space<hbm>>) target(%dma_start3A_512 : memref<32xf32, #tpu.memory_space<vmem>>) target_semaphore(%arg10 : memref<!tpu.dma_semaphore, #tpu.memory_space<semaphore_mem>>)
        }
        %scan3A_207 = arith.constant 32 : i32
      } else {
      }
      %mul3A_24 = arith.constant 4 : i32
      %mul3A_25 = arith.muli %scan3A_8, %mul3A_24 : i32
      %add3A_26 = arith.constant 2 : i32
      %add3A_27 = arith.addi %mul3A_25, %add3A_26 : i32
      %lt3A_28 = arith.constant 26 : i32
      %lt3A_29 = arith.cmpi slt, %add3A_27, %lt3A_28 : i32
      %convert_element_type3A_30 = arith.extui %lt3A_29 : i1 to i32
      %cond3A_31 = arith.constant 0 : i32
      %cond3A_32 = arith.cmpi ne, %convert_element_type3A_30, %cond3A_31 : i32
      scf.if %cond3A_32 {
        %mul3A_200 = arith.constant 100000 : i32
        %mul3A_201 = arith.muli %add3A_27, %mul3A_200 : i32
        %scan3A_202 = arith.constant 0 : i32
        %scan3A_203 = arith.constant 0 : i32
        %scan3A_204 = arith.constant 32 : i32
        %scan3A_205 = arith.addi %scan3A_203, %scan3A_204 : i32
        %scan3A_206 = arith.constant 1 : i32
        scf.for %scan3A_208 = %scan3A_203 to %scan3A_205 step %scan3A_206  : i32 {
          %mul3A_209 = arith.constant 16 : i32
          %mul3A_210 = arith.muli %scan3A_208, %mul3A_209 : i32
          %get3A = arith.index_cast %add3A_27 : i32 to index
          %get3A_211 = arith.index_cast %mul3A_210 : i32 to index
          %get3A_212 = tpu.vector_load %arg7[%get3A, %get3A_211] {strides = array<i32>} : memref<26x512xi32, #tpu.memory_space<vmem>>, vector<1x16xi32>,
          %get3A_213 = vector.shape_cast %get3A_212 : vector<1x16xi32> to vector<16xi32>
          %slice3A = vector.extract_strided_slice %get3A_213 {offsets = [0], sizes = [1], strides = [1]} : vector<16xi32> to vector<1xi32>
          %squeeze3A = vector.extract %slice3A[0] : i32 from vector<1xi32>
          %add3A_214 = arith.addi %squeeze3A, %mul3A_201 : i32
          %mul3A_215 = arith.constant 16 : i32
          %mul3A_216 = arith.muli %scan3A_208, %mul3A_215 : i32
          %add3A_217 = arith.constant 0 : i32
          %add3A_218 = arith.addi %mul3A_216, %add3A_217 : i32
          %dma_start3A_219 = arith.constant 64 : i32
          %dma_start3A_220 = tpu.memref_slice %arg8[%add3A_218, %dma_start3A_219] : memref<512x128xf32, #tpu.memory_space<vmem>> -> memref<1x32xf32, #tpu.memory_space<vmem>>
          %dma_start3A_221 = tpu.memref_squeeze %dma_start3A_220 : memref<1x32xf32, #tpu.memory_space<vmem>> -> memref<32xf32, #tpu.memory_space<vmem>>
          %dma_start3A_222 = arith.constant 0 : i32
          %dma_start3A_223 = tpu.memref_slice %arg4[%add3A_214, %dma_start3A_222] : memref<2600000x32xf32, #tpu.memory_space<hbm>> -> memref<1x32xf32, #tpu.memory_space<hbm>>
          %dma_start3A_224 = tpu.memref_squeeze %dma_start3A_223 : memref<1x32xf32, #tpu.memory_space<hbm>> -> memref<32xf32, #tpu.memory_space<hbm>>
          %dma_start3A_225 = arith.constant 64 : i32
          %dma_start3A_226 = tpu.memref_slice %arg8[%add3A_218, %dma_start3A_225] : memref<512x128xf32, #tpu.memory_space<vmem>> -> memref<1x32xf32, #tpu.memory_space<vmem>>
          %dma_start3A_227 = tpu.memref_squeeze %dma_start3A_226 : memref<1x32xf32, #tpu.memory_space<vmem>> -> memref<32xf32, #tpu.memory_space<vmem>>
          %dma_start3A_228 = arith.constant 0 : i32
          %dma_start3A_229 = tpu.memref_slice %arg4[%add3A_214, %dma_start3A_228] : memref<2600000x32xf32, #tpu.memory_space<hbm>> -> memref<1x32xf32, #tpu.memory_space<hbm>>
          %dma_start3A_230 = tpu.memref_squeeze %dma_start3A_229 : memref<1x32xf32, #tpu.memory_space<hbm>> -> memref<32xf32, #tpu.memory_space<hbm>>
          tpu.enqueue_dma source(%dma_start3A_230 : memref<32xf32, #tpu.memory_space<hbm>>) target(%dma_start3A_227 : memref<32xf32, #tpu.memory_space<vmem>>) target_semaphore(%arg10 : memref<!tpu.dma_semaphore, #tpu.memory_space<semaphore_mem>>)
          %slice3A_231 = vector.extract_strided_slice %get3A_213 {offsets = [1], sizes = [1], strides = [1]} : vector<16xi32> to vector<1xi32>
          %squeeze3A_232 = vector.extract %slice3A_231[0] : i32 from vector<1xi32>
          %add3A_233 = arith.addi %squeeze3A_232, %mul3A_201 : i32
          %mul3A_234 = arith.constant 16 : i32
          %mul3A_235 = arith.muli %scan3A_208, %mul3A_234 : i32
          %add3A_236 = arith.constant 1 : i32
          %add3A_237 = arith.addi %mul3A_235, %add3A_236 : i32
          %dma_start3A_238 = arith.constant 64 : i32
          %dma_start3A_239 = tpu.memref_slice %arg8[%add3A_237, %dma_start3A_238] : memref<512x128xf32, #tpu.memory_space<vmem>> -> memref<1x32xf32, #tpu.memory_space<vmem>>
          %dma_start3A_240 = tpu.memref_squeeze %dma_start3A_239 : memref<1x32xf32, #tpu.memory_space<vmem>> -> memref<32xf32, #tpu.memory_space<vmem>>
          %dma_start3A_241 = arith.constant 0 : i32
          %dma_start3A_242 = tpu.memref_slice %arg4[%add3A_233, %dma_start3A_241] : memref<2600000x32xf32, #tpu.memory_space<hbm>> -> memref<1x32xf32, #tpu.memory_space<hbm>>
          %dma_start3A_243 = tpu.memref_squeeze %dma_start3A_242 : memref<1x32xf32, #tpu.memory_space<hbm>> -> memref<32xf32, #tpu.memory_space<hbm>>
          %dma_start3A_244 = arith.constant 64 : i32
          %dma_start3A_245 = tpu.memref_slice %arg8[%add3A_237, %dma_start3A_244] : memref<512x128xf32, #tpu.memory_space<vmem>> -> memref<1x32xf32, #tpu.memory_space<vmem>>
          %dma_start3A_246 = tpu.memref_squeeze %dma_start3A_245 : memref<1x32xf32, #tpu.memory_space<vmem>> -> memref<32xf32, #tpu.memory_space<vmem>>
          %dma_start3A_247 = arith.constant 0 : i32
          %dma_start3A_248 = tpu.memref_slice %arg4[%add3A_233, %dma_start3A_247] : memref<2600000x32xf32, #tpu.memory_space<hbm>> -> memref<1x32xf32, #tpu.memory_space<hbm>>
          %dma_start3A_249 = tpu.memref_squeeze %dma_start3A_248 : memref<1x32xf32, #tpu.memory_space<hbm>> -> memref<32xf32, #tpu.memory_space<hbm>>
          tpu.enqueue_dma source(%dma_start3A_249 : memref<32xf32, #tpu.memory_space<hbm>>) target(%dma_start3A_246 : memref<32xf32, #tpu.memory_space<vmem>>) target_semaphore(%arg10 : memref<!tpu.dma_semaphore, #tpu.memory_space<semaphore_mem>>)
          %slice3A_250 = vector.extract_strided_slice %get3A_213 {offsets = [2], sizes = [1], strides = [1]} : vector<16xi32> to vector<1xi32>
          %squeeze3A_251 = vector.extract %slice3A_250[0] : i32 from vector<1xi32>
          %add3A_252 = arith.addi %squeeze3A_251, %mul3A_201 : i32
          %mul3A_253 = arith.constant 16 : i32
          %mul3A_254 = arith.muli %scan3A_208, %mul3A_253 : i32
          %add3A_255 = arith.constant 2 : i32
          %add3A_256 = arith.addi %mul3A_254, %add3A_255 : i32
          %dma_start3A_257 = arith.constant 64 : i32
          %dma_start3A_258 = tpu.memref_slice %arg8[%add3A_256, %dma_start3A_257] : memref<512x128xf32, #tpu.memory_space<vmem>> -> memref<1x32xf32, #tpu.memory_space<vmem>>
          %dma_start3A_259 = tpu.memref_squeeze %dma_start3A_258 : memref<1x32xf32, #tpu.memory_space<vmem>> -> memref<32xf32, #tpu.memory_space<vmem>>
          %dma_start3A_260 = arith.constant 0 : i32
          %dma_start3A_261 = tpu.memref_slice %arg4[%add3A_252, %dma_start3A_260] : memref<2600000x32xf32, #tpu.memory_space<hbm>> -> memref<1x32xf32, #tpu.memory_space<hbm>>
          %dma_start3A_262 = tpu.memref_squeeze %dma_start3A_261 : memref<1x32xf32, #tpu.memory_space<hbm>> -> memref<32xf32, #tpu.memory_space<hbm>>
          %dma_start3A_263 = arith.constant 64 : i32
          %dma_start3A_264 = tpu.memref_slice %arg8[%add3A_256, %dma_start3A_263] : memref<512x128xf32, #tpu.memory_space<vmem>> -> memref<1x32xf32, #tpu.memory_space<vmem>>
          %dma_start3A_265 = tpu.memref_squeeze %dma_start3A_264 : memref<1x32xf32, #tpu.memory_space<vmem>> -> memref<32xf32, #tpu.memory_space<vmem>>
          %dma_start3A_266 = arith.constant 0 : i32
          %dma_start3A_267 = tpu.memref_slice %arg4[%add3A_252, %dma_start3A_266] : memref<2600000x32xf32, #tpu.memory_space<hbm>> -> memref<1x32xf32, #tpu.memory_space<hbm>>
          %dma_start3A_268 = tpu.memref_squeeze %dma_start3A_267 : memref<1x32xf32, #tpu.memory_space<hbm>> -> memref<32xf32, #tpu.memory_space<hbm>>
          tpu.enqueue_dma source(%dma_start3A_268 : memref<32xf32, #tpu.memory_space<hbm>>) target(%dma_start3A_265 : memref<32xf32, #tpu.memory_space<vmem>>) target_semaphore(%arg10 : memref<!tpu.dma_semaphore, #tpu.memory_space<semaphore_mem>>)
          %slice3A_269 = vector.extract_strided_slice %get3A_213 {offsets = [3], sizes = [1], strides = [1]} : vector<16xi32> to vector<1xi32>
          %squeeze3A_270 = vector.extract %slice3A_269[0] : i32 from vector<1xi32>
          %add3A_271 = arith.addi %squeeze3A_270, %mul3A_201 : i32
          %mul3A_272 = arith.constant 16 : i32
          %mul3A_273 = arith.muli %scan3A_208, %mul3A_272 : i32
          %add3A_274 = arith.constant 3 : i32
          %add3A_275 = arith.addi %mul3A_273, %add3A_274 : i32
          %dma_start3A_276 = arith.constant 64 : i32
          %dma_start3A_277 = tpu.memref_slice %arg8[%add3A_275, %dma_start3A_276] : memref<512x128xf32, #tpu.memory_space<vmem>> -> memref<1x32xf32, #tpu.memory_space<vmem>>
          %dma_start3A_278 = tpu.memref_squeeze %dma_start3A_277 : memref<1x32xf32, #tpu.memory_space<vmem>> -> memref<32xf32, #tpu.memory_space<vmem>>
          %dma_start3A_279 = arith.constant 0 : i32
          %dma_start3A_280 = tpu.memref_slice %arg4[%add3A_271, %dma_start3A_279] : memref<2600000x32xf32, #tpu.memory_space<hbm>> -> memref<1x32xf32, #tpu.memory_space<hbm>>
          %dma_start3A_281 = tpu.memref_squeeze %dma_start3A_280 : memref<1x32xf32, #tpu.memory_space<hbm>> -> memref<32xf32, #tpu.memory_space<hbm>>
          %dma_start3A_282 = arith.constant 64 : i32
          %dma_start3A_283 = tpu.memref_slice %arg8[%add3A_275, %dma_start3A_282] : memref<512x128xf32, #tpu.memory_space<vmem>> -> memref<1x32xf32, #tpu.memory_space<vmem>>
          %dma_start3A_284 = tpu.memref_squeeze %dma_start3A_283 : memref<1x32xf32, #tpu.memory_space<vmem>> -> memref<32xf32, #tpu.memory_space<vmem>>
          %dma_start3A_285 = arith.constant 0 : i32
          %dma_start3A_286 = tpu.memref_slice %arg4[%add3A_271, %dma_start3A_285] : memref<2600000x32xf32, #tpu.memory_space<hbm>> -> memref<1x32xf32, #tpu.memory_space<hbm>>
          %dma_start3A_287 = tpu.memref_squeeze %dma_start3A_286 : memref<1x32xf32, #tpu.memory_space<hbm>> -> memref<32xf32, #tpu.memory_space<hbm>>
          tpu.enqueue_dma source(%dma_start3A_287 : memref<32xf32, #tpu.memory_space<hbm>>) target(%dma_start3A_284 : memref<32xf32, #tpu.memory_space<vmem>>) target_semaphore(%arg10 : memref<!tpu.dma_semaphore, #tpu.memory_space<semaphore_mem>>)
          %slice3A_288 = vector.extract_strided_slice %get3A_213 {offsets = [4], sizes = [1], strides = [1]} : vector<16xi32> to vector<1xi32>
          %squeeze3A_289 = vector.extract %slice3A_288[0] : i32 from vector<1xi32>
          %add3A_290 = arith.addi %squeeze3A_289, %mul3A_201 : i32
          %mul3A_291 = arith.constant 16 : i32
          %mul3A_292 = arith.muli %scan3A_208, %mul3A_291 : i32
          %add3A_293 = arith.constant 4 : i32
          %add3A_294 = arith.addi %mul3A_292, %add3A_293 : i32
          %dma_start3A_295 = arith.constant 64 : i32
          %dma_start3A_296 = tpu.memref_slice %arg8[%add3A_294, %dma_start3A_295] : memref<512x128xf32, #tpu.memory_space<vmem>> -> memref<1x32xf32, #tpu.memory_space<vmem>>
          %dma_start3A_297 = tpu.memref_squeeze %dma_start3A_296 : memref<1x32xf32, #tpu.memory_space<vmem>> -> memref<32xf32, #tpu.memory_space<vmem>>
          %dma_start3A_298 = arith.constant 0 : i32
          %dma_start3A_299 = tpu.memref_slice %arg4[%add3A_290, %dma_start3A_298] : memref<2600000x32xf32, #tpu.memory_space<hbm>> -> memref<1x32xf32, #tpu.memory_space<hbm>>
          %dma_start3A_300 = tpu.memref_squeeze %dma_start3A_299 : memref<1x32xf32, #tpu.memory_space<hbm>> -> memref<32xf32, #tpu.memory_space<hbm>>
          %dma_start3A_301 = arith.constant 64 : i32
          %dma_start3A_302 = tpu.memref_slice %arg8[%add3A_294, %dma_start3A_301] : memref<512x128xf32, #tpu.memory_space<vmem>> -> memref<1x32xf32, #tpu.memory_space<vmem>>
          %dma_start3A_303 = tpu.memref_squeeze %dma_start3A_302 : memref<1x32xf32, #tpu.memory_space<vmem>> -> memref<32xf32, #tpu.memory_space<vmem>>
          %dma_start3A_304 = arith.constant 0 : i32
          %dma_start3A_305 = tpu.memref_slice %arg4[%add3A_290, %dma_start3A_304] : memref<2600000x32xf32, #tpu.memory_space<hbm>> -> memref<1x32xf32, #tpu.memory_space<hbm>>
          %dma_start3A_306 = tpu.memref_squeeze %dma_start3A_305 : memref<1x32xf32, #tpu.memory_space<hbm>> -> memref<32xf32, #tpu.memory_space<hbm>>
          tpu.enqueue_dma source(%dma_start3A_306 : memref<32xf32, #tpu.memory_space<hbm>>) target(%dma_start3A_303 : memref<32xf32, #tpu.memory_space<vmem>>) target_semaphore(%arg10 : memref<!tpu.dma_semaphore, #tpu.memory_space<semaphore_mem>>)
          %slice3A_307 = vector.extract_strided_slice %get3A_213 {offsets = [5], sizes = [1], strides = [1]} : vector<16xi32> to vector<1xi32>
          %squeeze3A_308 = vector.extract %slice3A_307[0] : i32 from vector<1xi32>
          %add3A_309 = arith.addi %squeeze3A_308, %mul3A_201 : i32
          %mul3A_310 = arith.constant 16 : i32
          %mul3A_311 = arith.muli %scan3A_208, %mul3A_310 : i32
          %add3A_312 = arith.constant 5 : i32
          %add3A_313 = arith.addi %mul3A_311, %add3A_312 : i32
          %dma_start3A_314 = arith.constant 64 : i32
          %dma_start3A_315 = tpu.memref_slice %arg8[%add3A_313, %dma_start3A_314] : memref<512x128xf32, #tpu.memory_space<vmem>> -> memref<1x32xf32, #tpu.memory_space<vmem>>
          %dma_start3A_316 = tpu.memref_squeeze %dma_start3A_315 : memref<1x32xf32, #tpu.memory_space<vmem>> -> memref<32xf32, #tpu.memory_space<vmem>>
          %dma_start3A_317 = arith.constant 0 : i32
          %dma_start3A_318 = tpu.memref_slice %arg4[%add3A_309, %dma_start3A_317] : memref<2600000x32xf32, #tpu.memory_space<hbm>> -> memref<1x32xf32, #tpu.memory_space<hbm>>
          %dma_start3A_319 = tpu.memref_squeeze %dma_start3A_318 : memref<1x32xf32, #tpu.memory_space<hbm>> -> memref<32xf32, #tpu.memory_space<hbm>>
          %dma_start3A_320 = arith.constant 64 : i32
          %dma_start3A_321 = tpu.memref_slice %arg8[%add3A_313, %dma_start3A_320] : memref<512x128xf32, #tpu.memory_space<vmem>> -> memref<1x32xf32, #tpu.memory_space<vmem>>
          %dma_start3A_322 = tpu.memref_squeeze %dma_start3A_321 : memref<1x32xf32, #tpu.memory_space<vmem>> -> memref<32xf32, #tpu.memory_space<vmem>>
          %dma_start3A_323 = arith.constant 0 : i32
          %dma_start3A_324 = tpu.memref_slice %arg4[%add3A_309, %dma_start3A_323] : memref<2600000x32xf32, #tpu.memory_space<hbm>> -> memref<1x32xf32, #tpu.memory_space<hbm>>
          %dma_start3A_325 = tpu.memref_squeeze %dma_start3A_324 : memref<1x32xf32, #tpu.memory_space<hbm>> -> memref<32xf32, #tpu.memory_space<hbm>>
          tpu.enqueue_dma source(%dma_start3A_325 : memref<32xf32, #tpu.memory_space<hbm>>) target(%dma_start3A_322 : memref<32xf32, #tpu.memory_space<vmem>>) target_semaphore(%arg10 : memref<!tpu.dma_semaphore, #tpu.memory_space<semaphore_mem>>)
          %slice3A_326 = vector.extract_strided_slice %get3A_213 {offsets = [6], sizes = [1], strides = [1]} : vector<16xi32> to vector<1xi32>
          %squeeze3A_327 = vector.extract %slice3A_326[0] : i32 from vector<1xi32>
          %add3A_328 = arith.addi %squeeze3A_327, %mul3A_201 : i32
          %mul3A_329 = arith.constant 16 : i32
          %mul3A_330 = arith.muli %scan3A_208, %mul3A_329 : i32
          %add3A_331 = arith.constant 6 : i32
          %add3A_332 = arith.addi %mul3A_330, %add3A_331 : i32
          %dma_start3A_333 = arith.constant 64 : i32
          %dma_start3A_334 = tpu.memref_slice %arg8[%add3A_332, %dma_start3A_333] : memref<512x128xf32, #tpu.memory_space<vmem>> -> memref<1x32xf32, #tpu.memory_space<vmem>>
          %dma_start3A_335 = tpu.memref_squeeze %dma_start3A_334 : memref<1x32xf32, #tpu.memory_space<vmem>> -> memref<32xf32, #tpu.memory_space<vmem>>
          %dma_start3A_336 = arith.constant 0 : i32
          %dma_start3A_337 = tpu.memref_slice %arg4[%add3A_328, %dma_start3A_336] : memref<2600000x32xf32, #tpu.memory_space<hbm>> -> memref<1x32xf32, #tpu.memory_space<hbm>>
          %dma_start3A_338 = tpu.memref_squeeze %dma_start3A_337 : memref<1x32xf32, #tpu.memory_space<hbm>> -> memref<32xf32, #tpu.memory_space<hbm>>
          %dma_start3A_339 = arith.constant 64 : i32
          %dma_start3A_340 = tpu.memref_slice %arg8[%add3A_332, %dma_start3A_339] : memref<512x128xf32, #tpu.memory_space<vmem>> -> memref<1x32xf32, #tpu.memory_space<vmem>>
          %dma_start3A_341 = tpu.memref_squeeze %dma_start3A_340 : memref<1x32xf32, #tpu.memory_space<vmem>> -> memref<32xf32, #tpu.memory_space<vmem>>
          %dma_start3A_342 = arith.constant 0 : i32
          %dma_start3A_343 = tpu.memref_slice %arg4[%add3A_328, %dma_start3A_342] : memref<2600000x32xf32, #tpu.memory_space<hbm>> -> memref<1x32xf32, #tpu.memory_space<hbm>>
          %dma_start3A_344 = tpu.memref_squeeze %dma_start3A_343 : memref<1x32xf32, #tpu.memory_space<hbm>> -> memref<32xf32, #tpu.memory_space<hbm>>
          tpu.enqueue_dma source(%dma_start3A_344 : memref<32xf32, #tpu.memory_space<hbm>>) target(%dma_start3A_341 : memref<32xf32, #tpu.memory_space<vmem>>) target_semaphore(%arg10 : memref<!tpu.dma_semaphore, #tpu.memory_space<semaphore_mem>>)
          %slice3A_345 = vector.extract_strided_slice %get3A_213 {offsets = [7], sizes = [1], strides = [1]} : vector<16xi32> to vector<1xi32>
          %squeeze3A_346 = vector.extract %slice3A_345[0] : i32 from vector<1xi32>
          %add3A_347 = arith.addi %squeeze3A_346, %mul3A_201 : i32
          %mul3A_348 = arith.constant 16 : i32
          %mul3A_349 = arith.muli %scan3A_208, %mul3A_348 : i32
          %add3A_350 = arith.constant 7 : i32
          %add3A_351 = arith.addi %mul3A_349, %add3A_350 : i32
          %dma_start3A_352 = arith.constant 64 : i32
          %dma_start3A_353 = tpu.memref_slice %arg8[%add3A_351, %dma_start3A_352] : memref<512x128xf32, #tpu.memory_space<vmem>> -> memref<1x32xf32, #tpu.memory_space<vmem>>
          %dma_start3A_354 = tpu.memref_squeeze %dma_start3A_353 : memref<1x32xf32, #tpu.memory_space<vmem>> -> memref<32xf32, #tpu.memory_space<vmem>>
          %dma_start3A_355 = arith.constant 0 : i32
          %dma_start3A_356 = tpu.memref_slice %arg4[%add3A_347, %dma_start3A_355] : memref<2600000x32xf32, #tpu.memory_space<hbm>> -> memref<1x32xf32, #tpu.memory_space<hbm>>
          %dma_start3A_357 = tpu.memref_squeeze %dma_start3A_356 : memref<1x32xf32, #tpu.memory_space<hbm>> -> memref<32xf32, #tpu.memory_space<hbm>>
          %dma_start3A_358 = arith.constant 64 : i32
          %dma_start3A_359 = tpu.memref_slice %arg8[%add3A_351, %dma_start3A_358] : memref<512x128xf32, #tpu.memory_space<vmem>> -> memref<1x32xf32, #tpu.memory_space<vmem>>
          %dma_start3A_360 = tpu.memref_squeeze %dma_start3A_359 : memref<1x32xf32, #tpu.memory_space<vmem>> -> memref<32xf32, #tpu.memory_space<vmem>>
          %dma_start3A_361 = arith.constant 0 : i32
          %dma_start3A_362 = tpu.memref_slice %arg4[%add3A_347, %dma_start3A_361] : memref<2600000x32xf32, #tpu.memory_space<hbm>> -> memref<1x32xf32, #tpu.memory_space<hbm>>
          %dma_start3A_363 = tpu.memref_squeeze %dma_start3A_362 : memref<1x32xf32, #tpu.memory_space<hbm>> -> memref<32xf32, #tpu.memory_space<hbm>>
          tpu.enqueue_dma source(%dma_start3A_363 : memref<32xf32, #tpu.memory_space<hbm>>) target(%dma_start3A_360 : memref<32xf32, #tpu.memory_space<vmem>>) target_semaphore(%arg10 : memref<!tpu.dma_semaphore, #tpu.memory_space<semaphore_mem>>)
          %slice3A_364 = vector.extract_strided_slice %get3A_213 {offsets = [8], sizes = [1], strides = [1]} : vector<16xi32> to vector<1xi32>
          %squeeze3A_365 = vector.extract %slice3A_364[0] : i32 from vector<1xi32>
          %add3A_366 = arith.addi %squeeze3A_365, %mul3A_201 : i32
          %mul3A_367 = arith.constant 16 : i32
          %mul3A_368 = arith.muli %scan3A_208, %mul3A_367 : i32
          %add3A_369 = arith.constant 8 : i32
          %add3A_370 = arith.addi %mul3A_368, %add3A_369 : i32
          %dma_start3A_371 = arith.constant 64 : i32
          %dma_start3A_372 = tpu.memref_slice %arg8[%add3A_370, %dma_start3A_371] : memref<512x128xf32, #tpu.memory_space<vmem>> -> memref<1x32xf32, #tpu.memory_space<vmem>>
          %dma_start3A_373 = tpu.memref_squeeze %dma_start3A_372 : memref<1x32xf32, #tpu.memory_space<vmem>> -> memref<32xf32, #tpu.memory_space<vmem>>
          %dma_start3A_374 = arith.constant 0 : i32
          %dma_start3A_375 = tpu.memref_slice %arg4[%add3A_366, %dma_start3A_374] : memref<2600000x32xf32, #tpu.memory_space<hbm>> -> memref<1x32xf32, #tpu.memory_space<hbm>>
          %dma_start3A_376 = tpu.memref_squeeze %dma_start3A_375 : memref<1x32xf32, #tpu.memory_space<hbm>> -> memref<32xf32, #tpu.memory_space<hbm>>
          %dma_start3A_377 = arith.constant 64 : i32
          %dma_start3A_378 = tpu.memref_slice %arg8[%add3A_370, %dma_start3A_377] : memref<512x128xf32, #tpu.memory_space<vmem>> -> memref<1x32xf32, #tpu.memory_space<vmem>>
          %dma_start3A_379 = tpu.memref_squeeze %dma_start3A_378 : memref<1x32xf32, #tpu.memory_space<vmem>> -> memref<32xf32, #tpu.memory_space<vmem>>
          %dma_start3A_380 = arith.constant 0 : i32
          %dma_start3A_381 = tpu.memref_slice %arg4[%add3A_366, %dma_start3A_380] : memref<2600000x32xf32, #tpu.memory_space<hbm>> -> memref<1x32xf32, #tpu.memory_space<hbm>>
          %dma_start3A_382 = tpu.memref_squeeze %dma_start3A_381 : memref<1x32xf32, #tpu.memory_space<hbm>> -> memref<32xf32, #tpu.memory_space<hbm>>
          tpu.enqueue_dma source(%dma_start3A_382 : memref<32xf32, #tpu.memory_space<hbm>>) target(%dma_start3A_379 : memref<32xf32, #tpu.memory_space<vmem>>) target_semaphore(%arg10 : memref<!tpu.dma_semaphore, #tpu.memory_space<semaphore_mem>>)
          %slice3A_383 = vector.extract_strided_slice %get3A_213 {offsets = [9], sizes = [1], strides = [1]} : vector<16xi32> to vector<1xi32>
          %squeeze3A_384 = vector.extract %slice3A_383[0] : i32 from vector<1xi32>
          %add3A_385 = arith.addi %squeeze3A_384, %mul3A_201 : i32
          %mul3A_386 = arith.constant 16 : i32
          %mul3A_387 = arith.muli %scan3A_208, %mul3A_386 : i32
          %add3A_388 = arith.constant 9 : i32
          %add3A_389 = arith.addi %mul3A_387, %add3A_388 : i32
          %dma_start3A_390 = arith.constant 64 : i32
          %dma_start3A_391 = tpu.memref_slice %arg8[%add3A_389, %dma_start3A_390] : memref<512x128xf32, #tpu.memory_space<vmem>> -> memref<1x32xf32, #tpu.memory_space<vmem>>
          %dma_start3A_392 = tpu.memref_squeeze %dma_start3A_391 : memref<1x32xf32, #tpu.memory_space<vmem>> -> memref<32xf32, #tpu.memory_space<vmem>>
          %dma_start3A_393 = arith.constant 0 : i32
          %dma_start3A_394 = tpu.memref_slice %arg4[%add3A_385, %dma_start3A_393] : memref<2600000x32xf32, #tpu.memory_space<hbm>> -> memref<1x32xf32, #tpu.memory_space<hbm>>
          %dma_start3A_395 = tpu.memref_squeeze %dma_start3A_394 : memref<1x32xf32, #tpu.memory_space<hbm>> -> memref<32xf32, #tpu.memory_space<hbm>>
          %dma_start3A_396 = arith.constant 64 : i32
          %dma_start3A_397 = tpu.memref_slice %arg8[%add3A_389, %dma_start3A_396] : memref<512x128xf32, #tpu.memory_space<vmem>> -> memref<1x32xf32, #tpu.memory_space<vmem>>
          %dma_start3A_398 = tpu.memref_squeeze %dma_start3A_397 : memref<1x32xf32, #tpu.memory_space<vmem>> -> memref<32xf32, #tpu.memory_space<vmem>>
          %dma_start3A_399 = arith.constant 0 : i32
          %dma_start3A_400 = tpu.memref_slice %arg4[%add3A_385, %dma_start3A_399] : memref<2600000x32xf32, #tpu.memory_space<hbm>> -> memref<1x32xf32, #tpu.memory_space<hbm>>
          %dma_start3A_401 = tpu.memref_squeeze %dma_start3A_400 : memref<1x32xf32, #tpu.memory_space<hbm>> -> memref<32xf32, #tpu.memory_space<hbm>>
          tpu.enqueue_dma source(%dma_start3A_401 : memref<32xf32, #tpu.memory_space<hbm>>) target(%dma_start3A_398 : memref<32xf32, #tpu.memory_space<vmem>>) target_semaphore(%arg10 : memref<!tpu.dma_semaphore, #tpu.memory_space<semaphore_mem>>)
          %slice3A_402 = vector.extract_strided_slice %get3A_213 {offsets = [10], sizes = [1], strides = [1]} : vector<16xi32> to vector<1xi32>
          %squeeze3A_403 = vector.extract %slice3A_402[0] : i32 from vector<1xi32>
          %add3A_404 = arith.addi %squeeze3A_403, %mul3A_201 : i32
          %mul3A_405 = arith.constant 16 : i32
          %mul3A_406 = arith.muli %scan3A_208, %mul3A_405 : i32
          %add3A_407 = arith.constant 10 : i32
          %add3A_408 = arith.addi %mul3A_406, %add3A_407 : i32
          %dma_start3A_409 = arith.constant 64 : i32
          %dma_start3A_410 = tpu.memref_slice %arg8[%add3A_408, %dma_start3A_409] : memref<512x128xf32, #tpu.memory_space<vmem>> -> memref<1x32xf32, #tpu.memory_space<vmem>>
          %dma_start3A_411 = tpu.memref_squeeze %dma_start3A_410 : memref<1x32xf32, #tpu.memory_space<vmem>> -> memref<32xf32, #tpu.memory_space<vmem>>
          %dma_start3A_412 = arith.constant 0 : i32
          %dma_start3A_413 = tpu.memref_slice %arg4[%add3A_404, %dma_start3A_412] : memref<2600000x32xf32, #tpu.memory_space<hbm>> -> memref<1x32xf32, #tpu.memory_space<hbm>>
          %dma_start3A_414 = tpu.memref_squeeze %dma_start3A_413 : memref<1x32xf32, #tpu.memory_space<hbm>> -> memref<32xf32, #tpu.memory_space<hbm>>
          %dma_start3A_415 = arith.constant 64 : i32
          %dma_start3A_416 = tpu.memref_slice %arg8[%add3A_408, %dma_start3A_415] : memref<512x128xf32, #tpu.memory_space<vmem>> -> memref<1x32xf32, #tpu.memory_space<vmem>>
          %dma_start3A_417 = tpu.memref_squeeze %dma_start3A_416 : memref<1x32xf32, #tpu.memory_space<vmem>> -> memref<32xf32, #tpu.memory_space<vmem>>
          %dma_start3A_418 = arith.constant 0 : i32
          %dma_start3A_419 = tpu.memref_slice %arg4[%add3A_404, %dma_start3A_418] : memref<2600000x32xf32, #tpu.memory_space<hbm>> -> memref<1x32xf32, #tpu.memory_space<hbm>>
          %dma_start3A_420 = tpu.memref_squeeze %dma_start3A_419 : memref<1x32xf32, #tpu.memory_space<hbm>> -> memref<32xf32, #tpu.memory_space<hbm>>
          tpu.enqueue_dma source(%dma_start3A_420 : memref<32xf32, #tpu.memory_space<hbm>>) target(%dma_start3A_417 : memref<32xf32, #tpu.memory_space<vmem>>) target_semaphore(%arg10 : memref<!tpu.dma_semaphore, #tpu.memory_space<semaphore_mem>>)
          %slice3A_421 = vector.extract_strided_slice %get3A_213 {offsets = [11], sizes = [1], strides = [1]} : vector<16xi32> to vector<1xi32>
          %squeeze3A_422 = vector.extract %slice3A_421[0] : i32 from vector<1xi32>
          %add3A_423 = arith.addi %squeeze3A_422, %mul3A_201 : i32
          %mul3A_424 = arith.constant 16 : i32
          %mul3A_425 = arith.muli %scan3A_208, %mul3A_424 : i32
          %add3A_426 = arith.constant 11 : i32
          %add3A_427 = arith.addi %mul3A_425, %add3A_426 : i32
          %dma_start3A_428 = arith.constant 64 : i32
          %dma_start3A_429 = tpu.memref_slice %arg8[%add3A_427, %dma_start3A_428] : memref<512x128xf32, #tpu.memory_space<vmem>> -> memref<1x32xf32, #tpu.memory_space<vmem>>
          %dma_start3A_430 = tpu.memref_squeeze %dma_start3A_429 : memref<1x32xf32, #tpu.memory_space<vmem>> -> memref<32xf32, #tpu.memory_space<vmem>>
          %dma_start3A_431 = arith.constant 0 : i32
          %dma_start3A_432 = tpu.memref_slice %arg4[%add3A_423, %dma_start3A_431] : memref<2600000x32xf32, #tpu.memory_space<hbm>> -> memref<1x32xf32, #tpu.memory_space<hbm>>
          %dma_start3A_433 = tpu.memref_squeeze %dma_start3A_432 : memref<1x32xf32, #tpu.memory_space<hbm>> -> memref<32xf32, #tpu.memory_space<hbm>>
          %dma_start3A_434 = arith.constant 64 : i32
          %dma_start3A_435 = tpu.memref_slice %arg8[%add3A_427, %dma_start3A_434] : memref<512x128xf32, #tpu.memory_space<vmem>> -> memref<1x32xf32, #tpu.memory_space<vmem>>
          %dma_start3A_436 = tpu.memref_squeeze %dma_start3A_435 : memref<1x32xf32, #tpu.memory_space<vmem>> -> memref<32xf32, #tpu.memory_space<vmem>>
          %dma_start3A_437 = arith.constant 0 : i32
          %dma_start3A_438 = tpu.memref_slice %arg4[%add3A_423, %dma_start3A_437] : memref<2600000x32xf32, #tpu.memory_space<hbm>> -> memref<1x32xf32, #tpu.memory_space<hbm>>
          %dma_start3A_439 = tpu.memref_squeeze %dma_start3A_438 : memref<1x32xf32, #tpu.memory_space<hbm>> -> memref<32xf32, #tpu.memory_space<hbm>>
          tpu.enqueue_dma source(%dma_start3A_439 : memref<32xf32, #tpu.memory_space<hbm>>) target(%dma_start3A_436 : memref<32xf32, #tpu.memory_space<vmem>>) target_semaphore(%arg10 : memref<!tpu.dma_semaphore, #tpu.memory_space<semaphore_mem>>)
          %slice3A_440 = vector.extract_strided_slice %get3A_213 {offsets = [12], sizes = [1], strides = [1]} : vector<16xi32> to vector<1xi32>
          %squeeze3A_441 = vector.extract %slice3A_440[0] : i32 from vector<1xi32>
          %add3A_442 = arith.addi %squeeze3A_441, %mul3A_201 : i32
          %mul3A_443 = arith.constant 16 : i32
          %mul3A_444 = arith.muli %scan3A_208, %mul3A_443 : i32
          %add3A_445 = arith.constant 12 : i32
          %add3A_446 = arith.addi %mul3A_444, %add3A_445 : i32
          %dma_start3A_447 = arith.constant 64 : i32
          %dma_start3A_448 = tpu.memref_slice %arg8[%add3A_446, %dma_start3A_447] : memref<512x128xf32, #tpu.memory_space<vmem>> -> memref<1x32xf32, #tpu.memory_space<vmem>>
          %dma_start3A_449 = tpu.memref_squeeze %dma_start3A_448 : memref<1x32xf32, #tpu.memory_space<vmem>> -> memref<32xf32, #tpu.memory_space<vmem>>
          %dma_start3A_450 = arith.constant 0 : i32
          %dma_start3A_451 = tpu.memref_slice %arg4[%add3A_442, %dma_start3A_450] : memref<2600000x32xf32, #tpu.memory_space<hbm>> -> memref<1x32xf32, #tpu.memory_space<hbm>>
          %dma_start3A_452 = tpu.memref_squeeze %dma_start3A_451 : memref<1x32xf32, #tpu.memory_space<hbm>> -> memref<32xf32, #tpu.memory_space<hbm>>
          %dma_start3A_453 = arith.constant 64 : i32
          %dma_start3A_454 = tpu.memref_slice %arg8[%add3A_446, %dma_start3A_453] : memref<512x128xf32, #tpu.memory_space<vmem>> -> memref<1x32xf32, #tpu.memory_space<vmem>>
          %dma_start3A_455 = tpu.memref_squeeze %dma_start3A_454 : memref<1x32xf32, #tpu.memory_space<vmem>> -> memref<32xf32, #tpu.memory_space<vmem>>
          %dma_start3A_456 = arith.constant 0 : i32
          %dma_start3A_457 = tpu.memref_slice %arg4[%add3A_442, %dma_start3A_456] : memref<2600000x32xf32, #tpu.memory_space<hbm>> -> memref<1x32xf32, #tpu.memory_space<hbm>>
          %dma_start3A_458 = tpu.memref_squeeze %dma_start3A_457 : memref<1x32xf32, #tpu.memory_space<hbm>> -> memref<32xf32, #tpu.memory_space<hbm>>
          tpu.enqueue_dma source(%dma_start3A_458 : memref<32xf32, #tpu.memory_space<hbm>>) target(%dma_start3A_455 : memref<32xf32, #tpu.memory_space<vmem>>) target_semaphore(%arg10 : memref<!tpu.dma_semaphore, #tpu.memory_space<semaphore_mem>>)
          %slice3A_459 = vector.extract_strided_slice %get3A_213 {offsets = [13], sizes = [1], strides = [1]} : vector<16xi32> to vector<1xi32>
          %squeeze3A_460 = vector.extract %slice3A_459[0] : i32 from vector<1xi32>
          %add3A_461 = arith.addi %squeeze3A_460, %mul3A_201 : i32
          %mul3A_462 = arith.constant 16 : i32
          %mul3A_463 = arith.muli %scan3A_208, %mul3A_462 : i32
          %add3A_464 = arith.constant 13 : i32
          %add3A_465 = arith.addi %mul3A_463, %add3A_464 : i32
          %dma_start3A_466 = arith.constant 64 : i32
          %dma_start3A_467 = tpu.memref_slice %arg8[%add3A_465, %dma_start3A_466] : memref<512x128xf32, #tpu.memory_space<vmem>> -> memref<1x32xf32, #tpu.memory_space<vmem>>
          %dma_start3A_468 = tpu.memref_squeeze %dma_start3A_467 : memref<1x32xf32, #tpu.memory_space<vmem>> -> memref<32xf32, #tpu.memory_space<vmem>>
          %dma_start3A_469 = arith.constant 0 : i32
          %dma_start3A_470 = tpu.memref_slice %arg4[%add3A_461, %dma_start3A_469] : memref<2600000x32xf32, #tpu.memory_space<hbm>> -> memref<1x32xf32, #tpu.memory_space<hbm>>
          %dma_start3A_471 = tpu.memref_squeeze %dma_start3A_470 : memref<1x32xf32, #tpu.memory_space<hbm>> -> memref<32xf32, #tpu.memory_space<hbm>>
          %dma_start3A_472 = arith.constant 64 : i32
          %dma_start3A_473 = tpu.memref_slice %arg8[%add3A_465, %dma_start3A_472] : memref<512x128xf32, #tpu.memory_space<vmem>> -> memref<1x32xf32, #tpu.memory_space<vmem>>
          %dma_start3A_474 = tpu.memref_squeeze %dma_start3A_473 : memref<1x32xf32, #tpu.memory_space<vmem>> -> memref<32xf32, #tpu.memory_space<vmem>>
          %dma_start3A_475 = arith.constant 0 : i32
          %dma_start3A_476 = tpu.memref_slice %arg4[%add3A_461, %dma_start3A_475] : memref<2600000x32xf32, #tpu.memory_space<hbm>> -> memref<1x32xf32, #tpu.memory_space<hbm>>
          %dma_start3A_477 = tpu.memref_squeeze %dma_start3A_476 : memref<1x32xf32, #tpu.memory_space<hbm>> -> memref<32xf32, #tpu.memory_space<hbm>>
          tpu.enqueue_dma source(%dma_start3A_477 : memref<32xf32, #tpu.memory_space<hbm>>) target(%dma_start3A_474 : memref<32xf32, #tpu.memory_space<vmem>>) target_semaphore(%arg10 : memref<!tpu.dma_semaphore, #tpu.memory_space<semaphore_mem>>)
          %slice3A_478 = vector.extract_strided_slice %get3A_213 {offsets = [14], sizes = [1], strides = [1]} : vector<16xi32> to vector<1xi32>
          %squeeze3A_479 = vector.extract %slice3A_478[0] : i32 from vector<1xi32>
          %add3A_480 = arith.addi %squeeze3A_479, %mul3A_201 : i32
          %mul3A_481 = arith.constant 16 : i32
          %mul3A_482 = arith.muli %scan3A_208, %mul3A_481 : i32
          %add3A_483 = arith.constant 14 : i32
          %add3A_484 = arith.addi %mul3A_482, %add3A_483 : i32
          %dma_start3A_485 = arith.constant 64 : i32
          %dma_start3A_486 = tpu.memref_slice %arg8[%add3A_484, %dma_start3A_485] : memref<512x128xf32, #tpu.memory_space<vmem>> -> memref<1x32xf32, #tpu.memory_space<vmem>>
          %dma_start3A_487 = tpu.memref_squeeze %dma_start3A_486 : memref<1x32xf32, #tpu.memory_space<vmem>> -> memref<32xf32, #tpu.memory_space<vmem>>
          %dma_start3A_488 = arith.constant 0 : i32
          %dma_start3A_489 = tpu.memref_slice %arg4[%add3A_480, %dma_start3A_488] : memref<2600000x32xf32, #tpu.memory_space<hbm>> -> memref<1x32xf32, #tpu.memory_space<hbm>>
          %dma_start3A_490 = tpu.memref_squeeze %dma_start3A_489 : memref<1x32xf32, #tpu.memory_space<hbm>> -> memref<32xf32, #tpu.memory_space<hbm>>
          %dma_start3A_491 = arith.constant 64 : i32
          %dma_start3A_492 = tpu.memref_slice %arg8[%add3A_484, %dma_start3A_491] : memref<512x128xf32, #tpu.memory_space<vmem>> -> memref<1x32xf32, #tpu.memory_space<vmem>>
          %dma_start3A_493 = tpu.memref_squeeze %dma_start3A_492 : memref<1x32xf32, #tpu.memory_space<vmem>> -> memref<32xf32, #tpu.memory_space<vmem>>
          %dma_start3A_494 = arith.constant 0 : i32
          %dma_start3A_495 = tpu.memref_slice %arg4[%add3A_480, %dma_start3A_494] : memref<2600000x32xf32, #tpu.memory_space<hbm>> -> memref<1x32xf32, #tpu.memory_space<hbm>>
          %dma_start3A_496 = tpu.memref_squeeze %dma_start3A_495 : memref<1x32xf32, #tpu.memory_space<hbm>> -> memref<32xf32, #tpu.memory_space<hbm>>
          tpu.enqueue_dma source(%dma_start3A_496 : memref<32xf32, #tpu.memory_space<hbm>>) target(%dma_start3A_493 : memref<32xf32, #tpu.memory_space<vmem>>) target_semaphore(%arg10 : memref<!tpu.dma_semaphore, #tpu.memory_space<semaphore_mem>>)
          %slice3A_497 = vector.extract_strided_slice %get3A_213 {offsets = [15], sizes = [1], strides = [1]} : vector<16xi32> to vector<1xi32>
          %squeeze3A_498 = vector.extract %slice3A_497[0] : i32 from vector<1xi32>
          %add3A_499 = arith.addi %squeeze3A_498, %mul3A_201 : i32
          %mul3A_500 = arith.constant 16 : i32
          %mul3A_501 = arith.muli %scan3A_208, %mul3A_500 : i32
          %add3A_502 = arith.constant 15 : i32
          %add3A_503 = arith.addi %mul3A_501, %add3A_502 : i32
          %dma_start3A_504 = arith.constant 64 : i32
          %dma_start3A_505 = tpu.memref_slice %arg8[%add3A_503, %dma_start3A_504] : memref<512x128xf32, #tpu.memory_space<vmem>> -> memref<1x32xf32, #tpu.memory_space<vmem>>
          %dma_start3A_506 = tpu.memref_squeeze %dma_start3A_505 : memref<1x32xf32, #tpu.memory_space<vmem>> -> memref<32xf32, #tpu.memory_space<vmem>>
          %dma_start3A_507 = arith.constant 0 : i32
          %dma_start3A_508 = tpu.memref_slice %arg4[%add3A_499, %dma_start3A_507] : memref<2600000x32xf32, #tpu.memory_space<hbm>> -> memref<1x32xf32, #tpu.memory_space<hbm>>
          %dma_start3A_509 = tpu.memref_squeeze %dma_start3A_508 : memref<1x32xf32, #tpu.memory_space<hbm>> -> memref<32xf32, #tpu.memory_space<hbm>>
          %dma_start3A_510 = arith.constant 64 : i32
          %dma_start3A_511 = tpu.memref_slice %arg8[%add3A_503, %dma_start3A_510] : memref<512x128xf32, #tpu.memory_space<vmem>> -> memref<1x32xf32, #tpu.memory_space<vmem>>
          %dma_start3A_512 = tpu.memref_squeeze %dma_start3A_511 : memref<1x32xf32, #tpu.memory_space<vmem>> -> memref<32xf32, #tpu.memory_space<vmem>>
          %dma_start3A_513 = arith.constant 0 : i32
          %dma_start3A_514 = tpu.memref_slice %arg4[%add3A_499, %dma_start3A_513] : memref<2600000x32xf32, #tpu.memory_space<hbm>> -> memref<1x32xf32, #tpu.memory_space<hbm>>
          %dma_start3A_515 = tpu.memref_squeeze %dma_start3A_514 : memref<1x32xf32, #tpu.memory_space<hbm>> -> memref<32xf32, #tpu.memory_space<hbm>>
          tpu.enqueue_dma source(%dma_start3A_515 : memref<32xf32, #tpu.memory_space<hbm>>) target(%dma_start3A_512 : memref<32xf32, #tpu.memory_space<vmem>>) target_semaphore(%arg10 : memref<!tpu.dma_semaphore, #tpu.memory_space<semaphore_mem>>)
        }
        %scan3A_207 = arith.constant 32 : i32
      } else {
      }
      %mul3A_33 = arith.constant 4 : i32
      %mul3A_34 = arith.muli %scan3A_8, %mul3A_33 : i32
      %add3A_35 = arith.constant 3 : i32
      %add3A_36 = arith.addi %mul3A_34, %add3A_35 : i32
      %lt3A_37 = arith.constant 26 : i32
      %lt3A_38 = arith.cmpi slt, %add3A_36, %lt3A_37 : i32
      %convert_element_type3A_39 = arith.extui %lt3A_38 : i1 to i32
      %cond3A_40 = arith.constant 0 : i32
      %cond3A_41 = arith.cmpi ne, %convert_element_type3A_39, %cond3A_40 : i32
      scf.if %cond3A_41 {
        %mul3A_200 = arith.constant 100000 : i32
        %mul3A_201 = arith.muli %add3A_36, %mul3A_200 : i32
        %scan3A_202 = arith.constant 0 : i32
        %scan3A_203 = arith.constant 0 : i32
        %scan3A_204 = arith.constant 32 : i32
        %scan3A_205 = arith.addi %scan3A_203, %scan3A_204 : i32
        %scan3A_206 = arith.constant 1 : i32
        scf.for %scan3A_208 = %scan3A_203 to %scan3A_205 step %scan3A_206  : i32 {
          %mul3A_209 = arith.constant 16 : i32
          %mul3A_210 = arith.muli %scan3A_208, %mul3A_209 : i32
          %get3A = arith.index_cast %add3A_36 : i32 to index
          %get3A_211 = arith.index_cast %mul3A_210 : i32 to index
          %get3A_212 = tpu.vector_load %arg7[%get3A, %get3A_211] {strides = array<i32>} : memref<26x512xi32, #tpu.memory_space<vmem>>, vector<1x16xi32>,
          %get3A_213 = vector.shape_cast %get3A_212 : vector<1x16xi32> to vector<16xi32>
          %slice3A = vector.extract_strided_slice %get3A_213 {offsets = [0], sizes = [1], strides = [1]} : vector<16xi32> to vector<1xi32>
          %squeeze3A = vector.extract %slice3A[0] : i32 from vector<1xi32>
          %add3A_214 = arith.addi %squeeze3A, %mul3A_201 : i32
          %mul3A_215 = arith.constant 16 : i32
          %mul3A_216 = arith.muli %scan3A_208, %mul3A_215 : i32
          %add3A_217 = arith.constant 0 : i32
          %add3A_218 = arith.addi %mul3A_216, %add3A_217 : i32
          %dma_start3A_219 = arith.constant 96 : i32
          %dma_start3A_220 = tpu.memref_slice %arg8[%add3A_218, %dma_start3A_219] : memref<512x128xf32, #tpu.memory_space<vmem>> -> memref<1x32xf32, #tpu.memory_space<vmem>>
          %dma_start3A_221 = tpu.memref_squeeze %dma_start3A_220 : memref<1x32xf32, #tpu.memory_space<vmem>> -> memref<32xf32, #tpu.memory_space<vmem>>
          %dma_start3A_222 = arith.constant 0 : i32
          %dma_start3A_223 = tpu.memref_slice %arg4[%add3A_214, %dma_start3A_222] : memref<2600000x32xf32, #tpu.memory_space<hbm>> -> memref<1x32xf32, #tpu.memory_space<hbm>>
          %dma_start3A_224 = tpu.memref_squeeze %dma_start3A_223 : memref<1x32xf32, #tpu.memory_space<hbm>> -> memref<32xf32, #tpu.memory_space<hbm>>
          %dma_start3A_225 = arith.constant 96 : i32
          %dma_start3A_226 = tpu.memref_slice %arg8[%add3A_218, %dma_start3A_225] : memref<512x128xf32, #tpu.memory_space<vmem>> -> memref<1x32xf32, #tpu.memory_space<vmem>>
          %dma_start3A_227 = tpu.memref_squeeze %dma_start3A_226 : memref<1x32xf32, #tpu.memory_space<vmem>> -> memref<32xf32, #tpu.memory_space<vmem>>
          %dma_start3A_228 = arith.constant 0 : i32
          %dma_start3A_229 = tpu.memref_slice %arg4[%add3A_214, %dma_start3A_228] : memref<2600000x32xf32, #tpu.memory_space<hbm>> -> memref<1x32xf32, #tpu.memory_space<hbm>>
          %dma_start3A_230 = tpu.memref_squeeze %dma_start3A_229 : memref<1x32xf32, #tpu.memory_space<hbm>> -> memref<32xf32, #tpu.memory_space<hbm>>
          tpu.enqueue_dma source(%dma_start3A_230 : memref<32xf32, #tpu.memory_space<hbm>>) target(%dma_start3A_227 : memref<32xf32, #tpu.memory_space<vmem>>) target_semaphore(%arg10 : memref<!tpu.dma_semaphore, #tpu.memory_space<semaphore_mem>>)
          %slice3A_231 = vector.extract_strided_slice %get3A_213 {offsets = [1], sizes = [1], strides = [1]} : vector<16xi32> to vector<1xi32>
          %squeeze3A_232 = vector.extract %slice3A_231[0] : i32 from vector<1xi32>
          %add3A_233 = arith.addi %squeeze3A_232, %mul3A_201 : i32
          %mul3A_234 = arith.constant 16 : i32
          %mul3A_235 = arith.muli %scan3A_208, %mul3A_234 : i32
          %add3A_236 = arith.constant 1 : i32
          %add3A_237 = arith.addi %mul3A_235, %add3A_236 : i32
          %dma_start3A_238 = arith.constant 96 : i32
          %dma_start3A_239 = tpu.memref_slice %arg8[%add3A_237, %dma_start3A_238] : memref<512x128xf32, #tpu.memory_space<vmem>> -> memref<1x32xf32, #tpu.memory_space<vmem>>
          %dma_start3A_240 = tpu.memref_squeeze %dma_start3A_239 : memref<1x32xf32, #tpu.memory_space<vmem>> -> memref<32xf32, #tpu.memory_space<vmem>>
          %dma_start3A_241 = arith.constant 0 : i32
          %dma_start3A_242 = tpu.memref_slice %arg4[%add3A_233, %dma_start3A_241] : memref<2600000x32xf32, #tpu.memory_space<hbm>> -> memref<1x32xf32, #tpu.memory_space<hbm>>
          %dma_start3A_243 = tpu.memref_squeeze %dma_start3A_242 : memref<1x32xf32, #tpu.memory_space<hbm>> -> memref<32xf32, #tpu.memory_space<hbm>>
          %dma_start3A_244 = arith.constant 96 : i32
          %dma_start3A_245 = tpu.memref_slice %arg8[%add3A_237, %dma_start3A_244] : memref<512x128xf32, #tpu.memory_space<vmem>> -> memref<1x32xf32, #tpu.memory_space<vmem>>
          %dma_start3A_246 = tpu.memref_squeeze %dma_start3A_245 : memref<1x32xf32, #tpu.memory_space<vmem>> -> memref<32xf32, #tpu.memory_space<vmem>>
          %dma_start3A_247 = arith.constant 0 : i32
          %dma_start3A_248 = tpu.memref_slice %arg4[%add3A_233, %dma_start3A_247] : memref<2600000x32xf32, #tpu.memory_space<hbm>> -> memref<1x32xf32, #tpu.memory_space<hbm>>
          %dma_start3A_249 = tpu.memref_squeeze %dma_start3A_248 : memref<1x32xf32, #tpu.memory_space<hbm>> -> memref<32xf32, #tpu.memory_space<hbm>>
          tpu.enqueue_dma source(%dma_start3A_249 : memref<32xf32, #tpu.memory_space<hbm>>) target(%dma_start3A_246 : memref<32xf32, #tpu.memory_space<vmem>>) target_semaphore(%arg10 : memref<!tpu.dma_semaphore, #tpu.memory_space<semaphore_mem>>)
          %slice3A_250 = vector.extract_strided_slice %get3A_213 {offsets = [2], sizes = [1], strides = [1]} : vector<16xi32> to vector<1xi32>
          %squeeze3A_251 = vector.extract %slice3A_250[0] : i32 from vector<1xi32>
          %add3A_252 = arith.addi %squeeze3A_251, %mul3A_201 : i32
          %mul3A_253 = arith.constant 16 : i32
          %mul3A_254 = arith.muli %scan3A_208, %mul3A_253 : i32
          %add3A_255 = arith.constant 2 : i32
          %add3A_256 = arith.addi %mul3A_254, %add3A_255 : i32
          %dma_start3A_257 = arith.constant 96 : i32
          %dma_start3A_258 = tpu.memref_slice %arg8[%add3A_256, %dma_start3A_257] : memref<512x128xf32, #tpu.memory_space<vmem>> -> memref<1x32xf32, #tpu.memory_space<vmem>>
          %dma_start3A_259 = tpu.memref_squeeze %dma_start3A_258 : memref<1x32xf32, #tpu.memory_space<vmem>> -> memref<32xf32, #tpu.memory_space<vmem>>
          %dma_start3A_260 = arith.constant 0 : i32
          %dma_start3A_261 = tpu.memref_slice %arg4[%add3A_252, %dma_start3A_260] : memref<2600000x32xf32, #tpu.memory_space<hbm>> -> memref<1x32xf32, #tpu.memory_space<hbm>>
          %dma_start3A_262 = tpu.memref_squeeze %dma_start3A_261 : memref<1x32xf32, #tpu.memory_space<hbm>> -> memref<32xf32, #tpu.memory_space<hbm>>
          %dma_start3A_263 = arith.constant 96 : i32
          %dma_start3A_264 = tpu.memref_slice %arg8[%add3A_256, %dma_start3A_263] : memref<512x128xf32, #tpu.memory_space<vmem>> -> memref<1x32xf32, #tpu.memory_space<vmem>>
          %dma_start3A_265 = tpu.memref_squeeze %dma_start3A_264 : memref<1x32xf32, #tpu.memory_space<vmem>> -> memref<32xf32, #tpu.memory_space<vmem>>
          %dma_start3A_266 = arith.constant 0 : i32
          %dma_start3A_267 = tpu.memref_slice %arg4[%add3A_252, %dma_start3A_266] : memref<2600000x32xf32, #tpu.memory_space<hbm>> -> memref<1x32xf32, #tpu.memory_space<hbm>>
          %dma_start3A_268 = tpu.memref_squeeze %dma_start3A_267 : memref<1x32xf32, #tpu.memory_space<hbm>> -> memref<32xf32, #tpu.memory_space<hbm>>
          tpu.enqueue_dma source(%dma_start3A_268 : memref<32xf32, #tpu.memory_space<hbm>>) target(%dma_start3A_265 : memref<32xf32, #tpu.memory_space<vmem>>) target_semaphore(%arg10 : memref<!tpu.dma_semaphore, #tpu.memory_space<semaphore_mem>>)
          %slice3A_269 = vector.extract_strided_slice %get3A_213 {offsets = [3], sizes = [1], strides = [1]} : vector<16xi32> to vector<1xi32>
          %squeeze3A_270 = vector.extract %slice3A_269[0] : i32 from vector<1xi32>
          %add3A_271 = arith.addi %squeeze3A_270, %mul3A_201 : i32
          %mul3A_272 = arith.constant 16 : i32
          %mul3A_273 = arith.muli %scan3A_208, %mul3A_272 : i32
          %add3A_274 = arith.constant 3 : i32
          %add3A_275 = arith.addi %mul3A_273, %add3A_274 : i32
          %dma_start3A_276 = arith.constant 96 : i32
          %dma_start3A_277 = tpu.memref_slice %arg8[%add3A_275, %dma_start3A_276] : memref<512x128xf32, #tpu.memory_space<vmem>> -> memref<1x32xf32, #tpu.memory_space<vmem>>
          %dma_start3A_278 = tpu.memref_squeeze %dma_start3A_277 : memref<1x32xf32, #tpu.memory_space<vmem>> -> memref<32xf32, #tpu.memory_space<vmem>>
          %dma_start3A_279 = arith.constant 0 : i32
          %dma_start3A_280 = tpu.memref_slice %arg4[%add3A_271, %dma_start3A_279] : memref<2600000x32xf32, #tpu.memory_space<hbm>> -> memref<1x32xf32, #tpu.memory_space<hbm>>
          %dma_start3A_281 = tpu.memref_squeeze %dma_start3A_280 : memref<1x32xf32, #tpu.memory_space<hbm>> -> memref<32xf32, #tpu.memory_space<hbm>>
          %dma_start3A_282 = arith.constant 96 : i32
          %dma_start3A_283 = tpu.memref_slice %arg8[%add3A_275, %dma_start3A_282] : memref<512x128xf32, #tpu.memory_space<vmem>> -> memref<1x32xf32, #tpu.memory_space<vmem>>
          %dma_start3A_284 = tpu.memref_squeeze %dma_start3A_283 : memref<1x32xf32, #tpu.memory_space<vmem>> -> memref<32xf32, #tpu.memory_space<vmem>>
          %dma_start3A_285 = arith.constant 0 : i32
          %dma_start3A_286 = tpu.memref_slice %arg4[%add3A_271, %dma_start3A_285] : memref<2600000x32xf32, #tpu.memory_space<hbm>> -> memref<1x32xf32, #tpu.memory_space<hbm>>
          %dma_start3A_287 = tpu.memref_squeeze %dma_start3A_286 : memref<1x32xf32, #tpu.memory_space<hbm>> -> memref<32xf32, #tpu.memory_space<hbm>>
          tpu.enqueue_dma source(%dma_start3A_287 : memref<32xf32, #tpu.memory_space<hbm>>) target(%dma_start3A_284 : memref<32xf32, #tpu.memory_space<vmem>>) target_semaphore(%arg10 : memref<!tpu.dma_semaphore, #tpu.memory_space<semaphore_mem>>)
          %slice3A_288 = vector.extract_strided_slice %get3A_213 {offsets = [4], sizes = [1], strides = [1]} : vector<16xi32> to vector<1xi32>
          %squeeze3A_289 = vector.extract %slice3A_288[0] : i32 from vector<1xi32>
          %add3A_290 = arith.addi %squeeze3A_289, %mul3A_201 : i32
          %mul3A_291 = arith.constant 16 : i32
          %mul3A_292 = arith.muli %scan3A_208, %mul3A_291 : i32
          %add3A_293 = arith.constant 4 : i32
          %add3A_294 = arith.addi %mul3A_292, %add3A_293 : i32
          %dma_start3A_295 = arith.constant 96 : i32
          %dma_start3A_296 = tpu.memref_slice %arg8[%add3A_294, %dma_start3A_295] : memref<512x128xf32, #tpu.memory_space<vmem>> -> memref<1x32xf32, #tpu.memory_space<vmem>>
          %dma_start3A_297 = tpu.memref_squeeze %dma_start3A_296 : memref<1x32xf32, #tpu.memory_space<vmem>> -> memref<32xf32, #tpu.memory_space<vmem>>
          %dma_start3A_298 = arith.constant 0 : i32
          %dma_start3A_299 = tpu.memref_slice %arg4[%add3A_290, %dma_start3A_298] : memref<2600000x32xf32, #tpu.memory_space<hbm>> -> memref<1x32xf32, #tpu.memory_space<hbm>>
          %dma_start3A_300 = tpu.memref_squeeze %dma_start3A_299 : memref<1x32xf32, #tpu.memory_space<hbm>> -> memref<32xf32, #tpu.memory_space<hbm>>
          %dma_start3A_301 = arith.constant 96 : i32
          %dma_start3A_302 = tpu.memref_slice %arg8[%add3A_294, %dma_start3A_301] : memref<512x128xf32, #tpu.memory_space<vmem>> -> memref<1x32xf32, #tpu.memory_space<vmem>>
          %dma_start3A_303 = tpu.memref_squeeze %dma_start3A_302 : memref<1x32xf32, #tpu.memory_space<vmem>> -> memref<32xf32, #tpu.memory_space<vmem>>
          %dma_start3A_304 = arith.constant 0 : i32
          %dma_start3A_305 = tpu.memref_slice %arg4[%add3A_290, %dma_start3A_304] : memref<2600000x32xf32, #tpu.memory_space<hbm>> -> memref<1x32xf32, #tpu.memory_space<hbm>>
          %dma_start3A_306 = tpu.memref_squeeze %dma_start3A_305 : memref<1x32xf32, #tpu.memory_space<hbm>> -> memref<32xf32, #tpu.memory_space<hbm>>
          tpu.enqueue_dma source(%dma_start3A_306 : memref<32xf32, #tpu.memory_space<hbm>>) target(%dma_start3A_303 : memref<32xf32, #tpu.memory_space<vmem>>) target_semaphore(%arg10 : memref<!tpu.dma_semaphore, #tpu.memory_space<semaphore_mem>>)
          %slice3A_307 = vector.extract_strided_slice %get3A_213 {offsets = [5], sizes = [1], strides = [1]} : vector<16xi32> to vector<1xi32>
          %squeeze3A_308 = vector.extract %slice3A_307[0] : i32 from vector<1xi32>
          %add3A_309 = arith.addi %squeeze3A_308, %mul3A_201 : i32
          %mul3A_310 = arith.constant 16 : i32
          %mul3A_311 = arith.muli %scan3A_208, %mul3A_310 : i32
          %add3A_312 = arith.constant 5 : i32
          %add3A_313 = arith.addi %mul3A_311, %add3A_312 : i32
          %dma_start3A_314 = arith.constant 96 : i32
          %dma_start3A_315 = tpu.memref_slice %arg8[%add3A_313, %dma_start3A_314] : memref<512x128xf32, #tpu.memory_space<vmem>> -> memref<1x32xf32, #tpu.memory_space<vmem>>
          %dma_start3A_316 = tpu.memref_squeeze %dma_start3A_315 : memref<1x32xf32, #tpu.memory_space<vmem>> -> memref<32xf32, #tpu.memory_space<vmem>>
          %dma_start3A_317 = arith.constant 0 : i32
          %dma_start3A_318 = tpu.memref_slice %arg4[%add3A_309, %dma_start3A_317] : memref<2600000x32xf32, #tpu.memory_space<hbm>> -> memref<1x32xf32, #tpu.memory_space<hbm>>
          %dma_start3A_319 = tpu.memref_squeeze %dma_start3A_318 : memref<1x32xf32, #tpu.memory_space<hbm>> -> memref<32xf32, #tpu.memory_space<hbm>>
          %dma_start3A_320 = arith.constant 96 : i32
          %dma_start3A_321 = tpu.memref_slice %arg8[%add3A_313, %dma_start3A_320] : memref<512x128xf32, #tpu.memory_space<vmem>> -> memref<1x32xf32, #tpu.memory_space<vmem>>
          %dma_start3A_322 = tpu.memref_squeeze %dma_start3A_321 : memref<1x32xf32, #tpu.memory_space<vmem>> -> memref<32xf32, #tpu.memory_space<vmem>>
          %dma_start3A_323 = arith.constant 0 : i32
          %dma_start3A_324 = tpu.memref_slice %arg4[%add3A_309, %dma_start3A_323] : memref<2600000x32xf32, #tpu.memory_space<hbm>> -> memref<1x32xf32, #tpu.memory_space<hbm>>
          %dma_start3A_325 = tpu.memref_squeeze %dma_start3A_324 : memref<1x32xf32, #tpu.memory_space<hbm>> -> memref<32xf32, #tpu.memory_space<hbm>>
          tpu.enqueue_dma source(%dma_start3A_325 : memref<32xf32, #tpu.memory_space<hbm>>) target(%dma_start3A_322 : memref<32xf32, #tpu.memory_space<vmem>>) target_semaphore(%arg10 : memref<!tpu.dma_semaphore, #tpu.memory_space<semaphore_mem>>)
          %slice3A_326 = vector.extract_strided_slice %get3A_213 {offsets = [6], sizes = [1], strides = [1]} : vector<16xi32> to vector<1xi32>
          %squeeze3A_327 = vector.extract %slice3A_326[0] : i32 from vector<1xi32>
          %add3A_328 = arith.addi %squeeze3A_327, %mul3A_201 : i32
          %mul3A_329 = arith.constant 16 : i32
          %mul3A_330 = arith.muli %scan3A_208, %mul3A_329 : i32
          %add3A_331 = arith.constant 6 : i32
          %add3A_332 = arith.addi %mul3A_330, %add3A_331 : i32
          %dma_start3A_333 = arith.constant 96 : i32
          %dma_start3A_334 = tpu.memref_slice %arg8[%add3A_332, %dma_start3A_333] : memref<512x128xf32, #tpu.memory_space<vmem>> -> memref<1x32xf32, #tpu.memory_space<vmem>>
          %dma_start3A_335 = tpu.memref_squeeze %dma_start3A_334 : memref<1x32xf32, #tpu.memory_space<vmem>> -> memref<32xf32, #tpu.memory_space<vmem>>
          %dma_start3A_336 = arith.constant 0 : i32
          %dma_start3A_337 = tpu.memref_slice %arg4[%add3A_328, %dma_start3A_336] : memref<2600000x32xf32, #tpu.memory_space<hbm>> -> memref<1x32xf32, #tpu.memory_space<hbm>>
          %dma_start3A_338 = tpu.memref_squeeze %dma_start3A_337 : memref<1x32xf32, #tpu.memory_space<hbm>> -> memref<32xf32, #tpu.memory_space<hbm>>
          %dma_start3A_339 = arith.constant 96 : i32
          %dma_start3A_340 = tpu.memref_slice %arg8[%add3A_332, %dma_start3A_339] : memref<512x128xf32, #tpu.memory_space<vmem>> -> memref<1x32xf32, #tpu.memory_space<vmem>>
          %dma_start3A_341 = tpu.memref_squeeze %dma_start3A_340 : memref<1x32xf32, #tpu.memory_space<vmem>> -> memref<32xf32, #tpu.memory_space<vmem>>
          %dma_start3A_342 = arith.constant 0 : i32
          %dma_start3A_343 = tpu.memref_slice %arg4[%add3A_328, %dma_start3A_342] : memref<2600000x32xf32, #tpu.memory_space<hbm>> -> memref<1x32xf32, #tpu.memory_space<hbm>>
          %dma_start3A_344 = tpu.memref_squeeze %dma_start3A_343 : memref<1x32xf32, #tpu.memory_space<hbm>> -> memref<32xf32, #tpu.memory_space<hbm>>
          tpu.enqueue_dma source(%dma_start3A_344 : memref<32xf32, #tpu.memory_space<hbm>>) target(%dma_start3A_341 : memref<32xf32, #tpu.memory_space<vmem>>) target_semaphore(%arg10 : memref<!tpu.dma_semaphore, #tpu.memory_space<semaphore_mem>>)
          %slice3A_345 = vector.extract_strided_slice %get3A_213 {offsets = [7], sizes = [1], strides = [1]} : vector<16xi32> to vector<1xi32>
          %squeeze3A_346 = vector.extract %slice3A_345[0] : i32 from vector<1xi32>
          %add3A_347 = arith.addi %squeeze3A_346, %mul3A_201 : i32
          %mul3A_348 = arith.constant 16 : i32
          %mul3A_349 = arith.muli %scan3A_208, %mul3A_348 : i32
          %add3A_350 = arith.constant 7 : i32
          %add3A_351 = arith.addi %mul3A_349, %add3A_350 : i32
          %dma_start3A_352 = arith.constant 96 : i32
          %dma_start3A_353 = tpu.memref_slice %arg8[%add3A_351, %dma_start3A_352] : memref<512x128xf32, #tpu.memory_space<vmem>> -> memref<1x32xf32, #tpu.memory_space<vmem>>
          %dma_start3A_354 = tpu.memref_squeeze %dma_start3A_353 : memref<1x32xf32, #tpu.memory_space<vmem>> -> memref<32xf32, #tpu.memory_space<vmem>>
          %dma_start3A_355 = arith.constant 0 : i32
          %dma_start3A_356 = tpu.memref_slice %arg4[%add3A_347, %dma_start3A_355] : memref<2600000x32xf32, #tpu.memory_space<hbm>> -> memref<1x32xf32, #tpu.memory_space<hbm>>
          %dma_start3A_357 = tpu.memref_squeeze %dma_start3A_356 : memref<1x32xf32, #tpu.memory_space<hbm>> -> memref<32xf32, #tpu.memory_space<hbm>>
          %dma_start3A_358 = arith.constant 96 : i32
          %dma_start3A_359 = tpu.memref_slice %arg8[%add3A_351, %dma_start3A_358] : memref<512x128xf32, #tpu.memory_space<vmem>> -> memref<1x32xf32, #tpu.memory_space<vmem>>
          %dma_start3A_360 = tpu.memref_squeeze %dma_start3A_359 : memref<1x32xf32, #tpu.memory_space<vmem>> -> memref<32xf32, #tpu.memory_space<vmem>>
          %dma_start3A_361 = arith.constant 0 : i32
          %dma_start3A_362 = tpu.memref_slice %arg4[%add3A_347, %dma_start3A_361] : memref<2600000x32xf32, #tpu.memory_space<hbm>> -> memref<1x32xf32, #tpu.memory_space<hbm>>
          %dma_start3A_363 = tpu.memref_squeeze %dma_start3A_362 : memref<1x32xf32, #tpu.memory_space<hbm>> -> memref<32xf32, #tpu.memory_space<hbm>>
          tpu.enqueue_dma source(%dma_start3A_363 : memref<32xf32, #tpu.memory_space<hbm>>) target(%dma_start3A_360 : memref<32xf32, #tpu.memory_space<vmem>>) target_semaphore(%arg10 : memref<!tpu.dma_semaphore, #tpu.memory_space<semaphore_mem>>)
          %slice3A_364 = vector.extract_strided_slice %get3A_213 {offsets = [8], sizes = [1], strides = [1]} : vector<16xi32> to vector<1xi32>
          %squeeze3A_365 = vector.extract %slice3A_364[0] : i32 from vector<1xi32>
          %add3A_366 = arith.addi %squeeze3A_365, %mul3A_201 : i32
          %mul3A_367 = arith.constant 16 : i32
          %mul3A_368 = arith.muli %scan3A_208, %mul3A_367 : i32
          %add3A_369 = arith.constant 8 : i32
          %add3A_370 = arith.addi %mul3A_368, %add3A_369 : i32
          %dma_start3A_371 = arith.constant 96 : i32
          %dma_start3A_372 = tpu.memref_slice %arg8[%add3A_370, %dma_start3A_371] : memref<512x128xf32, #tpu.memory_space<vmem>> -> memref<1x32xf32, #tpu.memory_space<vmem>>
          %dma_start3A_373 = tpu.memref_squeeze %dma_start3A_372 : memref<1x32xf32, #tpu.memory_space<vmem>> -> memref<32xf32, #tpu.memory_space<vmem>>
          %dma_start3A_374 = arith.constant 0 : i32
          %dma_start3A_375 = tpu.memref_slice %arg4[%add3A_366, %dma_start3A_374] : memref<2600000x32xf32, #tpu.memory_space<hbm>> -> memref<1x32xf32, #tpu.memory_space<hbm>>
          %dma_start3A_376 = tpu.memref_squeeze %dma_start3A_375 : memref<1x32xf32, #tpu.memory_space<hbm>> -> memref<32xf32, #tpu.memory_space<hbm>>
          %dma_start3A_377 = arith.constant 96 : i32
          %dma_start3A_378 = tpu.memref_slice %arg8[%add3A_370, %dma_start3A_377] : memref<512x128xf32, #tpu.memory_space<vmem>> -> memref<1x32xf32, #tpu.memory_space<vmem>>
          %dma_start3A_379 = tpu.memref_squeeze %dma_start3A_378 : memref<1x32xf32, #tpu.memory_space<vmem>> -> memref<32xf32, #tpu.memory_space<vmem>>
          %dma_start3A_380 = arith.constant 0 : i32
          %dma_start3A_381 = tpu.memref_slice %arg4[%add3A_366, %dma_start3A_380] : memref<2600000x32xf32, #tpu.memory_space<hbm>> -> memref<1x32xf32, #tpu.memory_space<hbm>>
          %dma_start3A_382 = tpu.memref_squeeze %dma_start3A_381 : memref<1x32xf32, #tpu.memory_space<hbm>> -> memref<32xf32, #tpu.memory_space<hbm>>
          tpu.enqueue_dma source(%dma_start3A_382 : memref<32xf32, #tpu.memory_space<hbm>>) target(%dma_start3A_379 : memref<32xf32, #tpu.memory_space<vmem>>) target_semaphore(%arg10 : memref<!tpu.dma_semaphore, #tpu.memory_space<semaphore_mem>>)
          %slice3A_383 = vector.extract_strided_slice %get3A_213 {offsets = [9], sizes = [1], strides = [1]} : vector<16xi32> to vector<1xi32>
          %squeeze3A_384 = vector.extract %slice3A_383[0] : i32 from vector<1xi32>
          %add3A_385 = arith.addi %squeeze3A_384, %mul3A_201 : i32
          %mul3A_386 = arith.constant 16 : i32
          %mul3A_387 = arith.muli %scan3A_208, %mul3A_386 : i32
          %add3A_388 = arith.constant 9 : i32
          %add3A_389 = arith.addi %mul3A_387, %add3A_388 : i32
          %dma_start3A_390 = arith.constant 96 : i32
          %dma_start3A_391 = tpu.memref_slice %arg8[%add3A_389, %dma_start3A_390] : memref<512x128xf32, #tpu.memory_space<vmem>> -> memref<1x32xf32, #tpu.memory_space<vmem>>
          %dma_start3A_392 = tpu.memref_squeeze %dma_start3A_391 : memref<1x32xf32, #tpu.memory_space<vmem>> -> memref<32xf32, #tpu.memory_space<vmem>>
          %dma_start3A_393 = arith.constant 0 : i32
          %dma_start3A_394 = tpu.memref_slice %arg4[%add3A_385, %dma_start3A_393] : memref<2600000x32xf32, #tpu.memory_space<hbm>> -> memref<1x32xf32, #tpu.memory_space<hbm>>
          %dma_start3A_395 = tpu.memref_squeeze %dma_start3A_394 : memref<1x32xf32, #tpu.memory_space<hbm>> -> memref<32xf32, #tpu.memory_space<hbm>>
          %dma_start3A_396 = arith.constant 96 : i32
          %dma_start3A_397 = tpu.memref_slice %arg8[%add3A_389, %dma_start3A_396] : memref<512x128xf32, #tpu.memory_space<vmem>> -> memref<1x32xf32, #tpu.memory_space<vmem>>
          %dma_start3A_398 = tpu.memref_squeeze %dma_start3A_397 : memref<1x32xf32, #tpu.memory_space<vmem>> -> memref<32xf32, #tpu.memory_space<vmem>>
          %dma_start3A_399 = arith.constant 0 : i32
          %dma_start3A_400 = tpu.memref_slice %arg4[%add3A_385, %dma_start3A_399] : memref<2600000x32xf32, #tpu.memory_space<hbm>> -> memref<1x32xf32, #tpu.memory_space<hbm>>
          %dma_start3A_401 = tpu.memref_squeeze %dma_start3A_400 : memref<1x32xf32, #tpu.memory_space<hbm>> -> memref<32xf32, #tpu.memory_space<hbm>>
          tpu.enqueue_dma source(%dma_start3A_401 : memref<32xf32, #tpu.memory_space<hbm>>) target(%dma_start3A_398 : memref<32xf32, #tpu.memory_space<vmem>>) target_semaphore(%arg10 : memref<!tpu.dma_semaphore, #tpu.memory_space<semaphore_mem>>)
          %slice3A_402 = vector.extract_strided_slice %get3A_213 {offsets = [10], sizes = [1], strides = [1]} : vector<16xi32> to vector<1xi32>
          %squeeze3A_403 = vector.extract %slice3A_402[0] : i32 from vector<1xi32>
          %add3A_404 = arith.addi %squeeze3A_403, %mul3A_201 : i32
          %mul3A_405 = arith.constant 16 : i32
          %mul3A_406 = arith.muli %scan3A_208, %mul3A_405 : i32
          %add3A_407 = arith.constant 10 : i32
          %add3A_408 = arith.addi %mul3A_406, %add3A_407 : i32
          %dma_start3A_409 = arith.constant 96 : i32
          %dma_start3A_410 = tpu.memref_slice %arg8[%add3A_408, %dma_start3A_409] : memref<512x128xf32, #tpu.memory_space<vmem>> -> memref<1x32xf32, #tpu.memory_space<vmem>>
          %dma_start3A_411 = tpu.memref_squeeze %dma_start3A_410 : memref<1x32xf32, #tpu.memory_space<vmem>> -> memref<32xf32, #tpu.memory_space<vmem>>
          %dma_start3A_412 = arith.constant 0 : i32
          %dma_start3A_413 = tpu.memref_slice %arg4[%add3A_404, %dma_start3A_412] : memref<2600000x32xf32, #tpu.memory_space<hbm>> -> memref<1x32xf32, #tpu.memory_space<hbm>>
          %dma_start3A_414 = tpu.memref_squeeze %dma_start3A_413 : memref<1x32xf32, #tpu.memory_space<hbm>> -> memref<32xf32, #tpu.memory_space<hbm>>
          %dma_start3A_415 = arith.constant 96 : i32
          %dma_start3A_416 = tpu.memref_slice %arg8[%add3A_408, %dma_start3A_415] : memref<512x128xf32, #tpu.memory_space<vmem>> -> memref<1x32xf32, #tpu.memory_space<vmem>>
          %dma_start3A_417 = tpu.memref_squeeze %dma_start3A_416 : memref<1x32xf32, #tpu.memory_space<vmem>> -> memref<32xf32, #tpu.memory_space<vmem>>
          %dma_start3A_418 = arith.constant 0 : i32
          %dma_start3A_419 = tpu.memref_slice %arg4[%add3A_404, %dma_start3A_418] : memref<2600000x32xf32, #tpu.memory_space<hbm>> -> memref<1x32xf32, #tpu.memory_space<hbm>>
          %dma_start3A_420 = tpu.memref_squeeze %dma_start3A_419 : memref<1x32xf32, #tpu.memory_space<hbm>> -> memref<32xf32, #tpu.memory_space<hbm>>
          tpu.enqueue_dma source(%dma_start3A_420 : memref<32xf32, #tpu.memory_space<hbm>>) target(%dma_start3A_417 : memref<32xf32, #tpu.memory_space<vmem>>) target_semaphore(%arg10 : memref<!tpu.dma_semaphore, #tpu.memory_space<semaphore_mem>>)
          %slice3A_421 = vector.extract_strided_slice %get3A_213 {offsets = [11], sizes = [1], strides = [1]} : vector<16xi32> to vector<1xi32>
          %squeeze3A_422 = vector.extract %slice3A_421[0] : i32 from vector<1xi32>
          %add3A_423 = arith.addi %squeeze3A_422, %mul3A_201 : i32
          %mul3A_424 = arith.constant 16 : i32
          %mul3A_425 = arith.muli %scan3A_208, %mul3A_424 : i32
          %add3A_426 = arith.constant 11 : i32
          %add3A_427 = arith.addi %mul3A_425, %add3A_426 : i32
          %dma_start3A_428 = arith.constant 96 : i32
          %dma_start3A_429 = tpu.memref_slice %arg8[%add3A_427, %dma_start3A_428] : memref<512x128xf32, #tpu.memory_space<vmem>> -> memref<1x32xf32, #tpu.memory_space<vmem>>
          %dma_start3A_430 = tpu.memref_squeeze %dma_start3A_429 : memref<1x32xf32, #tpu.memory_space<vmem>> -> memref<32xf32, #tpu.memory_space<vmem>>
          %dma_start3A_431 = arith.constant 0 : i32
          %dma_start3A_432 = tpu.memref_slice %arg4[%add3A_423, %dma_start3A_431] : memref<2600000x32xf32, #tpu.memory_space<hbm>> -> memref<1x32xf32, #tpu.memory_space<hbm>>
          %dma_start3A_433 = tpu.memref_squeeze %dma_start3A_432 : memref<1x32xf32, #tpu.memory_space<hbm>> -> memref<32xf32, #tpu.memory_space<hbm>>
          %dma_start3A_434 = arith.constant 96 : i32
          %dma_start3A_435 = tpu.memref_slice %arg8[%add3A_427, %dma_start3A_434] : memref<512x128xf32, #tpu.memory_space<vmem>> -> memref<1x32xf32, #tpu.memory_space<vmem>>
          %dma_start3A_436 = tpu.memref_squeeze %dma_start3A_435 : memref<1x32xf32, #tpu.memory_space<vmem>> -> memref<32xf32, #tpu.memory_space<vmem>>
          %dma_start3A_437 = arith.constant 0 : i32
          %dma_start3A_438 = tpu.memref_slice %arg4[%add3A_423, %dma_start3A_437] : memref<2600000x32xf32, #tpu.memory_space<hbm>> -> memref<1x32xf32, #tpu.memory_space<hbm>>
          %dma_start3A_439 = tpu.memref_squeeze %dma_start3A_438 : memref<1x32xf32, #tpu.memory_space<hbm>> -> memref<32xf32, #tpu.memory_space<hbm>>
          tpu.enqueue_dma source(%dma_start3A_439 : memref<32xf32, #tpu.memory_space<hbm>>) target(%dma_start3A_436 : memref<32xf32, #tpu.memory_space<vmem>>) target_semaphore(%arg10 : memref<!tpu.dma_semaphore, #tpu.memory_space<semaphore_mem>>)
          %slice3A_440 = vector.extract_strided_slice %get3A_213 {offsets = [12], sizes = [1], strides = [1]} : vector<16xi32> to vector<1xi32>
          %squeeze3A_441 = vector.extract %slice3A_440[0] : i32 from vector<1xi32>
          %add3A_442 = arith.addi %squeeze3A_441, %mul3A_201 : i32
          %mul3A_443 = arith.constant 16 : i32
          %mul3A_444 = arith.muli %scan3A_208, %mul3A_443 : i32
          %add3A_445 = arith.constant 12 : i32
          %add3A_446 = arith.addi %mul3A_444, %add3A_445 : i32
          %dma_start3A_447 = arith.constant 96 : i32
          %dma_start3A_448 = tpu.memref_slice %arg8[%add3A_446, %dma_start3A_447] : memref<512x128xf32, #tpu.memory_space<vmem>> -> memref<1x32xf32, #tpu.memory_space<vmem>>
          %dma_start3A_449 = tpu.memref_squeeze %dma_start3A_448 : memref<1x32xf32, #tpu.memory_space<vmem>> -> memref<32xf32, #tpu.memory_space<vmem>>
          %dma_start3A_450 = arith.constant 0 : i32
          %dma_start3A_451 = tpu.memref_slice %arg4[%add3A_442, %dma_start3A_450] : memref<2600000x32xf32, #tpu.memory_space<hbm>> -> memref<1x32xf32, #tpu.memory_space<hbm>>
          %dma_start3A_452 = tpu.memref_squeeze %dma_start3A_451 : memref<1x32xf32, #tpu.memory_space<hbm>> -> memref<32xf32, #tpu.memory_space<hbm>>
          %dma_start3A_453 = arith.constant 96 : i32
          %dma_start3A_454 = tpu.memref_slice %arg8[%add3A_446, %dma_start3A_453] : memref<512x128xf32, #tpu.memory_space<vmem>> -> memref<1x32xf32, #tpu.memory_space<vmem>>
          %dma_start3A_455 = tpu.memref_squeeze %dma_start3A_454 : memref<1x32xf32, #tpu.memory_space<vmem>> -> memref<32xf32, #tpu.memory_space<vmem>>
          %dma_start3A_456 = arith.constant 0 : i32
          %dma_start3A_457 = tpu.memref_slice %arg4[%add3A_442, %dma_start3A_456] : memref<2600000x32xf32, #tpu.memory_space<hbm>> -> memref<1x32xf32, #tpu.memory_space<hbm>>
          %dma_start3A_458 = tpu.memref_squeeze %dma_start3A_457 : memref<1x32xf32, #tpu.memory_space<hbm>> -> memref<32xf32, #tpu.memory_space<hbm>>
          tpu.enqueue_dma source(%dma_start3A_458 : memref<32xf32, #tpu.memory_space<hbm>>) target(%dma_start3A_455 : memref<32xf32, #tpu.memory_space<vmem>>) target_semaphore(%arg10 : memref<!tpu.dma_semaphore, #tpu.memory_space<semaphore_mem>>)
          %slice3A_459 = vector.extract_strided_slice %get3A_213 {offsets = [13], sizes = [1], strides = [1]} : vector<16xi32> to vector<1xi32>
          %squeeze3A_460 = vector.extract %slice3A_459[0] : i32 from vector<1xi32>
          %add3A_461 = arith.addi %squeeze3A_460, %mul3A_201 : i32
          %mul3A_462 = arith.constant 16 : i32
          %mul3A_463 = arith.muli %scan3A_208, %mul3A_462 : i32
          %add3A_464 = arith.constant 13 : i32
          %add3A_465 = arith.addi %mul3A_463, %add3A_464 : i32
          %dma_start3A_466 = arith.constant 96 : i32
          %dma_start3A_467 = tpu.memref_slice %arg8[%add3A_465, %dma_start3A_466] : memref<512x128xf32, #tpu.memory_space<vmem>> -> memref<1x32xf32, #tpu.memory_space<vmem>>
          %dma_start3A_468 = tpu.memref_squeeze %dma_start3A_467 : memref<1x32xf32, #tpu.memory_space<vmem>> -> memref<32xf32, #tpu.memory_space<vmem>>
          %dma_start3A_469 = arith.constant 0 : i32
          %dma_start3A_470 = tpu.memref_slice %arg4[%add3A_461, %dma_start3A_469] : memref<2600000x32xf32, #tpu.memory_space<hbm>> -> memref<1x32xf32, #tpu.memory_space<hbm>>
          %dma_start3A_471 = tpu.memref_squeeze %dma_start3A_470 : memref<1x32xf32, #tpu.memory_space<hbm>> -> memref<32xf32, #tpu.memory_space<hbm>>
          %dma_start3A_472 = arith.constant 96 : i32
          %dma_start3A_473 = tpu.memref_slice %arg8[%add3A_465, %dma_start3A_472] : memref<512x128xf32, #tpu.memory_space<vmem>> -> memref<1x32xf32, #tpu.memory_space<vmem>>
          %dma_start3A_474 = tpu.memref_squeeze %dma_start3A_473 : memref<1x32xf32, #tpu.memory_space<vmem>> -> memref<32xf32, #tpu.memory_space<vmem>>
          %dma_start3A_475 = arith.constant 0 : i32
          %dma_start3A_476 = tpu.memref_slice %arg4[%add3A_461, %dma_start3A_475] : memref<2600000x32xf32, #tpu.memory_space<hbm>> -> memref<1x32xf32, #tpu.memory_space<hbm>>
          %dma_start3A_477 = tpu.memref_squeeze %dma_start3A_476 : memref<1x32xf32, #tpu.memory_space<hbm>> -> memref<32xf32, #tpu.memory_space<hbm>>
          tpu.enqueue_dma source(%dma_start3A_477 : memref<32xf32, #tpu.memory_space<hbm>>) target(%dma_start3A_474 : memref<32xf32, #tpu.memory_space<vmem>>) target_semaphore(%arg10 : memref<!tpu.dma_semaphore, #tpu.memory_space<semaphore_mem>>)
          %slice3A_478 = vector.extract_strided_slice %get3A_213 {offsets = [14], sizes = [1], strides = [1]} : vector<16xi32> to vector<1xi32>
          %squeeze3A_479 = vector.extract %slice3A_478[0] : i32 from vector<1xi32>
          %add3A_480 = arith.addi %squeeze3A_479, %mul3A_201 : i32
          %mul3A_481 = arith.constant 16 : i32
          %mul3A_482 = arith.muli %scan3A_208, %mul3A_481 : i32
          %add3A_483 = arith.constant 14 : i32
          %add3A_484 = arith.addi %mul3A_482, %add3A_483 : i32
          %dma_start3A_485 = arith.constant 96 : i32
          %dma_start3A_486 = tpu.memref_slice %arg8[%add3A_484, %dma_start3A_485] : memref<512x128xf32, #tpu.memory_space<vmem>> -> memref<1x32xf32, #tpu.memory_space<vmem>>
          %dma_start3A_487 = tpu.memref_squeeze %dma_start3A_486 : memref<1x32xf32, #tpu.memory_space<vmem>> -> memref<32xf32, #tpu.memory_space<vmem>>
          %dma_start3A_488 = arith.constant 0 : i32
          %dma_start3A_489 = tpu.memref_slice %arg4[%add3A_480, %dma_start3A_488] : memref<2600000x32xf32, #tpu.memory_space<hbm>> -> memref<1x32xf32, #tpu.memory_space<hbm>>
          %dma_start3A_490 = tpu.memref_squeeze %dma_start3A_489 : memref<1x32xf32, #tpu.memory_space<hbm>> -> memref<32xf32, #tpu.memory_space<hbm>>
          %dma_start3A_491 = arith.constant 96 : i32
          %dma_start3A_492 = tpu.memref_slice %arg8[%add3A_484, %dma_start3A_491] : memref<512x128xf32, #tpu.memory_space<vmem>> -> memref<1x32xf32, #tpu.memory_space<vmem>>
          %dma_start3A_493 = tpu.memref_squeeze %dma_start3A_492 : memref<1x32xf32, #tpu.memory_space<vmem>> -> memref<32xf32, #tpu.memory_space<vmem>>
          %dma_start3A_494 = arith.constant 0 : i32
          %dma_start3A_495 = tpu.memref_slice %arg4[%add3A_480, %dma_start3A_494] : memref<2600000x32xf32, #tpu.memory_space<hbm>> -> memref<1x32xf32, #tpu.memory_space<hbm>>
          %dma_start3A_496 = tpu.memref_squeeze %dma_start3A_495 : memref<1x32xf32, #tpu.memory_space<hbm>> -> memref<32xf32, #tpu.memory_space<hbm>>
          tpu.enqueue_dma source(%dma_start3A_496 : memref<32xf32, #tpu.memory_space<hbm>>) target(%dma_start3A_493 : memref<32xf32, #tpu.memory_space<vmem>>) target_semaphore(%arg10 : memref<!tpu.dma_semaphore, #tpu.memory_space<semaphore_mem>>)
          %slice3A_497 = vector.extract_strided_slice %get3A_213 {offsets = [15], sizes = [1], strides = [1]} : vector<16xi32> to vector<1xi32>
          %squeeze3A_498 = vector.extract %slice3A_497[0] : i32 from vector<1xi32>
          %add3A_499 = arith.addi %squeeze3A_498, %mul3A_201 : i32
          %mul3A_500 = arith.constant 16 : i32
          %mul3A_501 = arith.muli %scan3A_208, %mul3A_500 : i32
          %add3A_502 = arith.constant 15 : i32
          %add3A_503 = arith.addi %mul3A_501, %add3A_502 : i32
          %dma_start3A_504 = arith.constant 96 : i32
          %dma_start3A_505 = tpu.memref_slice %arg8[%add3A_503, %dma_start3A_504] : memref<512x128xf32, #tpu.memory_space<vmem>> -> memref<1x32xf32, #tpu.memory_space<vmem>>
          %dma_start3A_506 = tpu.memref_squeeze %dma_start3A_505 : memref<1x32xf32, #tpu.memory_space<vmem>> -> memref<32xf32, #tpu.memory_space<vmem>>
          %dma_start3A_507 = arith.constant 0 : i32
          %dma_start3A_508 = tpu.memref_slice %arg4[%add3A_499, %dma_start3A_507] : memref<2600000x32xf32, #tpu.memory_space<hbm>> -> memref<1x32xf32, #tpu.memory_space<hbm>>
          %dma_start3A_509 = tpu.memref_squeeze %dma_start3A_508 : memref<1x32xf32, #tpu.memory_space<hbm>> -> memref<32xf32, #tpu.memory_space<hbm>>
          %dma_start3A_510 = arith.constant 96 : i32
          %dma_start3A_511 = tpu.memref_slice %arg8[%add3A_503, %dma_start3A_510] : memref<512x128xf32, #tpu.memory_space<vmem>> -> memref<1x32xf32, #tpu.memory_space<vmem>>
          %dma_start3A_512 = tpu.memref_squeeze %dma_start3A_511 : memref<1x32xf32, #tpu.memory_space<vmem>> -> memref<32xf32, #tpu.memory_space<vmem>>
          %dma_start3A_513 = arith.constant 0 : i32
          %dma_start3A_514 = tpu.memref_slice %arg4[%add3A_499, %dma_start3A_513] : memref<2600000x32xf32, #tpu.memory_space<hbm>> -> memref<1x32xf32, #tpu.memory_space<hbm>>
          %dma_start3A_515 = tpu.memref_squeeze %dma_start3A_514 : memref<1x32xf32, #tpu.memory_space<hbm>> -> memref<32xf32, #tpu.memory_space<hbm>>
          tpu.enqueue_dma source(%dma_start3A_515 : memref<32xf32, #tpu.memory_space<hbm>>) target(%dma_start3A_512 : memref<32xf32, #tpu.memory_space<vmem>>) target_semaphore(%arg10 : memref<!tpu.dma_semaphore, #tpu.memory_space<semaphore_mem>>)
        }
        %scan3A_207 = arith.constant 32 : i32
      } else {
      }
      %lt3A_42 = arith.constant 6 : i32
      %lt3A_43 = arith.cmpi slt, %scan3A_8, %lt3A_42 : i32
      %convert_element_type3A_44 = arith.extui %lt3A_43 : i1 to i32
      %cond3A_45 = arith.constant 0 : i32
      %cond3A_46 = arith.cmpi ne, %convert_element_type3A_44, %cond3A_45 : i32
      scf.if %cond3A_46 {
        %dma_wait3A_200 = arith.constant 0 : i32
        %dma_wait3A_201 = tpu.memref_slice %arg5[%scan3A_8, %multiple_of3A, %dma_wait3A_200] : memref<7x16384x128xf32, #tpu.memory_space<hbm>> -> memref<1x512x128xf32, #tpu.memory_space<hbm>>
        %dma_wait3A_202 = tpu.memref_squeeze %dma_wait3A_201 : memref<1x512x128xf32, #tpu.memory_space<hbm>> -> memref<512x128xf32, #tpu.memory_space<hbm>>
        %dma_wait3A_203 = arith.constant 0 : i32
        %dma_wait3A_204 = tpu.memref_slice %arg5[%scan3A_8, %multiple_of3A, %dma_wait3A_203] : memref<7x16384x128xf32, #tpu.memory_space<hbm>> -> memref<1x512x128xf32, #tpu.memory_space<hbm>>
        %dma_wait3A_205 = tpu.memref_squeeze %dma_wait3A_204 : memref<1x512x128xf32, #tpu.memory_space<hbm>> -> memref<512x128xf32, #tpu.memory_space<hbm>>
        tpu.wait_dma2 semaphore(%arg10 : memref<!tpu.dma_semaphore, #tpu.memory_space<semaphore_mem>>) src(%dma_wait3A_205 : memref<512x128xf32, #tpu.memory_space<hbm>>) dst(%arg8 : memref<512x128xf32, #tpu.memory_space<vmem>>)
      } else {
      }
      %eq3A = arith.constant 6 : i32
      %eq3A_47 = arith.cmpi eq, %scan3A_8, %eq3A : i32
      %convert_element_type3A_48 = arith.extui %eq3A_47 : i1 to i32
      %cond3A_49 = arith.constant 0 : i32
      %cond3A_50 = arith.cmpi ne, %convert_element_type3A_48, %cond3A_49 : i32
      scf.if %cond3A_50 {
        %dma_wait3A_200 = arith.constant 0 : i32
        %dma_wait3A_201 = arith.constant 0 : i32
        %dma_wait3A_202 = tpu.memref_slice %arg8[%dma_wait3A_200, %dma_wait3A_201] : memref<512x128xf32, #tpu.memory_space<vmem>> -> memref<256x128xf32, #tpu.memory_space<vmem>>
        %dma_wait3A_203 = arith.constant 0 : i32
        %dma_wait3A_204 = tpu.memref_slice %arg5[%scan3A_8, %multiple_of3A, %dma_wait3A_203] : memref<7x16384x128xf32, #tpu.memory_space<hbm>> -> memref<1x256x128xf32, #tpu.memory_space<hbm>>
        %dma_wait3A_205 = tpu.memref_squeeze %dma_wait3A_204 : memref<1x256x128xf32, #tpu.memory_space<hbm>> -> memref<256x128xf32, #tpu.memory_space<hbm>>
        %dma_wait3A_206 = arith.constant 0 : i32
        %dma_wait3A_207 = arith.constant 0 : i32
        %dma_wait3A_208 = tpu.memref_slice %arg8[%dma_wait3A_206, %dma_wait3A_207] : memref<512x128xf32, #tpu.memory_space<vmem>> -> memref<256x128xf32, #tpu.memory_space<vmem>>
        %dma_wait3A_209 = arith.constant 0 : i32
        %dma_wait3A_210 = tpu.memref_slice %arg5[%scan3A_8, %multiple_of3A, %dma_wait3A_209] : memref<7x16384x128xf32, #tpu.memory_space<hbm>> -> memref<1x256x128xf32, #tpu.memory_space<hbm>>
        %dma_wait3A_211 = tpu.memref_squeeze %dma_wait3A_210 : memref<1x256x128xf32, #tpu.memory_space<hbm>> -> memref<256x128xf32, #tpu.memory_space<hbm>>
        tpu.wait_dma2 semaphore(%arg10 : memref<!tpu.dma_semaphore, #tpu.memory_space<semaphore_mem>>) src(%dma_wait3A_211 : memref<256x128xf32, #tpu.memory_space<hbm>>) dst(%dma_wait3A_208 : memref<256x128xf32, #tpu.memory_space<vmem>>)
      } else {
      }
      %eq3A_51 = arith.constant 6 : i32
      %eq3A_52 = arith.cmpi eq, %scan3A_8, %eq3A_51 : i32
      %convert_element_type3A_53 = arith.extui %eq3A_52 : i1 to i32
      %cond3A_54 = arith.constant 0 : i32
      %cond3A_55 = arith.cmpi ne, %convert_element_type3A_53, %cond3A_54 : i32
      scf.if %cond3A_55 {
        %scan3A_200 = arith.constant 0 : i32
        %scan3A_201 = arith.constant 0 : i32
        %scan3A_202 = arith.constant 32 : i32
        %scan3A_203 = arith.addi %scan3A_201, %scan3A_202 : i32
        %scan3A_204 = arith.constant 1 : i32
        scf.for %scan3A_218 = %scan3A_201 to %scan3A_203 step %scan3A_204  : i32 {
          %mul3A_219 = arith.constant 16 : i32
          %mul3A_220 = arith.muli %scan3A_218, %mul3A_219 : i32
          %add3A_221 = arith.constant 0 : i32
          %add3A_222 = arith.addi %mul3A_220, %add3A_221 : i32
          %add3A_223 = arith.addi %multiple_of3A, %add3A_222 : i32
          %dma_start3A_224 = arith.constant 64 : i32
          %dma_start3A_225 = tpu.memref_slice %arg8[%add3A_222, %dma_start3A_224] : memref<512x128xf32, #tpu.memory_space<vmem>> -> memref<1x16xf32, #tpu.memory_space<vmem>>
          %dma_start3A_226 = tpu.memref_squeeze %dma_start3A_225 : memref<1x16xf32, #tpu.memory_space<vmem>> -> memref<16xf32, #tpu.memory_space<vmem>>
          %dma_start3A_227 = arith.constant 0 : i32
          %dma_start3A_228 = tpu.memref_slice %arg3[%add3A_223, %dma_start3A_227] : memref<16384x16xf32, #tpu.memory_space<hbm>> -> memref<1x16xf32, #tpu.memory_space<hbm>>
          %dma_start3A_229 = tpu.memref_squeeze %dma_start3A_228 : memref<1x16xf32, #tpu.memory_space<hbm>> -> memref<16xf32, #tpu.memory_space<hbm>>
          %dma_start3A_230 = arith.constant 64 : i32
          %dma_start3A_231 = tpu.memref_slice %arg8[%add3A_222, %dma_start3A_230] : memref<512x128xf32, #tpu.memory_space<vmem>> -> memref<1x16xf32, #tpu.memory_space<vmem>>
          %dma_start3A_232 = tpu.memref_squeeze %dma_start3A_231 : memref<1x16xf32, #tpu.memory_space<vmem>> -> memref<16xf32, #tpu.memory_space<vmem>>
          %dma_start3A_233 = arith.constant 0 : i32
          %dma_start3A_234 = tpu.memref_slice %arg3[%add3A_223, %dma_start3A_233] : memref<16384x16xf32, #tpu.memory_space<hbm>> -> memref<1x16xf32, #tpu.memory_space<hbm>>
          %dma_start3A_235 = tpu.memref_squeeze %dma_start3A_234 : memref<1x16xf32, #tpu.memory_space<hbm>> -> memref<16xf32, #tpu.memory_space<hbm>>
          tpu.enqueue_dma source(%dma_start3A_235 : memref<16xf32, #tpu.memory_space<hbm>>) target(%dma_start3A_232 : memref<16xf32, #tpu.memory_space<vmem>>) target_semaphore(%arg10 : memref<!tpu.dma_semaphore, #tpu.memory_space<semaphore_mem>>)
          %mul3A_236 = arith.constant 16 : i32
          %mul3A_237 = arith.muli %scan3A_218, %mul3A_236 : i32
          %add3A_238 = arith.constant 1 : i32
          %add3A_239 = arith.addi %mul3A_237, %add3A_238 : i32
          %add3A_240 = arith.addi %multiple_of3A, %add3A_239 : i32
          %dma_start3A_241 = arith.constant 64 : i32
          %dma_start3A_242 = tpu.memref_slice %arg8[%add3A_239, %dma_start3A_241] : memref<512x128xf32, #tpu.memory_space<vmem>> -> memref<1x16xf32, #tpu.memory_space<vmem>>
          %dma_start3A_243 = tpu.memref_squeeze %dma_start3A_242 : memref<1x16xf32, #tpu.memory_space<vmem>> -> memref<16xf32, #tpu.memory_space<vmem>>
          %dma_start3A_244 = arith.constant 0 : i32
          %dma_start3A_245 = tpu.memref_slice %arg3[%add3A_240, %dma_start3A_244] : memref<16384x16xf32, #tpu.memory_space<hbm>> -> memref<1x16xf32, #tpu.memory_space<hbm>>
          %dma_start3A_246 = tpu.memref_squeeze %dma_start3A_245 : memref<1x16xf32, #tpu.memory_space<hbm>> -> memref<16xf32, #tpu.memory_space<hbm>>
          %dma_start3A_247 = arith.constant 64 : i32
          %dma_start3A_248 = tpu.memref_slice %arg8[%add3A_239, %dma_start3A_247] : memref<512x128xf32, #tpu.memory_space<vmem>> -> memref<1x16xf32, #tpu.memory_space<vmem>>
          %dma_start3A_249 = tpu.memref_squeeze %dma_start3A_248 : memref<1x16xf32, #tpu.memory_space<vmem>> -> memref<16xf32, #tpu.memory_space<vmem>>
          %dma_start3A_250 = arith.constant 0 : i32
          %dma_start3A_251 = tpu.memref_slice %arg3[%add3A_240, %dma_start3A_250] : memref<16384x16xf32, #tpu.memory_space<hbm>> -> memref<1x16xf32, #tpu.memory_space<hbm>>
          %dma_start3A_252 = tpu.memref_squeeze %dma_start3A_251 : memref<1x16xf32, #tpu.memory_space<hbm>> -> memref<16xf32, #tpu.memory_space<hbm>>
          tpu.enqueue_dma source(%dma_start3A_252 : memref<16xf32, #tpu.memory_space<hbm>>) target(%dma_start3A_249 : memref<16xf32, #tpu.memory_space<vmem>>) target_semaphore(%arg10 : memref<!tpu.dma_semaphore, #tpu.memory_space<semaphore_mem>>)
          %mul3A_253 = arith.constant 16 : i32
          %mul3A_254 = arith.muli %scan3A_218, %mul3A_253 : i32
          %add3A_255 = arith.constant 2 : i32
          %add3A_256 = arith.addi %mul3A_254, %add3A_255 : i32
          %add3A_257 = arith.addi %multiple_of3A, %add3A_256 : i32
          %dma_start3A_258 = arith.constant 64 : i32
          %dma_start3A_259 = tpu.memref_slice %arg8[%add3A_256, %dma_start3A_258] : memref<512x128xf32, #tpu.memory_space<vmem>> -> memref<1x16xf32, #tpu.memory_space<vmem>>
          %dma_start3A_260 = tpu.memref_squeeze %dma_start3A_259 : memref<1x16xf32, #tpu.memory_space<vmem>> -> memref<16xf32, #tpu.memory_space<vmem>>
          %dma_start3A_261 = arith.constant 0 : i32
          %dma_start3A_262 = tpu.memref_slice %arg3[%add3A_257, %dma_start3A_261] : memref<16384x16xf32, #tpu.memory_space<hbm>> -> memref<1x16xf32, #tpu.memory_space<hbm>>
          %dma_start3A_263 = tpu.memref_squeeze %dma_start3A_262 : memref<1x16xf32, #tpu.memory_space<hbm>> -> memref<16xf32, #tpu.memory_space<hbm>>
          %dma_start3A_264 = arith.constant 64 : i32
          %dma_start3A_265 = tpu.memref_slice %arg8[%add3A_256, %dma_start3A_264] : memref<512x128xf32, #tpu.memory_space<vmem>> -> memref<1x16xf32, #tpu.memory_space<vmem>>
          %dma_start3A_266 = tpu.memref_squeeze %dma_start3A_265 : memref<1x16xf32, #tpu.memory_space<vmem>> -> memref<16xf32, #tpu.memory_space<vmem>>
          %dma_start3A_267 = arith.constant 0 : i32
          %dma_start3A_268 = tpu.memref_slice %arg3[%add3A_257, %dma_start3A_267] : memref<16384x16xf32, #tpu.memory_space<hbm>> -> memref<1x16xf32, #tpu.memory_space<hbm>>
          %dma_start3A_269 = tpu.memref_squeeze %dma_start3A_268 : memref<1x16xf32, #tpu.memory_space<hbm>> -> memref<16xf32, #tpu.memory_space<hbm>>
          tpu.enqueue_dma source(%dma_start3A_269 : memref<16xf32, #tpu.memory_space<hbm>>) target(%dma_start3A_266 : memref<16xf32, #tpu.memory_space<vmem>>) target_semaphore(%arg10 : memref<!tpu.dma_semaphore, #tpu.memory_space<semaphore_mem>>)
          %mul3A_270 = arith.constant 16 : i32
          %mul3A_271 = arith.muli %scan3A_218, %mul3A_270 : i32
          %add3A_272 = arith.constant 3 : i32
          %add3A_273 = arith.addi %mul3A_271, %add3A_272 : i32
          %add3A_274 = arith.addi %multiple_of3A, %add3A_273 : i32
          %dma_start3A_275 = arith.constant 64 : i32
          %dma_start3A_276 = tpu.memref_slice %arg8[%add3A_273, %dma_start3A_275] : memref<512x128xf32, #tpu.memory_space<vmem>> -> memref<1x16xf32, #tpu.memory_space<vmem>>
          %dma_start3A_277 = tpu.memref_squeeze %dma_start3A_276 : memref<1x16xf32, #tpu.memory_space<vmem>> -> memref<16xf32, #tpu.memory_space<vmem>>
          %dma_start3A_278 = arith.constant 0 : i32
          %dma_start3A_279 = tpu.memref_slice %arg3[%add3A_274, %dma_start3A_278] : memref<16384x16xf32, #tpu.memory_space<hbm>> -> memref<1x16xf32, #tpu.memory_space<hbm>>
          %dma_start3A_280 = tpu.memref_squeeze %dma_start3A_279 : memref<1x16xf32, #tpu.memory_space<hbm>> -> memref<16xf32, #tpu.memory_space<hbm>>
          %dma_start3A_281 = arith.constant 64 : i32
          %dma_start3A_282 = tpu.memref_slice %arg8[%add3A_273, %dma_start3A_281] : memref<512x128xf32, #tpu.memory_space<vmem>> -> memref<1x16xf32, #tpu.memory_space<vmem>>
          %dma_start3A_283 = tpu.memref_squeeze %dma_start3A_282 : memref<1x16xf32, #tpu.memory_space<vmem>> -> memref<16xf32, #tpu.memory_space<vmem>>
          %dma_start3A_284 = arith.constant 0 : i32
          %dma_start3A_285 = tpu.memref_slice %arg3[%add3A_274, %dma_start3A_284] : memref<16384x16xf32, #tpu.memory_space<hbm>> -> memref<1x16xf32, #tpu.memory_space<hbm>>
          %dma_start3A_286 = tpu.memref_squeeze %dma_start3A_285 : memref<1x16xf32, #tpu.memory_space<hbm>> -> memref<16xf32, #tpu.memory_space<hbm>>
          tpu.enqueue_dma source(%dma_start3A_286 : memref<16xf32, #tpu.memory_space<hbm>>) target(%dma_start3A_283 : memref<16xf32, #tpu.memory_space<vmem>>) target_semaphore(%arg10 : memref<!tpu.dma_semaphore, #tpu.memory_space<semaphore_mem>>)
          %mul3A_287 = arith.constant 16 : i32
          %mul3A_288 = arith.muli %scan3A_218, %mul3A_287 : i32
          %add3A_289 = arith.constant 4 : i32
          %add3A_290 = arith.addi %mul3A_288, %add3A_289 : i32
          %add3A_291 = arith.addi %multiple_of3A, %add3A_290 : i32
          %dma_start3A_292 = arith.constant 64 : i32
          %dma_start3A_293 = tpu.memref_slice %arg8[%add3A_290, %dma_start3A_292] : memref<512x128xf32, #tpu.memory_space<vmem>> -> memref<1x16xf32, #tpu.memory_space<vmem>>
          %dma_start3A_294 = tpu.memref_squeeze %dma_start3A_293 : memref<1x16xf32, #tpu.memory_space<vmem>> -> memref<16xf32, #tpu.memory_space<vmem>>
          %dma_start3A_295 = arith.constant 0 : i32
          %dma_start3A_296 = tpu.memref_slice %arg3[%add3A_291, %dma_start3A_295] : memref<16384x16xf32, #tpu.memory_space<hbm>> -> memref<1x16xf32, #tpu.memory_space<hbm>>
          %dma_start3A_297 = tpu.memref_squeeze %dma_start3A_296 : memref<1x16xf32, #tpu.memory_space<hbm>> -> memref<16xf32, #tpu.memory_space<hbm>>
          %dma_start3A_298 = arith.constant 64 : i32
          %dma_start3A_299 = tpu.memref_slice %arg8[%add3A_290, %dma_start3A_298] : memref<512x128xf32, #tpu.memory_space<vmem>> -> memref<1x16xf32, #tpu.memory_space<vmem>>
          %dma_start3A_300 = tpu.memref_squeeze %dma_start3A_299 : memref<1x16xf32, #tpu.memory_space<vmem>> -> memref<16xf32, #tpu.memory_space<vmem>>
          %dma_start3A_301 = arith.constant 0 : i32
          %dma_start3A_302 = tpu.memref_slice %arg3[%add3A_291, %dma_start3A_301] : memref<16384x16xf32, #tpu.memory_space<hbm>> -> memref<1x16xf32, #tpu.memory_space<hbm>>
          %dma_start3A_303 = tpu.memref_squeeze %dma_start3A_302 : memref<1x16xf32, #tpu.memory_space<hbm>> -> memref<16xf32, #tpu.memory_space<hbm>>
          tpu.enqueue_dma source(%dma_start3A_303 : memref<16xf32, #tpu.memory_space<hbm>>) target(%dma_start3A_300 : memref<16xf32, #tpu.memory_space<vmem>>) target_semaphore(%arg10 : memref<!tpu.dma_semaphore, #tpu.memory_space<semaphore_mem>>)
          %mul3A_304 = arith.constant 16 : i32
          %mul3A_305 = arith.muli %scan3A_218, %mul3A_304 : i32
          %add3A_306 = arith.constant 5 : i32
          %add3A_307 = arith.addi %mul3A_305, %add3A_306 : i32
          %add3A_308 = arith.addi %multiple_of3A, %add3A_307 : i32
          %dma_start3A_309 = arith.constant 64 : i32
          %dma_start3A_310 = tpu.memref_slice %arg8[%add3A_307, %dma_start3A_309] : memref<512x128xf32, #tpu.memory_space<vmem>> -> memref<1x16xf32, #tpu.memory_space<vmem>>
          %dma_start3A_311 = tpu.memref_squeeze %dma_start3A_310 : memref<1x16xf32, #tpu.memory_space<vmem>> -> memref<16xf32, #tpu.memory_space<vmem>>
          %dma_start3A_312 = arith.constant 0 : i32
          %dma_start3A_313 = tpu.memref_slice %arg3[%add3A_308, %dma_start3A_312] : memref<16384x16xf32, #tpu.memory_space<hbm>> -> memref<1x16xf32, #tpu.memory_space<hbm>>
          %dma_start3A_314 = tpu.memref_squeeze %dma_start3A_313 : memref<1x16xf32, #tpu.memory_space<hbm>> -> memref<16xf32, #tpu.memory_space<hbm>>
          %dma_start3A_315 = arith.constant 64 : i32
          %dma_start3A_316 = tpu.memref_slice %arg8[%add3A_307, %dma_start3A_315] : memref<512x128xf32, #tpu.memory_space<vmem>> -> memref<1x16xf32, #tpu.memory_space<vmem>>
          %dma_start3A_317 = tpu.memref_squeeze %dma_start3A_316 : memref<1x16xf32, #tpu.memory_space<vmem>> -> memref<16xf32, #tpu.memory_space<vmem>>
          %dma_start3A_318 = arith.constant 0 : i32
          %dma_start3A_319 = tpu.memref_slice %arg3[%add3A_308, %dma_start3A_318] : memref<16384x16xf32, #tpu.memory_space<hbm>> -> memref<1x16xf32, #tpu.memory_space<hbm>>
          %dma_start3A_320 = tpu.memref_squeeze %dma_start3A_319 : memref<1x16xf32, #tpu.memory_space<hbm>> -> memref<16xf32, #tpu.memory_space<hbm>>
          tpu.enqueue_dma source(%dma_start3A_320 : memref<16xf32, #tpu.memory_space<hbm>>) target(%dma_start3A_317 : memref<16xf32, #tpu.memory_space<vmem>>) target_semaphore(%arg10 : memref<!tpu.dma_semaphore, #tpu.memory_space<semaphore_mem>>)
          %mul3A_321 = arith.constant 16 : i32
          %mul3A_322 = arith.muli %scan3A_218, %mul3A_321 : i32
          %add3A_323 = arith.constant 6 : i32
          %add3A_324 = arith.addi %mul3A_322, %add3A_323 : i32
          %add3A_325 = arith.addi %multiple_of3A, %add3A_324 : i32
          %dma_start3A_326 = arith.constant 64 : i32
          %dma_start3A_327 = tpu.memref_slice %arg8[%add3A_324, %dma_start3A_326] : memref<512x128xf32, #tpu.memory_space<vmem>> -> memref<1x16xf32, #tpu.memory_space<vmem>>
          %dma_start3A_328 = tpu.memref_squeeze %dma_start3A_327 : memref<1x16xf32, #tpu.memory_space<vmem>> -> memref<16xf32, #tpu.memory_space<vmem>>
          %dma_start3A_329 = arith.constant 0 : i32
          %dma_start3A_330 = tpu.memref_slice %arg3[%add3A_325, %dma_start3A_329] : memref<16384x16xf32, #tpu.memory_space<hbm>> -> memref<1x16xf32, #tpu.memory_space<hbm>>
          %dma_start3A_331 = tpu.memref_squeeze %dma_start3A_330 : memref<1x16xf32, #tpu.memory_space<hbm>> -> memref<16xf32, #tpu.memory_space<hbm>>
          %dma_start3A_332 = arith.constant 64 : i32
          %dma_start3A_333 = tpu.memref_slice %arg8[%add3A_324, %dma_start3A_332] : memref<512x128xf32, #tpu.memory_space<vmem>> -> memref<1x16xf32, #tpu.memory_space<vmem>>
          %dma_start3A_334 = tpu.memref_squeeze %dma_start3A_333 : memref<1x16xf32, #tpu.memory_space<vmem>> -> memref<16xf32, #tpu.memory_space<vmem>>
          %dma_start3A_335 = arith.constant 0 : i32
          %dma_start3A_336 = tpu.memref_slice %arg3[%add3A_325, %dma_start3A_335] : memref<16384x16xf32, #tpu.memory_space<hbm>> -> memref<1x16xf32, #tpu.memory_space<hbm>>
          %dma_start3A_337 = tpu.memref_squeeze %dma_start3A_336 : memref<1x16xf32, #tpu.memory_space<hbm>> -> memref<16xf32, #tpu.memory_space<hbm>>
          tpu.enqueue_dma source(%dma_start3A_337 : memref<16xf32, #tpu.memory_space<hbm>>) target(%dma_start3A_334 : memref<16xf32, #tpu.memory_space<vmem>>) target_semaphore(%arg10 : memref<!tpu.dma_semaphore, #tpu.memory_space<semaphore_mem>>)
          %mul3A_338 = arith.constant 16 : i32
          %mul3A_339 = arith.muli %scan3A_218, %mul3A_338 : i32
          %add3A_340 = arith.constant 7 : i32
          %add3A_341 = arith.addi %mul3A_339, %add3A_340 : i32
          %add3A_342 = arith.addi %multiple_of3A, %add3A_341 : i32
          %dma_start3A_343 = arith.constant 64 : i32
          %dma_start3A_344 = tpu.memref_slice %arg8[%add3A_341, %dma_start3A_343] : memref<512x128xf32, #tpu.memory_space<vmem>> -> memref<1x16xf32, #tpu.memory_space<vmem>>
          %dma_start3A_345 = tpu.memref_squeeze %dma_start3A_344 : memref<1x16xf32, #tpu.memory_space<vmem>> -> memref<16xf32, #tpu.memory_space<vmem>>
          %dma_start3A_346 = arith.constant 0 : i32
          %dma_start3A_347 = tpu.memref_slice %arg3[%add3A_342, %dma_start3A_346] : memref<16384x16xf32, #tpu.memory_space<hbm>> -> memref<1x16xf32, #tpu.memory_space<hbm>>
          %dma_start3A_348 = tpu.memref_squeeze %dma_start3A_347 : memref<1x16xf32, #tpu.memory_space<hbm>> -> memref<16xf32, #tpu.memory_space<hbm>>
          %dma_start3A_349 = arith.constant 64 : i32
          %dma_start3A_350 = tpu.memref_slice %arg8[%add3A_341, %dma_start3A_349] : memref<512x128xf32, #tpu.memory_space<vmem>> -> memref<1x16xf32, #tpu.memory_space<vmem>>
          %dma_start3A_351 = tpu.memref_squeeze %dma_start3A_350 : memref<1x16xf32, #tpu.memory_space<vmem>> -> memref<16xf32, #tpu.memory_space<vmem>>
          %dma_start3A_352 = arith.constant 0 : i32
          %dma_start3A_353 = tpu.memref_slice %arg3[%add3A_342, %dma_start3A_352] : memref<16384x16xf32, #tpu.memory_space<hbm>> -> memref<1x16xf32, #tpu.memory_space<hbm>>
          %dma_start3A_354 = tpu.memref_squeeze %dma_start3A_353 : memref<1x16xf32, #tpu.memory_space<hbm>> -> memref<16xf32, #tpu.memory_space<hbm>>
          tpu.enqueue_dma source(%dma_start3A_354 : memref<16xf32, #tpu.memory_space<hbm>>) target(%dma_start3A_351 : memref<16xf32, #tpu.memory_space<vmem>>) target_semaphore(%arg10 : memref<!tpu.dma_semaphore, #tpu.memory_space<semaphore_mem>>)
          %mul3A_355 = arith.constant 16 : i32
          %mul3A_356 = arith.muli %scan3A_218, %mul3A_355 : i32
          %add3A_357 = arith.constant 8 : i32
          %add3A_358 = arith.addi %mul3A_356, %add3A_357 : i32
          %add3A_359 = arith.addi %multiple_of3A, %add3A_358 : i32
          %dma_start3A_360 = arith.constant 64 : i32
          %dma_start3A_361 = tpu.memref_slice %arg8[%add3A_358, %dma_start3A_360] : memref<512x128xf32, #tpu.memory_space<vmem>> -> memref<1x16xf32, #tpu.memory_space<vmem>>
          %dma_start3A_362 = tpu.memref_squeeze %dma_start3A_361 : memref<1x16xf32, #tpu.memory_space<vmem>> -> memref<16xf32, #tpu.memory_space<vmem>>
          %dma_start3A_363 = arith.constant 0 : i32
          %dma_start3A_364 = tpu.memref_slice %arg3[%add3A_359, %dma_start3A_363] : memref<16384x16xf32, #tpu.memory_space<hbm>> -> memref<1x16xf32, #tpu.memory_space<hbm>>
          %dma_start3A_365 = tpu.memref_squeeze %dma_start3A_364 : memref<1x16xf32, #tpu.memory_space<hbm>> -> memref<16xf32, #tpu.memory_space<hbm>>
          %dma_start3A_366 = arith.constant 64 : i32
          %dma_start3A_367 = tpu.memref_slice %arg8[%add3A_358, %dma_start3A_366] : memref<512x128xf32, #tpu.memory_space<vmem>> -> memref<1x16xf32, #tpu.memory_space<vmem>>
          %dma_start3A_368 = tpu.memref_squeeze %dma_start3A_367 : memref<1x16xf32, #tpu.memory_space<vmem>> -> memref<16xf32, #tpu.memory_space<vmem>>
          %dma_start3A_369 = arith.constant 0 : i32
          %dma_start3A_370 = tpu.memref_slice %arg3[%add3A_359, %dma_start3A_369] : memref<16384x16xf32, #tpu.memory_space<hbm>> -> memref<1x16xf32, #tpu.memory_space<hbm>>
          %dma_start3A_371 = tpu.memref_squeeze %dma_start3A_370 : memref<1x16xf32, #tpu.memory_space<hbm>> -> memref<16xf32, #tpu.memory_space<hbm>>
          tpu.enqueue_dma source(%dma_start3A_371 : memref<16xf32, #tpu.memory_space<hbm>>) target(%dma_start3A_368 : memref<16xf32, #tpu.memory_space<vmem>>) target_semaphore(%arg10 : memref<!tpu.dma_semaphore, #tpu.memory_space<semaphore_mem>>)
          %mul3A_372 = arith.constant 16 : i32
          %mul3A_373 = arith.muli %scan3A_218, %mul3A_372 : i32
          %add3A_374 = arith.constant 9 : i32
          %add3A_375 = arith.addi %mul3A_373, %add3A_374 : i32
          %add3A_376 = arith.addi %multiple_of3A, %add3A_375 : i32
          %dma_start3A_377 = arith.constant 64 : i32
          %dma_start3A_378 = tpu.memref_slice %arg8[%add3A_375, %dma_start3A_377] : memref<512x128xf32, #tpu.memory_space<vmem>> -> memref<1x16xf32, #tpu.memory_space<vmem>>
          %dma_start3A_379 = tpu.memref_squeeze %dma_start3A_378 : memref<1x16xf32, #tpu.memory_space<vmem>> -> memref<16xf32, #tpu.memory_space<vmem>>
          %dma_start3A_380 = arith.constant 0 : i32
          %dma_start3A_381 = tpu.memref_slice %arg3[%add3A_376, %dma_start3A_380] : memref<16384x16xf32, #tpu.memory_space<hbm>> -> memref<1x16xf32, #tpu.memory_space<hbm>>
          %dma_start3A_382 = tpu.memref_squeeze %dma_start3A_381 : memref<1x16xf32, #tpu.memory_space<hbm>> -> memref<16xf32, #tpu.memory_space<hbm>>
          %dma_start3A_383 = arith.constant 64 : i32
          %dma_start3A_384 = tpu.memref_slice %arg8[%add3A_375, %dma_start3A_383] : memref<512x128xf32, #tpu.memory_space<vmem>> -> memref<1x16xf32, #tpu.memory_space<vmem>>
          %dma_start3A_385 = tpu.memref_squeeze %dma_start3A_384 : memref<1x16xf32, #tpu.memory_space<vmem>> -> memref<16xf32, #tpu.memory_space<vmem>>
          %dma_start3A_386 = arith.constant 0 : i32
          %dma_start3A_387 = tpu.memref_slice %arg3[%add3A_376, %dma_start3A_386] : memref<16384x16xf32, #tpu.memory_space<hbm>> -> memref<1x16xf32, #tpu.memory_space<hbm>>
          %dma_start3A_388 = tpu.memref_squeeze %dma_start3A_387 : memref<1x16xf32, #tpu.memory_space<hbm>> -> memref<16xf32, #tpu.memory_space<hbm>>
          tpu.enqueue_dma source(%dma_start3A_388 : memref<16xf32, #tpu.memory_space<hbm>>) target(%dma_start3A_385 : memref<16xf32, #tpu.memory_space<vmem>>) target_semaphore(%arg10 : memref<!tpu.dma_semaphore, #tpu.memory_space<semaphore_mem>>)
          %mul3A_389 = arith.constant 16 : i32
          %mul3A_390 = arith.muli %scan3A_218, %mul3A_389 : i32
          %add3A_391 = arith.constant 10 : i32
          %add3A_392 = arith.addi %mul3A_390, %add3A_391 : i32
          %add3A_393 = arith.addi %multiple_of3A, %add3A_392 : i32
          %dma_start3A_394 = arith.constant 64 : i32
          %dma_start3A_395 = tpu.memref_slice %arg8[%add3A_392, %dma_start3A_394] : memref<512x128xf32, #tpu.memory_space<vmem>> -> memref<1x16xf32, #tpu.memory_space<vmem>>
          %dma_start3A_396 = tpu.memref_squeeze %dma_start3A_395 : memref<1x16xf32, #tpu.memory_space<vmem>> -> memref<16xf32, #tpu.memory_space<vmem>>
          %dma_start3A_397 = arith.constant 0 : i32
          %dma_start3A_398 = tpu.memref_slice %arg3[%add3A_393, %dma_start3A_397] : memref<16384x16xf32, #tpu.memory_space<hbm>> -> memref<1x16xf32, #tpu.memory_space<hbm>>
          %dma_start3A_399 = tpu.memref_squeeze %dma_start3A_398 : memref<1x16xf32, #tpu.memory_space<hbm>> -> memref<16xf32, #tpu.memory_space<hbm>>
          %dma_start3A_400 = arith.constant 64 : i32
          %dma_start3A_401 = tpu.memref_slice %arg8[%add3A_392, %dma_start3A_400] : memref<512x128xf32, #tpu.memory_space<vmem>> -> memref<1x16xf32, #tpu.memory_space<vmem>>
          %dma_start3A_402 = tpu.memref_squeeze %dma_start3A_401 : memref<1x16xf32, #tpu.memory_space<vmem>> -> memref<16xf32, #tpu.memory_space<vmem>>
          %dma_start3A_403 = arith.constant 0 : i32
          %dma_start3A_404 = tpu.memref_slice %arg3[%add3A_393, %dma_start3A_403] : memref<16384x16xf32, #tpu.memory_space<hbm>> -> memref<1x16xf32, #tpu.memory_space<hbm>>
          %dma_start3A_405 = tpu.memref_squeeze %dma_start3A_404 : memref<1x16xf32, #tpu.memory_space<hbm>> -> memref<16xf32, #tpu.memory_space<hbm>>
          tpu.enqueue_dma source(%dma_start3A_405 : memref<16xf32, #tpu.memory_space<hbm>>) target(%dma_start3A_402 : memref<16xf32, #tpu.memory_space<vmem>>) target_semaphore(%arg10 : memref<!tpu.dma_semaphore, #tpu.memory_space<semaphore_mem>>)
          %mul3A_406 = arith.constant 16 : i32
          %mul3A_407 = arith.muli %scan3A_218, %mul3A_406 : i32
          %add3A_408 = arith.constant 11 : i32
          %add3A_409 = arith.addi %mul3A_407, %add3A_408 : i32
          %add3A_410 = arith.addi %multiple_of3A, %add3A_409 : i32
          %dma_start3A_411 = arith.constant 64 : i32
          %dma_start3A_412 = tpu.memref_slice %arg8[%add3A_409, %dma_start3A_411] : memref<512x128xf32, #tpu.memory_space<vmem>> -> memref<1x16xf32, #tpu.memory_space<vmem>>
          %dma_start3A_413 = tpu.memref_squeeze %dma_start3A_412 : memref<1x16xf32, #tpu.memory_space<vmem>> -> memref<16xf32, #tpu.memory_space<vmem>>
          %dma_start3A_414 = arith.constant 0 : i32
          %dma_start3A_415 = tpu.memref_slice %arg3[%add3A_410, %dma_start3A_414] : memref<16384x16xf32, #tpu.memory_space<hbm>> -> memref<1x16xf32, #tpu.memory_space<hbm>>
          %dma_start3A_416 = tpu.memref_squeeze %dma_start3A_415 : memref<1x16xf32, #tpu.memory_space<hbm>> -> memref<16xf32, #tpu.memory_space<hbm>>
          %dma_start3A_417 = arith.constant 64 : i32
          %dma_start3A_418 = tpu.memref_slice %arg8[%add3A_409, %dma_start3A_417] : memref<512x128xf32, #tpu.memory_space<vmem>> -> memref<1x16xf32, #tpu.memory_space<vmem>>
          %dma_start3A_419 = tpu.memref_squeeze %dma_start3A_418 : memref<1x16xf32, #tpu.memory_space<vmem>> -> memref<16xf32, #tpu.memory_space<vmem>>
          %dma_start3A_420 = arith.constant 0 : i32
          %dma_start3A_421 = tpu.memref_slice %arg3[%add3A_410, %dma_start3A_420] : memref<16384x16xf32, #tpu.memory_space<hbm>> -> memref<1x16xf32, #tpu.memory_space<hbm>>
          %dma_start3A_422 = tpu.memref_squeeze %dma_start3A_421 : memref<1x16xf32, #tpu.memory_space<hbm>> -> memref<16xf32, #tpu.memory_space<hbm>>
          tpu.enqueue_dma source(%dma_start3A_422 : memref<16xf32, #tpu.memory_space<hbm>>) target(%dma_start3A_419 : memref<16xf32, #tpu.memory_space<vmem>>) target_semaphore(%arg10 : memref<!tpu.dma_semaphore, #tpu.memory_space<semaphore_mem>>)
          %mul3A_423 = arith.constant 16 : i32
          %mul3A_424 = arith.muli %scan3A_218, %mul3A_423 : i32
          %add3A_425 = arith.constant 12 : i32
          %add3A_426 = arith.addi %mul3A_424, %add3A_425 : i32
          %add3A_427 = arith.addi %multiple_of3A, %add3A_426 : i32
          %dma_start3A_428 = arith.constant 64 : i32
          %dma_start3A_429 = tpu.memref_slice %arg8[%add3A_426, %dma_start3A_428] : memref<512x128xf32, #tpu.memory_space<vmem>> -> memref<1x16xf32, #tpu.memory_space<vmem>>
          %dma_start3A_430 = tpu.memref_squeeze %dma_start3A_429 : memref<1x16xf32, #tpu.memory_space<vmem>> -> memref<16xf32, #tpu.memory_space<vmem>>
          %dma_start3A_431 = arith.constant 0 : i32
          %dma_start3A_432 = tpu.memref_slice %arg3[%add3A_427, %dma_start3A_431] : memref<16384x16xf32, #tpu.memory_space<hbm>> -> memref<1x16xf32, #tpu.memory_space<hbm>>
          %dma_start3A_433 = tpu.memref_squeeze %dma_start3A_432 : memref<1x16xf32, #tpu.memory_space<hbm>> -> memref<16xf32, #tpu.memory_space<hbm>>
          %dma_start3A_434 = arith.constant 64 : i32
          %dma_start3A_435 = tpu.memref_slice %arg8[%add3A_426, %dma_start3A_434] : memref<512x128xf32, #tpu.memory_space<vmem>> -> memref<1x16xf32, #tpu.memory_space<vmem>>
          %dma_start3A_436 = tpu.memref_squeeze %dma_start3A_435 : memref<1x16xf32, #tpu.memory_space<vmem>> -> memref<16xf32, #tpu.memory_space<vmem>>
          %dma_start3A_437 = arith.constant 0 : i32
          %dma_start3A_438 = tpu.memref_slice %arg3[%add3A_427, %dma_start3A_437] : memref<16384x16xf32, #tpu.memory_space<hbm>> -> memref<1x16xf32, #tpu.memory_space<hbm>>
          %dma_start3A_439 = tpu.memref_squeeze %dma_start3A_438 : memref<1x16xf32, #tpu.memory_space<hbm>> -> memref<16xf32, #tpu.memory_space<hbm>>
          tpu.enqueue_dma source(%dma_start3A_439 : memref<16xf32, #tpu.memory_space<hbm>>) target(%dma_start3A_436 : memref<16xf32, #tpu.memory_space<vmem>>) target_semaphore(%arg10 : memref<!tpu.dma_semaphore, #tpu.memory_space<semaphore_mem>>)
          %mul3A_440 = arith.constant 16 : i32
          %mul3A_441 = arith.muli %scan3A_218, %mul3A_440 : i32
          %add3A_442 = arith.constant 13 : i32
          %add3A_443 = arith.addi %mul3A_441, %add3A_442 : i32
          %add3A_444 = arith.addi %multiple_of3A, %add3A_443 : i32
          %dma_start3A_445 = arith.constant 64 : i32
          %dma_start3A_446 = tpu.memref_slice %arg8[%add3A_443, %dma_start3A_445] : memref<512x128xf32, #tpu.memory_space<vmem>> -> memref<1x16xf32, #tpu.memory_space<vmem>>
          %dma_start3A_447 = tpu.memref_squeeze %dma_start3A_446 : memref<1x16xf32, #tpu.memory_space<vmem>> -> memref<16xf32, #tpu.memory_space<vmem>>
          %dma_start3A_448 = arith.constant 0 : i32
          %dma_start3A_449 = tpu.memref_slice %arg3[%add3A_444, %dma_start3A_448] : memref<16384x16xf32, #tpu.memory_space<hbm>> -> memref<1x16xf32, #tpu.memory_space<hbm>>
          %dma_start3A_450 = tpu.memref_squeeze %dma_start3A_449 : memref<1x16xf32, #tpu.memory_space<hbm>> -> memref<16xf32, #tpu.memory_space<hbm>>
          %dma_start3A_451 = arith.constant 64 : i32
          %dma_start3A_452 = tpu.memref_slice %arg8[%add3A_443, %dma_start3A_451] : memref<512x128xf32, #tpu.memory_space<vmem>> -> memref<1x16xf32, #tpu.memory_space<vmem>>
          %dma_start3A_453 = tpu.memref_squeeze %dma_start3A_452 : memref<1x16xf32, #tpu.memory_space<vmem>> -> memref<16xf32, #tpu.memory_space<vmem>>
          %dma_start3A_454 = arith.constant 0 : i32
          %dma_start3A_455 = tpu.memref_slice %arg3[%add3A_444, %dma_start3A_454] : memref<16384x16xf32, #tpu.memory_space<hbm>> -> memref<1x16xf32, #tpu.memory_space<hbm>>
          %dma_start3A_456 = tpu.memref_squeeze %dma_start3A_455 : memref<1x16xf32, #tpu.memory_space<hbm>> -> memref<16xf32, #tpu.memory_space<hbm>>
          tpu.enqueue_dma source(%dma_start3A_456 : memref<16xf32, #tpu.memory_space<hbm>>) target(%dma_start3A_453 : memref<16xf32, #tpu.memory_space<vmem>>) target_semaphore(%arg10 : memref<!tpu.dma_semaphore, #tpu.memory_space<semaphore_mem>>)
          %mul3A_457 = arith.constant 16 : i32
          %mul3A_458 = arith.muli %scan3A_218, %mul3A_457 : i32
          %add3A_459 = arith.constant 14 : i32
          %add3A_460 = arith.addi %mul3A_458, %add3A_459 : i32
          %add3A_461 = arith.addi %multiple_of3A, %add3A_460 : i32
          %dma_start3A_462 = arith.constant 64 : i32
          %dma_start3A_463 = tpu.memref_slice %arg8[%add3A_460, %dma_start3A_462] : memref<512x128xf32, #tpu.memory_space<vmem>> -> memref<1x16xf32, #tpu.memory_space<vmem>>
          %dma_start3A_464 = tpu.memref_squeeze %dma_start3A_463 : memref<1x16xf32, #tpu.memory_space<vmem>> -> memref<16xf32, #tpu.memory_space<vmem>>
          %dma_start3A_465 = arith.constant 0 : i32
          %dma_start3A_466 = tpu.memref_slice %arg3[%add3A_461, %dma_start3A_465] : memref<16384x16xf32, #tpu.memory_space<hbm>> -> memref<1x16xf32, #tpu.memory_space<hbm>>
          %dma_start3A_467 = tpu.memref_squeeze %dma_start3A_466 : memref<1x16xf32, #tpu.memory_space<hbm>> -> memref<16xf32, #tpu.memory_space<hbm>>
          %dma_start3A_468 = arith.constant 64 : i32
          %dma_start3A_469 = tpu.memref_slice %arg8[%add3A_460, %dma_start3A_468] : memref<512x128xf32, #tpu.memory_space<vmem>> -> memref<1x16xf32, #tpu.memory_space<vmem>>
          %dma_start3A_470 = tpu.memref_squeeze %dma_start3A_469 : memref<1x16xf32, #tpu.memory_space<vmem>> -> memref<16xf32, #tpu.memory_space<vmem>>
          %dma_start3A_471 = arith.constant 0 : i32
          %dma_start3A_472 = tpu.memref_slice %arg3[%add3A_461, %dma_start3A_471] : memref<16384x16xf32, #tpu.memory_space<hbm>> -> memref<1x16xf32, #tpu.memory_space<hbm>>
          %dma_start3A_473 = tpu.memref_squeeze %dma_start3A_472 : memref<1x16xf32, #tpu.memory_space<hbm>> -> memref<16xf32, #tpu.memory_space<hbm>>
          tpu.enqueue_dma source(%dma_start3A_473 : memref<16xf32, #tpu.memory_space<hbm>>) target(%dma_start3A_470 : memref<16xf32, #tpu.memory_space<vmem>>) target_semaphore(%arg10 : memref<!tpu.dma_semaphore, #tpu.memory_space<semaphore_mem>>)
          %mul3A_474 = arith.constant 16 : i32
          %mul3A_475 = arith.muli %scan3A_218, %mul3A_474 : i32
          %add3A_476 = arith.constant 15 : i32
          %add3A_477 = arith.addi %mul3A_475, %add3A_476 : i32
          %add3A_478 = arith.addi %multiple_of3A, %add3A_477 : i32
          %dma_start3A_479 = arith.constant 64 : i32
          %dma_start3A_480 = tpu.memref_slice %arg8[%add3A_477, %dma_start3A_479] : memref<512x128xf32, #tpu.memory_space<vmem>> -> memref<1x16xf32, #tpu.memory_space<vmem>>
          %dma_start3A_481 = tpu.memref_squeeze %dma_start3A_480 : memref<1x16xf32, #tpu.memory_space<vmem>> -> memref<16xf32, #tpu.memory_space<vmem>>
          %dma_start3A_482 = arith.constant 0 : i32
          %dma_start3A_483 = tpu.memref_slice %arg3[%add3A_478, %dma_start3A_482] : memref<16384x16xf32, #tpu.memory_space<hbm>> -> memref<1x16xf32, #tpu.memory_space<hbm>>
          %dma_start3A_484 = tpu.memref_squeeze %dma_start3A_483 : memref<1x16xf32, #tpu.memory_space<hbm>> -> memref<16xf32, #tpu.memory_space<hbm>>
          %dma_start3A_485 = arith.constant 64 : i32
          %dma_start3A_486 = tpu.memref_slice %arg8[%add3A_477, %dma_start3A_485] : memref<512x128xf32, #tpu.memory_space<vmem>> -> memref<1x16xf32, #tpu.memory_space<vmem>>
          %dma_start3A_487 = tpu.memref_squeeze %dma_start3A_486 : memref<1x16xf32, #tpu.memory_space<vmem>> -> memref<16xf32, #tpu.memory_space<vmem>>
          %dma_start3A_488 = arith.constant 0 : i32
          %dma_start3A_489 = tpu.memref_slice %arg3[%add3A_478, %dma_start3A_488] : memref<16384x16xf32, #tpu.memory_space<hbm>> -> memref<1x16xf32, #tpu.memory_space<hbm>>
          %dma_start3A_490 = tpu.memref_squeeze %dma_start3A_489 : memref<1x16xf32, #tpu.memory_space<hbm>> -> memref<16xf32, #tpu.memory_space<hbm>>
          tpu.enqueue_dma source(%dma_start3A_490 : memref<16xf32, #tpu.memory_space<hbm>>) target(%dma_start3A_487 : memref<16xf32, #tpu.memory_space<vmem>>) target_semaphore(%arg10 : memref<!tpu.dma_semaphore, #tpu.memory_space<semaphore_mem>>)
        }
        %scan3A_205 = arith.constant 32 : i32
        %dma_wait3A_206 = arith.constant 0 : i32
        %dma_wait3A_207 = arith.constant 0 : i32
        %dma_wait3A_208 = tpu.memref_slice %arg8[%dma_wait3A_206, %dma_wait3A_207] : memref<512x128xf32, #tpu.memory_space<vmem>> -> memref<64x128xf32, #tpu.memory_space<vmem>>
        %dma_wait3A_209 = arith.constant 0 : i32
        %dma_wait3A_210 = tpu.memref_slice %arg5[%scan3A_8, %multiple_of3A, %dma_wait3A_209] : memref<7x16384x128xf32, #tpu.memory_space<hbm>> -> memref<1x64x128xf32, #tpu.memory_space<hbm>>
        %dma_wait3A_211 = tpu.memref_squeeze %dma_wait3A_210 : memref<1x64x128xf32, #tpu.memory_space<hbm>> -> memref<64x128xf32, #tpu.memory_space<hbm>>
        %dma_wait3A_212 = arith.constant 0 : i32
        %dma_wait3A_213 = arith.constant 0 : i32
        %dma_wait3A_214 = tpu.memref_slice %arg8[%dma_wait3A_212, %dma_wait3A_213] : memref<512x128xf32, #tpu.memory_space<vmem>> -> memref<64x128xf32, #tpu.memory_space<vmem>>
        %dma_wait3A_215 = arith.constant 0 : i32
        %dma_wait3A_216 = tpu.memref_slice %arg5[%scan3A_8, %multiple_of3A, %dma_wait3A_215] : memref<7x16384x128xf32, #tpu.memory_space<hbm>> -> memref<1x64x128xf32, #tpu.memory_space<hbm>>
        %dma_wait3A_217 = tpu.memref_squeeze %dma_wait3A_216 : memref<1x64x128xf32, #tpu.memory_space<hbm>> -> memref<64x128xf32, #tpu.memory_space<hbm>>
        tpu.wait_dma2 semaphore(%arg10 : memref<!tpu.dma_semaphore, #tpu.memory_space<semaphore_mem>>) src(%dma_wait3A_217 : memref<64x128xf32, #tpu.memory_space<hbm>>) dst(%dma_wait3A_214 : memref<64x128xf32, #tpu.memory_space<vmem>>)
      } else {
      }
      %dma_start3A = arith.constant 0 : i32
      %dma_start3A_56 = tpu.memref_slice %arg5[%scan3A_8, %multiple_of3A, %dma_start3A] : memref<7x16384x128xf32, #tpu.memory_space<hbm>> -> memref<1x512x128xf32, #tpu.memory_space<hbm>>
      %dma_start3A_57 = tpu.memref_squeeze %dma_start3A_56 : memref<1x512x128xf32, #tpu.memory_space<hbm>> -> memref<512x128xf32, #tpu.memory_space<hbm>>
      %dma_start3A_58 = arith.constant 0 : i32
      %dma_start3A_59 = tpu.memref_slice %arg5[%scan3A_8, %multiple_of3A, %dma_start3A_58] : memref<7x16384x128xf32, #tpu.memory_space<hbm>> -> memref<1x512x128xf32, #tpu.memory_space<hbm>>
      %dma_start3A_60 = tpu.memref_squeeze %dma_start3A_59 : memref<1x512x128xf32, #tpu.memory_space<hbm>> -> memref<512x128xf32, #tpu.memory_space<hbm>>
      tpu.enqueue_dma source(%arg8 : memref<512x128xf32, #tpu.memory_space<vmem>>) target(%dma_start3A_60 : memref<512x128xf32, #tpu.memory_space<hbm>>) target_semaphore(%arg11 : memref<!tpu.dma_semaphore, #tpu.memory_space<semaphore_mem>>)
      %broadcast_in_dim3A = arith.constant 0.000000e+00 : f32
      %broadcast_in_dim3A_61 = vector.broadcast %broadcast_in_dim3A : f32 to vector<16xf32>
      %scan3A_62 = arith.constant 0 : i32
      %scan3A_63 = arith.constant 512 : i32
      %scan3A_64 = arith.addi %scan3A_62, %scan3A_63 : i32
      %scan3A_65 = arith.constant 1 : i32
      %scan3A_66:16 = scf.for %scan3A_200 = %scan3A_62 to %scan3A_64 step %scan3A_65 iter_args(%scan3A_201 = %broadcast_in_dim3A_61, %scan3A_202 = %broadcast_in_dim3A_61, %scan3A_203 = %broadcast_in_dim3A_61, %scan3A_204 = %broadcast_in_dim3A_61, %scan3A_205 = %broadcast_in_dim3A_61, %scan3A_206 = %broadcast_in_dim3A_61, %scan3A_207 = %broadcast_in_dim3A_61, %scan3A_208 = %broadcast_in_dim3A_61, %scan3A_209 = %broadcast_in_dim3A_61, %scan3A_210 = %broadcast_in_dim3A_61, %scan3A_211 = %broadcast_in_dim3A_61, %scan3A_212 = %broadcast_in_dim3A_61, %scan3A_213 = %broadcast_in_dim3A_61, %scan3A_214 = %broadcast_in_dim3A_61, %scan3A_215 = %broadcast_in_dim3A_61, %scan3A_216 = %broadcast_in_dim3A_61) -> (vector<16xf32>, vector<16xf32>, vector<16xf32>, vector<16xf32>, vector<16xf32>, vector<16xf32>, vector<16xf32>, vector<16xf32>, vector<16xf32>, vector<16xf32>, vector<16xf32>, vector<16xf32>, vector<16xf32>, vector<16xf32>, vector<16xf32>, vector<16xf32>)  : i32 {
        %get3A = arith.index_cast %scan3A_200 : i32 to index
        %get3A_217 = arith.constant 0 : index
        %get3A_218 = tpu.vector_load %arg8[%get3A, %get3A_217] {strides = array<i32>} : memref<512x128xf32, #tpu.memory_space<vmem>>, vector<1x16xf32>,
        %get3A_219 = vector.shape_cast %get3A_218 : vector<1x16xf32> to vector<16xf32>
        %add3A_220 = arith.addf %scan3A_201, %get3A_219 : vector<16xf32>
        %mul3A_221 = arith.mulf %get3A_219, %get3A_219 : vector<16xf32>
        %add3A_222 = arith.addf %scan3A_209, %mul3A_221 : vector<16xf32>
        %get3A_223 = arith.index_cast %scan3A_200 : i32 to index
        %get3A_224 = arith.constant 16 : index
        %get3A_225 = tpu.vector_load %arg8[%get3A_223, %get3A_224] {strides = array<i32>} : memref<512x128xf32, #tpu.memory_space<vmem>>, vector<1x16xf32>,
        %get3A_226 = vector.shape_cast %get3A_225 : vector<1x16xf32> to vector<16xf32>
        %add3A_227 = arith.addf %scan3A_202, %get3A_226 : vector<16xf32>
        %mul3A_228 = arith.mulf %get3A_226, %get3A_226 : vector<16xf32>
        %add3A_229 = arith.addf %scan3A_210, %mul3A_228 : vector<16xf32>
        %get3A_230 = arith.index_cast %scan3A_200 : i32 to index
        %get3A_231 = arith.constant 32 : index
        %get3A_232 = tpu.vector_load %arg8[%get3A_230, %get3A_231] {strides = array<i32>} : memref<512x128xf32, #tpu.memory_space<vmem>>, vector<1x16xf32>,
        %get3A_233 = vector.shape_cast %get3A_232 : vector<1x16xf32> to vector<16xf32>
        %add3A_234 = arith.addf %scan3A_203, %get3A_233 : vector<16xf32>
        %mul3A_235 = arith.mulf %get3A_233, %get3A_233 : vector<16xf32>
        %add3A_236 = arith.addf %scan3A_211, %mul3A_235 : vector<16xf32>
        %get3A_237 = arith.index_cast %scan3A_200 : i32 to index
        %get3A_238 = arith.constant 48 : index
        %get3A_239 = tpu.vector_load %arg8[%get3A_237, %get3A_238] {strides = array<i32>} : memref<512x128xf32, #tpu.memory_space<vmem>>, vector<1x16xf32>,
        %get3A_240 = vector.shape_cast %get3A_239 : vector<1x16xf32> to vector<16xf32>
        %add3A_241 = arith.addf %scan3A_204, %get3A_240 : vector<16xf32>
        %mul3A_242 = arith.mulf %get3A_240, %get3A_240 : vector<16xf32>
        %add3A_243 = arith.addf %scan3A_212, %mul3A_242 : vector<16xf32>
        %get3A_244 = arith.index_cast %scan3A_200 : i32 to index
        %get3A_245 = arith.constant 64 : index
        %get3A_246 = tpu.vector_load %arg8[%get3A_244, %get3A_245] {strides = array<i32>} : memref<512x128xf32, #tpu.memory_space<vmem>>, vector<1x16xf32>,
        %get3A_247 = vector.shape_cast %get3A_246 : vector<1x16xf32> to vector<16xf32>
        %add3A_248 = arith.addf %scan3A_205, %get3A_247 : vector<16xf32>
        %mul3A_249 = arith.mulf %get3A_247, %get3A_247 : vector<16xf32>
        %add3A_250 = arith.addf %scan3A_213, %mul3A_249 : vector<16xf32>
        %get3A_251 = arith.index_cast %scan3A_200 : i32 to index
        %get3A_252 = arith.constant 80 : index
        %get3A_253 = tpu.vector_load %arg8[%get3A_251, %get3A_252] {strides = array<i32>} : memref<512x128xf32, #tpu.memory_space<vmem>>, vector<1x16xf32>,
        %get3A_254 = vector.shape_cast %get3A_253 : vector<1x16xf32> to vector<16xf32>
        %add3A_255 = arith.addf %scan3A_206, %get3A_254 : vector<16xf32>
        %mul3A_256 = arith.mulf %get3A_254, %get3A_254 : vector<16xf32>
        %add3A_257 = arith.addf %scan3A_214, %mul3A_256 : vector<16xf32>
        %get3A_258 = arith.index_cast %scan3A_200 : i32 to index
        %get3A_259 = arith.constant 96 : index
        %get3A_260 = tpu.vector_load %arg8[%get3A_258, %get3A_259] {strides = array<i32>} : memref<512x128xf32, #tpu.memory_space<vmem>>, vector<1x16xf32>,
        %get3A_261 = vector.shape_cast %get3A_260 : vector<1x16xf32> to vector<16xf32>
        %add3A_262 = arith.addf %scan3A_207, %get3A_261 : vector<16xf32>
        %mul3A_263 = arith.mulf %get3A_261, %get3A_261 : vector<16xf32>
        %add3A_264 = arith.addf %scan3A_215, %mul3A_263 : vector<16xf32>
        %get3A_265 = arith.index_cast %scan3A_200 : i32 to index
        %get3A_266 = arith.constant 112 : index
        %get3A_267 = tpu.vector_load %arg8[%get3A_265, %get3A_266] {strides = array<i32>} : memref<512x128xf32, #tpu.memory_space<vmem>>, vector<1x16xf32>,
        %get3A_268 = vector.shape_cast %get3A_267 : vector<1x16xf32> to vector<16xf32>
        %add3A_269 = arith.addf %scan3A_208, %get3A_268 : vector<16xf32>
        %mul3A_270 = arith.mulf %get3A_268, %get3A_268 : vector<16xf32>
        %add3A_271 = arith.addf %scan3A_216, %mul3A_270 : vector<16xf32>
        scf.yield %add3A_220, %add3A_227, %add3A_234, %add3A_241, %add3A_248, %add3A_255, %add3A_262, %add3A_269, %add3A_222, %add3A_229, %add3A_236, %add3A_243, %add3A_250, %add3A_257, %add3A_264, %add3A_271 : vector<16xf32>, vector<16xf32>, vector<16xf32>, vector<16xf32>, vector<16xf32>, vector<16xf32>, vector<16xf32>, vector<16xf32>, vector<16xf32>, vector<16xf32>, vector<16xf32>, vector<16xf32>, vector<16xf32>, vector<16xf32>, vector<16xf32>, vector<16xf32>
      }
      %scan3A_67 = arith.constant 512 : i32
      %mul3A_68 = arith.constant 2 : i32
      %mul3A_69 = arith.muli %mul3A_68, %scan3A_8 : i32
      %swap3A = arith.index_cast %mul3A_69 : i32 to index
      %swap3A_70 = arith.constant 0 : index
      %swap3A_71 = tpu.vector_load %arg9[%swap3A, %swap3A_70] {strides = array<i32>} : memref<14x128xf32, #tpu.memory_space<vmem>>, vector<1x16xf32>,
      %swap3A_72 = vector.shape_cast %swap3A_71 : vector<1x16xf32> to vector<16xf32>
      %swap3A_73 = vector.shape_cast %scan3A_66#0 : vector<16xf32> to vector<1x16xf32>
      tpu.vector_store %arg9[%swap3A, %swap3A_70], %swap3A_73 {strides = array<i32>} : memref<14x128xf32, #tpu.memory_space<vmem>>, vector<1x16xf32>,
      %mul3A_74 = arith.constant 2 : i32
      %mul3A_75 = arith.muli %mul3A_74, %scan3A_8 : i32
      %add3A_76 = arith.constant 1 : i32
      %add3A_77 = arith.addi %mul3A_75, %add3A_76 : i32
      %swap3A_78 = arith.index_cast %add3A_77 : i32 to index
      %swap3A_79 = arith.constant 0 : index
      %swap3A_80 = tpu.vector_load %arg9[%swap3A_78, %swap3A_79] {strides = array<i32>} : memref<14x128xf32, #tpu.memory_space<vmem>>, vector<1x16xf32>,
      %swap3A_81 = vector.shape_cast %swap3A_80 : vector<1x16xf32> to vector<16xf32>
      %swap3A_82 = vector.shape_cast %scan3A_66#8 : vector<16xf32> to vector<1x16xf32>
      tpu.vector_store %arg9[%swap3A_78, %swap3A_79], %swap3A_82 {strides = array<i32>} : memref<14x128xf32, #tpu.memory_space<vmem>>, vector<1x16xf32>,
      %mul3A_83 = arith.constant 2 : i32
      %mul3A_84 = arith.muli %mul3A_83, %scan3A_8 : i32
      %swap3A_85 = arith.index_cast %mul3A_84 : i32 to index
      %swap3A_86 = arith.constant 16 : index
      %swap3A_87 = tpu.vector_load %arg9[%swap3A_85, %swap3A_86] {strides = array<i32>} : memref<14x128xf32, #tpu.memory_space<vmem>>, vector<1x16xf32>,
      %swap3A_88 = vector.shape_cast %swap3A_87 : vector<1x16xf32> to vector<16xf32>
      %swap3A_89 = vector.shape_cast %scan3A_66#1 : vector<16xf32> to vector<1x16xf32>
      tpu.vector_store %arg9[%swap3A_85, %swap3A_86], %swap3A_89 {strides = array<i32>} : memref<14x128xf32, #tpu.memory_space<vmem>>, vector<1x16xf32>,
      %mul3A_90 = arith.constant 2 : i32
      %mul3A_91 = arith.muli %mul3A_90, %scan3A_8 : i32
      %add3A_92 = arith.constant 1 : i32
      %add3A_93 = arith.addi %mul3A_91, %add3A_92 : i32
      %swap3A_94 = arith.index_cast %add3A_93 : i32 to index
      %swap3A_95 = arith.constant 16 : index
      %swap3A_96 = tpu.vector_load %arg9[%swap3A_94, %swap3A_95] {strides = array<i32>} : memref<14x128xf32, #tpu.memory_space<vmem>>, vector<1x16xf32>,
      %swap3A_97 = vector.shape_cast %swap3A_96 : vector<1x16xf32> to vector<16xf32>
      %swap3A_98 = vector.shape_cast %scan3A_66#9 : vector<16xf32> to vector<1x16xf32>
      tpu.vector_store %arg9[%swap3A_94, %swap3A_95], %swap3A_98 {strides = array<i32>} : memref<14x128xf32, #tpu.memory_space<vmem>>, vector<1x16xf32>,
      %mul3A_99 = arith.constant 2 : i32
      %mul3A_100 = arith.muli %mul3A_99, %scan3A_8 : i32
      %swap3A_101 = arith.index_cast %mul3A_100 : i32 to index
      %swap3A_102 = arith.constant 32 : index
      %swap3A_103 = tpu.vector_load %arg9[%swap3A_101, %swap3A_102] {strides = array<i32>} : memref<14x128xf32, #tpu.memory_space<vmem>>, vector<1x16xf32>,
      %swap3A_104 = vector.shape_cast %swap3A_103 : vector<1x16xf32> to vector<16xf32>
      %swap3A_105 = vector.shape_cast %scan3A_66#2 : vector<16xf32> to vector<1x16xf32>
      tpu.vector_store %arg9[%swap3A_101, %swap3A_102], %swap3A_105 {strides = array<i32>} : memref<14x128xf32, #tpu.memory_space<vmem>>, vector<1x16xf32>,
      %mul3A_106 = arith.constant 2 : i32
      %mul3A_107 = arith.muli %mul3A_106, %scan3A_8 : i32
      %add3A_108 = arith.constant 1 : i32
      %add3A_109 = arith.addi %mul3A_107, %add3A_108 : i32
      %swap3A_110 = arith.index_cast %add3A_109 : i32 to index
      %swap3A_111 = arith.constant 32 : index
      %swap3A_112 = tpu.vector_load %arg9[%swap3A_110, %swap3A_111] {strides = array<i32>} : memref<14x128xf32, #tpu.memory_space<vmem>>, vector<1x16xf32>,
      %swap3A_113 = vector.shape_cast %swap3A_112 : vector<1x16xf32> to vector<16xf32>
      %swap3A_114 = vector.shape_cast %scan3A_66#10 : vector<16xf32> to vector<1x16xf32>
      tpu.vector_store %arg9[%swap3A_110, %swap3A_111], %swap3A_114 {strides = array<i32>} : memref<14x128xf32, #tpu.memory_space<vmem>>, vector<1x16xf32>,
      %mul3A_115 = arith.constant 2 : i32
      %mul3A_116 = arith.muli %mul3A_115, %scan3A_8 : i32
      %swap3A_117 = arith.index_cast %mul3A_116 : i32 to index
      %swap3A_118 = arith.constant 48 : index
      %swap3A_119 = tpu.vector_load %arg9[%swap3A_117, %swap3A_118] {strides = array<i32>} : memref<14x128xf32, #tpu.memory_space<vmem>>, vector<1x16xf32>,
      %swap3A_120 = vector.shape_cast %swap3A_119 : vector<1x16xf32> to vector<16xf32>
      %swap3A_121 = vector.shape_cast %scan3A_66#3 : vector<16xf32> to vector<1x16xf32>
      tpu.vector_store %arg9[%swap3A_117, %swap3A_118], %swap3A_121 {strides = array<i32>} : memref<14x128xf32, #tpu.memory_space<vmem>>, vector<1x16xf32>,
      %mul3A_122 = arith.constant 2 : i32
      %mul3A_123 = arith.muli %mul3A_122, %scan3A_8 : i32
      %add3A_124 = arith.constant 1 : i32
      %add3A_125 = arith.addi %mul3A_123, %add3A_124 : i32
      %swap3A_126 = arith.index_cast %add3A_125 : i32 to index
      %swap3A_127 = arith.constant 48 : index
      %swap3A_128 = tpu.vector_load %arg9[%swap3A_126, %swap3A_127] {strides = array<i32>} : memref<14x128xf32, #tpu.memory_space<vmem>>, vector<1x16xf32>,
      %swap3A_129 = vector.shape_cast %swap3A_128 : vector<1x16xf32> to vector<16xf32>
      %swap3A_130 = vector.shape_cast %scan3A_66#11 : vector<16xf32> to vector<1x16xf32>
      tpu.vector_store %arg9[%swap3A_126, %swap3A_127], %swap3A_130 {strides = array<i32>} : memref<14x128xf32, #tpu.memory_space<vmem>>, vector<1x16xf32>,
      %mul3A_131 = arith.constant 2 : i32
      %mul3A_132 = arith.muli %mul3A_131, %scan3A_8 : i32
      %swap3A_133 = arith.index_cast %mul3A_132 : i32 to index
      %swap3A_134 = arith.constant 64 : index
      %swap3A_135 = tpu.vector_load %arg9[%swap3A_133, %swap3A_134] {strides = array<i32>} : memref<14x128xf32, #tpu.memory_space<vmem>>, vector<1x16xf32>,
      %swap3A_136 = vector.shape_cast %swap3A_135 : vector<1x16xf32> to vector<16xf32>
      %swap3A_137 = vector.shape_cast %scan3A_66#4 : vector<16xf32> to vector<1x16xf32>
      tpu.vector_store %arg9[%swap3A_133, %swap3A_134], %swap3A_137 {strides = array<i32>} : memref<14x128xf32, #tpu.memory_space<vmem>>, vector<1x16xf32>,
      %mul3A_138 = arith.constant 2 : i32
      %mul3A_139 = arith.muli %mul3A_138, %scan3A_8 : i32
      %add3A_140 = arith.constant 1 : i32
      %add3A_141 = arith.addi %mul3A_139, %add3A_140 : i32
      %swap3A_142 = arith.index_cast %add3A_141 : i32 to index
      %swap3A_143 = arith.constant 64 : index
      %swap3A_144 = tpu.vector_load %arg9[%swap3A_142, %swap3A_143] {strides = array<i32>} : memref<14x128xf32, #tpu.memory_space<vmem>>, vector<1x16xf32>,
      %swap3A_145 = vector.shape_cast %swap3A_144 : vector<1x16xf32> to vector<16xf32>
      %swap3A_146 = vector.shape_cast %scan3A_66#12 : vector<16xf32> to vector<1x16xf32>
      tpu.vector_store %arg9[%swap3A_142, %swap3A_143], %swap3A_146 {strides = array<i32>} : memref<14x128xf32, #tpu.memory_space<vmem>>, vector<1x16xf32>,
      %mul3A_147 = arith.constant 2 : i32
      %mul3A_148 = arith.muli %mul3A_147, %scan3A_8 : i32
      %swap3A_149 = arith.index_cast %mul3A_148 : i32 to index
      %swap3A_150 = arith.constant 80 : index
      %swap3A_151 = tpu.vector_load %arg9[%swap3A_149, %swap3A_150] {strides = array<i32>} : memref<14x128xf32, #tpu.memory_space<vmem>>, vector<1x16xf32>,
      %swap3A_152 = vector.shape_cast %swap3A_151 : vector<1x16xf32> to vector<16xf32>
      %swap3A_153 = vector.shape_cast %scan3A_66#5 : vector<16xf32> to vector<1x16xf32>
      tpu.vector_store %arg9[%swap3A_149, %swap3A_150], %swap3A_153 {strides = array<i32>} : memref<14x128xf32, #tpu.memory_space<vmem>>, vector<1x16xf32>,
      %mul3A_154 = arith.constant 2 : i32
      %mul3A_155 = arith.muli %mul3A_154, %scan3A_8 : i32
      %add3A_156 = arith.constant 1 : i32
      %add3A_157 = arith.addi %mul3A_155, %add3A_156 : i32
      %swap3A_158 = arith.index_cast %add3A_157 : i32 to index
      %swap3A_159 = arith.constant 80 : index
      %swap3A_160 = tpu.vector_load %arg9[%swap3A_158, %swap3A_159] {strides = array<i32>} : memref<14x128xf32, #tpu.memory_space<vmem>>, vector<1x16xf32>,
      %swap3A_161 = vector.shape_cast %swap3A_160 : vector<1x16xf32> to vector<16xf32>
      %swap3A_162 = vector.shape_cast %scan3A_66#13 : vector<16xf32> to vector<1x16xf32>
      tpu.vector_store %arg9[%swap3A_158, %swap3A_159], %swap3A_162 {strides = array<i32>} : memref<14x128xf32, #tpu.memory_space<vmem>>, vector<1x16xf32>,
      %mul3A_163 = arith.constant 2 : i32
      %mul3A_164 = arith.muli %mul3A_163, %scan3A_8 : i32
      %swap3A_165 = arith.index_cast %mul3A_164 : i32 to index
      %swap3A_166 = arith.constant 96 : index
      %swap3A_167 = tpu.vector_load %arg9[%swap3A_165, %swap3A_166] {strides = array<i32>} : memref<14x128xf32, #tpu.memory_space<vmem>>, vector<1x16xf32>,
      %swap3A_168 = vector.shape_cast %swap3A_167 : vector<1x16xf32> to vector<16xf32>
      %swap3A_169 = vector.shape_cast %scan3A_66#6 : vector<16xf32> to vector<1x16xf32>
      tpu.vector_store %arg9[%swap3A_165, %swap3A_166], %swap3A_169 {strides = array<i32>} : memref<14x128xf32, #tpu.memory_space<vmem>>, vector<1x16xf32>,
      %mul3A_170 = arith.constant 2 : i32
      %mul3A_171 = arith.muli %mul3A_170, %scan3A_8 : i32
      %add3A_172 = arith.constant 1 : i32
      %add3A_173 = arith.addi %mul3A_171, %add3A_172 : i32
      %swap3A_174 = arith.index_cast %add3A_173 : i32 to index
      %swap3A_175 = arith.constant 96 : index
      %swap3A_176 = tpu.vector_load %arg9[%swap3A_174, %swap3A_175] {strides = array<i32>} : memref<14x128xf32, #tpu.memory_space<vmem>>, vector<1x16xf32>,
      %swap3A_177 = vector.shape_cast %swap3A_176 : vector<1x16xf32> to vector<16xf32>
      %swap3A_178 = vector.shape_cast %scan3A_66#14 : vector<16xf32> to vector<1x16xf32>
      tpu.vector_store %arg9[%swap3A_174, %swap3A_175], %swap3A_178 {strides = array<i32>} : memref<14x128xf32, #tpu.memory_space<vmem>>, vector<1x16xf32>,
      %mul3A_179 = arith.constant 2 : i32
      %mul3A_180 = arith.muli %mul3A_179, %scan3A_8 : i32
      %swap3A_181 = arith.index_cast %mul3A_180 : i32 to index
      %swap3A_182 = arith.constant 112 : index
      %swap3A_183 = tpu.vector_load %arg9[%swap3A_181, %swap3A_182] {strides = array<i32>} : memref<14x128xf32, #tpu.memory_space<vmem>>, vector<1x16xf32>,
      %swap3A_184 = vector.shape_cast %swap3A_183 : vector<1x16xf32> to vector<16xf32>
      %swap3A_185 = vector.shape_cast %scan3A_66#7 : vector<16xf32> to vector<1x16xf32>
      tpu.vector_store %arg9[%swap3A_181, %swap3A_182], %swap3A_185 {strides = array<i32>} : memref<14x128xf32, #tpu.memory_space<vmem>>, vector<1x16xf32>,
      %mul3A_186 = arith.constant 2 : i32
      %mul3A_187 = arith.muli %mul3A_186, %scan3A_8 : i32
      %add3A_188 = arith.constant 1 : i32
      %add3A_189 = arith.addi %mul3A_187, %add3A_188 : i32
      %swap3A_190 = arith.index_cast %add3A_189 : i32 to index
      %swap3A_191 = arith.constant 112 : index
      %swap3A_192 = tpu.vector_load %arg9[%swap3A_190, %swap3A_191] {strides = array<i32>} : memref<14x128xf32, #tpu.memory_space<vmem>>, vector<1x16xf32>,
      %swap3A_193 = vector.shape_cast %swap3A_192 : vector<1x16xf32> to vector<16xf32>
      %swap3A_194 = vector.shape_cast %scan3A_66#15 : vector<16xf32> to vector<1x16xf32>
      tpu.vector_store %arg9[%swap3A_190, %swap3A_191], %swap3A_194 {strides = array<i32>} : memref<14x128xf32, #tpu.memory_space<vmem>>, vector<1x16xf32>,
      %dma_wait3A = arith.constant 0 : i32
      %dma_wait3A_195 = tpu.memref_slice %arg5[%scan3A_8, %multiple_of3A, %dma_wait3A] : memref<7x16384x128xf32, #tpu.memory_space<hbm>> -> memref<1x512x128xf32, #tpu.memory_space<hbm>>
      %dma_wait3A_196 = tpu.memref_squeeze %dma_wait3A_195 : memref<1x512x128xf32, #tpu.memory_space<hbm>> -> memref<512x128xf32, #tpu.memory_space<hbm>>
      %dma_wait3A_197 = arith.constant 0 : i32
      %dma_wait3A_198 = tpu.memref_slice %arg5[%scan3A_8, %multiple_of3A, %dma_wait3A_197] : memref<7x16384x128xf32, #tpu.memory_space<hbm>> -> memref<1x512x128xf32, #tpu.memory_space<hbm>>
      %dma_wait3A_199 = tpu.memref_squeeze %dma_wait3A_198 : memref<1x512x128xf32, #tpu.memory_space<hbm>> -> memref<512x128xf32, #tpu.memory_space<hbm>>
      tpu.wait_dma2 semaphore(%arg11 : memref<!tpu.dma_semaphore, #tpu.memory_space<semaphore_mem>>) src(%arg8 : memref<512x128xf32, #tpu.memory_space<vmem>>) dst(%dma_wait3A_199 : memref<512x128xf32, #tpu.memory_space<hbm>>)
    }
    %scan3A_7 = arith.constant 7 : i32
    "tpu.region"() ({
      %run_scoped3A = tpu.sem_alloc : memref<!tpu.dma_semaphore, #tpu.memory_space<semaphore_mem>>
      %dma_start3A = arith.constant 0 : i32
      %dma_start3A_8 = arith.constant 0 : i32
      %dma_start3A_9 = tpu.memref_slice %arg6[%add3A, %dma_start3A, %dma_start3A_8] : memref<32x14x128xf32, #tpu.memory_space<hbm>> -> memref<1x14x128xf32, #tpu.memory_space<hbm>>
      %dma_start3A_10 = tpu.memref_squeeze %dma_start3A_9 : memref<1x14x128xf32, #tpu.memory_space<hbm>> -> memref<14x128xf32, #tpu.memory_space<hbm>>
      %dma_start3A_11 = arith.constant 0 : i32
      %dma_start3A_12 = arith.constant 0 : i32
      %dma_start3A_13 = tpu.memref_slice %arg6[%add3A, %dma_start3A_11, %dma_start3A_12] : memref<32x14x128xf32, #tpu.memory_space<hbm>> -> memref<1x14x128xf32, #tpu.memory_space<hbm>>
      %dma_start3A_14 = tpu.memref_squeeze %dma_start3A_13 : memref<1x14x128xf32, #tpu.memory_space<hbm>> -> memref<14x128xf32, #tpu.memory_space<hbm>>
      tpu.enqueue_dma source(%arg9 : memref<14x128xf32, #tpu.memory_space<vmem>>) target(%dma_start3A_14 : memref<14x128xf32, #tpu.memory_space<hbm>>) target_semaphore(%run_scoped3A : memref<!tpu.dma_semaphore, #tpu.memory_space<semaphore_mem>>)
      %dma_wait3A = arith.constant 0 : i32
      %dma_wait3A_15 = arith.constant 0 : i32
      %dma_wait3A_16 = tpu.memref_slice %arg6[%add3A, %dma_wait3A, %dma_wait3A_15] : memref<32x14x128xf32, #tpu.memory_space<hbm>> -> memref<1x14x128xf32, #tpu.memory_space<hbm>>
      %dma_wait3A_17 = tpu.memref_squeeze %dma_wait3A_16 : memref<1x14x128xf32, #tpu.memory_space<hbm>> -> memref<14x128xf32, #tpu.memory_space<hbm>>
      %dma_wait3A_18 = arith.constant 0 : i32
      %dma_wait3A_19 = arith.constant 0 : i32
      %dma_wait3A_20 = tpu.memref_slice %arg6[%add3A, %dma_wait3A_18, %dma_wait3A_19] : memref<32x14x128xf32, #tpu.memory_space<hbm>> -> memref<1x14x128xf32, #tpu.memory_space<hbm>>
      %dma_wait3A_21 = tpu.memref_squeeze %dma_wait3A_20 : memref<1x14x128xf32, #tpu.memory_space<hbm>> -> memref<14x128xf32, #tpu.memory_space<hbm>>
      tpu.wait_dma2 semaphore(%run_scoped3A : memref<!tpu.dma_semaphore, #tpu.memory_space<semaphore_mem>>) src(%arg9 : memref<14x128xf32, #tpu.memory_space<vmem>>) dst(%dma_wait3A_21 : memref<14x128xf32, #tpu.memory_space<hbm>>)
      tpu.yield
    }) : () -> ()
    return
  }
}

module attributes {stable_mosaic.version = 14 : i64} {
  func.func @body(%arg0: i32, %arg1: i32, %arg2: memref<1x4096x128xf32, #tpu.memory_space<vmem>>, %arg3: memref<32x14x128xf32, #tpu.memory_space<vmem>>, %arg4: memref<7x128xf32, #tpu.memory_space<vmem>>, %arg5: memref<7x128xf32, #tpu.memory_space<vmem>>, %arg6: memref<4096x128xf32, #tpu.memory_space<vmem>>, %arg7: memref<1x128xf32, #tpu.memory_space<vmem>>, %arg8: memref<1x128xf32, #tpu.memory_space<vmem>>) attributes {dimension_semantics = [#tpu.dimension_semantics<arbitrary>, #tpu.dimension_semantics<arbitrary>], iteration_bounds = array<i64: 7, 4>, scalar_prefetch = 0 : i64, scratch_operands = 2 : i64, tpu.core_type = #tpu.core_type<tc>, window_params = [{transform_indices = @transform_0, window_bounds = array<i64: 1, 4096, 128>}, {pipeline_mode = #tpu.pipeline_mode<synchronous>, transform_indices = @transform_1, window_bounds = array<i64: 32, 14, 128>}, {pipeline_mode = #tpu.pipeline_mode<synchronous>, transform_indices = @transform_2, window_bounds = array<i64: 7, 128>}, {pipeline_mode = #tpu.pipeline_mode<synchronous>, transform_indices = @transform_3, window_bounds = array<i64: 7, 128>}, {transform_indices = @transform_4, window_bounds = array<i64: 4096, 128>}]} {
    %eq3A = arith.constant 0 : i32
    %eq3A_0 = arith.cmpi eq, %arg1, %eq3A : i32
    %convert_element_type3A = arith.extui %eq3A_0 : i1 to i32
    %cond3A = arith.constant 0 : i32
    %cond3A_1 = arith.cmpi ne, %convert_element_type3A, %cond3A : i32
    scf.if %cond3A_1 {
      %mul3A_16 = arith.constant 2 : i32
      %mul3A_17 = arith.muli %mul3A_16, %arg0 : i32
      %get3A_18 = arith.constant 0 : index
      %get3A_19 = arith.index_cast %mul3A_17 : i32 to index
      %get3A_20 = arith.constant 0 : index
      %get3A_21 = vector.load %arg3[%get3A_18, %get3A_19, %get3A_20] : memref<32x14x128xf32, #tpu.memory_space<vmem>>, vector<32x1x128xf32>
      %squeeze3A = vector.shape_cast %get3A_21 : vector<32x1x128xf32> to vector<32x128xf32>
      %mul3A_22 = arith.constant 2 : i32
      %mul3A_23 = arith.muli %mul3A_22, %arg0 : i32
      %add3A_24 = arith.constant 1 : i32
      %add3A_25 = arith.addi %mul3A_23, %add3A_24 : i32
      %get3A_26 = arith.constant 0 : index
      %get3A_27 = arith.index_cast %add3A_25 : i32 to index
      %get3A_28 = arith.constant 0 : index
      %get3A_29 = vector.load %arg3[%get3A_26, %get3A_27, %get3A_28] : memref<32x14x128xf32, #tpu.memory_space<vmem>>, vector<32x1x128xf32>
      %squeeze3A_30 = vector.shape_cast %get3A_29 : vector<32x1x128xf32> to vector<32x128xf32>
      %reduce_sum3A = arith.constant dense<0.000000e+00> : vector<128xf32>
      %reduce_sum3A_31 = vector.multi_reduction <add>, %squeeze3A, %reduce_sum3A [0] : vector<32x128xf32> to vector<128xf32>
      %broadcast_in_dim3A = vector.shape_cast %reduce_sum3A_31 : vector<128xf32> to vector<1x128xf32>
      %mul3A_32 = arith.constant 6.10351563E-5 : f32
      %mul3A_33 = vector.broadcast %mul3A_32 : f32 to vector<1x128xf32>
      %mul3A_34 = arith.mulf %broadcast_in_dim3A, %mul3A_33 : vector<1x128xf32>
      %reduce_sum3A_35 = arith.constant dense<0.000000e+00> : vector<128xf32>
      %reduce_sum3A_36 = vector.multi_reduction <add>, %squeeze3A_30, %reduce_sum3A_35 [0] : vector<32x128xf32> to vector<128xf32>
      %broadcast_in_dim3A_37 = vector.shape_cast %reduce_sum3A_36 : vector<128xf32> to vector<1x128xf32>
      %mul3A_38 = arith.constant 6.10351563E-5 : f32
      %mul3A_39 = vector.broadcast %mul3A_38 : f32 to vector<1x128xf32>
      %mul3A_40 = arith.mulf %broadcast_in_dim3A_37, %mul3A_39 : vector<1x128xf32>
      %mul3A_41 = arith.mulf %mul3A_34, %mul3A_34 : vector<1x128xf32>
      %sub3A = arith.subf %mul3A_40, %mul3A_41 : vector<1x128xf32>
      %max3A = arith.constant 0.000000e+00 : f32
      %max3A_42 = vector.broadcast %max3A : f32 to vector<1x128xf32>
      %max3A_43 = arith.maximumf %sub3A, %max3A_42 : vector<1x128xf32>
      %get3A_44 = arith.index_cast %arg0 : i32 to index
      %get3A_45 = arith.constant 0 : index
      %get3A_46 = vector.load %arg4[%get3A_44, %get3A_45] : memref<7x128xf32, #tpu.memory_space<vmem>>, vector<1x128xf32>
      %get3A_47 = arith.index_cast %arg0 : i32 to index
      %get3A_48 = arith.constant 0 : index
      %get3A_49 = vector.load %arg5[%get3A_47, %get3A_48] : memref<7x128xf32, #tpu.memory_space<vmem>>, vector<1x128xf32>
      %add3A_50 = arith.constant 9.99999974E-6 : f32
      %add3A_51 = vector.broadcast %add3A_50 : f32 to vector<1x128xf32>
      %add3A_52 = arith.addf %max3A_43, %add3A_51 : vector<1x128xf32>
      %rsqrt3A = math.rsqrt %add3A_52 : vector<1x128xf32>
      %mul3A_53 = arith.mulf %get3A_46, %rsqrt3A : vector<1x128xf32>
      %swap3A_54 = arith.constant 0 : index
      %swap3A_55 = arith.constant 0 : index
      %swap3A_56 = vector.load %arg7[%swap3A_54, %swap3A_55] : memref<1x128xf32, #tpu.memory_space<vmem>>, vector<1x128xf32>
      tpu.vector_store %arg7[%swap3A_54, %swap3A_55], %mul3A_53 {strides = array<i32>} : memref<1x128xf32, #tpu.memory_space<vmem>>, vector<1x128xf32>,
      %get3A_57 = arith.constant 0 : index
      %get3A_58 = arith.constant 0 : index
      %get3A_59 = vector.load %arg7[%get3A_57, %get3A_58] : memref<1x128xf32, #tpu.memory_space<vmem>>, vector<1x128xf32>
      %mul3A_60 = arith.mulf %mul3A_34, %get3A_59 : vector<1x128xf32>
      %sub3A_61 = arith.subf %get3A_49, %mul3A_60 : vector<1x128xf32>
      %swap3A_62 = arith.constant 0 : index
      %swap3A_63 = arith.constant 0 : index
      %swap3A_64 = vector.load %arg8[%swap3A_62, %swap3A_63] : memref<1x128xf32, #tpu.memory_space<vmem>>, vector<1x128xf32>
      tpu.vector_store %arg8[%swap3A_62, %swap3A_63], %sub3A_61 {strides = array<i32>} : memref<1x128xf32, #tpu.memory_space<vmem>>, vector<1x128xf32>,
    } else {
    }
    %get3A = arith.constant 0 : index
    %get3A_2 = arith.constant 0 : index
    %get3A_3 = arith.constant 0 : index
    %get3A_4 = vector.load %arg2[%get3A, %get3A_2, %get3A_3] : memref<1x4096x128xf32, #tpu.memory_space<vmem>>, vector<1x4096x128xf32>
    %get3A_5 = vector.shape_cast %get3A_4 : vector<1x4096x128xf32> to vector<4096x128xf32>
    %get3A_6 = arith.constant 0 : index
    %get3A_7 = arith.constant 0 : index
    %get3A_8 = vector.load %arg7[%get3A_6, %get3A_7] : memref<1x128xf32, #tpu.memory_space<vmem>>, vector<1x128xf32>
    %mul3A = vector.broadcast %get3A_8 : vector<1x128xf32> to vector<4096x128xf32>
    %mul3A_9 = arith.mulf %get3A_5, %mul3A : vector<4096x128xf32>
    %get3A_10 = arith.constant 0 : index
    %get3A_11 = arith.constant 0 : index
    %get3A_12 = vector.load %arg8[%get3A_10, %get3A_11] : memref<1x128xf32, #tpu.memory_space<vmem>>, vector<1x128xf32>
    %add3A = vector.broadcast %get3A_12 : vector<1x128xf32> to vector<4096x128xf32>
    %add3A_13 = arith.addf %mul3A_9, %add3A : vector<4096x128xf32>
    %swap3A = arith.constant 0 : index
    %swap3A_14 = arith.constant 0 : index
    %swap3A_15 = vector.load %arg6[%swap3A, %swap3A_14] : memref<4096x128xf32, #tpu.memory_space<vmem>>, vector<4096x128xf32>
    tpu.vector_store %arg6[%swap3A, %swap3A_14], %add3A_13 {strides = array<i32>} : memref<4096x128xf32, #tpu.memory_space<vmem>>, vector<4096x128xf32>,
    return
  }
  func.func @transform_0(%arg0: i32, %arg1: i32) -> (i32, i32, i32) {
    %c0_i32 = arith.constant 0 : i32
    %c0_i32_0 = arith.constant 0 : i32
    return %arg0, %arg1, %c0_i32 : i32, i32, i32
  }
  func.func @transform_1(%arg0: i32, %arg1: i32) -> (i32, i32, i32) {
    %c0_i32 = arith.constant 0 : i32
    %c0_i32_0 = arith.constant 0 : i32
    %c0_i32_1 = arith.constant 0 : i32
    %c0_i32_2 = arith.constant 0 : i32
    return %c0_i32, %c0_i32_0, %c0_i32_1 : i32, i32, i32
  }
  func.func @transform_2(%arg0: i32, %arg1: i32) -> (i32, i32) {
    %c0_i32 = arith.constant 0 : i32
    %c0_i32_0 = arith.constant 0 : i32
    %c0_i32_1 = arith.constant 0 : i32
    return %c0_i32, %c0_i32_0 : i32, i32
  }
  func.func @transform_3(%arg0: i32, %arg1: i32) -> (i32, i32) {
    %c0_i32 = arith.constant 0 : i32
    %c0_i32_0 = arith.constant 0 : i32
    %c0_i32_1 = arith.constant 0 : i32
    return %c0_i32, %c0_i32_0 : i32, i32
  }
  func.func @transform_4(%arg0: i32, %arg1: i32) -> (i32, i32) {
    %c0_i32 = arith.constant 0 : i32
    return %arg1, %arg0 : i32, i32
  }
}

</mosaic_0001>

<sc_bundles>
// kernel: kernel.4.cloned.1.call-start
scs
__scs_entry_jumppad:
0x0: {  	(pc) =	sbr.rel $0x88, $3  }
0x1: {  	(tag) =	ssettag $0x0;
	lr =	simm.s32 $0x1  }
0x2: {  	[smem:$0x3F9C] =	sst lr;
	_ =	strace $0xD0000000  }
0x3: {  	_ = 	snop  }
0x4: {  	_ = 	snop  }
0x5: {  	_ = 	snop  }
0x6: {  	_ = 	snop  }
0x7: {  	_ = 	snop  }
__scs_overlays_trampoline_lowered:
0x8: {  	[smem:$0x3FAB] =	sst s0  }
0x9: {  	[smem:$0x3FAC] =	sst s1  }
0xa: {  	[smem:$0x3FAD] =	sst s2  }
0xb: {  	[smem:$0x3FAE] =	sst s3  }
0xc: {  	[smem:$0x3FAF] =	sst s4  }
0xd: {  	[smem:$0x3FB0] =	sst s5  }
0xe: {  	[smem:$0x3FB1] =	sst s6  }
0xf: {  	[smem:$0x3FB2] =	sst s7  }
0x10: {  	[smem:$0x3FB3] =	sst s8  }
0x11: {  	[smem:$0x3FB4] =	sst s9;
	s0 =	simm.s32 @!p0 $0x0  }
0x12: {  	s1 =	sld [smem:$0x3F9A];
	s0 =	simm.s32 @p0 $0x1  }
0x13: {  	[smem:$0x3FB5] =	sst s0;
	s0 =	simm.s32 @!p1 $0x0  }
0x14: {  	s2 =	sld [smem:$0x3F99];
	s0 =	simm.s32 @p1 $0x1  }
0x15: {  	[smem:$0x3FB6] =	sst s0;
	s0 =	simm.s32 @!p2 $0x0  }
0x16: {  	s3 =	sld [smem:$0x3FDB];
	s0 =	simm.s32 @p2 $0x1  }
0x17: {  	s4 =	simm.s32 $0x1BF5;
	[smem:$0x3FB8] =	sst s0  }
0x18: {  	s0 =	sld [smem:$0x3F9B];
	_ =	swait.ge [sflag:s4], $0x0  }
0x19: {  	s7 =	sld [smem:$0x3F9C]  }
0x1a: {  	s8 =	sadd.s32 $0xFFFFE003, lr  }
0x1b: {  	s9 =	sadd.s32 $0xFFFFFEF7, lr;
	s5 =	simm.s32 $0xFFFFFFFF;
	p2 =	slt.u32 s8, $0xFFFFF086  }
0x1c: {  	p1 =	slt.u32 s9, $0xF7A;
	s5 =	simm.s32 @!p2 $0x0  }
0x1d: {  	s5 =	simm.s32 @p1 $0x1;
	p0 =	seq.s32 s7, s2  }
0x1e: {  	s7 =	smul.u32 @!p0 $0xF7A, s2;
	p2 =	seq.s32 @!p0 s5, $0x0  }
0x1f: {  	s9 =	smul.u32 $0xF7A, s1;
	s8 =	simm.s32 @!p0 $0x1BF5;
	p2 =	por !p2, p0  }
0x20: {  	[sflag:s8] =	ssyncset.s32 @!p0 $0xFFFFF086;
	s6 =	sadd.s32 @!p0 s3, s7;
	s7 =	simm.s32 @!p0 $0x108  }
0x21: {  	s3 =	sadd.s32 s3, s9;
	s6 =	sadd.s32 @!p0 $0x88, s6;
	s7 =	simm.s32 @p2 $0x1082  }
0x22: {  	[simem:s7], [sflag:s8] =	dma.local @!p0 [hbm:s6], $0xF7A  }
0x23: {  	s9 =	sor.u32 $0xD0000000, s2;
	s6 =	simm.s32 $0x108;
	_ =	swait.ge @!p0 [sflag:s8], $0x0  }
0x24: {  	s3 =	sadd.s32 $0x88, s3;
	s6 =	simm.s32 @!p1 $0x1082;
	[sflag:s4] =	ssyncset.s32 $0xFFFFF086  }
0x25: {  	[simem:s6], [sflag:s4] =	dma.local [hbm:s3], $0xF7A  }
0x26: {  	[smem:$0x3F9C] =	sst s1;
	(tag) =	ssettag s2;
	_ =	strace s9  }
0x27: {  	s1 =	sld [smem:$0x3FAC]  }
0x28: {  	s2 =	sld [smem:$0x3FAD]  }
0x29: {  	s4 =	sld [smem:$0x3FAF]  }
0x2a: {  	p0 =	seq.s32 s5, $0x0;
	s5 =	sld [smem:$0x3FB0]  }
0x2b: {  	s6 =	sld [smem:$0x3FB1]  }
0x2c: {  	s7 =	sld [smem:$0x3FB2]  }
0x2d: {  	s3 =	simm.s32 $0x108;
	s8 =	sld [smem:$0x3FB3]  }
0x2e: {  	s3 =	simm.s32 @!p0 $0x1082;
	s9 =	sld [smem:$0x3FB4]  }
0x2f: {  	lr =	sadd.s32 s0, s3;
	s0 =	sld [smem:$0x3FAB]  }
0x30: {  	s3 =	sld [smem:$0x3FAE]  }
0x31: {  	[smem:$0x3FB7] =	sst s10  }
0x32: {  	s10 =	sld [smem:$0x3FB5];
	_ =	sdelay $0x3  }
0x33: {  	p0 =	seq.s32 s10, $0x1;
	s10 =	sld [smem:$0x3FB7];
	_ =	sdelay $0x3  }
0x34: {  	[smem:$0x3FB7] =	sst s10  }
0x35: {  	s10 =	sld [smem:$0x3FB6];
	_ =	sdelay $0x3  }
0x36: {  	p1 =	seq.s32 s10, $0x1;
	s10 =	sld [smem:$0x3FB7];
	_ =	sdelay $0x3  }
0x37: {  	[smem:$0x3FB7] =	sst s10  }
0x38: {  	s10 =	sld [smem:$0x3FB8]  }
0x39: {  	_ = 	snop;
	(pc) =	sbr.ind lr, $3  }
0x3a: {  	_ = 	snop  }
0x3b: {  	_ = 	snop  }
0x3c: {  	p2 =	seq.s32 s10, $0x1;
	s10 =	sld [smem:$0x3FB7]  }
0x3d: {  	_ =	shalt  }
0x3e: {  	_ =	shalt  }
0x3f: {  	_ =	shalt  }
0x40: {  	_ =	shalt  }
0x41: {  	_ =	shalt  }
0x42: {  	_ =	shalt  }
0x43: {  	_ =	shalt  }
0x44: {  	_ =	shalt  }
0x45: {  	_ =	shalt  }
0x46: {  	_ =	shalt  }
0x47: {  	_ =	shalt  }
0x48: {  	_ =	shalt  }
0x49: {  	_ =	shalt  }
0x4a: {  	_ =	shalt  }
0x4b: {  	_ =	shalt  }
0x4c: {  	_ =	shalt  }
0x4d: {  	_ =	shalt  }
0x4e: {  	_ =	shalt  }
0x4f: {  	_ =	shalt  }
0x50: {  	_ =	shalt  }
0x51: {  	_ =	shalt  }
0x52: {  	_ =	shalt  }
0x53: {  	_ =	shalt  }
0x54: {  	_ =	shalt  }
0x55: {  	_ =	shalt  }
0x56: {  	_ =	shalt  }
0x57: {  	_ =	shalt  }
0x58: {  	_ =	shalt  }
0x59: {  	_ =	shalt  }
0x5a: {  	_ =	shalt  }
0x5b: {  	_ =	shalt  }
0x5c: {  	_ =	shalt  }
0x5d: {  	_ =	shalt  }
0x5e: {  	_ =	shalt  }
0x5f: {  	_ =	shalt  }
0x60: {  	_ =	shalt  }
0x61: {  	_ =	shalt  }
0x62: {  	_ =	shalt  }
0x63: {  	_ =	shalt  }
0x64: {  	_ =	shalt  }
0x65: {  	_ =	shalt  }
0x66: {  	_ =	shalt  }
0x67: {  	_ =	shalt  }
0x68: {  	_ =	shalt  }
0x69: {  	_ =	shalt  }
0x6a: {  	_ =	shalt  }
0x6b: {  	_ =	shalt  }
0x6c: {  	_ =	shalt  }
0x6d: {  	_ =	shalt  }
0x6e: {  	_ =	shalt  }
0x6f: {  	_ =	shalt  }
0x70: {  	_ =	shalt  }
0x71: {  	_ =	shalt  }
0x72: {  	_ =	shalt  }
0x73: {  	_ =	shalt  }
0x74: {  	_ =	shalt  }
0x75: {  	_ =	shalt  }
0x76: {  	_ =	shalt  }
0x77: {  	_ =	shalt  }
0x78: {  	_ =	shalt  }
0x79: {  	_ =	shalt  }
0x7a: {  	_ =	shalt  }
0x7b: {  	_ =	shalt  }
0x7c: {  	_ =	shalt  }
0x7d: {  	_ =	shalt  }
0x7e: {  	_ =	shalt  }
0x7f: {  	_ =	shalt  }
0x80: {  	_ =	shalt  }
0x81: {  	_ =	shalt  }
0x82: {  	_ =	shalt  }
0x83: {  	_ =	shalt  }
0x84: {  	_ =	shalt  }
0x85: {  	_ =	shalt  }
0x86: {  	_ =	shalt  }
0x87: {  	_ =	shalt  }
.Lfunc_end0:
.L_simem_size_0:
called_computation_lowered:
.L_overlay_start_0:
0x88: {  	s2 =	sld [smem:$0x3FD9]  }
0x89: {  	s3 =	sld [smem:$0x3FFE];
	_ =	sdelay $0x1  }
0x8a: {  	s1 =	srdreg.scid  }
0x8b: {  	s0 =	sand.u32 $0x1, s1  }
0x8c: {  	s17 =	sshll.u32 s0, $0xA;
	s2 =	sadd.s32 s3, s2  }
0x8d: {  	s2 =	sadd.s32 s2, s17  }
0x8e: {  	[smem:$0x3FC3] =	sst s2  }
0x8f: {  	_ = 	snop  }
0x90: {  	s2 =	sld [smem:$0x3FC9]  }
0x91: {  	s18 =	sld [smem:$0x3FD0];
	(tm) =	ssettm $0x1  }
0x92: {  	s4 =	sld [smem:$0x3FFB];
	_ =	sdelay $0x3  }
0x93: {  	_ =	strace s4  }
0x94: {  	s4 =	sld [smem:$0x3FFC];
	_ =	sdelay $0x3  }
0x95: {  	_ =	strace s4  }
0x96: {  	s4 =	sld [smem:$0x3FFD];
	_ =	sdelay $0x3  }
0x97: {  	_ =	strace s4  }
0x98: {  	_ =	strace $0x8FFFFFFF  }
0x99: {  	s19 =	sld [smem:$0x3FDB];
	_ =	sdelay $0x1  }
0x9a: {  	s5 =	simm.s32 $_scs_section_size  }
0x9b: {  	s6 =	simm.s32 $_size__tile_overlayer_lowered;
	s7 =	simm.s32 $_tile_overlayer_lowered  }
0x9c: {  	s22 =	simm.s32 $0x1BFF;
	s21 =	sshll.u32 s7, $0x1;
	s4 =	sadd.s32 s5, s19  }
0x9d: {  	s8 =	simm.s32 $0x0;
	s20 =	sshll.u32 s6, $0x1;
	s6 =	sadd.s32 s21, s4  }
0x9e: {  	[timem:s8], [sflag:s22] =	dma.local [hbm:s6], s20  }
0x9f: {  	_ =	swait.ge [sflag:s22], s20  }
0xa0: {  	s5 =	ssub.s32 $0x0, s20;
	[sflag:s22] =	ssyncset.done $0x0  }
0xa1: {  	[sflag:s22] =	ssyncadd.s32 s5;
	_ =	sdelay $0x1  }
0xa2: {  	s23 =	simm.s32 $0x1B8B  }
0xa3: {  	_ =	swait.ge [sflag:s23], $0x1  }
0xa4: {  	[sflag:s23] =	ssyncset.done $0x0  }
0xa5: {  	s25 =	simm.s32 $0x1B8E;
	s24 =	sld [smem:$0x3FFE];
	[sflag:s23] =	ssyncadd.s32 $0xFFFFFFFF  }
0xa6: {  	s26 =	simm.s32 $execute0_lowered;
	[smem:$0x3FD2] =	sst s25  }
0xa7: {  	s6 =	sshll.u32 s26, $0x1;
	_ =	strace $0x80000046;
	[dreg:$0x1] =	wrdreg $0xFFFFFFFF  }
0xa8: {  	s28 =	simm.s32 $_size_execute0_lowered;
	s4 =	sadd.s32 s4, s6;
	[dreg:$0x0] =	wrdreg $0x0  }
0xa9: {  	s6 =	sshll.u32 s28, $0x1;
	[dreg:$0x2] =	wrdreg s4  }
0xaa: {  	[dreg:$0x3] =	wrdreg s6  }
0xab: {  	[dreg:$0x4] =	wrdreg $0xC0  }
0xac: {  	_ =	task [dreg:s8], $0x5FFFF  }
0xad: {  	[dreg:$0x1] =	wrdreg $0xFFFFFFFF  }
0xae: {  	[dreg:$0x0] =	wrdreg $0x60  }
0xaf: {  	[dreg:$0x2] =	wrdreg s2  }
0xb0: {  	[dreg:$0x3] =	wrdreg s18  }
0xb1: {  	[dreg:$0x4] =	wrdreg s24  }
0xb2: {  	[dreg:$0x5] =	wrdreg $0x9  }
0xb3: {  	_ =	task.clear_ibuf [dreg:s8], $0x6FFFF;
	_ =	strace $0x90000046  }
0xb4: {  	s29 =	simm.s32 $0x9;
	_ =	strace $0x80000048  }
0xb5: {  	_ =	swait.ge [sflag:s29], $0x1  }
0xb6: {  	[sflag:s29] =	ssyncadd.s32 $0xFFFFFFFF  }
0xb7: {  	_ =	strace $0x90000048  }
0xb8: {  	_ =	sfence  }
0xb9: {  	s30 =	sld [smem:$0x0];
	_ =	sdelay $0x2  }
0xba: {  	s31 =	sshll.u32 s1, $0xD;
	s1 =	sshrl.u32 s1, $0x2  }
0xbb: {  	s3 =	sand.u32 $0x4000, s31;
	s1 =	sadd.s32 s1, s30  }
0xbc: {  	s0 =	sor.u32 s3, s0;
	s1 =	sshll.u32 s1, $0x11  }
0xbd: {  	s0 =	sor.u32 s1, s0  }
0xbe: {  	s0 =	sadd.s32 $0x8F2B, s0  }
0xbf: {  	[sflag:s0] =	ssyncadd.remote.s32 $0x1  }
0xc0: {  	_ =	sfence.sel $0xFFFF  }
0xc1: {  	[dreg:$0x0] =	wrdreg $0xFFFFFFFF;
	(pc) =	sbr.abs _section_cstart, $3  }
0xc2: {  	[dreg:$0x1] =	wrdreg $0xFFFFFFFF  }
0xc3: {  	_ =	task.clear_ibuf [dreg:s8], $0x2FFFF;
	_ =	strace $0x9FFFFFFF  }
0xc4: {  	(tm) =	ssettm $0x7FFFFFFF  }
0xc5: {  	_ =	shalt  }
tec
execute0_lowered:
.L_overlay_start_1:
0x0: {  	(tag) =	ssettag $0x1  }
0x1: {  	s0 =	rddreg [dreg:$0x0]  }
0x2: {  	s1 =	rddreg [dreg:$0x1]  }
0x3: {  	s2 =	rddreg [dreg:$0x2];
	s3 =	simm.s32 $0x0;
	s4 =	srdreg.scid  }
0x4: {  	s8 =	stileid.u32;
	s13 =	simm.s32 $0x80;
	s14 =	simm.s32 $0x400  }
0x5: {  	[smem:$0x7FF] =	sst s3;
	s6 =	sand.u32 $0x1, s4;
	s5 =	sshll.u32 s8, $0x1  }
0x6: {  	s8 =	sshll.u32 s8, $0xE;
	s7 =	sor.u32 s6, s5;
	s9 =	sshll.u32 s6, $0xD  }
0x7: {  	s5 =	sshll.u32 s7, $0xD;
	s11 =	sshll.u32 s7, $0x8;
	s7 =	sshll.u32 s7, $0x9  }
0x8: {  	s10 =	sadd.s32 s5, s2;
	s5 =	sor.u32 s9, s8;
	s0 =	sadd.s32 s0, s7  }
0x9: {  	_ =	strace $0x80000047;
	s8 =	sor.u32 $0xE0, s5;
	[dreg:$0xf] =	wrdreg s0  }
0xa: {  	s15 =	simm.s32 $0x1;
	s24 =	sor.u32 $0xC0, s5;
	[dreg:$0xe] =	wrdreg s8  }
0xb: {  	s4 =	sadd.s32 $0x1200, s2;
	s25 =	sor.u32 $0xA0, s5;
	[dreg:$0xd] =	wrdreg s24  }
0xc: {  	s6 =	ssub.s32 $0x2, s6;
	s26 =	sor.u32 $0x80, s5;
	[dreg:$0xc] =	wrdreg s25  }
0xd: {  	s2 =	sadd.s32 s11, s2;
	s28 =	sor.u32 $0x60, s5;
	[dreg:$0xb] =	wrdreg s26  }
0xe: {  	s23 =	sshrl.u32 s6, $0x1;
	s2 =	sadd.s32 $0x27AD600, s2;
	[dreg:$0xa] =	wrdreg s28  }
0xf: {  	s6 =	ssub.s32 s6, s23;
	s29 =	sor.u32 $0x40, s5;
	[dreg:$0x10] =	wrdreg s2  }
0x10: {  	s17 =	simm.s32 $0x2;
	s31 =	smax.u32 s6, $0x1;
	[dreg:$0x9] =	wrdreg s29  }
0x11: {  	s7 =	sadd.s32 $0x27AF600, s10;
	s30 =	sor.u32 $0x20, s5;
	[dreg:$0x11] =	wrdreg s31  }
0x12: {  	[dreg:$0x8] =	wrdreg s30;
	s8 =	simm.s32 $0x3;
	s2 =	simm.s32 $0x0  }
.LBB2_1:
0x13: {  	[dreg:$0x12] =	wrdreg s2  }
0x14: {  	s0 =	rddreg [dreg:$0xf];
	s31 =	simm.s32 $0x1000;
	s6 =	simm.s32 $0x20000  }
0x15: {  	[tilespmem:s3], [sflag:$0x3] =	stream.strided.gather [hbm4b:s0+s31], $0x4000, s6, s31, $0x38;
	[tilespmem:$0x14800] =	vst v63  }
0x16: {  	_ =	swait.ge [sflag:s8], $0x4000  }
0x17: {  	[sflag:s8] =	ssyncset.done $0x0  }
0x18: {  	s20 =	simm.s32 $0x0;
	[sflag:s8] =	ssyncadd.s32 $0xFFFFC000  }
.LBB2_2:
0x19: {  	s0 =	sshll.u32 s20, $0xB;
	s2 =	sshll.u32 s20, $0x9  }
0x1a: {  	s21 =	sand.u32 $0x3000, s0;
	s11 =	sand.u32 $0x200, s2  }
0x1b: {  	s0 =	sor.u32 s11, s21  }
0x1c: {  	s12 =	simm.s32 $0x0;
	[dreg:$0x4] =	wrdreg s0  }
0x1d: {  	s6 =	sand.u32 $0xC00, s12;
	s0 =	rddreg [dreg:$0x4]  }
0x1e: {  	s2 =	sand.u32 $0x70, s12;
	s0 =	sadd.s32 s6, s0  }
0x1f: {  	s0 =	sadd.s32 s2, s0  }
0x20: {  	v0 =	vld [tilespmem:s0+$0x0];
	_ =	sdelay $0x4  }
0x21: {  	(v2sf) =	vpush v0, $0x0  }
0x22: {  	(v2sf) =	vpush v0, $0x1;
	_ =	sdelay $0x1  }
0x23: {  	(v2sf) =	vpush v0, $0x2;
	_ =	sdelay $0x6  }
0x24: {  	(v2sf) =	vpush v0, $0x3;
	_ =	sdelay $0x1  }
0x25: {  	s22 =	smul.u32 $0x61A80, s20;
	s24 =	simm.s32 $0x2000  }
0x26: {  	s23 =	simm.s32 $0x0;
	s25 =	simm.s32 $0x10;
	s29 =	simm.s32 $0x4600  }
0x27: {  	s28 =	simm.s32 $0x4680;
	s26 =	simm.s32 $0x80;
	s10 =	simm.s32 $0x4200  }
0x28: {  	s12 =	simm.s32 $0x4100;
	s6 =	simm.s32 $0x4000;
	s11 =	spop (v2sf)  }
0x29: {  	(v2sf) =	vpush v0, $0x4;
	s18 =	sadd.s32 s22, s11;
	s11 =	sshll.u32 s11, $0x7;
	s8 =	spop (v2sf)  }
0x2a: {  	s18 =	sshll.u32 s18, $0x7;
	s9 =	sadd.s32 s22, s8;
	s8 =	sshll.u32 s8, $0x7  }
0x2b: {  	s11 =	sand.u32 $0x380, s11;
	s16 =	spop (v2sf);
	s18 =	sand.u32 $0xFFFFFC00, s18  }
0x2c: {  	s9 =	sshll.u32 s9, $0x7;
	s8 =	sand.u32 $0x380, s8;
	s11 =	sor.u32 s11, s18  }
0x2d: {  	(v2sf) =	vpush v0, $0x5;
	s19 =	sadd.s32 s22, s16;
	s9 =	sand.u32 $0xFFFFFC00, s9;
	s11 =	sshrl.u32 s11, $0x3  }
0x2e: {  	s8 =	sor.u32 s8, s9;
	s9 =	sshll.u32 s16, $0x7;
	s11 =	sadd.s32 s4, s11  }
0x2f: {  	[tilespmem:s6], [sflag:$0x1] =	stream.strided.gather [hbm4b:s11+s13], $0x0, s14, s13, $0x38;
	[tilespmem:$0x14800] =	vst v63  }
0x30: {  	s19 =	sshll.u32 s19, $0x7;
	s8 =	sshrl.u32 s8, $0x3;
	s9 =	sand.u32 $0x380, s9  }
0x31: {  	(v2sf) =	vpush v0, $0x6;
	[tilespmem:s6], [sflag:$0x1] =	stream.linear.gather [hbm4b:s11+s3], $0x20, $0x38;
	[tilespmem:$0x14800] =	vst v63  }
0x32: {  	s6 =	sadd.s32 s4, s8;
	s11 =	spop (v2sf);
	s8 =	sand.u32 $0xFFFFFC00, s19  }
0x33: {  	s18 =	simm.s32 $0x4080;
	s8 =	sor.u32 s9, s8;
	s16 =	sadd.s32 s22, s11  }
0x34: {  	[tilespmem:s18], [sflag:$0x1] =	stream.strided.gather [hbm4b:s6+s13], $0x0, s14, s13, $0x38;
	[tilespmem:$0x14800] =	vst v63  }
0x35: {  	s11 =	sshll.u32 s11, $0x7;
	s8 =	sshrl.u32 s8, $0x3;
	s9 =	sshll.u32 s16, $0x7  }
0x36: {  	[tilespmem:s18], [sflag:$0x1] =	stream.linear.gather [hbm4b:s6+s3], $0x20, $0x38;
	[tilespmem:$0x14800] =	vst v63  }
0x37: {  	s11 =	sand.u32 $0x380, s11;
	s6 =	sadd.s32 s4, s8;
	s8 =	sand.u32 $0xFFFFFC00, s9  }
0x38: {  	s2 =	simm.s32 $0x4400;
	s8 =	sor.u32 s11, s8;
	s16 =	spop (v2sf)  }
0x39: {  	[tilespmem:s12], [sflag:$0x1] =	stream.strided.gather [hbm4b:s6+s13], $0x0, s14, s13, $0x38;
	[tilespmem:$0x14800] =	vst v63  }
0x3a: {  	s19 =	simm.s32 $0x4180;
	s8 =	sshrl.u32 s8, $0x3;
	s18 =	sadd.s32 s22, s16  }
0x3b: {  	[tilespmem:s12], [sflag:$0x1] =	stream.linear.gather [hbm4b:s6+s3], $0x20, $0x38;
	[tilespmem:$0x14800] =	vst v63  }
0x3c: {  	(v2sf) =	vpush v0, $0x7;
	s9 =	sshll.u32 s16, $0x7;
	s16 =	spop (v2sf);
	s12 =	sshll.u32 s18, $0x7  }
0x3d: {  	s6 =	sadd.s32 s4, s8;
	s9 =	sand.u32 $0x380, s9;
	s8 =	sand.u32 $0xFFFFFC00, s12  }
0x3e: {  	[tilespmem:s19], [sflag:$0x1] =	stream.strided.gather [hbm4b:s6+s13], $0x0, s14, s13, $0x38;
	[tilespmem:$0x14800] =	vst v63  }
0x3f: {  	(v2sf) =	vpush v0, $0x8;
	s18 =	sadd.s32 s22, s16;
	s16 =	sshll.u32 s16, $0x7;
	s8 =	sor.u32 s9, s8  }
0x40: {  	s9 =	sshll.u32 s18, $0x7;
	s18 =	spop (v2sf);
	s8 =	sshrl.u32 s8, $0x3  }
0x41: {  	[tilespmem:s19], [sflag:$0x1] =	stream.linear.gather [hbm4b:s6+s3], $0x20, $0x38;
	[tilespmem:$0x14800] =	vst v63  }
0x42: {  	(v2sf) =	vpush v0, $0x9;
	s6 =	sadd.s32 s4, s8;
	s8 =	sand.u32 $0xFFFFFC00, s9;
	s9 =	sand.u32 $0x380, s16  }
0x43: {  	s12 =	simm.s32 $0x4280;
	s19 =	sadd.s32 s22, s18;
	s8 =	sor.u32 s9, s8  }
0x44: {  	[tilespmem:s10], [sflag:$0x1] =	stream.strided.gather [hbm4b:s6+s13], $0x0, s14, s13, $0x38;
	[tilespmem:$0x14800] =	vst v63  }
0x45: {  	(v2sf) =	vpush v0, $0xA;
	s11 =	sshll.u32 s18, $0x7;
	s18 =	sshll.u32 s19, $0x7;
	s8 =	sshrl.u32 s8, $0x3  }
0x46: {  	[tilespmem:s10], [sflag:$0x1] =	stream.linear.gather [hbm4b:s6+s3], $0x20, $0x38;
	[tilespmem:$0x14800] =	vst v63  }
0x47: {  	s11 =	sand.u32 $0x380, s11;
	s16 =	sadd.s32 s4, s8;
	s8 =	sand.u32 $0xFFFFFC00, s18  }
0x48: {  	[tilespmem:s12], [sflag:$0x1] =	stream.strided.gather [hbm4b:s16+s13], $0x0, s14, s13, $0x38;
	[tilespmem:$0x14800] =	vst v63  }
0x49: {  	s0 =	simm.s32 $0x4480;
	s9 =	simm.s32 $0x4300;
	s11 =	sor.u32 s11, s8  }
0x4a: {  	[tilespmem:s12], [sflag:$0x1] =	stream.linear.gather [hbm4b:s16+s3], $0x20, $0x38;
	[tilespmem:$0x14800] =	vst v63  }
0x4b: {  	s10 =	simm.s32 $0x4380;
	s6 =	sshrl.u32 s11, $0x3;
	s19 =	spop (v2sf)  }
0x4c: {  	s6 =	sadd.s32 s4, s6;
	s12 =	sadd.s32 s22, s19;
	s16 =	sshll.u32 s19, $0x7  }
0x4d: {  	[tilespmem:s9], [sflag:$0x1] =	stream.strided.gather [hbm4b:s6+s13], $0x0, s14, s13, $0x38;
	[tilespmem:$0x14800] =	vst v63  }
0x4e: {  	s18 =	spop (v2sf);
	s8 =	sshll.u32 s12, $0x7;
	s11 =	sand.u32 $0x380, s16  }
0x4f: {  	(v2sf) =	vpush v0, $0xB;
	s19 =	sadd.s32 s22, s18;
	s12 =	sshll.u32 s18, $0x7;
	s8 =	sand.u32 $0xFFFFFC00, s8  }
0x50: {  	[tilespmem:s9], [sflag:$0x1] =	stream.linear.gather [hbm4b:s6+s3], $0x20, $0x38;
	[tilespmem:$0x14800] =	vst v63  }
0x51: {  	s16 =	spop (v2sf);
	s8 =	sor.u32 s11, s8;
	s11 =	sshll.u32 s19, $0x7  }
0x52: {  	s18 =	sand.u32 $0x380, s12;
	s9 =	sshrl.u32 s8, $0x3;
	s8 =	sand.u32 $0xFFFFFC00, s11  }
0x53: {  	(v2sf) =	vpush v0, $0xC;
	s19 =	sadd.s32 s22, s16;
	s6 =	sadd.s32 s4, s9;
	s8 =	sor.u32 s18, s8  }
0x54: {  	s9 =	sshll.u32 s16, $0x7;
	s16 =	sshll.u32 s19, $0x7;
	s18 =	spop (v2sf)  }
0x55: {  	[tilespmem:s10], [sflag:$0x1] =	stream.strided.gather [hbm4b:s6+s13], $0x0, s14, s13, $0x38;
	[tilespmem:$0x14800] =	vst v63  }
0x56: {  	s12 =	sshrl.u32 s8, $0x3;
	s8 =	sand.u32 $0xFFFFFC00, s16;
	s9 =	sand.u32 $0x380, s9  }
0x57: {  	[tilespmem:s10], [sflag:$0x1] =	stream.linear.gather [hbm4b:s6+s3], $0x20, $0x38;
	[tilespmem:$0x14800] =	vst v63  }
0x58: {  	s19 =	sadd.s32 s22, s18;
	s8 =	sor.u32 s9, s8;
	s6 =	sadd.s32 s4, s12  }
0x59: {  	[tilespmem:s2], [sflag:$0x1] =	stream.strided.gather [hbm4b:s6+s13], $0x0, s14, s13, $0x38;
	[tilespmem:$0x14800] =	vst v63  }
0x5a: {  	s9 =	sshll.u32 s19, $0x7;
	s10 =	sshll.u32 s18, $0x7;
	s8 =	sshrl.u32 s8, $0x3  }
0x5b: {  	[tilespmem:s2], [sflag:$0x1] =	stream.linear.gather [hbm4b:s6+s3], $0x20, $0x38;
	[tilespmem:$0x14800] =	vst v63  }
0x5c: {  	s12 =	sand.u32 $0x380, s10;
	s2 =	sadd.s32 s4, s8;
	s6 =	sand.u32 $0xFFFFFC00, s9  }
0x5d: {  	[tilespmem:s0], [sflag:$0x1] =	stream.strided.gather [hbm4b:s2+s13], $0x0, s14, s13, $0x38;
	[tilespmem:$0x14800] =	vst v63  }
0x5e: {  	s31 =	simm.s32 $0x4500;
	s6 =	sor.u32 s12, s6;
	s11 =	spop (v2sf)  }
0x5f: {  	s30 =	simm.s32 $0x4580;
	s18 =	sshrl.u32 s6, $0x3;
	s16 =	sadd.s32 s22, s11  }
0x60: {  	(v2sf) =	vpush v0, $0xD;
	[tilespmem:s0], [sflag:$0x1] =	stream.linear.gather [hbm4b:s2+s3], $0x20, $0x38;
	[tilespmem:$0x14800] =	vst v63  }
0x61: {  	(v2sf) =	vpush v0, $0xE;
	s10 =	sadd.s32 s4, s18;
	s8 =	sshll.u32 s11, $0x7;
	s19 =	sshll.u32 s16, $0x7  }
0x62: {  	s2 =	spop (v2sf);
	(v2sf) =	vpush v0, $0xF;
	s11 =	sand.u32 $0x380, s8;
	s18 =	sand.u32 $0xFFFFFC00, s19  }
.LBB2_3:
0x63: {  	[tilespmem:s31], [sflag:$0x1] =	stream.strided.gather [hbm4b:s10+s13], $0x0, s14, s13, $0x38;
	[tilespmem:$0x14800] =	vst v63  }
0x64: {  	s8 =	sadd.s32 s22, s2  }
0x65: {  	s6 =	sor.u32 s11, s18;
	s18 =	sshll.u32 s2, $0x7;
	s8 =	sshll.u32 s8, $0x7  }
0x66: {  	[tilespmem:s31], [sflag:$0x1] =	stream.linear.gather [hbm4b:s10+s3], $0x20, $0x38;
	[tilespmem:$0x14800] =	vst v63  }
0x67: {  	s6 =	sshrl.u32 s6, $0x3;
	s2 =	sand.u32 $0x380, s18;
	s8 =	sand.u32 $0xFFFFFC00, s8  }
0x68: {  	s6 =	sadd.s32 s4, s6;
	s2 =	sor.u32 s2, s8  }
0x69: {  	[tilespmem:s30], [sflag:$0x1] =	stream.strided.gather [hbm4b:s6+s13], $0x0, s14, s13, $0x38;
	[tilespmem:$0x14800] =	vst v63  }
0x6a: {  	s2 =	sshrl.u32 s2, $0x3  }
0x6b: {  	[tilespmem:s30], [sflag:$0x1] =	stream.linear.gather [hbm4b:s6+s3], $0x20, $0x38;
	[tilespmem:$0x14800] =	vst v63  }
0x6c: {  	s2 =	sadd.s32 s4, s2  }
0x6d: {  	[tilespmem:s29], [sflag:$0x1] =	stream.strided.gather [hbm4b:s2+s13], $0x0, s14, s13, $0x38;
	[tilespmem:$0x14800] =	vst v63  }
0x6e: {  	_ = 	snop  }
0x6f: {  	[tilespmem:s29], [sflag:$0x1] =	stream.linear.gather [hbm4b:s2+s3], $0x20, $0x38;
	[tilespmem:$0x14800] =	vst v63  }
0x70: {  	s9 =	spop (v2sf)  }
0x71: {  	s16 =	sadd.s32 s22, s9  }
0x72: {  	s9 =	sshll.u32 s9, $0x7;
	s10 =	sshll.u32 s16, $0x7  }
0x73: {  	s9 =	sand.u32 $0x380, s9;
	s19 =	sand.u32 $0xFFFFFC00, s10;
	s10 =	spop (v2sf)  }
0x74: {  	s9 =	sor.u32 s9, s19;
	s11 =	sadd.s32 s22, s10  }
0x75: {  	s8 =	sshll.u32 s10, $0x7;
	s16 =	spop (v2sf);
	s19 =	sadd.s32 $0x4700, s23  }
0x76: {  	s6 =	sshrl.u32 s9, $0x3;
	s9 =	sshll.u32 s11, $0x7;
	s8 =	sand.u32 $0x380, s8  }
0x77: {  	s18 =	sadd.s32 s22, s16;
	s6 =	sadd.s32 s4, s6;
	s12 =	sand.u32 $0xFFFFFC00, s9  }
0x78: {  	[tilespmem:s28], [sflag:$0x1] =	stream.strided.gather [hbm4b:s6+s13], $0x0, s14, s13, $0x38;
	[tilespmem:$0x14800] =	vst v63  }
0x79: {  	s9 =	sshll.u32 s16, $0x7;
	s2 =	sor.u32 s8, s12;
	s8 =	sshll.u32 s18, $0x7  }
0x7a: {  	s9 =	sand.u32 $0x380, s9;
	s2 =	sshrl.u32 s2, $0x3;
	s8 =	sand.u32 $0xFFFFFC00, s8  }
0x7b: {  	[tilespmem:s28], [sflag:$0x1] =	stream.linear.gather [hbm4b:s6+s3], $0x20, $0x38;
	[tilespmem:$0x14800] =	vst v63  }
0x7c: {  	s10 =	sadd.s32 $0x4780, s23;
	s2 =	sadd.s32 s4, s2;
	s8 =	sor.u32 s9, s8  }
0x7d: {  	[tilespmem:s19], [sflag:$0x1] =	stream.strided.gather [hbm4b:s2+s13], $0x0, s14, s13, $0x38;
	[tilespmem:$0x14800] =	vst v63  }
0x7e: {  	s11 =	sand.u32 $0xC00, s26;
	s9 =	rddreg [dreg:$0x4];
	s8 =	sshrl.u32 s8, $0x3  }
0x7f: {  	[tilespmem:s19], [sflag:$0x1] =	stream.linear.gather [hbm4b:s2+s3], $0x20, $0x38;
	[tilespmem:$0x14800] =	vst v63  }
0x80: {  	s12 =	sand.u32 $0x70, s25;
	s8 =	sadd.s32 s4, s8;
	s2 =	sadd.s32 s11, s9  }
0x81: {  	[tilespmem:s10], [sflag:$0x1] =	stream.strided.gather [hbm4b:s8+s13], $0x0, s14, s13, $0x38;
	[tilespmem:$0x14800] =	vst v63  }
0x82: {  	s2 =	sadd.s32 s12, s2  }
0x83: {  	[tilespmem:s10], [sflag:$0x1] =	stream.linear.gather [hbm4b:s8+s3], $0x20, $0x38;
	[tilespmem:$0x14800] =	vst v63  }
0x84: {  	v0 =	vld [tilespmem:s2+$0x0];
	_ =	sdelay $0x4  }
0x85: {  	(v2sf) =	vpush v0, $0x0  }
0x86: {  	(v2sf) =	vpush v0, $0x1;
	_ =	sdelay $0x2  }
0x87: {  	(v2sf) =	vpush v0, $0x2;
	_ =	sdelay $0x6  }
0x88: {  	(v2sf) =	vpush v0, $0x3  }
0x89: {  	s0 =	smov.u32 s24  }
0x8a: {  	p0 =	sne.s32 s24, $0x3E000;
	s24 =	sadd.s32 $0x2000, s24;
	s23 =	sshra.s32 s0, $0x2  }
0x8b: {  	s29 =	sadd.s32 $0x4600, s23;
	s26 =	sadd.s32 $0x80, s26;
	s0 =	sadd.s32 $0x4480, s23  }
0x8c: {  	s31 =	sadd.s32 $0x4500, s23;
	s6 =	sadd.s32 $0x4000, s23;
	s16 =	spop (v2sf)  }
0x8d: {  	(v2sf) =	vpush v0, $0x4;
	s18 =	sadd.s32 s22, s16;
	s8 =	sshll.u32 s16, $0x7;
	s19 =	spop (v2sf)  }
0x8e: {  	s9 =	sshll.u32 s18, $0x7;
	s12 =	sadd.s32 s22, s19;
	s11 =	sshll.u32 s19, $0x7  }
0x8f: {  	s8 =	sand.u32 $0x380, s8;
	s18 =	sadd.s32 $0x4100, s23;
	s9 =	sand.u32 $0xFFFFFC00, s9  }
0x90: {  	s16 =	spop (v2sf);
	s12 =	sshll.u32 s12, $0x7;
	s8 =	sor.u32 s8, s9  }
0x91: {  	(v2sf) =	vpush v0, $0x5;
	s11 =	sand.u32 $0x380, s11;
	s12 =	sand.u32 $0xFFFFFC00, s12;
	s8 =	sshrl.u32 s8, $0x3  }
0x92: {  	s19 =	sadd.s32 s22, s16;
	s11 =	sor.u32 s11, s12;
	s8 =	sadd.s32 s4, s8  }
0x93: {  	[tilespmem:s6], [sflag:$0x1] =	stream.strided.gather [hbm4b:s8+s13], $0x0, s14, s13, $0x38;
	[tilespmem:$0x14800] =	vst v63  }
0x94: {  	s9 =	sadd.s32 $0x4080, s23;
	s12 =	sshll.u32 s16, $0x7;
	s11 =	sshrl.u32 s11, $0x3  }
0x95: {  	[tilespmem:s6], [sflag:$0x1] =	stream.linear.gather [hbm4b:s8+s3], $0x20, $0x38;
	[tilespmem:$0x14800] =	vst v63  }
0x96: {  	s19 =	sshll.u32 s19, $0x7;
	s12 =	sand.u32 $0x380, s12;
	s6 =	sadd.s32 s4, s11  }
0x97: {  	s11 =	spop (v2sf);
	s8 =	sand.u32 $0xFFFFFC00, s19;
	s19 =	sadd.s32 $0x4180, s23  }
0x98: {  	[tilespmem:s9], [sflag:$0x1] =	stream.strided.gather [hbm4b:s6+s13], $0x0, s14, s13, $0x38;
	[tilespmem:$0x14800] =	vst v63  }
0x99: {  	(v2sf) =	vpush v0, $0x6;
	s8 =	sor.u32 s12, s8;
	s16 =	sadd.s32 s22, s11;
	s11 =	sshll.u32 s11, $0x7  }
0x9a: {  	[tilespmem:s9], [sflag:$0x1] =	stream.linear.gather [hbm4b:s6+s3], $0x20, $0x38;
	[tilespmem:$0x14800] =	vst v63  }
0x9b: {  	s8 =	sshrl.u32 s8, $0x3;
	s11 =	sand.u32 $0x380, s11;
	s9 =	sshll.u32 s16, $0x7  }
0x9c: {  	s6 =	sadd.s32 s4, s8;
	s8 =	sand.u32 $0xFFFFFC00, s9;
	s12 =	spop (v2sf)  }
0x9d: {  	[tilespmem:s18], [sflag:$0x1] =	stream.strided.gather [hbm4b:s6+s13], $0x0, s14, s13, $0x38;
	[tilespmem:$0x14800] =	vst v63  }
0x9e: {  	s8 =	sor.u32 s11, s8;
	s16 =	sadd.s32 s22, s12;
	s9 =	sshll.u32 s12, $0x7  }
0x9f: {  	[tilespmem:s18], [sflag:$0x1] =	stream.linear.gather [hbm4b:s6+s3], $0x20, $0x38;
	[tilespmem:$0x14800] =	vst v63  }
0xa0: {  	s8 =	sshrl.u32 s8, $0x3;
	s12 =	sshll.u32 s16, $0x7;
	s16 =	spop (v2sf)  }
0xa1: {  	(v2sf) =	vpush v0, $0x7;
	s6 =	sadd.s32 s4, s8;
	s9 =	sand.u32 $0x380, s9;
	s8 =	sand.u32 $0xFFFFFC00, s12  }
0xa2: {  	[tilespmem:s19], [sflag:$0x1] =	stream.strided.gather [hbm4b:s6+s13], $0x0, s14, s13, $0x38;
	[tilespmem:$0x14800] =	vst v63  }
0xa3: {  	s10 =	sadd.s32 $0x4200, s23;
	s18 =	sadd.s32 s22, s16;
	s8 =	sor.u32 s9, s8  }
0xa4: {  	(v2sf) =	vpush v0, $0x8;
	s16 =	sshll.u32 s16, $0x7;
	s9 =	sshll.u32 s18, $0x7;
	s8 =	sshrl.u32 s8, $0x3  }
0xa5: {  	[tilespmem:s19], [sflag:$0x1] =	stream.linear.gather [hbm4b:s6+s3], $0x20, $0x38;
	[tilespmem:$0x14800] =	vst v63  }
0xa6: {  	s6 =	sadd.s32 s4, s8;
	s8 =	sand.u32 $0xFFFFFC00, s9;
	s9 =	sand.u32 $0x380, s16  }
0xa7: {  	(v2sf) =	vpush v0, $0x9;
	[tilespmem:s10], [sflag:$0x1] =	stream.strided.gather [hbm4b:s6+s13], $0x0, s14, s13, $0x38;
	[tilespmem:$0x14800] =	vst v63  }
0xa8: {  	s30 =	sadd.s32 $0x4580, s23;
	s8 =	sor.u32 s9, s8;
	s18 =	spop (v2sf)  }
0xa9: {  	s12 =	sadd.s32 $0x4280, s23;
	s8 =	sshrl.u32 s8, $0x3;
	s19 =	sadd.s32 s22, s18  }
0xaa: {  	[tilespmem:s10], [sflag:$0x1] =	stream.linear.gather [hbm4b:s6+s3], $0x20, $0x38;
	[tilespmem:$0x14800] =	vst v63  }
0xab: {  	s16 =	sadd.s32 s4, s8;
	s11 =	sshll.u32 s18, $0x7;
	s18 =	sshll.u32 s19, $0x7  }
0xac: {  	[tilespmem:s12], [sflag:$0x1] =	stream.strided.gather [hbm4b:s16+s13], $0x0, s14, s13, $0x38;
	[tilespmem:$0x14800] =	vst v63  }
0xad: {  	s25 =	sadd.s32 $0x10, s25;
	(v2sf) =	vpush v0, $0xA;
	s11 =	sand.u32 $0x380, s11;
	s8 =	sand.u32 $0xFFFFFC00, s18  }
0xae: {  	s2 =	sadd.s32 $0x4400, s23;
	s9 =	sadd.s32 $0x4300, s23;
	s11 =	sor.u32 s11, s8  }
0xaf: {  	[tilespmem:s12], [sflag:$0x1] =	stream.linear.gather [hbm4b:s16+s3], $0x20, $0x38;
	[tilespmem:$0x14800] =	vst v63  }
0xb0: {  	s10 =	sadd.s32 $0x4380, s23;
	s6 =	sshrl.u32 s11, $0x3;
	s19 =	spop (v2sf)  }
0xb1: {  	s6 =	sadd.s32 s4, s6;
	s12 =	sadd.s32 s22, s19;
	s16 =	sshll.u32 s19, $0x7  }
0xb2: {  	[tilespmem:s9], [sflag:$0x1] =	stream.strided.gather [hbm4b:s6+s13], $0x0, s14, s13, $0x38;
	[tilespmem:$0x14800] =	vst v63  }
0xb3: {  	s8 =	sshll.u32 s12, $0x7;
	s18 =	spop (v2sf);
	s11 =	sand.u32 $0x380, s16  }
0xb4: {  	(v2sf) =	vpush v0, $0xB;
	s8 =	sand.u32 $0xFFFFFC00, s8;
	s19 =	sadd.s32 s22, s18;
	s12 =	sshll.u32 s18, $0x7  }
0xb5: {  	[tilespmem:s9], [sflag:$0x1] =	stream.linear.gather [hbm4b:s6+s3], $0x20, $0x38;
	[tilespmem:$0x14800] =	vst v63  }
0xb6: {  	s16 =	spop (v2sf);
	s8 =	sor.u32 s11, s8;
	s11 =	sshll.u32 s19, $0x7  }
0xb7: {  	s18 =	sand.u32 $0x380, s12;
	s9 =	sshrl.u32 s8, $0x3;
	s8 =	sand.u32 $0xFFFFFC00, s11  }
0xb8: {  	(v2sf) =	vpush v0, $0xC;
	s19 =	sadd.s32 s22, s16;
	s6 =	sadd.s32 s4, s9;
	s8 =	sor.u32 s18, s8  }
0xb9: {  	[tilespmem:s10], [sflag:$0x1] =	stream.strided.gather [hbm4b:s6+s13], $0x0, s14, s13, $0x38;
	[tilespmem:$0x14800] =	vst v63  }
0xba: {  	s9 =	sshll.u32 s16, $0x7;
	s16 =	sshll.u32 s19, $0x7;
	s12 =	sshrl.u32 s8, $0x3  }
0xbb: {  	[tilespmem:s10], [sflag:$0x1] =	stream.linear.gather [hbm4b:s6+s3], $0x20, $0x38;
	[tilespmem:$0x14800] =	vst v63  }
0xbc: {  	s8 =	sand.u32 $0xFFFFFC00, s16;
	s9 =	sand.u32 $0x380, s9;
	s18 =	spop (v2sf)  }
0xbd: {  	s8 =	sor.u32 s9, s8;
	s6 =	sadd.s32 s4, s12;
	s19 =	sadd.s32 s22, s18  }
0xbe: {  	[tilespmem:s2], [sflag:$0x1] =	stream.strided.gather [hbm4b:s6+s13], $0x0, s14, s13, $0x38;
	[tilespmem:$0x14800] =	vst v63  }
0xbf: {  	s8 =	sshrl.u32 s8, $0x3;
	s10 =	sshll.u32 s18, $0x7;
	s9 =	sshll.u32 s19, $0x7  }
0xc0: {  	[tilespmem:s2], [sflag:$0x1] =	stream.linear.gather [hbm4b:s6+s3], $0x20, $0x38;
	[tilespmem:$0x14800] =	vst v63  }
0xc1: {  	s12 =	sand.u32 $0x380, s10;
	s2 =	sadd.s32 s4, s8;
	s6 =	sand.u32 $0xFFFFFC00, s9  }
0xc2: {  	[tilespmem:s0], [sflag:$0x1] =	stream.strided.gather [hbm4b:s2+s13], $0x0, s14, s13, $0x38;
	[tilespmem:$0x14800] =	vst v63  }
.Ltmp0:
0xc3: {  	s6 =	sor.u32 s12, s6;
	s11 =	spop (v2sf);
	(pc) =	sbr.rel @p0 .LBB2_3-.Ltmp0, $4  }
0xc4: {  	[tilespmem:s0], [sflag:$0x1] =	stream.linear.gather [hbm4b:s2+s3], $0x20, $0x38;
	[tilespmem:$0x14800] =	vst v63  }
0xc5: {  	s28 =	sadd.s32 $0x4680, s23;
	(v2sf) =	vpush v0, $0xD;
	s18 =	sshrl.u32 s6, $0x3;
	s16 =	sadd.s32 s22, s11  }
0xc6: {  	s10 =	sadd.s32 s4, s18;
	(v2sf) =	vpush v0, $0xE;
	s8 =	sshll.u32 s11, $0x7;
	s19 =	sshll.u32 s16, $0x7  }
0xc7: {  	s2 =	spop (v2sf);
	(v2sf) =	vpush v0, $0xF;
	s11 =	sand.u32 $0x380, s8;
	s18 =	sand.u32 $0xFFFFFC00, s19  }
0xc8: {  	[tilespmem:s31], [sflag:$0x1] =	stream.strided.gather [hbm4b:s10+s13], $0x0, s14, s13, $0x38;
	[tilespmem:$0x14800] =	vst v63  }
0xc9: {  	s6 =	sadd.s32 s22, s2  }
0xca: {  	s0 =	sor.u32 s11, s18;
	s26 =	sshll.u32 s2, $0x7;
	s6 =	sshll.u32 s6, $0x7  }
0xcb: {  	[tilespmem:s31], [sflag:$0x1] =	stream.linear.gather [hbm4b:s10+s3], $0x20, $0x38;
	[tilespmem:$0x14800] =	vst v63  }
0xcc: {  	s0 =	sshrl.u32 s0, $0x3;
	s2 =	sand.u32 $0x380, s26;
	s6 =	sand.u32 $0xFFFFFC00, s6  }
0xcd: {  	s0 =	sadd.s32 s4, s0;
	s2 =	sor.u32 s2, s6  }
0xce: {  	[tilespmem:s30], [sflag:$0x1] =	stream.strided.gather [hbm4b:s0+s13], $0x0, s14, s13, $0x38;
	[tilespmem:$0x14800] =	vst v63  }
0xcf: {  	s11 =	sshrl.u32 s2, $0x3  }
0xd0: {  	[tilespmem:s30], [sflag:$0x1] =	stream.linear.gather [hbm4b:s0+s3], $0x20, $0x38;
	[tilespmem:$0x14800] =	vst v63  }
0xd1: {  	s0 =	sadd.s32 s4, s11  }
0xd2: {  	[tilespmem:s29], [sflag:$0x1] =	stream.strided.gather [hbm4b:s0+s13], $0x0, s14, s13, $0x38;
	[tilespmem:$0x14800] =	vst v63  }
0xd3: {  	_ = 	snop  }
0xd4: {  	[tilespmem:s29], [sflag:$0x1] =	stream.linear.gather [hbm4b:s0+s3], $0x20, $0x38;
	[tilespmem:$0x14800] =	vst v63  }
0xd5: {  	s8 =	spop (v2sf)  }
0xd6: {  	s26 =	sadd.s32 $0x4700, s23;
	s11 =	simm.s32 $0x0;
	s9 =	sadd.s32 s22, s8  }
0xd7: {  	s8 =	sshll.u32 s8, $0x7;
	s16 =	spop (v2sf);
	s9 =	sshll.u32 s9, $0x7  }
0xd8: {  	s8 =	sand.u32 $0x380, s8;
	s18 =	sadd.s32 s22, s16;
	s6 =	sshll.u32 s16, $0x7  }
0xd9: {  	s24 =	spop (v2sf);
	s10 =	sand.u32 $0xFFFFFC00, s9;
	s6 =	sand.u32 $0x380, s6  }
0xda: {  	s25 =	sadd.s32 s22, s24;
	s22 =	sshll.u32 s20, $0x2;
	s12 =	sor.u32 s8, s10  }
0xdb: {  	s8 =	sshll.u32 s18, $0x7;
	s9 =	sor.u32 $0x1, s22;
	s2 =	sshrl.u32 s12, $0x3  }
0xdc: {  	s19 =	sand.u32 $0xFFFFFC00, s8;
	s8 =	sshll.u32 s24, $0x7;
	s2 =	sadd.s32 s4, s2  }
0xdd: {  	[tilespmem:s28], [sflag:$0x1] =	stream.strided.gather [hbm4b:s2+s13], $0x0, s14, s13, $0x38;
	[tilespmem:$0x14800] =	vst v63  }
0xde: {  	s10 =	sshll.u32 s9, $0x7;
	s0 =	sor.u32 s6, s19;
	s6 =	sshll.u32 s25, $0x7  }
0xdf: {  	[tilespmem:s28], [sflag:$0x1] =	stream.linear.gather [hbm4b:s2+s3], $0x20, $0x38;
	[tilespmem:$0x14800] =	vst v63  }
0xe0: {  	s8 =	sand.u32 $0x380, s8;
	s0 =	sshrl.u32 s0, $0x3;
	s2 =	sand.u32 $0x280, s10  }
0xe1: {  	s6 =	sand.u32 $0xFFFFFC00, s6;
	s0 =	sadd.s32 s4, s0;
	s2 =	sadd.s32 s2, s21  }
0xe2: {  	[tilespmem:s26], [sflag:$0x1] =	stream.strided.gather [hbm4b:s0+s13], $0x0, s14, s13, $0x38;
	[tilespmem:$0x14800] =	vst v63  }
0xe3: {  	s12 =	sand.u32 $0xC00, s11;
	s6 =	sor.u32 s8, s6;
	[dreg:$0x5] =	wrdreg s2  }
0xe4: {  	s8 =	sadd.s32 $0x4780, s23;
	s6 =	sshrl.u32 s6, $0x3;
	s2 =	rddreg [dreg:$0x5]  }
0xe5: {  	[tilespmem:s26], [sflag:$0x1] =	stream.linear.gather [hbm4b:s0+s3], $0x20, $0x38;
	[tilespmem:$0x14800] =	vst v63  }
0xe6: {  	s0 =	sadd.s32 s4, s6;
	s6 =	sand.u32 $0x70, s11;
	s2 =	sadd.s32 s12, s2  }
0xe7: {  	[tilespmem:s8], [sflag:$0x1] =	stream.strided.gather [hbm4b:s0+s13], $0x0, s14, s13, $0x38;
	[tilespmem:$0x14800] =	vst v63  }
0xe8: {  	s2 =	sadd.s32 s6, s2  }
0xe9: {  	[tilespmem:s8], [sflag:$0x1] =	stream.linear.gather [hbm4b:s0+s3], $0x20, $0x38;
	[tilespmem:$0x14800] =	vst v63  }
0xea: {  	v0 =	vld [tilespmem:s2+$0x0];
	_ =	sdelay $0x4  }
0xeb: {  	(v2sf) =	vpush v0, $0x0  }
0xec: {  	(v2sf) =	vpush v0, $0x1;
	_ =	sdelay $0x4  }
0xed: {  	(v2sf) =	vpush v0, $0x2;
	_ =	sdelay $0x4  }
0xee: {  	(v2sf) =	vpush v0, $0x3;
	_ =	sdelay $0x1  }
0xef: {  	s31 =	simm.s32 $0x45A0;
	s30 =	simm.s32 $0x4620  }
0xf0: {  	s29 =	simm.s32 $0x46A0;
	s24 =	simm.s32 $0x0;
	s23 =	smul.u32 $0x186A0, s9  }
0xf1: {  	s25 =	simm.s32 $0x2000;
	s28 =	simm.s32 $0x80;
	s16 =	spop (v2sf)  }
0xf2: {  	s6 =	simm.s32 $0x4020;
	(v2sf) =	vpush v0, $0x4;
	s18 =	sadd.s32 s23, s16;
	s12 =	spop (v2sf)  }
0xf3: {  	s8 =	sshll.u32 s16, $0x7;
	s9 =	sshll.u32 s18, $0x7;
	s19 =	sadd.s32 s23, s12  }
0xf4: {  	s12 =	sshll.u32 s12, $0x7;
	s8 =	sand.u32 $0x380, s8;
	s9 =	sand.u32 $0xFFFFFC00, s9  }
0xf5: {  	s18 =	sshll.u32 s19, $0x7;
	s19 =	simm.s32 $0x4120;
	s8 =	sor.u32 s8, s9  }
0xf6: {  	s12 =	sand.u32 $0x380, s12;
	s18 =	sand.u32 $0xFFFFFC00, s18;
	s8 =	sshrl.u32 s8, $0x3  }
0xf7: {  	s12 =	sor.u32 s12, s18;
	s18 =	spop (v2sf);
	s8 =	sadd.s32 s4, s8  }
0xf8: {  	[tilespmem:s6], [sflag:$0x1] =	stream.strided.gather [hbm4b:s8+s13], $0x0, s14, s13, $0x38;
	[tilespmem:$0x14800] =	vst v63  }
0xf9: {  	(v2sf) =	vpush v0, $0x5;
	s9 =	simm.s32 $0x40A0;
	s12 =	sshrl.u32 s12, $0x3;
	s16 =	sadd.s32 s23, s18  }
0xfa: {  	[tilespmem:s6], [sflag:$0x1] =	stream.linear.gather [hbm4b:s8+s3], $0x20, $0x38;
	[tilespmem:$0x14800] =	vst v63  }
0xfb: {  	s18 =	sshll.u32 s18, $0x7;
	s16 =	sshll.u32 s16, $0x7;
	s6 =	sadd.s32 s4, s12  }
0xfc: {  	s12 =	spop (v2sf);
	s8 =	sand.u32 $0xFFFFFC00, s16;
	s16 =	sand.u32 $0x380, s18  }
0xfd: {  	(v2sf) =	vpush v0, $0x6;
	s8 =	sor.u32 s16, s8;
	s16 =	sadd.s32 s23, s12;
	s12 =	sshll.u32 s12, $0x7  }
0xfe: {  	[tilespmem:s9], [sflag:$0x1] =	stream.strided.gather [hbm4b:s6+s13], $0x0, s14, s13, $0x38;
	[tilespmem:$0x14800] =	vst v63  }
0xff: {  	s8 =	sshrl.u32 s8, $0x3;
	s16 =	sshll.u32 s16, $0x7;
	s12 =	sand.u32 $0x380, s12  }
0x100: {  	[tilespmem:s9], [sflag:$0x1] =	stream.linear.gather [hbm4b:s6+s3], $0x20, $0x38;
	[tilespmem:$0x14800] =	vst v63  }
0x101: {  	s6 =	sadd.s32 s4, s8;
	s8 =	sand.u32 $0xFFFFFC00, s16;
	s9 =	spop (v2sf)  }
0x102: {  	[tilespmem:s19], [sflag:$0x1] =	stream.strided.gather [hbm4b:s6+s13], $0x0, s14, s13, $0x38;
	[tilespmem:$0x14800] =	vst v63  }
0x103: {  	s18 =	simm.s32 $0x41A0;
	s8 =	sor.u32 s12, s8;
	s16 =	sadd.s32 s23, s9  }
0x104: {  	[tilespmem:s19], [sflag:$0x1] =	stream.linear.gather [hbm4b:s6+s3], $0x20, $0x38;
	[tilespmem:$0x14800] =	vst v63  }
0x105: {  	s8 =	sshrl.u32 s8, $0x3;
	s9 =	sshll.u32 s9, $0x7;
	s16 =	sshll.u32 s16, $0x7  }
0x106: {  	(v2sf) =	vpush v0, $0x7;
	s6 =	sadd.s32 s4, s8;
	s9 =	sand.u32 $0x380, s9;
	s8 =	sand.u32 $0xFFFFFC00, s16  }
0x107: {  	[tilespmem:s18], [sflag:$0x1] =	stream.strided.gather [hbm4b:s6+s13], $0x0, s14, s13, $0x38;
	[tilespmem:$0x14800] =	vst v63  }
0x108: {  	s10 =	simm.s32 $0x4420;
	s12 =	spop (v2sf);
	s8 =	sor.u32 s9, s8  }
0x109: {  	s11 =	simm.s32 $0x4220;
	(v2sf) =	vpush v0, $0x8;
	s19 =	sadd.s32 s23, s12;
	s8 =	sshrl.u32 s8, $0x3  }
0x10a: {  	[tilespmem:s18], [sflag:$0x1] =	stream.linear.gather [hbm4b:s6+s3], $0x20, $0x38;
	[tilespmem:$0x14800] =	vst v63  }
0x10b: {  	s12 =	sshll.u32 s12, $0x7;
	s9 =	sshll.u32 s19, $0x7;
	s6 =	sadd.s32 s4, s8  }
0x10c: {  	(v2sf) =	vpush v0, $0x9;
	s8 =	sand.u32 $0xFFFFFC00, s9;
	s9 =	sand.u32 $0x380, s12;
	s18 =	spop (v2sf)  }
0x10d: {  	s16 =	simm.s32 $0x42A0;
	s8 =	sor.u32 s9, s8;
	s19 =	sadd.s32 s23, s18  }
0x10e: {  	[tilespmem:s11], [sflag:$0x1] =	stream.strided.gather [hbm4b:s6+s13], $0x0, s14, s13, $0x38;
	[tilespmem:$0x14800] =	vst v63  }
0x10f: {  	s12 =	sshll.u32 s18, $0x7;
	s8 =	sshrl.u32 s8, $0x3;
	s18 =	sshll.u32 s19, $0x7  }
0x110: {  	[tilespmem:s11], [sflag:$0x1] =	stream.linear.gather [hbm4b:s6+s3], $0x20, $0x38;
	[tilespmem:$0x14800] =	vst v63  }
0x111: {  	(v2sf) =	vpush v0, $0xA;
	s12 =	sand.u32 $0x380, s12;
	s6 =	sadd.s32 s4, s8;
	s8 =	sand.u32 $0xFFFFFC00, s18  }
0x112: {  	[tilespmem:s16], [sflag:$0x1] =	stream.strided.gather [hbm4b:s6+s13], $0x0, s14, s13, $0x38;
	[tilespmem:$0x14800] =	vst v63  }
0x113: {  	s2 =	simm.s32 $0x44A0;
	s9 =	simm.s32 $0x4320;
	s8 =	sor.u32 s12, s8  }
0x114: {  	[tilespmem:s16], [sflag:$0x1] =	stream.linear.gather [hbm4b:s6+s3], $0x20, $0x38;
	[tilespmem:$0x14800] =	vst v63  }
0x115: {  	s11 =	simm.s32 $0x43A0;
	s6 =	sshrl.u32 s8, $0x3;
	s19 =	spop (v2sf)  }
0x116: {  	s6 =	sadd.s32 s4, s6;
	s12 =	sadd.s32 s23, s19;
	s16 =	sshll.u32 s19, $0x7  }
0x117: {  	[tilespmem:s9], [sflag:$0x1] =	stream.strided.gather [hbm4b:s6+s13], $0x0, s14, s13, $0x38;
	[tilespmem:$0x14800] =	vst v63  }
0x118: {  	s18 =	spop (v2sf);
	s8 =	sshll.u32 s12, $0x7;
	s12 =	sand.u32 $0x380, s16  }
0x119: {  	(v2sf) =	vpush v0, $0xB;
	s19 =	sadd.s32 s23, s18;
	s16 =	sshll.u32 s18, $0x7;
	s8 =	sand.u32 $0xFFFFFC00, s8  }
0x11a: {  	[tilespmem:s9], [sflag:$0x1] =	stream.linear.gather [hbm4b:s6+s3], $0x20, $0x38;
	[tilespmem:$0x14800] =	vst v63  }
0x11b: {  	s9 =	spop (v2sf);
	s18 =	sand.u32 $0x380, s16;
	s8 =	sor.u32 s12, s8  }
0x11c: {  	s12 =	sshll.u32 s19, $0x7;
	s19 =	sadd.s32 s23, s9;
	s8 =	sshrl.u32 s8, $0x3  }
0x11d: {  	(v2sf) =	vpush v0, $0xC;
	s9 =	sshll.u32 s9, $0x7;
	s6 =	sadd.s32 s4, s8;
	s8 =	sand.u32 $0xFFFFFC00, s12  }
0x11e: {  	[tilespmem:s11], [sflag:$0x1] =	stream.strided.gather [hbm4b:s6+s13], $0x0, s14, s13, $0x38;
	[tilespmem:$0x14800] =	vst v63  }
0x11f: {  	s9 =	sand.u32 $0x380, s9;
	s8 =	sor.u32 s18, s8;
	s18 =	sshll.u32 s19, $0x7  }
0x120: {  	s19 =	spop (v2sf);
	s16 =	sshrl.u32 s8, $0x3;
	s8 =	sand.u32 $0xFFFFFC00, s18  }
0x121: {  	[tilespmem:s11], [sflag:$0x1] =	stream.linear.gather [hbm4b:s6+s3], $0x20, $0x38;
	[tilespmem:$0x14800] =	vst v63  }
0x122: {  	s12 =	sadd.s32 s23, s19;
	s6 =	sadd.s32 s4, s16;
	s8 =	sor.u32 s9, s8  }
0x123: {  	[tilespmem:s10], [sflag:$0x1] =	stream.strided.gather [hbm4b:s6+s13], $0x0, s14, s13, $0x38;
	[tilespmem:$0x14800] =	vst v63  }
0x124: {  	s11 =	sshll.u32 s19, $0x7;
	s18 =	sshll.u32 s12, $0x7;
	s16 =	sshrl.u32 s8, $0x3  }
0x125: {  	[tilespmem:s10], [sflag:$0x1] =	stream.linear.gather [hbm4b:s6+s3], $0x20, $0x38;
	[tilespmem:$0x14800] =	vst v63  }
0x126: {  	s8 =	sand.u32 $0xFFFFFC00, s18;
	s11 =	sand.u32 $0x380, s11;
	s6 =	sadd.s32 s4, s16  }
0x127: {  	[tilespmem:s2], [sflag:$0x1] =	stream.strided.gather [hbm4b:s6+s13], $0x0, s14, s13, $0x38;
	[tilespmem:$0x14800] =	vst v63  }
0x128: {  	s26 =	simm.s32 $0x10;
	s8 =	sor.u32 s11, s8;
	s19 =	spop (v2sf)  }
0x129: {  	s0 =	simm.s32 $0x4520;
	s16 =	sshrl.u32 s8, $0x3;
	s12 =	sadd.s32 s23, s19  }
0x12a: {  	(v2sf) =	vpush v0, $0xD;
	[tilespmem:s2], [sflag:$0x1] =	stream.linear.gather [hbm4b:s6+s3], $0x20, $0x38;
	[tilespmem:$0x14800] =	vst v63  }
0x12b: {  	s11 =	sadd.s32 s4, s16;
	(v2sf) =	vpush v0, $0xE;
	s9 =	sshll.u32 s19, $0x7;
	s19 =	sshll.u32 s12, $0x7  }
0x12c: {  	(v2sf) =	vpush v0, $0xF;
	s18 =	sand.u32 $0x380, s9;
	s10 =	spop (v2sf);
	s6 =	sand.u32 $0xFFFFFC00, s19  }
.LBB2_5:
0x12d: {  	[tilespmem:s0], [sflag:$0x1] =	stream.strided.gather [hbm4b:s11+s13], $0x0, s14, s13, $0x38;
	[tilespmem:$0x14800] =	vst v63  }
0x12e: {  	s8 =	sadd.s32 s23, s10  }
0x12f: {  	s6 =	sor.u32 s18, s6;
	s19 =	sshll.u32 s10, $0x7;
	s16 =	sshll.u32 s8, $0x7  }
0x130: {  	[tilespmem:s0], [sflag:$0x1] =	stream.linear.gather [hbm4b:s11+s3], $0x20, $0x38;
	[tilespmem:$0x14800] =	vst v63  }
0x131: {  	s12 =	sshrl.u32 s6, $0x3;
	s10 =	sand.u32 $0x380, s19;
	s6 =	sand.u32 $0xFFFFFC00, s16  }
0x132: {  	s0 =	sadd.s32 s4, s12;
	s6 =	sor.u32 s10, s6  }
0x133: {  	[tilespmem:s31], [sflag:$0x1] =	stream.strided.gather [hbm4b:s0+s13], $0x0, s14, s13, $0x38;
	[tilespmem:$0x14800] =	vst v63  }
0x134: {  	s6 =	sshrl.u32 s6, $0x3  }
0x135: {  	[tilespmem:s31], [sflag:$0x1] =	stream.linear.gather [hbm4b:s0+s3], $0x20, $0x38;
	[tilespmem:$0x14800] =	vst v63  }
0x136: {  	s0 =	sadd.s32 s4, s6  }
0x137: {  	[tilespmem:s30], [sflag:$0x1] =	stream.strided.gather [hbm4b:s0+s13], $0x0, s14, s13, $0x38;
	[tilespmem:$0x14800] =	vst v63  }
0x138: {  	_ = 	snop  }
0x139: {  	[tilespmem:s30], [sflag:$0x1] =	stream.linear.gather [hbm4b:s0+s3], $0x20, $0x38;
	[tilespmem:$0x14800] =	vst v63  }
0x13a: {  	s9 =	spop (v2sf)  }
0x13b: {  	s19 =	sadd.s32 $0x4720, s24;
	s18 =	sadd.s32 s23, s9  }
0x13c: {  	s9 =	sshll.u32 s9, $0x7;
	s10 =	spop (v2sf);
	s8 =	sshll.u32 s18, $0x7  }
0x13d: {  	s9 =	sand.u32 $0x380, s9;
	s16 =	spop (v2sf);
	s8 =	sand.u32 $0xFFFFFC00, s8  }
0x13e: {  	s11 =	sadd.s32 s23, s10;
	s18 =	sadd.s32 s23, s16;
	s9 =	sor.u32 s9, s8  }
0x13f: {  	s8 =	sshll.u32 s10, $0x7;
	s6 =	sshrl.u32 s9, $0x3;
	s9 =	sshll.u32 s11, $0x7  }
0x140: {  	s8 =	sand.u32 $0x380, s8;
	s6 =	sadd.s32 s4, s6;
	s12 =	sand.u32 $0xFFFFFC00, s9  }
0x141: {  	[tilespmem:s29], [sflag:$0x1] =	stream.strided.gather [hbm4b:s6+s13], $0x0, s14, s13, $0x38;
	[tilespmem:$0x14800] =	vst v63  }
0x142: {  	s9 =	sshll.u32 s16, $0x7;
	s0 =	sor.u32 s8, s12;
	s8 =	sshll.u32 s18, $0x7  }
0x143: {  	s9 =	sand.u32 $0x380, s9;
	s0 =	sshrl.u32 s0, $0x3;
	s8 =	sand.u32 $0xFFFFFC00, s8  }
0x144: {  	[tilespmem:s29], [sflag:$0x1] =	stream.linear.gather [hbm4b:s6+s3], $0x20, $0x38;
	[tilespmem:$0x14800] =	vst v63  }
0x145: {  	s10 =	sadd.s32 $0x47A0, s24;
	s0 =	sadd.s32 s4, s0;
	s8 =	sor.u32 s9, s8  }
0x146: {  	[tilespmem:s19], [sflag:$0x1] =	stream.strided.gather [hbm4b:s0+s13], $0x0, s14, s13, $0x38;
	[tilespmem:$0x14800] =	vst v63  }
0x147: {  	s11 =	sand.u32 $0xC00, s28;
	s9 =	rddreg [dreg:$0x5];
	s8 =	sshrl.u32 s8, $0x3  }
0x148: {  	[tilespmem:s19], [sflag:$0x1] =	stream.linear.gather [hbm4b:s0+s3], $0x20, $0x38;
	[tilespmem:$0x14800] =	vst v63  }
0x149: {  	s12 =	sand.u32 $0x70, s26;
	s8 =	sadd.s32 s4, s8;
	s0 =	sadd.s32 s11, s9  }
0x14a: {  	[tilespmem:s10], [sflag:$0x1] =	stream.strided.gather [hbm4b:s8+s13], $0x0, s14, s13, $0x38;
	[tilespmem:$0x14800] =	vst v63  }
0x14b: {  	s0 =	sadd.s32 s12, s0  }
0x14c: {  	[tilespmem:s10], [sflag:$0x1] =	stream.linear.gather [hbm4b:s8+s3], $0x20, $0x38;
	[tilespmem:$0x14800] =	vst v63  }
0x14d: {  	v0 =	vld [tilespmem:s0+$0x0];
	_ =	sdelay $0x4  }
0x14e: {  	(v2sf) =	vpush v0, $0x0  }
0x14f: {  	(v2sf) =	vpush v0, $0x1;
	_ =	sdelay $0x3  }
0x150: {  	(v2sf) =	vpush v0, $0x2;
	_ =	sdelay $0x4  }
0x151: {  	(v2sf) =	vpush v0, $0x3;
	_ =	sdelay $0x1  }
0x152: {  	s2 =	smov.u32 s25  }
0x153: {  	p0 =	sne.s32 s25, $0x3E000;
	s25 =	sadd.s32 $0x2000, s25;
	s24 =	sshra.s32 s2, $0x2  }
0x154: {  	s30 =	sadd.s32 $0x4620, s24;
	s28 =	sadd.s32 $0x80, s28;
	s2 =	sadd.s32 $0x44A0, s24  }
0x155: {  	s31 =	sadd.s32 $0x45A0, s24;
	s6 =	sadd.s32 $0x4020, s24;
	s16 =	spop (v2sf)  }
0x156: {  	(v2sf) =	vpush v0, $0x4;
	s18 =	sadd.s32 s23, s16;
	s8 =	sshll.u32 s16, $0x7;
	s12 =	spop (v2sf)  }
0x157: {  	s9 =	sshll.u32 s18, $0x7;
	s16 =	sadd.s32 s23, s12;
	s12 =	sshll.u32 s12, $0x7  }
0x158: {  	s8 =	sand.u32 $0x380, s8;
	s9 =	sand.u32 $0xFFFFFC00, s9;
	s16 =	sshll.u32 s16, $0x7  }
0x159: {  	s12 =	sand.u32 $0x380, s12;
	s8 =	sor.u32 s8, s9;
	s16 =	sand.u32 $0xFFFFFC00, s16  }
0x15a: {  	(v2sf) =	vpush v0, $0x5;
	s8 =	sshrl.u32 s8, $0x3;
	s12 =	sor.u32 s12, s16;
	s16 =	spop (v2sf)  }
0x15b: {  	s8 =	sadd.s32 s4, s8;
	s19 =	sadd.s32 s23, s16;
	s16 =	sshll.u32 s16, $0x7  }
0x15c: {  	[tilespmem:s6], [sflag:$0x1] =	stream.strided.gather [hbm4b:s8+s13], $0x0, s14, s13, $0x38;
	[tilespmem:$0x14800] =	vst v63  }
0x15d: {  	s12 =	sshrl.u32 s12, $0x3;
	s19 =	sshll.u32 s19, $0x7;
	s16 =	sand.u32 $0x380, s16  }
0x15e: {  	[tilespmem:s6], [sflag:$0x1] =	stream.linear.gather [hbm4b:s8+s3], $0x20, $0x38;
	[tilespmem:$0x14800] =	vst v63  }
0x15f: {  	s6 =	sadd.s32 s4, s12;
	s12 =	spop (v2sf);
	s8 =	sand.u32 $0xFFFFFC00, s19  }
0x160: {  	s9 =	sadd.s32 $0x40A0, s24;
	s8 =	sor.u32 s16, s8;
	s16 =	sadd.s32 s23, s12  }
0x161: {  	[tilespmem:s9], [sflag:$0x1] =	stream.strided.gather [hbm4b:s6+s13], $0x0, s14, s13, $0x38;
	[tilespmem:$0x14800] =	vst v63  }
0x162: {  	(v2sf) =	vpush v0, $0x6;
	s12 =	sshll.u32 s12, $0x7;
	s8 =	sshrl.u32 s8, $0x3;
	s16 =	sshll.u32 s16, $0x7  }
0x163: {  	[tilespmem:s9], [sflag:$0x1] =	stream.linear.gather [hbm4b:s6+s3], $0x20, $0x38;
	[tilespmem:$0x14800] =	vst v63  }
0x164: {  	s12 =	sand.u32 $0x380, s12;
	s6 =	sadd.s32 s4, s8;
	s8 =	sand.u32 $0xFFFFFC00, s16  }
0x165: {  	s18 =	sadd.s32 $0x4120, s24;
	s8 =	sor.u32 s12, s8;
	s9 =	spop (v2sf)  }
0x166: {  	[tilespmem:s18], [sflag:$0x1] =	stream.strided.gather [hbm4b:s6+s13], $0x0, s14, s13, $0x38;
	[tilespmem:$0x14800] =	vst v63  }
0x167: {  	s19 =	sadd.s32 $0x41A0, s24;
	s8 =	sshrl.u32 s8, $0x3;
	s16 =	sadd.s32 s23, s9  }
0x168: {  	[tilespmem:s18], [sflag:$0x1] =	stream.linear.gather [hbm4b:s6+s3], $0x20, $0x38;
	[tilespmem:$0x14800] =	vst v63  }
0x169: {  	s9 =	sshll.u32 s9, $0x7;
	s12 =	spop (v2sf);
	s16 =	sshll.u32 s16, $0x7  }
0x16a: {  	(v2sf) =	vpush v0, $0x7;
	s6 =	sadd.s32 s4, s8;
	s9 =	sand.u32 $0x380, s9;
	s8 =	sand.u32 $0xFFFFFC00, s16  }
0x16b: {  	[tilespmem:s19], [sflag:$0x1] =	stream.strided.gather [hbm4b:s6+s13], $0x0, s14, s13, $0x38;
	[tilespmem:$0x14800] =	vst v63  }
0x16c: {  	s11 =	sadd.s32 $0x4220, s24;
	s18 =	sadd.s32 s23, s12;
	s8 =	sor.u32 s9, s8  }
0x16d: {  	(v2sf) =	vpush v0, $0x8;
	s12 =	sshll.u32 s12, $0x7;
	s9 =	sshll.u32 s18, $0x7;
	s8 =	sshrl.u32 s8, $0x3  }
0x16e: {  	[tilespmem:s19], [sflag:$0x1] =	stream.linear.gather [hbm4b:s6+s3], $0x20, $0x38;
	[tilespmem:$0x14800] =	vst v63  }
0x16f: {  	s6 =	sadd.s32 s4, s8;
	s8 =	sand.u32 $0xFFFFFC00, s9;
	s9 =	sand.u32 $0x380, s12  }
0x170: {  	(v2sf) =	vpush v0, $0x9;
	[tilespmem:s11], [sflag:$0x1] =	stream.strided.gather [hbm4b:s6+s13], $0x0, s14, s13, $0x38;
	[tilespmem:$0x14800] =	vst v63  }
0x171: {  	s26 =	sadd.s32 $0x10, s26;
	s8 =	sor.u32 s9, s8;
	s18 =	spop (v2sf)  }
0x172: {  	s16 =	sadd.s32 $0x42A0, s24;
	s8 =	sshrl.u32 s8, $0x3;
	s19 =	sadd.s32 s23, s18  }
0x173: {  	[tilespmem:s11], [sflag:$0x1] =	stream.linear.gather [hbm4b:s6+s3], $0x20, $0x38;
	[tilespmem:$0x14800] =	vst v63  }
0x174: {  	s12 =	sshll.u32 s18, $0x7;
	s6 =	sadd.s32 s4, s8;
	s18 =	sshll.u32 s19, $0x7  }
0x175: {  	[tilespmem:s16], [sflag:$0x1] =	stream.strided.gather [hbm4b:s6+s13], $0x0, s14, s13, $0x38;
	[tilespmem:$0x14800] =	vst v63  }
0x176: {  	s29 =	sadd.s32 $0x46A0, s24;
	(v2sf) =	vpush v0, $0xA;
	s12 =	sand.u32 $0x380, s12;
	s8 =	sand.u32 $0xFFFFFC00, s18  }
0x177: {  	s10 =	sadd.s32 $0x4420, s24;
	s9 =	sadd.s32 $0x4320, s24;
	s8 =	sor.u32 s12, s8  }
0x178: {  	[tilespmem:s16], [sflag:$0x1] =	stream.linear.gather [hbm4b:s6+s3], $0x20, $0x38;
	[tilespmem:$0x14800] =	vst v63  }
0x179: {  	s11 =	sadd.s32 $0x43A0, s24;
	s6 =	sshrl.u32 s8, $0x3;
	s19 =	spop (v2sf)  }
0x17a: {  	s6 =	sadd.s32 s4, s6;
	s12 =	sadd.s32 s23, s19;
	s16 =	sshll.u32 s19, $0x7  }
0x17b: {  	[tilespmem:s9], [sflag:$0x1] =	stream.strided.gather [hbm4b:s6+s13], $0x0, s14, s13, $0x38;
	[tilespmem:$0x14800] =	vst v63  }
0x17c: {  	s18 =	spop (v2sf);
	s8 =	sshll.u32 s12, $0x7;
	s12 =	sand.u32 $0x380, s16  }
0x17d: {  	(v2sf) =	vpush v0, $0xB;
	s19 =	sadd.s32 s23, s18;
	s16 =	sshll.u32 s18, $0x7;
	s8 =	sand.u32 $0xFFFFFC00, s8  }
0x17e: {  	[tilespmem:s9], [sflag:$0x1] =	stream.linear.gather [hbm4b:s6+s3], $0x20, $0x38;
	[tilespmem:$0x14800] =	vst v63  }
0x17f: {  	s9 =	spop (v2sf);
	s18 =	sand.u32 $0x380, s16;
	s8 =	sor.u32 s12, s8  }
0x180: {  	s12 =	sshll.u32 s19, $0x7;
	s19 =	sadd.s32 s23, s9;
	s8 =	sshrl.u32 s8, $0x3  }
0x181: {  	(v2sf) =	vpush v0, $0xC;
	s9 =	sshll.u32 s9, $0x7;
	s6 =	sadd.s32 s4, s8;
	s8 =	sand.u32 $0xFFFFFC00, s12  }
0x182: {  	[tilespmem:s11], [sflag:$0x1] =	stream.strided.gather [hbm4b:s6+s13], $0x0, s14, s13, $0x38;
	[tilespmem:$0x14800] =	vst v63  }
0x183: {  	s9 =	sand.u32 $0x380, s9;
	s8 =	sor.u32 s18, s8;
	s18 =	sshll.u32 s19, $0x7  }
0x184: {  	[tilespmem:s11], [sflag:$0x1] =	stream.linear.gather [hbm4b:s6+s3], $0x20, $0x38;
	[tilespmem:$0x14800] =	vst v63  }
0x185: {  	s16 =	sshrl.u32 s8, $0x3;
	s8 =	sand.u32 $0xFFFFFC00, s18;
	s19 =	spop (v2sf)  }
0x186: {  	s6 =	sadd.s32 s4, s16;
	s8 =	sor.u32 s9, s8;
	s12 =	sadd.s32 s23, s19  }
0x187: {  	[tilespmem:s10], [sflag:$0x1] =	stream.strided.gather [hbm4b:s6+s13], $0x0, s14, s13, $0x38;
	[tilespmem:$0x14800] =	vst v63  }
0x188: {  	s11 =	sshll.u32 s19, $0x7;
	s16 =	sshrl.u32 s8, $0x3;
	s18 =	sshll.u32 s12, $0x7  }
0x189: {  	[tilespmem:s10], [sflag:$0x1] =	stream.linear.gather [hbm4b:s6+s3], $0x20, $0x38;
	[tilespmem:$0x14800] =	vst v63  }
0x18a: {  	s11 =	sand.u32 $0x380, s11;
	s8 =	sand.u32 $0xFFFFFC00, s18;
	s6 =	sadd.s32 s4, s16  }
0x18b: {  	[tilespmem:s2], [sflag:$0x1] =	stream.strided.gather [hbm4b:s6+s13], $0x0, s14, s13, $0x38;
	[tilespmem:$0x14800] =	vst v63  }
.Ltmp1:
0x18c: {  	s8 =	sor.u32 s11, s8;
	s19 =	spop (v2sf);
	(pc) =	sbr.rel @p0 .LBB2_5-.Ltmp1, $4  }
0x18d: {  	s0 =	sadd.s32 $0x4520, s24;
	s16 =	sshrl.u32 s8, $0x3;
	s12 =	sadd.s32 s23, s19  }
0x18e: {  	(v2sf) =	vpush v0, $0xD;
	[tilespmem:s2], [sflag:$0x1] =	stream.linear.gather [hbm4b:s6+s3], $0x20, $0x38;
	[tilespmem:$0x14800] =	vst v63  }
0x18f: {  	s11 =	sadd.s32 s4, s16;
	(v2sf) =	vpush v0, $0xE;
	s9 =	sshll.u32 s19, $0x7;
	s19 =	sshll.u32 s12, $0x7  }
0x190: {  	s18 =	sand.u32 $0x380, s9;
	s10 =	spop (v2sf);
	(v2sf) =	vpush v0, $0xF;
	s6 =	sand.u32 $0xFFFFFC00, s19  }
0x191: {  	[tilespmem:s0], [sflag:$0x1] =	stream.strided.gather [hbm4b:s11+s13], $0x0, s14, s13, $0x38;
	[tilespmem:$0x14800] =	vst v63  }
0x192: {  	s2 =	sor.u32 s18, s6;
	s28 =	sadd.s32 s23, s10  }
0x193: {  	s2 =	sshrl.u32 s2, $0x3;
	s9 =	sshll.u32 s28, $0x7  }
0x194: {  	[tilespmem:s0], [sflag:$0x1] =	stream.linear.gather [hbm4b:s11+s3], $0x20, $0x38;
	[tilespmem:$0x14800] =	vst v63  }
0x195: {  	s0 =	sadd.s32 s4, s2;
	s2 =	sand.u32 $0xFFFFFC00, s9;
	s9 =	sshll.u32 s10, $0x7  }
0x196: {  	s9 =	sand.u32 $0x380, s9  }
0x197: {  	[tilespmem:s31], [sflag:$0x1] =	stream.strided.gather [hbm4b:s0+s13], $0x0, s14, s13, $0x38;
	[tilespmem:$0x14800] =	vst v63  }
0x198: {  	s2 =	sor.u32 s9, s2  }
0x199: {  	s12 =	sshrl.u32 s2, $0x3  }
0x19a: {  	[tilespmem:s31], [sflag:$0x1] =	stream.linear.gather [hbm4b:s0+s3], $0x20, $0x38;
	[tilespmem:$0x14800] =	vst v63  }
0x19b: {  	s0 =	sadd.s32 s4, s12  }
0x19c: {  	[tilespmem:s30], [sflag:$0x1] =	stream.strided.gather [hbm4b:s0+s13], $0x0, s14, s13, $0x38;
	[tilespmem:$0x14800] =	vst v63  }
0x19d: {  	_ = 	snop  }
0x19e: {  	[tilespmem:s30], [sflag:$0x1] =	stream.linear.gather [hbm4b:s0+s3], $0x20, $0x38;
	[tilespmem:$0x14800] =	vst v63  }
0x19f: {  	s8 =	spop (v2sf)  }
0x1a0: {  	s11 =	sadd.s32 s23, s8  }
0x1a1: {  	s8 =	sshll.u32 s8, $0x7;
	s18 =	spop (v2sf);
	s6 =	sshll.u32 s11, $0x7  }
0x1a2: {  	s8 =	sand.u32 $0x380, s8;
	s26 =	spop (v2sf);
	s6 =	sand.u32 $0xFFFFFC00, s6  }
0x1a3: {  	s19 =	sadd.s32 s23, s18;
	s28 =	sadd.s32 s23, s26;
	s16 =	sor.u32 s8, s6  }
0x1a4: {  	s8 =	sshll.u32 s19, $0x7;
	s6 =	sshll.u32 s18, $0x7;
	s2 =	sshrl.u32 s16, $0x3  }
0x1a5: {  	s25 =	sand.u32 $0xFFFFFC00, s8;
	s6 =	sand.u32 $0x380, s6;
	s8 =	sshll.u32 s26, $0x7  }
0x1a6: {  	s2 =	sadd.s32 s4, s2;
	s0 =	sor.u32 s6, s25;
	s6 =	sshll.u32 s28, $0x7  }
0x1a7: {  	[tilespmem:s29], [sflag:$0x1] =	stream.strided.gather [hbm4b:s2+s13], $0x0, s14, s13, $0x38;
	[tilespmem:$0x14800] =	vst v63  }
0x1a8: {  	s8 =	sand.u32 $0x380, s8;
	s0 =	sshrl.u32 s0, $0x3;
	s6 =	sand.u32 $0xFFFFFC00, s6  }
0x1a9: {  	[tilespmem:s29], [sflag:$0x1] =	stream.linear.gather [hbm4b:s2+s3], $0x20, $0x38;
	[tilespmem:$0x14800] =	vst v63  }
0x1aa: {  	s0 =	sadd.s32 s4, s0;
	s6 =	sor.u32 s8, s6;
	s29 =	sadd.s32 $0x4720, s24  }
0x1ab: {  	[tilespmem:s29], [sflag:$0x1] =	stream.strided.gather [hbm4b:s0+s13], $0x0, s14, s13, $0x38;
	[tilespmem:$0x14800] =	vst v63  }
0x1ac: {  	s30 =	sshrl.u32 s6, $0x3  }
0x1ad: {  	[tilespmem:s29], [sflag:$0x1] =	stream.linear.gather [hbm4b:s0+s3], $0x20, $0x38;
	[tilespmem:$0x14800] =	vst v63  }
0x1ae: {  	s31 =	sadd.s32 $0x47A0, s24;
	s0 =	sadd.s32 s4, s30  }
0x1af: {  	[tilespmem:s31], [sflag:$0x1] =	stream.strided.gather [hbm4b:s0+s13], $0x0, s14, s13, $0x38;
	[tilespmem:$0x14800] =	vst v63  }
0x1b0: {  	_ = 	snop  }
0x1b1: {  	[tilespmem:s31], [sflag:$0x1] =	stream.linear.gather [hbm4b:s0+s3], $0x20, $0x38;
	[tilespmem:$0x14800] =	vst v63  }
0x1b2: {  	s0 =	sor.u32 $0x2, s22  }
0x1b3: {  	p0 =	sgt.u32 s0, $0x19  }
.Ltmp2:
0x1b4: {  	_ = 	snop;
	(pc) =	sbr.rel @p0 .LBB2_10-.Ltmp2, $1  }
0x1b5: {  	_ =	sdelay $0x3  }
0x1b6: {  	s2 =	sshll.u32 s0, $0x7  }
0x1b7: {  	s2 =	sand.u32 $0x300, s2  }
0x1b8: {  	s2 =	sadd.s32 s2, s21  }
0x1b9: {  	s6 =	simm.s32 $0x0;
	[dreg:$0x6] =	wrdreg s2  }
0x1ba: {  	s8 =	sand.u32 $0xC00, s6;
	s2 =	rddreg [dreg:$0x6]  }
0x1bb: {  	s6 =	sand.u32 $0x70, s6;
	s2 =	sadd.s32 s8, s2  }
0x1bc: {  	s2 =	sadd.s32 s6, s2  }
0x1bd: {  	v0 =	vld [tilespmem:s2+$0x0];
	_ =	sdelay $0x4  }
0x1be: {  	(v2sf) =	vpush v0, $0x0  }
0x1bf: {  	(v2sf) =	vpush v0, $0x1;
	_ =	sdelay $0x3  }
0x1c0: {  	(v2sf) =	vpush v0, $0x2;
	_ =	sdelay $0x4  }
0x1c1: {  	(v2sf) =	vpush v0, $0x3;
	_ =	sdelay $0x1  }
0x1c2: {  	s23 =	smul.u32 $0x186A0, s0;
	s25 =	simm.s32 $0x2000  }
0x1c3: {  	s24 =	simm.s32 $0x0;
	s26 =	simm.s32 $0x10;
	s30 =	simm.s32 $0x4640  }
0x1c4: {  	s29 =	simm.s32 $0x46C0;
	s28 =	simm.s32 $0x80;
	s11 =	simm.s32 $0x4240  }
0x1c5: {  	s10 =	simm.s32 $0x4440;
	s6 =	simm.s32 $0x4040;
	s18 =	spop (v2sf)  }
0x1c6: {  	(v2sf) =	vpush v0, $0x4;
	s9 =	sadd.s32 s23, s18;
	s8 =	sshll.u32 s18, $0x7;
	s12 =	spop (v2sf)  }
0x1c7: {  	s9 =	sshll.u32 s9, $0x7;
	s16 =	sadd.s32 s23, s12;
	s12 =	sshll.u32 s12, $0x7  }
0x1c8: {  	s8 =	sand.u32 $0x380, s8;
	s9 =	sand.u32 $0xFFFFFC00, s9;
	s16 =	sshll.u32 s16, $0x7  }
0x1c9: {  	s12 =	sand.u32 $0x380, s12;
	s8 =	sor.u32 s8, s9;
	s16 =	sand.u32 $0xFFFFFC00, s16  }
0x1ca: {  	(v2sf) =	vpush v0, $0x5;
	s8 =	sshrl.u32 s8, $0x3;
	s12 =	sor.u32 s12, s16;
	s16 =	spop (v2sf)  }
0x1cb: {  	s8 =	sadd.s32 s4, s8;
	s19 =	sadd.s32 s23, s16;
	s16 =	sshll.u32 s16, $0x7  }
0x1cc: {  	[tilespmem:s6], [sflag:$0x1] =	stream.strided.gather [hbm4b:s8+s13], $0x0, s14, s13, $0x38;
	[tilespmem:$0x14800] =	vst v63  }
0x1cd: {  	s12 =	sshrl.u32 s12, $0x3;
	s19 =	sshll.u32 s19, $0x7;
	s16 =	sand.u32 $0x380, s16  }
0x1ce: {  	(v2sf) =	vpush v0, $0x6;
	[tilespmem:s6], [sflag:$0x1] =	stream.linear.gather [hbm4b:s8+s3], $0x20, $0x38;
	[tilespmem:$0x14800] =	vst v63  }
0x1cf: {  	s6 =	sadd.s32 s4, s12;
	s12 =	spop (v2sf);
	s8 =	sand.u32 $0xFFFFFC00, s19  }
0x1d0: {  	s9 =	simm.s32 $0x40C0;
	s8 =	sor.u32 s16, s8;
	s16 =	sadd.s32 s23, s12  }
0x1d1: {  	[tilespmem:s9], [sflag:$0x1] =	stream.strided.gather [hbm4b:s6+s13], $0x0, s14, s13, $0x38;
	[tilespmem:$0x14800] =	vst v63  }
0x1d2: {  	s12 =	sshll.u32 s12, $0x7;
	s8 =	sshrl.u32 s8, $0x3;
	s16 =	sshll.u32 s16, $0x7  }
0x1d3: {  	[tilespmem:s9], [sflag:$0x1] =	stream.linear.gather [hbm4b:s6+s3], $0x20, $0x38;
	[tilespmem:$0x14800] =	vst v63  }
0x1d4: {  	s12 =	sand.u32 $0x380, s12;
	s6 =	sadd.s32 s4, s8;
	s8 =	sand.u32 $0xFFFFFC00, s16  }
0x1d5: {  	s18 =	simm.s32 $0x4140;
	s8 =	sor.u32 s12, s8;
	s9 =	spop (v2sf)  }
0x1d6: {  	[tilespmem:s18], [sflag:$0x1] =	stream.strided.gather [hbm4b:s6+s13], $0x0, s14, s13, $0x38;
	[tilespmem:$0x14800] =	vst v63  }
0x1d7: {  	s19 =	simm.s32 $0x41C0;
	s8 =	sshrl.u32 s8, $0x3;
	s16 =	sadd.s32 s23, s9  }
0x1d8: {  	[tilespmem:s18], [sflag:$0x1] =	stream.linear.gather [hbm4b:s6+s3], $0x20, $0x38;
	[tilespmem:$0x14800] =	vst v63  }
0x1d9: {  	(v2sf) =	vpush v0, $0x7;
	s9 =	sshll.u32 s9, $0x7;
	s12 =	spop (v2sf);
	s16 =	sshll.u32 s16, $0x7  }
0x1da: {  	s6 =	sadd.s32 s4, s8;
	s9 =	sand.u32 $0x380, s9;
	s8 =	sand.u32 $0xFFFFFC00, s16  }
0x1db: {  	[tilespmem:s19], [sflag:$0x1] =	stream.strided.gather [hbm4b:s6+s13], $0x0, s14, s13, $0x38;
	[tilespmem:$0x14800] =	vst v63  }
0x1dc: {  	(v2sf) =	vpush v0, $0x8;
	s18 =	sadd.s32 s23, s12;
	s12 =	sshll.u32 s12, $0x7;
	s8 =	sor.u32 s9, s8  }
0x1dd: {  	s9 =	sshll.u32 s18, $0x7;
	s8 =	sshrl.u32 s8, $0x3;
	s18 =	spop (v2sf)  }
0x1de: {  	[tilespmem:s19], [sflag:$0x1] =	stream.linear.gather [hbm4b:s6+s3], $0x20, $0x38;
	[tilespmem:$0x14800] =	vst v63  }
0x1df: {  	(v2sf) =	vpush v0, $0x9;
	s6 =	sadd.s32 s4, s8;
	s8 =	sand.u32 $0xFFFFFC00, s9;
	s9 =	sand.u32 $0x380, s12  }
0x1e0: {  	s16 =	simm.s32 $0x42C0;
	s19 =	sadd.s32 s23, s18;
	s8 =	sor.u32 s9, s8  }
0x1e1: {  	[tilespmem:s11], [sflag:$0x1] =	stream.strided.gather [hbm4b:s6+s13], $0x0, s14, s13, $0x38;
	[tilespmem:$0x14800] =	vst v63  }
0x1e2: {  	s12 =	sshll.u32 s18, $0x7;
	s18 =	sshll.u32 s19, $0x7;
	s8 =	sshrl.u32 s8, $0x3  }
0x1e3: {  	[tilespmem:s11], [sflag:$0x1] =	stream.linear.gather [hbm4b:s6+s3], $0x20, $0x38;
	[tilespmem:$0x14800] =	vst v63  }
0x1e4: {  	(v2sf) =	vpush v0, $0xA;
	s12 =	sand.u32 $0x380, s12;
	s6 =	sadd.s32 s4, s8;
	s8 =	sand.u32 $0xFFFFFC00, s18  }
0x1e5: {  	[tilespmem:s16], [sflag:$0x1] =	stream.strided.gather [hbm4b:s6+s13], $0x0, s14, s13, $0x38;
	[tilespmem:$0x14800] =	vst v63  }
0x1e6: {  	s2 =	simm.s32 $0x44C0;
	s9 =	simm.s32 $0x4340;
	s8 =	sor.u32 s12, s8  }
0x1e7: {  	[tilespmem:s16], [sflag:$0x1] =	stream.linear.gather [hbm4b:s6+s3], $0x20, $0x38;
	[tilespmem:$0x14800] =	vst v63  }
0x1e8: {  	s11 =	simm.s32 $0x43C0;
	s6 =	sshrl.u32 s8, $0x3;
	s19 =	spop (v2sf)  }
0x1e9: {  	s6 =	sadd.s32 s4, s6;
	s12 =	sadd.s32 s23, s19;
	s16 =	sshll.u32 s19, $0x7  }
0x1ea: {  	[tilespmem:s9], [sflag:$0x1] =	stream.strided.gather [hbm4b:s6+s13], $0x0, s14, s13, $0x38;
	[tilespmem:$0x14800] =	vst v63  }
0x1eb: {  	s18 =	spop (v2sf);
	s8 =	sshll.u32 s12, $0x7;
	s12 =	sand.u32 $0x380, s16  }
0x1ec: {  	(v2sf) =	vpush v0, $0xB;
	s19 =	sadd.s32 s23, s18;
	s16 =	sshll.u32 s18, $0x7;
	s8 =	sand.u32 $0xFFFFFC00, s8  }
0x1ed: {  	[tilespmem:s9], [sflag:$0x1] =	stream.linear.gather [hbm4b:s6+s3], $0x20, $0x38;
	[tilespmem:$0x14800] =	vst v63  }
0x1ee: {  	s9 =	spop (v2sf);
	s18 =	sand.u32 $0x380, s16;
	s8 =	sor.u32 s12, s8  }
0x1ef: {  	s12 =	sshll.u32 s19, $0x7;
	s19 =	sadd.s32 s23, s9;
	s8 =	sshrl.u32 s8, $0x3  }
0x1f0: {  	(v2sf) =	vpush v0, $0xC;
	s9 =	sshll.u32 s9, $0x7;
	s6 =	sadd.s32 s4, s8;
	s8 =	sand.u32 $0xFFFFFC00, s12  }
0x1f1: {  	[tilespmem:s11], [sflag:$0x1] =	stream.strided.gather [hbm4b:s6+s13], $0x0, s14, s13, $0x38;
	[tilespmem:$0x14800] =	vst v63  }
0x1f2: {  	s9 =	sand.u32 $0x380, s9;
	s8 =	sor.u32 s18, s8;
	s18 =	sshll.u32 s19, $0x7  }
0x1f3: {  	s19 =	spop (v2sf);
	s16 =	sshrl.u32 s8, $0x3;
	s8 =	sand.u32 $0xFFFFFC00, s18  }
0x1f4: {  	[tilespmem:s11], [sflag:$0x1] =	stream.linear.gather [hbm4b:s6+s3], $0x20, $0x38;
	[tilespmem:$0x14800] =	vst v63  }
0x1f5: {  	s12 =	sadd.s32 s23, s19;
	s6 =	sadd.s32 s4, s16;
	s8 =	sor.u32 s9, s8  }
0x1f6: {  	[tilespmem:s10], [sflag:$0x1] =	stream.strided.gather [hbm4b:s6+s13], $0x0, s14, s13, $0x38;
	[tilespmem:$0x14800] =	vst v63  }
0x1f7: {  	s11 =	sshll.u32 s19, $0x7;
	s18 =	sshll.u32 s12, $0x7;
	s16 =	sshrl.u32 s8, $0x3  }
0x1f8: {  	[tilespmem:s10], [sflag:$0x1] =	stream.linear.gather [hbm4b:s6+s3], $0x20, $0x38;
	[tilespmem:$0x14800] =	vst v63  }
0x1f9: {  	s8 =	sand.u32 $0xFFFFFC00, s18;
	s11 =	sand.u32 $0x380, s11;
	s6 =	sadd.s32 s4, s16  }
0x1fa: {  	[tilespmem:s2], [sflag:$0x1] =	stream.strided.gather [hbm4b:s6+s13], $0x0, s14, s13, $0x38;
	[tilespmem:$0x14800] =	vst v63  }
0x1fb: {  	s0 =	simm.s32 $0x4540;
	s8 =	sor.u32 s11, s8;
	s19 =	spop (v2sf)  }
0x1fc: {  	s31 =	simm.s32 $0x45C0;
	s16 =	sshrl.u32 s8, $0x3;
	s12 =	sadd.s32 s23, s19  }
0x1fd: {  	(v2sf) =	vpush v0, $0xD;
	[tilespmem:s2], [sflag:$0x1] =	stream.linear.gather [hbm4b:s6+s3], $0x20, $0x38;
	[tilespmem:$0x14800] =	vst v63  }
0x1fe: {  	s11 =	sadd.s32 s4, s16;
	(v2sf) =	vpush v0, $0xE;
	s9 =	sshll.u32 s19, $0x7;
	s19 =	sshll.u32 s12, $0x7  }
0x1ff: {  	(v2sf) =	vpush v0, $0xF;
	s18 =	sand.u32 $0x380, s9;
	s10 =	spop (v2sf);
	s6 =	sand.u32 $0xFFFFFC00, s19  }
.LBB2_8:
0x200: {  	[tilespmem:s0], [sflag:$0x1] =	stream.strided.gather [hbm4b:s11+s13], $0x0, s14, s13, $0x38;
	[tilespmem:$0x14800] =	vst v63  }
0x201: {  	s8 =	sadd.s32 s23, s10  }
0x202: {  	s6 =	sor.u32 s18, s6;
	s19 =	sshll.u32 s10, $0x7;
	s16 =	sshll.u32 s8, $0x7  }
0x203: {  	[tilespmem:s0], [sflag:$0x1] =	stream.linear.gather [hbm4b:s11+s3], $0x20, $0x38;
	[tilespmem:$0x14800] =	vst v63  }
0x204: {  	s12 =	sshrl.u32 s6, $0x3;
	s10 =	sand.u32 $0x380, s19;
	s6 =	sand.u32 $0xFFFFFC00, s16  }
0x205: {  	s0 =	sadd.s32 s4, s12;
	s6 =	sor.u32 s10, s6  }
0x206: {  	[tilespmem:s31], [sflag:$0x1] =	stream.strided.gather [hbm4b:s0+s13], $0x0, s14, s13, $0x38;
	[tilespmem:$0x14800] =	vst v63  }
0x207: {  	s6 =	sshrl.u32 s6, $0x3  }
0x208: {  	[tilespmem:s31], [sflag:$0x1] =	stream.linear.gather [hbm4b:s0+s3], $0x20, $0x38;
	[tilespmem:$0x14800] =	vst v63  }
0x209: {  	s0 =	sadd.s32 s4, s6  }
0x20a: {  	[tilespmem:s30], [sflag:$0x1] =	stream.strided.gather [hbm4b:s0+s13], $0x0, s14, s13, $0x38;
	[tilespmem:$0x14800] =	vst v63  }
0x20b: {  	_ = 	snop  }
0x20c: {  	[tilespmem:s30], [sflag:$0x1] =	stream.linear.gather [hbm4b:s0+s3], $0x20, $0x38;
	[tilespmem:$0x14800] =	vst v63  }
0x20d: {  	s9 =	spop (v2sf)  }
0x20e: {  	s19 =	sadd.s32 $0x4740, s24;
	s18 =	sadd.s32 s23, s9  }
0x20f: {  	s9 =	sshll.u32 s9, $0x7;
	s10 =	spop (v2sf);
	s8 =	sshll.u32 s18, $0x7  }
0x210: {  	s9 =	sand.u32 $0x380, s9;
	s16 =	spop (v2sf);
	s8 =	sand.u32 $0xFFFFFC00, s8  }
0x211: {  	s11 =	sadd.s32 s23, s10;
	s18 =	sadd.s32 s23, s16;
	s9 =	sor.u32 s9, s8  }
0x212: {  	s8 =	sshll.u32 s10, $0x7;
	s6 =	sshrl.u32 s9, $0x3;
	s9 =	sshll.u32 s11, $0x7  }
0x213: {  	s8 =	sand.u32 $0x380, s8;
	s6 =	sadd.s32 s4, s6;
	s12 =	sand.u32 $0xFFFFFC00, s9  }
0x214: {  	[tilespmem:s29], [sflag:$0x1] =	stream.strided.gather [hbm4b:s6+s13], $0x0, s14, s13, $0x38;
	[tilespmem:$0x14800] =	vst v63  }
0x215: {  	s9 =	sshll.u32 s16, $0x7;
	s0 =	sor.u32 s8, s12;
	s8 =	sshll.u32 s18, $0x7  }
0x216: {  	s9 =	sand.u32 $0x380, s9;
	s0 =	sshrl.u32 s0, $0x3;
	s8 =	sand.u32 $0xFFFFFC00, s8  }
0x217: {  	[tilespmem:s29], [sflag:$0x1] =	stream.linear.gather [hbm4b:s6+s3], $0x20, $0x38;
	[tilespmem:$0x14800] =	vst v63  }
0x218: {  	s10 =	sadd.s32 $0x47C0, s24;
	s0 =	sadd.s32 s4, s0;
	s8 =	sor.u32 s9, s8  }
0x219: {  	[tilespmem:s19], [sflag:$0x1] =	stream.strided.gather [hbm4b:s0+s13], $0x0, s14, s13, $0x38;
	[tilespmem:$0x14800] =	vst v63  }
0x21a: {  	s11 =	sand.u32 $0xC00, s28;
	s9 =	rddreg [dreg:$0x6];
	s8 =	sshrl.u32 s8, $0x3  }
0x21b: {  	[tilespmem:s19], [sflag:$0x1] =	stream.linear.gather [hbm4b:s0+s3], $0x20, $0x38;
	[tilespmem:$0x14800] =	vst v63  }
0x21c: {  	s12 =	sand.u32 $0x70, s26;
	s8 =	sadd.s32 s4, s8;
	s0 =	sadd.s32 s11, s9  }
0x21d: {  	[tilespmem:s10], [sflag:$0x1] =	stream.strided.gather [hbm4b:s8+s13], $0x0, s14, s13, $0x38;
	[tilespmem:$0x14800] =	vst v63  }
0x21e: {  	s0 =	sadd.s32 s12, s0  }
0x21f: {  	[tilespmem:s10], [sflag:$0x1] =	stream.linear.gather [hbm4b:s8+s3], $0x20, $0x38;
	[tilespmem:$0x14800] =	vst v63  }
0x220: {  	v0 =	vld [tilespmem:s0+$0x0];
	_ =	sdelay $0x4  }
0x221: {  	(v2sf) =	vpush v0, $0x0  }
0x222: {  	(v2sf) =	vpush v0, $0x1;
	_ =	sdelay $0x3  }
0x223: {  	(v2sf) =	vpush v0, $0x2;
	_ =	sdelay $0x4  }
0x224: {  	(v2sf) =	vpush v0, $0x3;
	_ =	sdelay $0x1  }
0x225: {  	s2 =	smov.u32 s25  }
0x226: {  	p0 =	sne.s32 s25, $0x3E000;
	s25 =	sadd.s32 $0x2000, s25;
	s24 =	sshra.s32 s2, $0x2  }
0x227: {  	s30 =	sadd.s32 $0x4640, s24;
	s28 =	sadd.s32 $0x80, s28;
	s2 =	sadd.s32 $0x44C0, s24  }
0x228: {  	s31 =	sadd.s32 $0x45C0, s24;
	s6 =	sadd.s32 $0x4040, s24;
	s16 =	spop (v2sf)  }
0x229: {  	(v2sf) =	vpush v0, $0x4;
	s18 =	sadd.s32 s23, s16;
	s8 =	sshll.u32 s16, $0x7;
	s12 =	spop (v2sf)  }
0x22a: {  	s9 =	sshll.u32 s18, $0x7;
	s16 =	sadd.s32 s23, s12;
	s12 =	sshll.u32 s12, $0x7  }
0x22b: {  	s8 =	sand.u32 $0x380, s8;
	s9 =	sand.u32 $0xFFFFFC00, s9;
	s16 =	sshll.u32 s16, $0x7  }
0x22c: {  	s12 =	sand.u32 $0x380, s12;
	s8 =	sor.u32 s8, s9;
	s16 =	sand.u32 $0xFFFFFC00, s16  }
0x22d: {  	(v2sf) =	vpush v0, $0x5;
	s8 =	sshrl.u32 s8, $0x3;
	s12 =	sor.u32 s12, s16;
	s16 =	spop (v2sf)  }
0x22e: {  	s8 =	sadd.s32 s4, s8;
	s19 =	sadd.s32 s23, s16;
	s16 =	sshll.u32 s16, $0x7  }
0x22f: {  	[tilespmem:s6], [sflag:$0x1] =	stream.strided.gather [hbm4b:s8+s13], $0x0, s14, s13, $0x38;
	[tilespmem:$0x14800] =	vst v63  }
0x230: {  	s12 =	sshrl.u32 s12, $0x3;
	s19 =	sshll.u32 s19, $0x7;
	s16 =	sand.u32 $0x380, s16  }
0x231: {  	[tilespmem:s6], [sflag:$0x1] =	stream.linear.gather [hbm4b:s8+s3], $0x20, $0x38;
	[tilespmem:$0x14800] =	vst v63  }
0x232: {  	s6 =	sadd.s32 s4, s12;
	s12 =	spop (v2sf);
	s8 =	sand.u32 $0xFFFFFC00, s19  }
0x233: {  	s9 =	sadd.s32 $0x40C0, s24;
	s8 =	sor.u32 s16, s8;
	s16 =	sadd.s32 s23, s12  }
0x234: {  	[tilespmem:s9], [sflag:$0x1] =	stream.strided.gather [hbm4b:s6+s13], $0x0, s14, s13, $0x38;
	[tilespmem:$0x14800] =	vst v63  }
0x235: {  	(v2sf) =	vpush v0, $0x6;
	s12 =	sshll.u32 s12, $0x7;
	s8 =	sshrl.u32 s8, $0x3;
	s16 =	sshll.u32 s16, $0x7  }
0x236: {  	[tilespmem:s9], [sflag:$0x1] =	stream.linear.gather [hbm4b:s6+s3], $0x20, $0x38;
	[tilespmem:$0x14800] =	vst v63  }
0x237: {  	s12 =	sand.u32 $0x380, s12;
	s6 =	sadd.s32 s4, s8;
	s8 =	sand.u32 $0xFFFFFC00, s16  }
0x238: {  	s18 =	sadd.s32 $0x4140, s24;
	s8 =	sor.u32 s12, s8;
	s9 =	spop (v2sf)  }
0x239: {  	[tilespmem:s18], [sflag:$0x1] =	stream.strided.gather [hbm4b:s6+s13], $0x0, s14, s13, $0x38;
	[tilespmem:$0x14800] =	vst v63  }
0x23a: {  	s19 =	sadd.s32 $0x41C0, s24;
	s8 =	sshrl.u32 s8, $0x3;
	s16 =	sadd.s32 s23, s9  }
0x23b: {  	[tilespmem:s18], [sflag:$0x1] =	stream.linear.gather [hbm4b:s6+s3], $0x20, $0x38;
	[tilespmem:$0x14800] =	vst v63  }
0x23c: {  	s9 =	sshll.u32 s9, $0x7;
	s12 =	spop (v2sf);
	s16 =	sshll.u32 s16, $0x7  }
0x23d: {  	(v2sf) =	vpush v0, $0x7;
	s6 =	sadd.s32 s4, s8;
	s9 =	sand.u32 $0x380, s9;
	s8 =	sand.u32 $0xFFFFFC00, s16  }
0x23e: {  	[tilespmem:s19], [sflag:$0x1] =	stream.strided.gather [hbm4b:s6+s13], $0x0, s14, s13, $0x38;
	[tilespmem:$0x14800] =	vst v63  }
0x23f: {  	s11 =	sadd.s32 $0x4240, s24;
	s18 =	sadd.s32 s23, s12;
	s8 =	sor.u32 s9, s8  }
0x240: {  	(v2sf) =	vpush v0, $0x8;
	s12 =	sshll.u32 s12, $0x7;
	s9 =	sshll.u32 s18, $0x7;
	s8 =	sshrl.u32 s8, $0x3  }
0x241: {  	[tilespmem:s19], [sflag:$0x1] =	stream.linear.gather [hbm4b:s6+s3], $0x20, $0x38;
	[tilespmem:$0x14800] =	vst v63  }
0x242: {  	s6 =	sadd.s32 s4, s8;
	s8 =	sand.u32 $0xFFFFFC00, s9;
	s9 =	sand.u32 $0x380, s12  }
0x243: {  	(v2sf) =	vpush v0, $0x9;
	[tilespmem:s11], [sflag:$0x1] =	stream.strided.gather [hbm4b:s6+s13], $0x0, s14, s13, $0x38;
	[tilespmem:$0x14800] =	vst v63  }
0x244: {  	s26 =	sadd.s32 $0x10, s26;
	s8 =	sor.u32 s9, s8;
	s18 =	spop (v2sf)  }
0x245: {  	s16 =	sadd.s32 $0x42C0, s24;
	s8 =	sshrl.u32 s8, $0x3;
	s19 =	sadd.s32 s23, s18  }
0x246: {  	[tilespmem:s11], [sflag:$0x1] =	stream.linear.gather [hbm4b:s6+s3], $0x20, $0x38;
	[tilespmem:$0x14800] =	vst v63  }
0x247: {  	s12 =	sshll.u32 s18, $0x7;
	s6 =	sadd.s32 s4, s8;
	s18 =	sshll.u32 s19, $0x7  }
0x248: {  	[tilespmem:s16], [sflag:$0x1] =	stream.strided.gather [hbm4b:s6+s13], $0x0, s14, s13, $0x38;
	[tilespmem:$0x14800] =	vst v63  }
0x249: {  	s29 =	sadd.s32 $0x46C0, s24;
	(v2sf) =	vpush v0, $0xA;
	s12 =	sand.u32 $0x380, s12;
	s8 =	sand.u32 $0xFFFFFC00, s18  }
0x24a: {  	s10 =	sadd.s32 $0x4440, s24;
	s9 =	sadd.s32 $0x4340, s24;
	s8 =	sor.u32 s12, s8  }
0x24b: {  	[tilespmem:s16], [sflag:$0x1] =	stream.linear.gather [hbm4b:s6+s3], $0x20, $0x38;
	[tilespmem:$0x14800] =	vst v63  }
0x24c: {  	s11 =	sadd.s32 $0x43C0, s24;
	s6 =	sshrl.u32 s8, $0x3;
	s19 =	spop (v2sf)  }
0x24d: {  	s6 =	sadd.s32 s4, s6;
	s12 =	sadd.s32 s23, s19;
	s16 =	sshll.u32 s19, $0x7  }
0x24e: {  	[tilespmem:s9], [sflag:$0x1] =	stream.strided.gather [hbm4b:s6+s13], $0x0, s14, s13, $0x38;
	[tilespmem:$0x14800] =	vst v63  }
0x24f: {  	s18 =	spop (v2sf);
	s8 =	sshll.u32 s12, $0x7;
	s12 =	sand.u32 $0x380, s16  }
0x250: {  	(v2sf) =	vpush v0, $0xB;
	s19 =	sadd.s32 s23, s18;
	s16 =	sshll.u32 s18, $0x7;
	s8 =	sand.u32 $0xFFFFFC00, s8  }
0x251: {  	[tilespmem:s9], [sflag:$0x1] =	stream.linear.gather [hbm4b:s6+s3], $0x20, $0x38;
	[tilespmem:$0x14800] =	vst v63  }
0x252: {  	s9 =	spop (v2sf);
	s18 =	sand.u32 $0x380, s16;
	s8 =	sor.u32 s12, s8  }
0x253: {  	s12 =	sshll.u32 s19, $0x7;
	s19 =	sadd.s32 s23, s9;
	s8 =	sshrl.u32 s8, $0x3  }
0x254: {  	(v2sf) =	vpush v0, $0xC;
	s9 =	sshll.u32 s9, $0x7;
	s6 =	sadd.s32 s4, s8;
	s8 =	sand.u32 $0xFFFFFC00, s12  }
0x255: {  	[tilespmem:s11], [sflag:$0x1] =	stream.strided.gather [hbm4b:s6+s13], $0x0, s14, s13, $0x38;
	[tilespmem:$0x14800] =	vst v63  }
0x256: {  	s9 =	sand.u32 $0x380, s9;
	s8 =	sor.u32 s18, s8;
	s18 =	sshll.u32 s19, $0x7  }
0x257: {  	[tilespmem:s11], [sflag:$0x1] =	stream.linear.gather [hbm4b:s6+s3], $0x20, $0x38;
	[tilespmem:$0x14800] =	vst v63  }
0x258: {  	s16 =	sshrl.u32 s8, $0x3;
	s8 =	sand.u32 $0xFFFFFC00, s18;
	s19 =	spop (v2sf)  }
0x259: {  	s6 =	sadd.s32 s4, s16;
	s8 =	sor.u32 s9, s8;
	s12 =	sadd.s32 s23, s19  }
0x25a: {  	[tilespmem:s10], [sflag:$0x1] =	stream.strided.gather [hbm4b:s6+s13], $0x0, s14, s13, $0x38;
	[tilespmem:$0x14800] =	vst v63  }
0x25b: {  	s11 =	sshll.u32 s19, $0x7;
	s16 =	sshrl.u32 s8, $0x3;
	s18 =	sshll.u32 s12, $0x7  }
0x25c: {  	[tilespmem:s10], [sflag:$0x1] =	stream.linear.gather [hbm4b:s6+s3], $0x20, $0x38;
	[tilespmem:$0x14800] =	vst v63  }
0x25d: {  	s11 =	sand.u32 $0x380, s11;
	s8 =	sand.u32 $0xFFFFFC00, s18;
	s6 =	sadd.s32 s4, s16  }
0x25e: {  	[tilespmem:s2], [sflag:$0x1] =	stream.strided.gather [hbm4b:s6+s13], $0x0, s14, s13, $0x38;
	[tilespmem:$0x14800] =	vst v63  }
.Ltmp3:
0x25f: {  	s8 =	sor.u32 s11, s8;
	s19 =	spop (v2sf);
	(pc) =	sbr.rel @p0 .LBB2_8-.Ltmp3, $4  }
0x260: {  	s0 =	sadd.s32 $0x4540, s24;
	s16 =	sshrl.u32 s8, $0x3;
	s12 =	sadd.s32 s23, s19  }
0x261: {  	(v2sf) =	vpush v0, $0xD;
	[tilespmem:s2], [sflag:$0x1] =	stream.linear.gather [hbm4b:s6+s3], $0x20, $0x38;
	[tilespmem:$0x14800] =	vst v63  }
0x262: {  	s11 =	sadd.s32 s4, s16;
	(v2sf) =	vpush v0, $0xE;
	s9 =	sshll.u32 s19, $0x7;
	s19 =	sshll.u32 s12, $0x7  }
0x263: {  	s18 =	sand.u32 $0x380, s9;
	s10 =	spop (v2sf);
	(v2sf) =	vpush v0, $0xF;
	s6 =	sand.u32 $0xFFFFFC00, s19  }
0x264: {  	[tilespmem:s0], [sflag:$0x1] =	stream.strided.gather [hbm4b:s11+s13], $0x0, s14, s13, $0x38;
	[tilespmem:$0x14800] =	vst v63  }
0x265: {  	s2 =	sor.u32 s18, s6;
	s28 =	sadd.s32 s23, s10  }
0x266: {  	s2 =	sshrl.u32 s2, $0x3;
	s9 =	sshll.u32 s28, $0x7  }
0x267: {  	[tilespmem:s0], [sflag:$0x1] =	stream.linear.gather [hbm4b:s11+s3], $0x20, $0x38;
	[tilespmem:$0x14800] =	vst v63  }
0x268: {  	s0 =	sadd.s32 s4, s2;
	s2 =	sand.u32 $0xFFFFFC00, s9;
	s9 =	sshll.u32 s10, $0x7  }
0x269: {  	s9 =	sand.u32 $0x380, s9  }
0x26a: {  	[tilespmem:s31], [sflag:$0x1] =	stream.strided.gather [hbm4b:s0+s13], $0x0, s14, s13, $0x38;
	[tilespmem:$0x14800] =	vst v63  }
0x26b: {  	s2 =	sor.u32 s9, s2  }
0x26c: {  	s12 =	sshrl.u32 s2, $0x3  }
0x26d: {  	[tilespmem:s31], [sflag:$0x1] =	stream.linear.gather [hbm4b:s0+s3], $0x20, $0x38;
	[tilespmem:$0x14800] =	vst v63  }
0x26e: {  	s0 =	sadd.s32 s4, s12  }
0x26f: {  	[tilespmem:s30], [sflag:$0x1] =	stream.strided.gather [hbm4b:s0+s13], $0x0, s14, s13, $0x38;
	[tilespmem:$0x14800] =	vst v63  }
0x270: {  	_ = 	snop  }
0x271: {  	[tilespmem:s30], [sflag:$0x1] =	stream.linear.gather [hbm4b:s0+s3], $0x20, $0x38;
	[tilespmem:$0x14800] =	vst v63  }
0x272: {  	s8 =	spop (v2sf)  }
0x273: {  	s11 =	sadd.s32 s23, s8  }
0x274: {  	s8 =	sshll.u32 s8, $0x7;
	s18 =	spop (v2sf);
	s6 =	sshll.u32 s11, $0x7  }
0x275: {  	s8 =	sand.u32 $0x380, s8;
	s26 =	spop (v2sf);
	s6 =	sand.u32 $0xFFFFFC00, s6  }
0x276: {  	s19 =	sadd.s32 s23, s18;
	s28 =	sadd.s32 s23, s26;
	s16 =	sor.u32 s8, s6  }
0x277: {  	s8 =	sshll.u32 s19, $0x7;
	s6 =	sshll.u32 s18, $0x7;
	s2 =	sshrl.u32 s16, $0x3  }
0x278: {  	s25 =	sand.u32 $0xFFFFFC00, s8;
	s6 =	sand.u32 $0x380, s6;
	s8 =	sshll.u32 s26, $0x7  }
0x279: {  	s2 =	sadd.s32 s4, s2;
	s0 =	sor.u32 s6, s25;
	s6 =	sshll.u32 s28, $0x7  }
0x27a: {  	[tilespmem:s29], [sflag:$0x1] =	stream.strided.gather [hbm4b:s2+s13], $0x0, s14, s13, $0x38;
	[tilespmem:$0x14800] =	vst v63  }
0x27b: {  	s8 =	sand.u32 $0x380, s8;
	s0 =	sshrl.u32 s0, $0x3;
	s6 =	sand.u32 $0xFFFFFC00, s6  }
0x27c: {  	[tilespmem:s29], [sflag:$0x1] =	stream.linear.gather [hbm4b:s2+s3], $0x20, $0x38;
	[tilespmem:$0x14800] =	vst v63  }
0x27d: {  	s0 =	sadd.s32 s4, s0;
	s6 =	sor.u32 s8, s6;
	s29 =	sadd.s32 $0x4740, s24  }
0x27e: {  	[tilespmem:s29], [sflag:$0x1] =	stream.strided.gather [hbm4b:s0+s13], $0x0, s14, s13, $0x38;
	[tilespmem:$0x14800] =	vst v63  }
0x27f: {  	s30 =	sshrl.u32 s6, $0x3  }
0x280: {  	[tilespmem:s29], [sflag:$0x1] =	stream.linear.gather [hbm4b:s0+s3], $0x20, $0x38;
	[tilespmem:$0x14800] =	vst v63  }
0x281: {  	s31 =	sadd.s32 $0x47C0, s24;
	s0 =	sadd.s32 s4, s30  }
0x282: {  	[tilespmem:s31], [sflag:$0x1] =	stream.strided.gather [hbm4b:s0+s13], $0x0, s14, s13, $0x38;
	[tilespmem:$0x14800] =	vst v63  }
0x283: {  	_ = 	snop  }
0x284: {  	[tilespmem:s31], [sflag:$0x1] =	stream.linear.gather [hbm4b:s0+s3], $0x20, $0x38;
	[tilespmem:$0x14800] =	vst v63  }
.LBB2_10:
0x285: {  	s0 =	sor.u32 $0x3, s22  }
0x286: {  	p0 =	sgt.u32 s0, $0x19  }
.Ltmp4:
0x287: {  	_ = 	snop;
	(pc) =	sbr.rel @p0 .LBB2_14-.Ltmp4, $1  }
0x288: {  	_ =	sdelay $0x3  }
0x289: {  	s2 =	sshll.u32 s0, $0x7  }
0x28a: {  	s2 =	sand.u32 $0x380, s2  }
0x28b: {  	s2 =	sadd.s32 s2, s21  }
0x28c: {  	s6 =	simm.s32 $0x0;
	[dreg:$0x7] =	wrdreg s2  }
0x28d: {  	s8 =	sand.u32 $0xC00, s6;
	s2 =	rddreg [dreg:$0x7]  }
0x28e: {  	s6 =	sand.u32 $0x70, s6;
	s2 =	sadd.s32 s8, s2  }
0x28f: {  	s2 =	sadd.s32 s6, s2  }
0x290: {  	v0 =	vld [tilespmem:s2+$0x0];
	_ =	sdelay $0x4  }
0x291: {  	(v2sf) =	vpush v0, $0x0;
	_ =	sdelay $0x1  }
0x292: {  	(v2sf) =	vpush v0, $0x1;
	_ =	sdelay $0x1  }
0x293: {  	(v2sf) =	vpush v0, $0x2;
	_ =	sdelay $0x1  }
0x294: {  	(v2sf) =	vpush v0, $0x3;
	_ =	sdelay $0x7  }
0x295: {  	s23 =	simm.s32 $0x2000;
	s21 =	smul.u32 $0x186A0, s0  }
0x296: {  	s22 =	simm.s32 $0x0;
	s24 =	simm.s32 $0x10;
	s30 =	spop (v2sf)  }
0x297: {  	s18 =	simm.s32 $0x4160;
	s6 =	simm.s32 $0x4060;
	(v2sf) =	vpush v0, $0x4;
	s9 =	sadd.s32 s21, s30  }
0x298: {  	s8 =	sshll.u32 s30, $0x7;
	s12 =	spop (v2sf);
	s9 =	sshll.u32 s9, $0x7  }
0x299: {  	s16 =	sadd.s32 s21, s12;
	s12 =	sshll.u32 s12, $0x7;
	s8 =	sand.u32 $0x380, s8  }
0x29a: {  	s31 =	spop (v2sf);
	s9 =	sand.u32 $0xFFFFFC00, s9;
	s16 =	sshll.u32 s16, $0x7  }
0x29b: {  	s12 =	sand.u32 $0x380, s12;
	s19 =	sadd.s32 s21, s31;
	s8 =	sor.u32 s8, s9  }
0x29c: {  	s30 =	spop (v2sf);
	s16 =	sand.u32 $0xFFFFFC00, s16;
	s8 =	sshrl.u32 s8, $0x3  }
0x29d: {  	s9 =	simm.s32 $0x40E0;
	s12 =	sor.u32 s12, s16;
	s8 =	sadd.s32 s4, s8  }
0x29e: {  	(v2sf) =	vpush v0, $0x5;
	[tilespmem:s6], [sflag:$0x1] =	stream.strided.gather [hbm4b:s8+s13], $0x0, s14, s13, $0x38;
	[tilespmem:$0x14800] =	vst v63  }
0x29f: {  	s19 =	sshll.u32 s19, $0x7;
	s16 =	sshll.u32 s31, $0x7;
	s12 =	sshrl.u32 s12, $0x3  }
0x2a0: {  	[tilespmem:s6], [sflag:$0x1] =	stream.linear.gather [hbm4b:s8+s3], $0x20, $0x38;
	[tilespmem:$0x14800] =	vst v63  }
0x2a1: {  	s16 =	sand.u32 $0x380, s16;
	s6 =	sadd.s32 s4, s12;
	s8 =	sand.u32 $0xFFFFFC00, s19  }
0x2a2: {  	(v2sf) =	vpush v0, $0x6;
	[tilespmem:s9], [sflag:$0x1] =	stream.strided.gather [hbm4b:s6+s13], $0x0, s14, s13, $0x38;
	[tilespmem:$0x14800] =	vst v63  }
0x2a3: {  	s31 =	sadd.s32 s21, s30;
	s12 =	sshll.u32 s30, $0x7;
	s8 =	sor.u32 s16, s8  }
0x2a4: {  	[tilespmem:s9], [sflag:$0x1] =	stream.linear.gather [hbm4b:s6+s3], $0x20, $0x38;
	[tilespmem:$0x14800] =	vst v63  }
0x2a5: {  	s16 =	sshll.u32 s31, $0x7;
	s12 =	sand.u32 $0x380, s12;
	s9 =	sshrl.u32 s8, $0x3  }
0x2a6: {  	s8 =	sand.u32 $0xFFFFFC00, s16;
	s6 =	sadd.s32 s4, s9;
	s30 =	spop (v2sf)  }
0x2a7: {  	[tilespmem:s18], [sflag:$0x1] =	stream.strided.gather [hbm4b:s6+s13], $0x0, s14, s13, $0x38;
	[tilespmem:$0x14800] =	vst v63  }
0x2a8: {  	s19 =	simm.s32 $0x41E0;
	s8 =	sor.u32 s12, s8;
	s31 =	sadd.s32 s21, s30  }
0x2a9: {  	[tilespmem:s18], [sflag:$0x1] =	stream.linear.gather [hbm4b:s6+s3], $0x20, $0x38;
	[tilespmem:$0x14800] =	vst v63  }
0x2aa: {  	s16 =	sshrl.u32 s8, $0x3;
	s9 =	sshll.u32 s30, $0x7;
	s18 =	sshll.u32 s31, $0x7  }
0x2ab: {  	s6 =	sadd.s32 s4, s16;
	s9 =	sand.u32 $0x380, s9;
	s8 =	sand.u32 $0xFFFFFC00, s18  }
0x2ac: {  	(v2sf) =	vpush v0, $0x7;
	[tilespmem:s19], [sflag:$0x1] =	stream.strided.gather [hbm4b:s6+s13], $0x0, s14, s13, $0x38;
	[tilespmem:$0x14800] =	vst v63  }
0x2ad: {  	s28 =	simm.s32 $0x4660;
	s30 =	spop (v2sf);
	(v2sf) =	vpush v0, $0x8;
	s8 =	sor.u32 s9, s8  }
0x2ae: {  	s26 =	simm.s32 $0x46E0;
	s31 =	sadd.s32 s21, s30;
	s8 =	sshrl.u32 s8, $0x3  }
0x2af: {  	[tilespmem:s19], [sflag:$0x1] =	stream.linear.gather [hbm4b:s6+s3], $0x20, $0x38;
	[tilespmem:$0x14800] =	vst v63  }
0x2b0: {  	(v2sf) =	vpush v0, $0x9;
	s18 =	sshll.u32 s31, $0x7;
	s19 =	sshll.u32 s30, $0x7;
	s6 =	sadd.s32 s4, s8  }
0x2b1: {  	s8 =	sand.u32 $0xFFFFFC00, s18;
	s30 =	spop (v2sf);
	s9 =	sand.u32 $0x380, s19  }
0x2b2: {  	s11 =	simm.s32 $0x4260;
	s31 =	sadd.s32 s21, s30;
	s8 =	sor.u32 s9, s8  }
0x2b3: {  	[tilespmem:s11], [sflag:$0x1] =	stream.strided.gather [hbm4b:s6+s13], $0x0, s14, s13, $0x38;
	[tilespmem:$0x14800] =	vst v63  }
0x2b4: {  	s12 =	sshll.u32 s30, $0x7;
	s30 =	sshll.u32 s31, $0x7;
	s8 =	sshrl.u32 s8, $0x3  }
0x2b5: {  	[tilespmem:s11], [sflag:$0x1] =	stream.linear.gather [hbm4b:s6+s3], $0x20, $0x38;
	[tilespmem:$0x14800] =	vst v63  }
0x2b6: {  	s12 =	sand.u32 $0x380, s12;
	s19 =	sadd.s32 s4, s8;
	s8 =	sand.u32 $0xFFFFFC00, s30  }
0x2b7: {  	s25 =	simm.s32 $0x80;
	s16 =	simm.s32 $0x42E0;
	s12 =	sor.u32 s12, s8  }
0x2b8: {  	(v2sf) =	vpush v0, $0xA;
	[tilespmem:s16], [sflag:$0x1] =	stream.strided.gather [hbm4b:s19+s13], $0x0, s14, s13, $0x38;
	[tilespmem:$0x14800] =	vst v63  }
0x2b9: {  	s10 =	simm.s32 $0x4460;
	s9 =	simm.s32 $0x4360;
	s6 =	sshrl.u32 s12, $0x3  }
0x2ba: {  	[tilespmem:s16], [sflag:$0x1] =	stream.linear.gather [hbm4b:s19+s3], $0x20, $0x38;
	[tilespmem:$0x14800] =	vst v63  }
0x2bb: {  	s11 =	simm.s32 $0x43E0;
	s6 =	sadd.s32 s4, s6;
	s31 =	spop (v2sf)  }
0x2bc: {  	s16 =	sadd.s32 s21, s31;
	s19 =	sshll.u32 s31, $0x7;
	s30 =	spop (v2sf)  }
0x2bd: {  	[tilespmem:s9], [sflag:$0x1] =	stream.strided.gather [hbm4b:s6+s13], $0x0, s14, s13, $0x38;
	[tilespmem:$0x14800] =	vst v63  }
0x2be: {  	s8 =	sshll.u32 s16, $0x7;
	s12 =	sand.u32 $0x380, s19;
	s31 =	sadd.s32 s21, s30  }
0x2bf: {  	(v2sf) =	vpush v0, $0xB;
	s16 =	sshll.u32 s30, $0x7;
	s30 =	spop (v2sf);
	s8 =	sand.u32 $0xFFFFFC00, s8  }
0x2c0: {  	[tilespmem:s9], [sflag:$0x1] =	stream.linear.gather [hbm4b:s6+s3], $0x20, $0x38;
	[tilespmem:$0x14800] =	vst v63  }
0x2c1: {  	s19 =	sshll.u32 s31, $0x7;
	s31 =	sand.u32 $0x380, s16;
	s8 =	sor.u32 s12, s8  }
0x2c2: {  	s16 =	sadd.s32 s21, s30;
	s18 =	sshrl.u32 s8, $0x3;
	s8 =	sand.u32 $0xFFFFFC00, s19  }
0x2c3: {  	(v2sf) =	vpush v0, $0xC;
	s9 =	sshll.u32 s30, $0x7;
	s6 =	sadd.s32 s4, s18;
	s8 =	sor.u32 s31, s8  }
0x2c4: {  	[tilespmem:s11], [sflag:$0x1] =	stream.strided.gather [hbm4b:s6+s13], $0x0, s14, s13, $0x38;
	[tilespmem:$0x14800] =	vst v63  }
0x2c5: {  	s9 =	sand.u32 $0x380, s9;
	s19 =	sshll.u32 s16, $0x7;
	s18 =	sshrl.u32 s8, $0x3  }
0x2c6: {  	[tilespmem:s11], [sflag:$0x1] =	stream.linear.gather [hbm4b:s6+s3], $0x20, $0x38;
	[tilespmem:$0x14800] =	vst v63  }
0x2c7: {  	s30 =	spop (v2sf);
	s8 =	sand.u32 $0xFFFFFC00, s19;
	s6 =	sadd.s32 s4, s18  }
0x2c8: {  	[tilespmem:s10], [sflag:$0x1] =	stream.strided.gather [hbm4b:s6+s13], $0x0, s14, s13, $0x38;
	[tilespmem:$0x14800] =	vst v63  }
0x2c9: {  	s2 =	simm.s32 $0x44E0;
	s31 =	sadd.s32 s21, s30;
	s8 =	sor.u32 s9, s8  }
0x2ca: {  	[tilespmem:s10], [sflag:$0x1] =	stream.linear.gather [hbm4b:s6+s3], $0x20, $0x38;
	[tilespmem:$0x14800] =	vst v63  }
0x2cb: {  	s12 =	sshll.u32 s31, $0x7;
	s11 =	sshll.u32 s30, $0x7;
	s10 =	sshrl.u32 s8, $0x3  }
0x2cc: {  	s18 =	sand.u32 $0x380, s11;
	s8 =	sand.u32 $0xFFFFFC00, s12;
	s6 =	sadd.s32 s4, s10  }
0x2cd: {  	[tilespmem:s2], [sflag:$0x1] =	stream.strided.gather [hbm4b:s6+s13], $0x0, s14, s13, $0x38;
	[tilespmem:$0x14800] =	vst v63  }
0x2ce: {  	s29 =	simm.s32 $0x45E0;
	s8 =	sor.u32 s18, s8;
	s16 =	spop (v2sf)  }
0x2cf: {  	s0 =	simm.s32 $0x4560;
	s30 =	sshrl.u32 s8, $0x3;
	s19 =	sadd.s32 s21, s16  }
0x2d0: {  	(v2sf) =	vpush v0, $0xD;
	[tilespmem:s2], [sflag:$0x1] =	stream.linear.gather [hbm4b:s6+s3], $0x20, $0x38;
	[tilespmem:$0x14800] =	vst v63  }
0x2d1: {  	(v2sf) =	vpush v0, $0xE;
	s11 =	sadd.s32 s4, s30;
	s9 =	sshll.u32 s16, $0x7;
	s31 =	sshll.u32 s19, $0x7  }
0x2d2: {  	s10 =	spop (v2sf);
	(v2sf) =	vpush v0, $0xF;
	s18 =	sand.u32 $0x380, s9;
	s6 =	sand.u32 $0xFFFFFC00, s31  }
.LBB2_12:
0x2d3: {  	[tilespmem:s0], [sflag:$0x1] =	stream.strided.gather [hbm4b:s11+s13], $0x0, s14, s13, $0x38;
	[tilespmem:$0x14800] =	vst v63  }
0x2d4: {  	s8 =	sadd.s32 s21, s10  }
0x2d5: {  	s6 =	sor.u32 s18, s6;
	s31 =	sshll.u32 s10, $0x7;
	s19 =	sshll.u32 s8, $0x7  }
0x2d6: {  	[tilespmem:s0], [sflag:$0x1] =	stream.linear.gather [hbm4b:s11+s3], $0x20, $0x38;
	[tilespmem:$0x14800] =	vst v63  }
0x2d7: {  	s18 =	sshrl.u32 s6, $0x3;
	s10 =	sand.u32 $0x380, s31;
	s6 =	sand.u32 $0xFFFFFC00, s19  }
0x2d8: {  	s0 =	sadd.s32 s4, s18;
	s6 =	sor.u32 s10, s6  }
0x2d9: {  	[tilespmem:s29], [sflag:$0x1] =	stream.strided.gather [hbm4b:s0+s13], $0x0, s14, s13, $0x38;
	[tilespmem:$0x14800] =	vst v63  }
0x2da: {  	s11 =	sshrl.u32 s6, $0x3  }
0x2db: {  	[tilespmem:s29], [sflag:$0x1] =	stream.linear.gather [hbm4b:s0+s3], $0x20, $0x38;
	[tilespmem:$0x14800] =	vst v63  }
0x2dc: {  	s0 =	sadd.s32 s4, s11  }
0x2dd: {  	[tilespmem:s28], [sflag:$0x1] =	stream.strided.gather [hbm4b:s0+s13], $0x0, s14, s13, $0x38;
	[tilespmem:$0x14800] =	vst v63  }
0x2de: {  	_ = 	snop  }
0x2df: {  	[tilespmem:s28], [sflag:$0x1] =	stream.linear.gather [hbm4b:s0+s3], $0x20, $0x38;
	[tilespmem:$0x14800] =	vst v63  }
0x2e0: {  	s9 =	spop (v2sf)  }
0x2e1: {  	s10 =	sadd.s32 $0x4760, s22;
	s30 =	sadd.s32 s21, s9  }
0x2e2: {  	s9 =	sshll.u32 s9, $0x7;
	s16 =	spop (v2sf);
	s8 =	sshll.u32 s30, $0x7  }
0x2e3: {  	s9 =	sand.u32 $0x380, s9;
	s30 =	spop (v2sf);
	s8 =	sand.u32 $0xFFFFFC00, s8  }
0x2e4: {  	s18 =	sadd.s32 s21, s16;
	s31 =	sadd.s32 s21, s30;
	s12 =	sor.u32 s9, s8  }
0x2e5: {  	s9 =	sshll.u32 s18, $0x7;
	s8 =	sshll.u32 s16, $0x7;
	s6 =	sshrl.u32 s12, $0x3  }
0x2e6: {  	s19 =	sand.u32 $0xFFFFFC00, s9;
	s8 =	sand.u32 $0x380, s8;
	s9 =	sshll.u32 s30, $0x7  }
0x2e7: {  	s6 =	sadd.s32 s4, s6;
	s0 =	sor.u32 s8, s19;
	s8 =	sshll.u32 s31, $0x7  }
0x2e8: {  	[tilespmem:s26], [sflag:$0x1] =	stream.strided.gather [hbm4b:s6+s13], $0x0, s14, s13, $0x38;
	[tilespmem:$0x14800] =	vst v63  }
0x2e9: {  	s9 =	sand.u32 $0x380, s9;
	s0 =	sshrl.u32 s0, $0x3;
	s8 =	sand.u32 $0xFFFFFC00, s8  }
0x2ea: {  	[tilespmem:s26], [sflag:$0x1] =	stream.linear.gather [hbm4b:s6+s3], $0x20, $0x38;
	[tilespmem:$0x14800] =	vst v63  }
0x2eb: {  	s11 =	rddreg [dreg:$0x7];
	s0 =	sadd.s32 s4, s0;
	s8 =	sor.u32 s9, s8  }
0x2ec: {  	[tilespmem:s10], [sflag:$0x1] =	stream.strided.gather [hbm4b:s0+s13], $0x0, s14, s13, $0x38;
	[tilespmem:$0x14800] =	vst v63  }
0x2ed: {  	s16 =	sand.u32 $0xC00, s25;
	s18 =	sand.u32 $0x70, s24;
	s8 =	sshrl.u32 s8, $0x3  }
0x2ee: {  	[tilespmem:s10], [sflag:$0x1] =	stream.linear.gather [hbm4b:s0+s3], $0x20, $0x38;
	[tilespmem:$0x14800] =	vst v63  }
0x2ef: {  	s12 =	sadd.s32 $0x47E0, s22;
	s8 =	sadd.s32 s4, s8;
	s0 =	sadd.s32 s16, s11  }
0x2f0: {  	[tilespmem:s12], [sflag:$0x1] =	stream.strided.gather [hbm4b:s8+s13], $0x0, s14, s13, $0x38;
	[tilespmem:$0x14800] =	vst v63  }
0x2f1: {  	s0 =	sadd.s32 s18, s0  }
0x2f2: {  	[tilespmem:s12], [sflag:$0x1] =	stream.linear.gather [hbm4b:s8+s3], $0x20, $0x38;
	[tilespmem:$0x14800] =	vst v63  }
0x2f3: {  	v0 =	vld [tilespmem:s0+$0x0];
	_ =	sdelay $0x4  }
0x2f4: {  	(v2sf) =	vpush v0, $0x0;
	_ =	sdelay $0x1  }
0x2f5: {  	(v2sf) =	vpush v0, $0x1;
	_ =	sdelay $0x1  }
0x2f6: {  	(v2sf) =	vpush v0, $0x2;
	_ =	sdelay $0x1  }
0x2f7: {  	(v2sf) =	vpush v0, $0x3;
	_ =	sdelay $0x6  }
0x2f8: {  	s2 =	smov.u32 s23  }
0x2f9: {  	p0 =	sne.s32 s23, $0x3E000;
	s23 =	sadd.s32 $0x2000, s23;
	s24 =	sadd.s32 $0x10, s24  }
0x2fa: {  	s25 =	sadd.s32 $0x80, s25;
	s22 =	sshra.s32 s2, $0x2;
	s19 =	spop (v2sf)  }
0x2fb: {  	s6 =	sadd.s32 $0x4060, s22;
	s18 =	sadd.s32 $0x4160, s22;
	(v2sf) =	vpush v0, $0x4;
	s30 =	sadd.s32 s21, s19  }
0x2fc: {  	s8 =	sshll.u32 s19, $0x7;
	s12 =	spop (v2sf);
	s9 =	sshll.u32 s30, $0x7  }
0x2fd: {  	s16 =	sadd.s32 s21, s12;
	s12 =	sshll.u32 s12, $0x7;
	s8 =	sand.u32 $0x380, s8  }
0x2fe: {  	s31 =	spop (v2sf);
	s9 =	sand.u32 $0xFFFFFC00, s9;
	s16 =	sshll.u32 s16, $0x7  }
0x2ff: {  	s12 =	sand.u32 $0x380, s12;
	s19 =	sadd.s32 s21, s31;
	s8 =	sor.u32 s8, s9  }
0x300: {  	s30 =	spop (v2sf);
	s16 =	sand.u32 $0xFFFFFC00, s16;
	s8 =	sshrl.u32 s8, $0x3  }
0x301: {  	s9 =	sadd.s32 $0x40E0, s22;
	s12 =	sor.u32 s12, s16;
	s8 =	sadd.s32 s4, s8  }
0x302: {  	(v2sf) =	vpush v0, $0x5;
	[tilespmem:s6], [sflag:$0x1] =	stream.strided.gather [hbm4b:s8+s13], $0x0, s14, s13, $0x38;
	[tilespmem:$0x14800] =	vst v63  }
0x303: {  	s19 =	sshll.u32 s19, $0x7;
	s16 =	sshll.u32 s31, $0x7;
	s12 =	sshrl.u32 s12, $0x3  }
0x304: {  	[tilespmem:s6], [sflag:$0x1] =	stream.linear.gather [hbm4b:s8+s3], $0x20, $0x38;
	[tilespmem:$0x14800] =	vst v63  }
0x305: {  	s16 =	sand.u32 $0x380, s16;
	s6 =	sadd.s32 s4, s12;
	s8 =	sand.u32 $0xFFFFFC00, s19  }
0x306: {  	(v2sf) =	vpush v0, $0x6;
	[tilespmem:s9], [sflag:$0x1] =	stream.strided.gather [hbm4b:s6+s13], $0x0, s14, s13, $0x38;
	[tilespmem:$0x14800] =	vst v63  }
0x307: {  	s31 =	sadd.s32 s21, s30;
	s12 =	sshll.u32 s30, $0x7;
	s8 =	sor.u32 s16, s8  }
0x308: {  	[tilespmem:s9], [sflag:$0x1] =	stream.linear.gather [hbm4b:s6+s3], $0x20, $0x38;
	[tilespmem:$0x14800] =	vst v63  }
0x309: {  	s16 =	sshll.u32 s31, $0x7;
	s12 =	sand.u32 $0x380, s12;
	s9 =	sshrl.u32 s8, $0x3  }
0x30a: {  	s8 =	sand.u32 $0xFFFFFC00, s16;
	s6 =	sadd.s32 s4, s9;
	s30 =	spop (v2sf)  }
0x30b: {  	[tilespmem:s18], [sflag:$0x1] =	stream.strided.gather [hbm4b:s6+s13], $0x0, s14, s13, $0x38;
	[tilespmem:$0x14800] =	vst v63  }
0x30c: {  	s19 =	sadd.s32 $0x41E0, s22;
	s8 =	sor.u32 s12, s8;
	s31 =	sadd.s32 s21, s30  }
0x30d: {  	[tilespmem:s18], [sflag:$0x1] =	stream.linear.gather [hbm4b:s6+s3], $0x20, $0x38;
	[tilespmem:$0x14800] =	vst v63  }
0x30e: {  	s16 =	sshrl.u32 s8, $0x3;
	s9 =	sshll.u32 s30, $0x7;
	s18 =	sshll.u32 s31, $0x7  }
0x30f: {  	s6 =	sadd.s32 s4, s16;
	s9 =	sand.u32 $0x380, s9;
	s8 =	sand.u32 $0xFFFFFC00, s18  }
0x310: {  	(v2sf) =	vpush v0, $0x7;
	[tilespmem:s19], [sflag:$0x1] =	stream.strided.gather [hbm4b:s6+s13], $0x0, s14, s13, $0x38;
	[tilespmem:$0x14800] =	vst v63  }
0x311: {  	s28 =	sadd.s32 $0x4660, s22;
	s30 =	spop (v2sf);
	(v2sf) =	vpush v0, $0x8;
	s8 =	sor.u32 s9, s8  }
0x312: {  	s2 =	sadd.s32 $0x44E0, s22;
	s31 =	sadd.s32 s21, s30;
	s8 =	sshrl.u32 s8, $0x3  }
0x313: {  	[tilespmem:s19], [sflag:$0x1] =	stream.linear.gather [hbm4b:s6+s3], $0x20, $0x38;
	[tilespmem:$0x14800] =	vst v63  }
0x314: {  	(v2sf) =	vpush v0, $0x9;
	s18 =	sshll.u32 s31, $0x7;
	s19 =	sshll.u32 s30, $0x7;
	s6 =	sadd.s32 s4, s8  }
0x315: {  	s8 =	sand.u32 $0xFFFFFC00, s18;
	s30 =	spop (v2sf);
	s9 =	sand.u32 $0x380, s19  }
0x316: {  	s11 =	sadd.s32 $0x4260, s22;
	s31 =	sadd.s32 s21, s30;
	s8 =	sor.u32 s9, s8  }
0x317: {  	[tilespmem:s11], [sflag:$0x1] =	stream.strided.gather [hbm4b:s6+s13], $0x0, s14, s13, $0x38;
	[tilespmem:$0x14800] =	vst v63  }
0x318: {  	s12 =	sshll.u32 s30, $0x7;
	s30 =	sshll.u32 s31, $0x7;
	s8 =	sshrl.u32 s8, $0x3  }
0x319: {  	[tilespmem:s11], [sflag:$0x1] =	stream.linear.gather [hbm4b:s6+s3], $0x20, $0x38;
	[tilespmem:$0x14800] =	vst v63  }
0x31a: {  	s12 =	sand.u32 $0x380, s12;
	s19 =	sadd.s32 s4, s8;
	s8 =	sand.u32 $0xFFFFFC00, s30  }
0x31b: {  	s29 =	sadd.s32 $0x45E0, s22;
	s16 =	sadd.s32 $0x42E0, s22;
	s12 =	sor.u32 s12, s8  }
0x31c: {  	(v2sf) =	vpush v0, $0xA;
	[tilespmem:s16], [sflag:$0x1] =	stream.strided.gather [hbm4b:s19+s13], $0x0, s14, s13, $0x38;
	[tilespmem:$0x14800] =	vst v63  }
0x31d: {  	s10 =	sadd.s32 $0x4460, s22;
	s9 =	sadd.s32 $0x4360, s22;
	s6 =	sshrl.u32 s12, $0x3  }
0x31e: {  	[tilespmem:s16], [sflag:$0x1] =	stream.linear.gather [hbm4b:s19+s3], $0x20, $0x38;
	[tilespmem:$0x14800] =	vst v63  }
0x31f: {  	s11 =	sadd.s32 $0x43E0, s22;
	s6 =	sadd.s32 s4, s6;
	s31 =	spop (v2sf)  }
0x320: {  	s16 =	sadd.s32 s21, s31;
	s19 =	sshll.u32 s31, $0x7;
	s30 =	spop (v2sf)  }
0x321: {  	[tilespmem:s9], [sflag:$0x1] =	stream.strided.gather [hbm4b:s6+s13], $0x0, s14, s13, $0x38;
	[tilespmem:$0x14800] =	vst v63  }
0x322: {  	s8 =	sshll.u32 s16, $0x7;
	s12 =	sand.u32 $0x380, s19;
	s31 =	sadd.s32 s21, s30  }
0x323: {  	(v2sf) =	vpush v0, $0xB;
	s16 =	sshll.u32 s30, $0x7;
	s30 =	spop (v2sf);
	s8 =	sand.u32 $0xFFFFFC00, s8  }
0x324: {  	[tilespmem:s9], [sflag:$0x1] =	stream.linear.gather [hbm4b:s6+s3], $0x20, $0x38;
	[tilespmem:$0x14800] =	vst v63  }
0x325: {  	s19 =	sshll.u32 s31, $0x7;
	s31 =	sand.u32 $0x380, s16;
	s8 =	sor.u32 s12, s8  }
0x326: {  	s16 =	sadd.s32 s21, s30;
	s18 =	sshrl.u32 s8, $0x3;
	s8 =	sand.u32 $0xFFFFFC00, s19  }
0x327: {  	(v2sf) =	vpush v0, $0xC;
	s9 =	sshll.u32 s30, $0x7;
	s6 =	sadd.s32 s4, s18;
	s8 =	sor.u32 s31, s8  }
0x328: {  	[tilespmem:s11], [sflag:$0x1] =	stream.strided.gather [hbm4b:s6+s13], $0x0, s14, s13, $0x38;
	[tilespmem:$0x14800] =	vst v63  }
0x329: {  	s9 =	sand.u32 $0x380, s9;
	s19 =	sshll.u32 s16, $0x7;
	s18 =	sshrl.u32 s8, $0x3  }
0x32a: {  	[tilespmem:s11], [sflag:$0x1] =	stream.linear.gather [hbm4b:s6+s3], $0x20, $0x38;
	[tilespmem:$0x14800] =	vst v63  }
0x32b: {  	s30 =	spop (v2sf);
	s8 =	sand.u32 $0xFFFFFC00, s19;
	s6 =	sadd.s32 s4, s18  }
0x32c: {  	[tilespmem:s10], [sflag:$0x1] =	stream.strided.gather [hbm4b:s6+s13], $0x0, s14, s13, $0x38;
	[tilespmem:$0x14800] =	vst v63  }
0x32d: {  	s26 =	sadd.s32 $0x46E0, s22;
	s31 =	sadd.s32 s21, s30;
	s8 =	sor.u32 s9, s8  }
0x32e: {  	[tilespmem:s10], [sflag:$0x1] =	stream.linear.gather [hbm4b:s6+s3], $0x20, $0x38;
	[tilespmem:$0x14800] =	vst v63  }
0x32f: {  	s12 =	sshll.u32 s31, $0x7;
	s11 =	sshll.u32 s30, $0x7;
	s10 =	sshrl.u32 s8, $0x3  }
0x330: {  	s18 =	sand.u32 $0x380, s11;
	s8 =	sand.u32 $0xFFFFFC00, s12;
	s6 =	sadd.s32 s4, s10  }
0x331: {  	[tilespmem:s2], [sflag:$0x1] =	stream.strided.gather [hbm4b:s6+s13], $0x0, s14, s13, $0x38;
	[tilespmem:$0x14800] =	vst v63  }
.Ltmp5:
0x332: {  	s8 =	sor.u32 s18, s8;
	s16 =	spop (v2sf);
	(pc) =	sbr.rel @p0 .LBB2_12-.Ltmp5, $4  }
0x333: {  	s0 =	sadd.s32 $0x4560, s22;
	s30 =	sshrl.u32 s8, $0x3;
	s19 =	sadd.s32 s21, s16  }
0x334: {  	(v2sf) =	vpush v0, $0xD;
	[tilespmem:s2], [sflag:$0x1] =	stream.linear.gather [hbm4b:s6+s3], $0x20, $0x38;
	[tilespmem:$0x14800] =	vst v63  }
0x335: {  	(v2sf) =	vpush v0, $0xE;
	s11 =	sadd.s32 s4, s30;
	s9 =	sshll.u32 s16, $0x7;
	s31 =	sshll.u32 s19, $0x7  }
0x336: {  	s10 =	spop (v2sf);
	(v2sf) =	vpush v0, $0xF;
	s18 =	sand.u32 $0x380, s9;
	s6 =	sand.u32 $0xFFFFFC00, s31  }
0x337: {  	[tilespmem:s0], [sflag:$0x1] =	stream.strided.gather [hbm4b:s11+s13], $0x0, s14, s13, $0x38;
	[tilespmem:$0x14800] =	vst v63  }
0x338: {  	s2 =	sor.u32 s18, s6  }
0x339: {  	s31 =	sadd.s32 s21, s10;
	s9 =	sshrl.u32 s2, $0x3  }
0x33a: {  	[tilespmem:s0], [sflag:$0x1] =	stream.linear.gather [hbm4b:s11+s3], $0x20, $0x38;
	[tilespmem:$0x14800] =	vst v63  }
0x33b: {  	s11 =	sshll.u32 s31, $0x7;
	s0 =	sadd.s32 s4, s9;
	s9 =	sshll.u32 s10, $0x7  }
0x33c: {  	s2 =	sand.u32 $0xFFFFFC00, s11;
	s9 =	sand.u32 $0x380, s9  }
0x33d: {  	[tilespmem:s29], [sflag:$0x1] =	stream.strided.gather [hbm4b:s0+s13], $0x0, s14, s13, $0x38;
	[tilespmem:$0x14800] =	vst v63  }
0x33e: {  	s2 =	sor.u32 s9, s2  }
0x33f: {  	s16 =	sshrl.u32 s2, $0x3  }
0x340: {  	[tilespmem:s29], [sflag:$0x1] =	stream.linear.gather [hbm4b:s0+s3], $0x20, $0x38;
	[tilespmem:$0x14800] =	vst v63  }
0x341: {  	s0 =	sadd.s32 s4, s16  }
0x342: {  	[tilespmem:s28], [sflag:$0x1] =	stream.strided.gather [hbm4b:s0+s13], $0x0, s14, s13, $0x38;
	[tilespmem:$0x14800] =	vst v63  }
0x343: {  	_ = 	snop  }
0x344: {  	[tilespmem:s28], [sflag:$0x1] =	stream.linear.gather [hbm4b:s0+s3], $0x20, $0x38;
	[tilespmem:$0x14800] =	vst v63  }
0x345: {  	s8 =	spop (v2sf)  }
0x346: {  	s12 =	sadd.s32 s21, s8  }
0x347: {  	s8 =	sshll.u32 s8, $0x7;
	s19 =	spop (v2sf);
	s6 =	sshll.u32 s12, $0x7  }
0x348: {  	s8 =	sand.u32 $0x380, s8;
	s25 =	spop (v2sf);
	s6 =	sand.u32 $0xFFFFFC00, s6  }
0x349: {  	s23 =	sadd.s32 s21, s19;
	s28 =	sadd.s32 s21, s25;
	s18 =	sor.u32 s8, s6  }
0x34a: {  	s8 =	sshll.u32 s23, $0x7;
	s6 =	sshll.u32 s19, $0x7;
	s2 =	sshrl.u32 s18, $0x3  }
0x34b: {  	s24 =	sand.u32 $0xFFFFFC00, s8;
	s6 =	sand.u32 $0x380, s6;
	s8 =	sshll.u32 s25, $0x7  }
0x34c: {  	s2 =	sadd.s32 s4, s2;
	s0 =	sor.u32 s6, s24;
	s6 =	sshll.u32 s28, $0x7  }
0x34d: {  	[tilespmem:s26], [sflag:$0x1] =	stream.strided.gather [hbm4b:s2+s13], $0x0, s14, s13, $0x38;
	[tilespmem:$0x14800] =	vst v63  }
0x34e: {  	s8 =	sand.u32 $0x380, s8;
	s0 =	sshrl.u32 s0, $0x3;
	s6 =	sand.u32 $0xFFFFFC00, s6  }
0x34f: {  	[tilespmem:s26], [sflag:$0x1] =	stream.linear.gather [hbm4b:s2+s3], $0x20, $0x38;
	[tilespmem:$0x14800] =	vst v63  }
0x350: {  	s29 =	sadd.s32 $0x4760, s22;
	s0 =	sadd.s32 s4, s0;
	s6 =	sor.u32 s8, s6  }
0x351: {  	[tilespmem:s29], [sflag:$0x1] =	stream.strided.gather [hbm4b:s0+s13], $0x0, s14, s13, $0x38;
	[tilespmem:$0x14800] =	vst v63  }
0x352: {  	s30 =	sshrl.u32 s6, $0x3  }
0x353: {  	[tilespmem:s29], [sflag:$0x1] =	stream.linear.gather [hbm4b:s0+s3], $0x20, $0x38;
	[tilespmem:$0x14800] =	vst v63  }
0x354: {  	s31 =	sadd.s32 $0x47E0, s22;
	s0 =	sadd.s32 s4, s30  }
0x355: {  	[tilespmem:s31], [sflag:$0x1] =	stream.strided.gather [hbm4b:s0+s13], $0x0, s14, s13, $0x38;
	[tilespmem:$0x14800] =	vst v63  }
0x356: {  	_ = 	snop  }
0x357: {  	[tilespmem:s31], [sflag:$0x1] =	stream.linear.gather [hbm4b:s0+s3], $0x20, $0x38;
	[tilespmem:$0x14800] =	vst v63  }
.LBB2_14:
0x358: {  	p0 =	seq.s32 s20, $0x6  }
.Ltmp6:
0x359: {  	_ = 	snop;
	(pc) =	sbr.rel @!p0 .LBB2_15-.Ltmp6, $1  }
0x35a: {  	_ =	sdelay $0x3  }
0x35b: {  	_ =	swait.ge [sflag:s15], $0x8000  }
0x35c: {  	[sflag:s15] =	ssyncset.done $0x0  }
0x35d: {  	s0 =	sadd.s32 s1, s5;
	s2 =	simm.s32 $0x4040;
	[sflag:s15] =	ssyncadd.s32 $0xFFFF8000  }
0x35e: {  	[tilespmem:s2], [sflag:$0x1] =	stream.strided.gather [hbm4b:s0+s13], $0x0, s14, s13, $0x38;
	[tilespmem:$0x14800] =	vst v63  }
0x35f: {  	_ = 	snop  }
0x360: {  	[tilespmem:s2], [sflag:$0x1] =	stream.linear.gather [hbm4b:s0+s3], $0x10, $0x38;
	[tilespmem:$0x14800] =	vst v63  }
0x361: {  	s10 =	simm.s32 $0x40C0;
	s6 =	sadd.s32 $0x10, s0  }
0x362: {  	[tilespmem:s10], [sflag:$0x1] =	stream.strided.gather [hbm4b:s6+s13], $0x0, s14, s13, $0x38;
	[tilespmem:$0x14800] =	vst v63  }
0x363: {  	s8 =	rddreg [dreg:$0x8]  }
0x364: {  	[tilespmem:s10], [sflag:$0x1] =	stream.linear.gather [hbm4b:s6+s3], $0x10, $0x38;
	[tilespmem:$0x14800] =	vst v63  }
0x365: {  	s11 =	simm.s32 $0x4140;
	s12 =	sadd.s32 s1, s8  }
0x366: {  	[tilespmem:s11], [sflag:$0x1] =	stream.strided.gather [hbm4b:s12+s13], $0x0, s14, s13, $0x38;
	[tilespmem:$0x14800] =	vst v63  }
0x367: {  	_ = 	snop  }
0x368: {  	[tilespmem:s11], [sflag:$0x1] =	stream.linear.gather [hbm4b:s12+s3], $0x10, $0x38;
	[tilespmem:$0x14800] =	vst v63  }
0x369: {  	s16 =	simm.s32 $0x41C0;
	s18 =	sadd.s32 $0x30, s0  }
0x36a: {  	[tilespmem:s16], [sflag:$0x1] =	stream.strided.gather [hbm4b:s18+s13], $0x0, s14, s13, $0x38;
	[tilespmem:$0x14800] =	vst v63  }
0x36b: {  	s19 =	rddreg [dreg:$0x9]  }
0x36c: {  	[tilespmem:s16], [sflag:$0x1] =	stream.linear.gather [hbm4b:s18+s3], $0x10, $0x38;
	[tilespmem:$0x14800] =	vst v63  }
0x36d: {  	s21 =	simm.s32 $0x4240;
	s22 =	sadd.s32 s1, s19  }
0x36e: {  	[tilespmem:s21], [sflag:$0x1] =	stream.strided.gather [hbm4b:s22+s13], $0x0, s14, s13, $0x38;
	[tilespmem:$0x14800] =	vst v63  }
0x36f: {  	_ = 	snop  }
0x370: {  	[tilespmem:s21], [sflag:$0x1] =	stream.linear.gather [hbm4b:s22+s3], $0x10, $0x38;
	[tilespmem:$0x14800] =	vst v63  }
0x371: {  	s23 =	simm.s32 $0x42C0;
	s24 =	sadd.s32 $0x50, s0  }
0x372: {  	[tilespmem:s23], [sflag:$0x1] =	stream.strided.gather [hbm4b:s24+s13], $0x0, s14, s13, $0x38;
	[tilespmem:$0x14800] =	vst v63  }
0x373: {  	s25 =	rddreg [dreg:$0xa]  }
0x374: {  	[tilespmem:s23], [sflag:$0x1] =	stream.linear.gather [hbm4b:s24+s3], $0x10, $0x38;
	[tilespmem:$0x14800] =	vst v63  }
0x375: {  	s26 =	simm.s32 $0x4340;
	s28 =	sadd.s32 s1, s25  }
0x376: {  	[tilespmem:s26], [sflag:$0x1] =	stream.strided.gather [hbm4b:s28+s13], $0x0, s14, s13, $0x38;
	[tilespmem:$0x14800] =	vst v63  }
0x377: {  	_ = 	snop  }
0x378: {  	[tilespmem:s26], [sflag:$0x1] =	stream.linear.gather [hbm4b:s28+s3], $0x10, $0x38;
	[tilespmem:$0x14800] =	vst v63  }
0x379: {  	s29 =	simm.s32 $0x43C0;
	s30 =	sadd.s32 $0x70, s0  }
0x37a: {  	[tilespmem:s29], [sflag:$0x1] =	stream.strided.gather [hbm4b:s30+s13], $0x0, s14, s13, $0x38;
	[tilespmem:$0x14800] =	vst v63  }
0x37b: {  	s31 =	rddreg [dreg:$0xb]  }
0x37c: {  	[tilespmem:s29], [sflag:$0x1] =	stream.linear.gather [hbm4b:s30+s3], $0x10, $0x38;
	[tilespmem:$0x14800] =	vst v63  }
0x37d: {  	s9 =	simm.s32 $0x4440;
	s10 =	sadd.s32 s1, s31  }
0x37e: {  	[tilespmem:s9], [sflag:$0x1] =	stream.strided.gather [hbm4b:s10+s13], $0x0, s14, s13, $0x38;
	[tilespmem:$0x14800] =	vst v63  }
0x37f: {  	_ = 	snop  }
0x380: {  	[tilespmem:s9], [sflag:$0x1] =	stream.linear.gather [hbm4b:s10+s3], $0x10, $0x38;
	[tilespmem:$0x14800] =	vst v63  }
0x381: {  	s11 =	simm.s32 $0x44C0;
	s12 =	sadd.s32 $0x90, s0  }
0x382: {  	[tilespmem:s11], [sflag:$0x1] =	stream.strided.gather [hbm4b:s12+s13], $0x0, s14, s13, $0x38;
	[tilespmem:$0x14800] =	vst v63  }
0x383: {  	s16 =	rddreg [dreg:$0xc]  }
0x384: {  	[tilespmem:s11], [sflag:$0x1] =	stream.linear.gather [hbm4b:s12+s3], $0x10, $0x38;
	[tilespmem:$0x14800] =	vst v63  }
0x385: {  	s18 =	simm.s32 $0x4540;
	s19 =	sadd.s32 s1, s16  }
0x386: {  	[tilespmem:s18], [sflag:$0x1] =	stream.strided.gather [hbm4b:s19+s13], $0x0, s14, s13, $0x38;
	[tilespmem:$0x14800] =	vst v63  }
0x387: {  	_ = 	snop  }
0x388: {  	[tilespmem:s18], [sflag:$0x1] =	stream.linear.gather [hbm4b:s19+s3], $0x10, $0x38;
	[tilespmem:$0x14800] =	vst v63  }
0x389: {  	s21 =	simm.s32 $0x45C0;
	s22 =	sadd.s32 $0xB0, s0  }
0x38a: {  	[tilespmem:s21], [sflag:$0x1] =	stream.strided.gather [hbm4b:s22+s13], $0x0, s14, s13, $0x38;
	[tilespmem:$0x14800] =	vst v63  }
0x38b: {  	s23 =	rddreg [dreg:$0xd]  }
0x38c: {  	[tilespmem:s21], [sflag:$0x1] =	stream.linear.gather [hbm4b:s22+s3], $0x10, $0x38;
	[tilespmem:$0x14800] =	vst v63  }
0x38d: {  	s24 =	simm.s32 $0x4640;
	s25 =	sadd.s32 s1, s23  }
0x38e: {  	[tilespmem:s24], [sflag:$0x1] =	stream.strided.gather [hbm4b:s25+s13], $0x0, s14, s13, $0x38;
	[tilespmem:$0x14800] =	vst v63  }
0x38f: {  	_ = 	snop  }
0x390: {  	[tilespmem:s24], [sflag:$0x1] =	stream.linear.gather [hbm4b:s25+s3], $0x10, $0x38;
	[tilespmem:$0x14800] =	vst v63  }
0x391: {  	s26 =	simm.s32 $0x46C0;
	s28 =	sadd.s32 $0xD0, s0  }
0x392: {  	[tilespmem:s26], [sflag:$0x1] =	stream.strided.gather [hbm4b:s28+s13], $0x0, s14, s13, $0x38;
	[tilespmem:$0x14800] =	vst v63  }
0x393: {  	s29 =	rddreg [dreg:$0xe]  }
0x394: {  	[tilespmem:s26], [sflag:$0x1] =	stream.linear.gather [hbm4b:s28+s3], $0x10, $0x38;
	[tilespmem:$0x14800] =	vst v63  }
0x395: {  	s30 =	simm.s32 $0x4740;
	s31 =	sadd.s32 s1, s29  }
0x396: {  	[tilespmem:s30], [sflag:$0x1] =	stream.strided.gather [hbm4b:s31+s13], $0x0, s14, s13, $0x38;
	[tilespmem:$0x14800] =	vst v63  }
0x397: {  	s23 =	simm.s32 $0x4000;
	s18 =	sadd.s32 $0xF0, s0;
	s0 =	sadd.s32 $0x100, s1  }
0x398: {  	[tilespmem:s30], [sflag:$0x1] =	stream.linear.gather [hbm4b:s31+s3], $0x10, $0x38;
	[tilespmem:$0x14800] =	vst v63  }
0x399: {  	s11 =	simm.s32 $0x47C0;
	s22 =	simm.s32 $0x800;
	s21 =	sadd.s32 s0, s5  }
0x39a: {  	[tilespmem:s11], [sflag:$0x1] =	stream.strided.gather [hbm4b:s18+s13], $0x0, s14, s13, $0x38;
	[tilespmem:$0x14800] =	vst v63  }
.LBB2_17:
0x39b: {  	[tilespmem:s11], [sflag:$0x1] =	stream.linear.gather [hbm4b:s18+s3], $0x10, $0x38;
	[tilespmem:$0x14800] =	vst v63  }
0x39c: {  	s6 =	sadd.s32 $0x4040, s22  }
0x39d: {  	[tilespmem:s6], [sflag:$0x1] =	stream.strided.gather [hbm4b:s21+s13], $0x0, s14, s13, $0x38;
	[tilespmem:$0x14800] =	vst v63  }
0x39e: {  	_ = 	snop  }
0x39f: {  	[tilespmem:s6], [sflag:$0x1] =	stream.linear.gather [hbm4b:s21+s3], $0x10, $0x38;
	[tilespmem:$0x14800] =	vst v63  }
0x3a0: {  	s29 =	sadd.s32 $0x40C0, s22;
	s8 =	sadd.s32 $0x10, s21  }
0x3a1: {  	[tilespmem:s29], [sflag:$0x1] =	stream.strided.gather [hbm4b:s8+s13], $0x0, s14, s13, $0x38;
	[tilespmem:$0x14800] =	vst v63  }
0x3a2: {  	s9 =	rddreg [dreg:$0x8]  }
0x3a3: {  	[tilespmem:s29], [sflag:$0x1] =	stream.linear.gather [hbm4b:s8+s3], $0x10, $0x38;
	[tilespmem:$0x14800] =	vst v63  }
0x3a4: {  	s30 =	sadd.s32 $0x4140, s22;
	s31 =	sadd.s32 s0, s9  }
0x3a5: {  	[tilespmem:s30], [sflag:$0x1] =	stream.strided.gather [hbm4b:s31+s13], $0x0, s14, s13, $0x38;
	[tilespmem:$0x14800] =	vst v63  }
0x3a6: {  	_ = 	snop  }
0x3a7: {  	[tilespmem:s30], [sflag:$0x1] =	stream.linear.gather [hbm4b:s31+s3], $0x10, $0x38;
	[tilespmem:$0x14800] =	vst v63  }
0x3a8: {  	s9 =	sadd.s32 $0x30, s21;
	s8 =	sadd.s32 $0x41C0, s22  }
0x3a9: {  	[tilespmem:s8], [sflag:$0x1] =	stream.strided.gather [hbm4b:s9+s13], $0x0, s14, s13, $0x38;
	[tilespmem:$0x14800] =	vst v63  }
0x3aa: {  	s11 =	rddreg [dreg:$0x9]  }
0x3ab: {  	[tilespmem:s8], [sflag:$0x1] =	stream.linear.gather [hbm4b:s9+s3], $0x10, $0x38;
	[tilespmem:$0x14800] =	vst v63  }
0x3ac: {  	s12 =	sadd.s32 $0x4240, s22;
	s16 =	sadd.s32 s0, s11  }
0x3ad: {  	[tilespmem:s12], [sflag:$0x1] =	stream.strided.gather [hbm4b:s16+s13], $0x0, s14, s13, $0x38;
	[tilespmem:$0x14800] =	vst v63  }
0x3ae: {  	s2 =	smov.u32 s23  }
0x3af: {  	[tilespmem:s12], [sflag:$0x1] =	stream.linear.gather [hbm4b:s16+s3], $0x10, $0x38;
	[tilespmem:$0x14800] =	vst v63  }
0x3b0: {  	p0 =	sne.s32 s23, $0x3E000;
	s18 =	sadd.s32 $0x42C0, s22;
	s19 =	sadd.s32 $0x50, s21  }
0x3b1: {  	[tilespmem:s18], [sflag:$0x1] =	stream.strided.gather [hbm4b:s19+s13], $0x0, s14, s13, $0x38;
	[tilespmem:$0x14800] =	vst v63  }
0x3b2: {  	s10 =	sshra.s32 s2, $0x2;
	s2 =	sadd.s32 $0x2000, s23;
	s23 =	rddreg [dreg:$0xa]  }
0x3b3: {  	[tilespmem:s18], [sflag:$0x1] =	stream.linear.gather [hbm4b:s19+s3], $0x10, $0x38;
	[tilespmem:$0x14800] =	vst v63  }
0x3b4: {  	s24 =	sadd.s32 $0x4340, s22;
	s25 =	sadd.s32 s0, s23  }
0x3b5: {  	[tilespmem:s24], [sflag:$0x1] =	stream.strided.gather [hbm4b:s25+s13], $0x0, s14, s13, $0x38;
	[tilespmem:$0x14800] =	vst v63  }
0x3b6: {  	_ = 	snop  }
0x3b7: {  	[tilespmem:s24], [sflag:$0x1] =	stream.linear.gather [hbm4b:s25+s3], $0x10, $0x38;
	[tilespmem:$0x14800] =	vst v63  }
0x3b8: {  	s26 =	sadd.s32 $0x43C0, s22;
	s28 =	sadd.s32 $0x70, s21  }
0x3b9: {  	[tilespmem:s26], [sflag:$0x1] =	stream.strided.gather [hbm4b:s28+s13], $0x0, s14, s13, $0x38;
	[tilespmem:$0x14800] =	vst v63  }
0x3ba: {  	s29 =	rddreg [dreg:$0xb]  }
0x3bb: {  	[tilespmem:s26], [sflag:$0x1] =	stream.linear.gather [hbm4b:s28+s3], $0x10, $0x38;
	[tilespmem:$0x14800] =	vst v63  }
0x3bc: {  	s30 =	sadd.s32 $0x4440, s22;
	s31 =	sadd.s32 s0, s29  }
0x3bd: {  	[tilespmem:s30], [sflag:$0x1] =	stream.strided.gather [hbm4b:s31+s13], $0x0, s14, s13, $0x38;
	[tilespmem:$0x14800] =	vst v63  }
0x3be: {  	_ = 	snop  }
0x3bf: {  	[tilespmem:s30], [sflag:$0x1] =	stream.linear.gather [hbm4b:s31+s3], $0x10, $0x38;
	[tilespmem:$0x14800] =	vst v63  }
0x3c0: {  	s8 =	sadd.s32 $0x44C0, s22;
	s9 =	sadd.s32 $0x90, s21  }
0x3c1: {  	[tilespmem:s8], [sflag:$0x1] =	stream.strided.gather [hbm4b:s9+s13], $0x0, s14, s13, $0x38;
	[tilespmem:$0x14800] =	vst v63  }
0x3c2: {  	s11 =	rddreg [dreg:$0xc]  }
0x3c3: {  	[tilespmem:s8], [sflag:$0x1] =	stream.linear.gather [hbm4b:s9+s3], $0x10, $0x38;
	[tilespmem:$0x14800] =	vst v63  }
0x3c4: {  	s12 =	sadd.s32 $0x4540, s22;
	s16 =	sadd.s32 s0, s11  }
0x3c5: {  	[tilespmem:s12], [sflag:$0x1] =	stream.strided.gather [hbm4b:s16+s13], $0x0, s14, s13, $0x38;
	[tilespmem:$0x14800] =	vst v63  }
0x3c6: {  	_ = 	snop  }
0x3c7: {  	[tilespmem:s12], [sflag:$0x1] =	stream.linear.gather [hbm4b:s16+s3], $0x10, $0x38;
	[tilespmem:$0x14800] =	vst v63  }
0x3c8: {  	s18 =	sadd.s32 $0x45C0, s22;
	s19 =	sadd.s32 $0xB0, s21  }
0x3c9: {  	[tilespmem:s18], [sflag:$0x1] =	stream.strided.gather [hbm4b:s19+s13], $0x0, s14, s13, $0x38;
	[tilespmem:$0x14800] =	vst v63  }
0x3ca: {  	s23 =	rddreg [dreg:$0xd]  }
0x3cb: {  	[tilespmem:s18], [sflag:$0x1] =	stream.linear.gather [hbm4b:s19+s3], $0x10, $0x38;
	[tilespmem:$0x14800] =	vst v63  }
0x3cc: {  	s24 =	sadd.s32 $0x4640, s22;
	s25 =	sadd.s32 s0, s23  }
0x3cd: {  	[tilespmem:s24], [sflag:$0x1] =	stream.strided.gather [hbm4b:s25+s13], $0x0, s14, s13, $0x38;
	[tilespmem:$0x14800] =	vst v63  }
0x3ce: {  	_ = 	snop  }
0x3cf: {  	[tilespmem:s24], [sflag:$0x1] =	stream.linear.gather [hbm4b:s25+s3], $0x10, $0x38;
	[tilespmem:$0x14800] =	vst v63  }
0x3d0: {  	s26 =	sadd.s32 $0x46C0, s22;
	s28 =	sadd.s32 $0xD0, s21  }
0x3d1: {  	[tilespmem:s26], [sflag:$0x1] =	stream.strided.gather [hbm4b:s28+s13], $0x0, s14, s13, $0x38;
	[tilespmem:$0x14800] =	vst v63  }
0x3d2: {  	s29 =	rddreg [dreg:$0xe]  }
0x3d3: {  	[tilespmem:s26], [sflag:$0x1] =	stream.linear.gather [hbm4b:s28+s3], $0x10, $0x38;
	[tilespmem:$0x14800] =	vst v63  }
0x3d4: {  	s30 =	sadd.s32 $0x4740, s22;
	s31 =	sadd.s32 s0, s29  }
0x3d5: {  	[tilespmem:s30], [sflag:$0x1] =	stream.strided.gather [hbm4b:s31+s13], $0x0, s14, s13, $0x38;
	[tilespmem:$0x14800] =	vst v63  }
.Ltmp7:
0x3d6: {  	_ = 	snop;
	(pc) =	sbr.rel @p0 .LBB2_17-.Ltmp7, $4  }
0x3d7: {  	s11 =	sadd.s32 $0x47C0, s22;
	s23 =	smov.u32 s2;
	s0 =	sadd.s32 $0x100, s0  }
0x3d8: {  	[tilespmem:s30], [sflag:$0x1] =	stream.linear.gather [hbm4b:s31+s3], $0x10, $0x38;
	[tilespmem:$0x14800] =	vst v63  }
0x3d9: {  	s22 =	smov.u32 s10;
	s18 =	sadd.s32 $0xF0, s21;
	s21 =	sadd.s32 s0, s5  }
0x3da: {  	[tilespmem:s11], [sflag:$0x1] =	stream.strided.gather [hbm4b:s18+s13], $0x0, s14, s13, $0x38;
	[tilespmem:$0x14800] =	vst v63  }
0x3db: {  	[tilespmem:s11], [sflag:$0x1] =	stream.linear.gather [hbm4b:s18+s3], $0x10, $0x38;
	[tilespmem:$0x14800] =	vst v63  }
0x3dc: {  	s2 =	sadd.s32 $0x4040, s22  }
0x3dd: {  	[tilespmem:s2], [sflag:$0x1] =	stream.strided.gather [hbm4b:s21+s13], $0x0, s14, s13, $0x38;
	[tilespmem:$0x14800] =	vst v63  }
0x3de: {  	_ = 	snop  }
0x3df: {  	[tilespmem:s2], [sflag:$0x1] =	stream.linear.gather [hbm4b:s21+s3], $0x10, $0x38;
	[tilespmem:$0x14800] =	vst v63  }
0x3e0: {  	s31 =	sadd.s32 $0x40C0, s22;
	s6 =	sadd.s32 $0x10, s21  }
0x3e1: {  	[tilespmem:s31], [sflag:$0x1] =	stream.strided.gather [hbm4b:s6+s13], $0x0, s14, s13, $0x38;
	[tilespmem:$0x14800] =	vst v63  }
0x3e2: {  	s8 =	rddreg [dreg:$0x8]  }
0x3e3: {  	[tilespmem:s31], [sflag:$0x1] =	stream.linear.gather [hbm4b:s6+s3], $0x10, $0x38;
	[tilespmem:$0x14800] =	vst v63  }
0x3e4: {  	s8 =	sadd.s32 s0, s8;
	s6 =	sadd.s32 $0x4140, s22  }
0x3e5: {  	[tilespmem:s6], [sflag:$0x1] =	stream.strided.gather [hbm4b:s8+s13], $0x0, s14, s13, $0x38;
	[tilespmem:$0x14800] =	vst v63  }
0x3e6: {  	_ = 	snop  }
0x3e7: {  	[tilespmem:s6], [sflag:$0x1] =	stream.linear.gather [hbm4b:s8+s3], $0x10, $0x38;
	[tilespmem:$0x14800] =	vst v63  }
0x3e8: {  	s9 =	sadd.s32 $0x41C0, s22;
	s10 =	sadd.s32 $0x30, s21  }
0x3e9: {  	[tilespmem:s9], [sflag:$0x1] =	stream.strided.gather [hbm4b:s10+s13], $0x0, s14, s13, $0x38;
	[tilespmem:$0x14800] =	vst v63  }
0x3ea: {  	s11 =	rddreg [dreg:$0x9]  }
0x3eb: {  	[tilespmem:s9], [sflag:$0x1] =	stream.linear.gather [hbm4b:s10+s3], $0x10, $0x38;
	[tilespmem:$0x14800] =	vst v63  }
0x3ec: {  	s12 =	sadd.s32 $0x4240, s22;
	s16 =	sadd.s32 s0, s11  }
0x3ed: {  	[tilespmem:s12], [sflag:$0x1] =	stream.strided.gather [hbm4b:s16+s13], $0x0, s14, s13, $0x38;
	[tilespmem:$0x14800] =	vst v63  }
0x3ee: {  	_ = 	snop  }
0x3ef: {  	[tilespmem:s12], [sflag:$0x1] =	stream.linear.gather [hbm4b:s16+s3], $0x10, $0x38;
	[tilespmem:$0x14800] =	vst v63  }
0x3f0: {  	s18 =	sadd.s32 $0x42C0, s22;
	s19 =	sadd.s32 $0x50, s21  }
0x3f1: {  	[tilespmem:s18], [sflag:$0x1] =	stream.strided.gather [hbm4b:s19+s13], $0x0, s14, s13, $0x38;
	[tilespmem:$0x14800] =	vst v63  }
0x3f2: {  	s23 =	rddreg [dreg:$0xa]  }
0x3f3: {  	[tilespmem:s18], [sflag:$0x1] =	stream.linear.gather [hbm4b:s19+s3], $0x10, $0x38;
	[tilespmem:$0x14800] =	vst v63  }
0x3f4: {  	s24 =	sadd.s32 $0x4340, s22;
	s25 =	sadd.s32 s0, s23  }
0x3f5: {  	[tilespmem:s24], [sflag:$0x1] =	stream.strided.gather [hbm4b:s25+s13], $0x0, s14, s13, $0x38;
	[tilespmem:$0x14800] =	vst v63  }
0x3f6: {  	_ = 	snop  }
0x3f7: {  	[tilespmem:s24], [sflag:$0x1] =	stream.linear.gather [hbm4b:s25+s3], $0x10, $0x38;
	[tilespmem:$0x14800] =	vst v63  }
0x3f8: {  	s26 =	sadd.s32 $0x43C0, s22;
	s28 =	sadd.s32 $0x70, s21  }
0x3f9: {  	[tilespmem:s26], [sflag:$0x1] =	stream.strided.gather [hbm4b:s28+s13], $0x0, s14, s13, $0x38;
	[tilespmem:$0x14800] =	vst v63  }
0x3fa: {  	s29 =	rddreg [dreg:$0xb]  }
0x3fb: {  	[tilespmem:s26], [sflag:$0x1] =	stream.linear.gather [hbm4b:s28+s3], $0x10, $0x38;
	[tilespmem:$0x14800] =	vst v63  }
0x3fc: {  	s30 =	sadd.s32 $0x4440, s22;
	s31 =	sadd.s32 s0, s29  }
0x3fd: {  	[tilespmem:s30], [sflag:$0x1] =	stream.strided.gather [hbm4b:s31+s13], $0x0, s14, s13, $0x38;
	[tilespmem:$0x14800] =	vst v63  }
0x3fe: {  	_ = 	snop  }
0x3ff: {  	[tilespmem:s30], [sflag:$0x1] =	stream.linear.gather [hbm4b:s31+s3], $0x10, $0x38;
	[tilespmem:$0x14800] =	vst v63  }
0x400: {  	s6 =	sadd.s32 $0x44C0, s22;
	s8 =	sadd.s32 $0x90, s21  }
0x401: {  	[tilespmem:s6], [sflag:$0x1] =	stream.strided.gather [hbm4b:s8+s13], $0x0, s14, s13, $0x38;
	[tilespmem:$0x14800] =	vst v63  }
0x402: {  	s9 =	rddreg [dreg:$0xc]  }
0x403: {  	[tilespmem:s6], [sflag:$0x1] =	stream.linear.gather [hbm4b:s8+s3], $0x10, $0x38;
	[tilespmem:$0x14800] =	vst v63  }
0x404: {  	s10 =	sadd.s32 $0x4540, s22;
	s11 =	sadd.s32 s0, s9  }
0x405: {  	[tilespmem:s10], [sflag:$0x1] =	stream.strided.gather [hbm4b:s11+s13], $0x0, s14, s13, $0x38;
	[tilespmem:$0x14800] =	vst v63  }
0x406: {  	_ = 	snop  }
0x407: {  	[tilespmem:s10], [sflag:$0x1] =	stream.linear.gather [hbm4b:s11+s3], $0x10, $0x38;
	[tilespmem:$0x14800] =	vst v63  }
0x408: {  	s12 =	sadd.s32 $0x45C0, s22;
	s16 =	sadd.s32 $0xB0, s21  }
0x409: {  	[tilespmem:s12], [sflag:$0x1] =	stream.strided.gather [hbm4b:s16+s13], $0x0, s14, s13, $0x38;
	[tilespmem:$0x14800] =	vst v63  }
0x40a: {  	s18 =	rddreg [dreg:$0xd]  }
0x40b: {  	[tilespmem:s12], [sflag:$0x1] =	stream.linear.gather [hbm4b:s16+s3], $0x10, $0x38;
	[tilespmem:$0x14800] =	vst v63  }
0x40c: {  	s19 =	sadd.s32 $0x4640, s22;
	s23 =	sadd.s32 s0, s18  }
0x40d: {  	[tilespmem:s19], [sflag:$0x1] =	stream.strided.gather [hbm4b:s23+s13], $0x0, s14, s13, $0x38;
	[tilespmem:$0x14800] =	vst v63  }
0x40e: {  	_ = 	snop  }
0x40f: {  	[tilespmem:s19], [sflag:$0x1] =	stream.linear.gather [hbm4b:s23+s3], $0x10, $0x38;
	[tilespmem:$0x14800] =	vst v63  }
0x410: {  	s24 =	sadd.s32 $0x46C0, s22;
	s25 =	sadd.s32 $0xD0, s21  }
0x411: {  	[tilespmem:s24], [sflag:$0x1] =	stream.strided.gather [hbm4b:s25+s13], $0x0, s14, s13, $0x38;
	[tilespmem:$0x14800] =	vst v63  }
0x412: {  	s26 =	rddreg [dreg:$0xe]  }
0x413: {  	[tilespmem:s24], [sflag:$0x1] =	stream.linear.gather [hbm4b:s25+s3], $0x10, $0x38;
	[tilespmem:$0x14800] =	vst v63  }
0x414: {  	s28 =	sadd.s32 $0x4740, s22;
	s29 =	sadd.s32 s0, s26  }
0x415: {  	[tilespmem:s28], [sflag:$0x1] =	stream.strided.gather [hbm4b:s29+s13], $0x0, s14, s13, $0x38;
	[tilespmem:$0x14800] =	vst v63  }
0x416: {  	_ = 	snop  }
0x417: {  	[tilespmem:s28], [sflag:$0x1] =	stream.linear.gather [hbm4b:s29+s3], $0x10, $0x38;
	[tilespmem:$0x14800] =	vst v63  }
0x418: {  	s30 =	sadd.s32 $0x47C0, s22;
	s31 =	sadd.s32 $0xF0, s21  }
0x419: {  	[tilespmem:s30], [sflag:$0x1] =	stream.strided.gather [hbm4b:s31+s13], $0x0, s14, s13, $0x38;
	[tilespmem:$0x14800] =	vst v63  }
.Ltmp8:
0x41a: {  	_ = 	snop;
	(pc) =	sbr.rel .LBB2_19-.Ltmp8, $4  }
0x41b: {  	[tilespmem:s30], [sflag:$0x1] =	stream.linear.gather [hbm4b:s31+s3], $0x10, $0x38;
	[tilespmem:$0x14800] =	vst v63  }
0x41c: {  	_ =	swait.ge [sflag:s15], $0x2000  }
0x41d: {  	[sflag:s15] =	ssyncset.done $0x0  }
0x41e: {  	[sflag:s15] =	ssyncadd.s32 $0xFFFFE000  }
.LBB2_15:
0x41f: {  	_ =	swait.ge [sflag:s15], $0x10000  }
0x420: {  	[sflag:s15] =	ssyncset.done $0x0  }
0x421: {  	[sflag:s15] =	ssyncadd.s32 $0xFFFF0000  }
.LBB2_19:
0x422: {  	s0 =	sshll.u32 s20, $0x12;
	s2 =	simm.s32 $0x0  }
0x423: {  	s6 =	simm.s32 $0x4000;
	s31 =	simm.s32 $0x0;
	s0 =	sadd.s32 s0, s7  }
0x424: {  	[hbm4b:s0+s2] =	stream.linear.scatter [tilespmem:s6], [sflag:$0x2], $0x10000, $0x38;
	[tilespmem:$0x14800] =	vst v63  }
0x425: {  	v1 =	vld [tilespmem:s31+$0x4070]  }
0x426: {  	v2 =	vld [tilespmem:s31+$0x4000]  }
0x427: {  	v15 =	vimm.f32 $0.0e+00;
	v3 =	vld [tilespmem:s31+$0x4010]  }
0x428: {  	v19 =	vimm.f32 $0.0e+00;
	v18 =	vimm.f32 $0.0e+00;
	v10 =	vimm.f32 $0.0e+00  }
0x429: {  	v17 =	vimm.f32 $0.0e+00;
	v6 =	vimm.f32 $0.0e+00;
	v11 =	vimm.f32 $0.0e+00;
	v20 =	vld [tilespmem:s31+$0x4020]  }
0x42a: {  	v4 =	vimm.f32 $0.0e+00;
	v7 =	vimm.f32 $0.0e+00;
	v5 =	vimm.f32 $0.0e+00;
	v16 =	vld [tilespmem:s31+$0x4030]  }
0x42b: {  	v13 =	vld [tilespmem:s31+$0x4040];
	v0 =	vadd.f32 v1, v15;
	v1 =	vmul.f32 v1, v1;
	v14 =	vadd.f32 v2, v15  }
0x42c: {  	v12 =	vld [tilespmem:s31+$0x4050];
	v22 =	vmul.f32 v2, v2;
	v9 =	vadd.f32 v3, v15;
	v21 =	vmul.f32 v3, v3  }
0x42d: {  	s0 =	simm.s32 $0x80;
	s2 =	simm.s32 $0x400;
	v8 =	vld [tilespmem:s31+$0x4060];
	v3 =	vimm.f32 $0.0e+00;
	v2 =	vimm.f32 $0.0e+00;
	v1 =	vadd.f32 v1, v15  }
.LBB2_20:
0x42e: {  	p0 =	sne.s32 s2, $0x3FE00;
	v23 =	vld [tilespmem:s0+$0x4070];
	v15 =	vadd.f32 v22, v15;
	v19 =	vadd.f32 v20, v19;
	v20 =	vmul.f32 v20, v20  }
0x42f: {  	v22 =	vld [tilespmem:s0+$0x4000];
	v18 =	vadd.f32 v21, v18;
	v10 =	vadd.f32 v16, v10;
	v16 =	vmul.f32 v16, v16  }
0x430: {  	v21 =	vld [tilespmem:s0+$0x4010];
	v17 =	vadd.f32 v20, v17;
	v6 =	vadd.f32 v13, v6;
	v13 =	vmul.f32 v13, v13  }
.Ltmp9:
0x431: {  	v20 =	vld [tilespmem:s0+$0x4020];
	v11 =	vadd.f32 v16, v11;
	v4 =	vadd.f32 v12, v4;
	v12 =	vmul.f32 v12, v12;
	(pc) =	sbr.rel @p0 .LBB2_20-.Ltmp9, $4  }
0x432: {  	v16 =	vld [tilespmem:s0+$0x4030];
	v7 =	vadd.f32 v13, v7;
	v3 =	vadd.f32 v8, v3;
	v8 =	vmul.f32 v8, v8  }
0x433: {  	v13 =	vld [tilespmem:s0+$0x4040];
	v0 =	vadd.f32 v23, v0;
	v23 =	vmul.f32 v23, v23;
	v5 =	vadd.f32 v12, v5  }
0x434: {  	v14 =	vadd.f32 v22, v14;
	v22 =	vmul.f32 v22, v22;
	v12 =	vld [tilespmem:s0+$0x4050];
	v2 =	vadd.f32 v8, v2  }
0x435: {  	v9 =	vadd.f32 v21, v9;
	v21 =	vmul.f32 v21, v21;
	v8 =	vld [tilespmem:s0+$0x4060];
	s0 =	sshra.s32 s2, $0x2;
	s2 =	sadd.s32 $0x200, s2;
	v1 =	vadd.f32 v23, v1  }
0x436: {  	v23 =	vld [tilespmem:s0+$0x4000]  }
0x437: {  	v25 =	vld [tilespmem:s0+$0x4010]  }
0x438: {  	v26 =	vld [tilespmem:s0+$0x4020]  }
0x439: {  	v27 =	vld [tilespmem:s0+$0x4030]  }
0x43a: {  	v15 =	vadd.f32 v22, v15;
	v48 =	vld [tilespmem:s0+$0x4040]  }
0x43b: {  	v19 =	vadd.f32 v20, v19;
	v50 =	vld [tilespmem:s0+$0x4050];
	s2 =	sshll.u32 s20, $0x8;
	v14 =	vadd.f32 v23, v14  }
0x43c: {  	v24 =	vld [tilespmem:s0+$0x4070];
	s31 =	sand.u32 $0x3FFFFF00, s2;
	v10 =	vadd.f32 v16, v10;
	v9 =	vadd.f32 v25, v9  }
0x43d: {  	v29 =	vld [tilespmem:s0+$0x4060];
	v6 =	vadd.f32 v13, v6;
	v55 =	vadd.f32 v26, v19;
	[tilespmem:s31+$0x14000] =	vst v14  }
0x43e: {  	v4 =	vadd.f32 v12, v4;
	v10 =	vadd.f32 v27, v10;
	[tilespmem:s31+$0x14010] =	vst v9  }
0x43f: {  	v18 =	vadd.f32 v21, v18;
	v53 =	vmul.f32 v16, v16;
	v6 =	vadd.f32 v48, v6;
	[tilespmem:s31+$0x14020] =	vst v55  }
0x440: {  	v56 =	vmul.f32 v13, v13;
	v3 =	vadd.f32 v8, v3;
	v4 =	vadd.f32 v50, v4;
	[tilespmem:s31+$0x14030] =	vst v10  }
0x441: {  	v11 =	vadd.f32 v53, v11;
	v28 =	vmul.f32 v23, v23;
	v0 =	vadd.f32 v24, v0;
	[tilespmem:s31+$0x14040] =	vst v6  }
0x442: {  	v58 =	vmul.f32 v12, v12;
	v51 =	vmul.f32 v25, v25;
	v3 =	vadd.f32 v29, v3;
	[tilespmem:s31+$0x14050] =	vst v4  }
0x443: {  	v7 =	vadd.f32 v56, v7;
	v57 =	vmul.f32 v27, v27;
	v15 =	vadd.f32 v28, v15;
	[tilespmem:s31+$0x14070] =	vst v0  }
0x444: {  	v60 =	vmul.f32 v8, v8;
	v59 =	vmul.f32 v48, v48;
	v52 =	vadd.f32 v51, v18;
	[tilespmem:s31+$0x14060] =	vst v3  }
0x445: {  	v5 =	vadd.f32 v58, v5;
	v61 =	vmul.f32 v50, v50;
	v11 =	vadd.f32 v57, v11;
	[tilespmem:s31+$0x14080] =	vst v15  }
0x446: {  	v49 =	vmul.f32 v20, v20;
	v63 =	vmul.f32 v24, v24;
	v7 =	vadd.f32 v59, v7;
	[tilespmem:s31+$0x14090] =	vst v52  }
0x447: {  	v62 =	vmul.f32 v29, v29;
	v2 =	vadd.f32 v60, v2;
	v5 =	vadd.f32 v61, v5;
	[tilespmem:s31+$0x140B0] =	vst v11  }
0x448: {  	v17 =	vadd.f32 v49, v17;
	v54 =	vmul.f32 v26, v26;
	v1 =	vadd.f32 v63, v1;
	[tilespmem:s31+$0x140C0] =	vst v7  }
0x449: {  	s20 =	sadd.s32 $0x1, s20;
	v2 =	vadd.f32 v62, v2;
	[tilespmem:s31+$0x140D0] =	vst v5  }
0x44a: {  	p0 =	sne.s32 s20, $0x7;
	v15 =	vadd.f32 v54, v17;
	[tilespmem:s31+$0x140F0] =	vst v1  }
.Ltmp10:
0x44b: {  	[tilespmem:s31+$0x140E0] =	vst v2;
	(pc) =	sbr.rel @p0 .LBB2_2-.Ltmp10, $4  }
0x44c: {  	[tilespmem:s31+$0x140A0] =	vst v15  }
0x44d: {  	_ =	swait.ge [sflag:s17], $0x10000  }
0x44e: {  	[sflag:s17] =	ssyncset.done $0x0  }
0x44f: {  	[sflag:s17] =	ssyncadd.s32 $0xFFFF0000  }
0x450: {  	s0 =	rddreg [dreg:$0x10];
	s2 =	simm.s32 $0x14000;
	s8 =	simm.s32 $0x3  }
0x451: {  	[hbm4b:s0+s3] =	stream.linear.scatter [tilespmem:s2], [sflag:$0x3], $0x700, $0x38;
	[tilespmem:$0x14800] =	vst v63  }
0x452: {  	_ =	swait.ge [sflag:s8], $0x700  }
0x453: {  	s30 =	rddreg [dreg:$0x12]  }
0x454: {  	s31 =	rddreg [dreg:$0x11];
	s2 =	sadd.s32 $0x1, s30  }
0x455: {  	p0 =	sne.s32 s2, s31  }
.Ltmp11:
0x456: {  	_ = 	snop;
	(pc) =	sbr.rel @p0 .LBB2_1-.Ltmp11, $3  }
0x457: {  	_ =	sdelay $0x1  }
0x458: {  	[sflag:s8] =	ssyncset.done $0x0  }
0x459: {  	[sflag:s8] =	ssyncadd.s32 $0xFFFFF900  }
0x45a: {  	_ =	sfence.sel $0x180000  }
0x45b: {  	[bflag:$0x0] =	sbarrier.arrive $0xFFFF  }
0x45c: {  	_ =	strace $0x90000047  }
0x45d: {  	s0 =	stileid.u32;
	[bflag:$0x2] =	sbarrier.arrive $0xFFFF  }
0x45e: {  	p0 =	sne.s32 s0, $0x0;
	s0 =	rddreg [dreg:$0x3]  }
0x45f: {  	s0 =	sadd.s32 @!p0 $0x100000, s0  }
0x460: {  	[sflag:s0] =	ssyncadd.tile.s32 @!p0 $0x1;
	_ =	shalt  }
.Lfunc_end2:
_tile_overlayer_lowered:
.L_overlay_start_2:
0x461: {  	(tag) =	ssettag $0x2  }
0x462: {  	s0 =	rddreg [dreg:$0x0];
	s2 =	stileid.u32  }
0x463: {  	s1 =	rddreg [dreg:$0x1];
	p0 =	sne.s32 s2, $0x0  }
0x464: {  	s3 =	rddreg [dreg:$0x2];
	[bflag:$0x3] =	sbarrier.arrive $0xFFFF;
	s2 =	simm.s32 @!p0 $0x1C03  }
0x465: {  	[timem:s3], [sflag:s2] =	dma.local @!p0 [hbm:s0], s1  }
0x466: {  	s0 =	simm.s32 @!p0 $0x3  }
0x467: {  	_ =	swait.ge @!p0 [sflag:s0], s1  }
0x468: {  	s1 =	ssub.s32 @!p0 $0x0, s1;
	[sflag:s0] =	ssyncset.done @!p0 $0x0  }
0x469: {  	[sflag:s0] =	ssyncadd.s32 @!p0 s1  }
0x46a: {  	[bflag:$0x3] =	sbarrier.arrive $0xFFFF  }
0x46b: {  	_ =	shalt  }

</sc_bundles>
